<compile_context>
chip_gen: v7x
topology: tpu7x:2x2x1
jax: 0.10.2.dev20260603
libtpu: 0.0.44.dev20260713+nightly
codegen_flags: <defaults>
</compile_context>

<pallas_src>
import functools

import jax
import jax.numpy as jnp
from jax import lax
from jax.experimental import pallas as pl
from jax.experimental.pallas import tpu as pltpu
from jax.experimental.pallas import tpu_sc as plsc

N = 10000
E = 320000
G = 64
H = 128
NEG = 0.1

NC = 2
NS = 16
NW = NC * NS
CH = 79
EPAD = NW * CH * 128
ACC = 10240
RPS = ACC // NS
DUMMY = N

@functools.lru_cache(maxsize=None)
def _sc_mesh():
    return plsc.VectorSubcoreMesh(
        core_axis_name="c", subcore_axis_name="s",
        num_cores=NC, num_subcores=NS)


def _lrelu(v):
    return jnp.where(v >= 0, v, NEG * v)


def _splat16(val_ref, i):
    return plsc.load_gather(val_ref, [jnp.full((16,), i, jnp.int32)])


@functools.lru_cache(maxsize=None)
def _deg_sc():
    return pl.kernel(
        _deg_sc_body,
        out_type=jax.ShapeDtypeStruct((NC, ACC, 128), jnp.float32),
        mesh=_sc_mesh(),
        compiler_params=pltpu.CompilerParams(needs_layout_passes=False),
        scratch_types=[
            pltpu.VMEM((CH, 128), jnp.int32),
            pltpu.VMEM((CH * 128,), jnp.float32),
            pltpu.VMEM((128, 128), jnp.float32),
            pltpu.VMEM_SHARED((ACC, 128), jnp.float32),
        ],
    )


def _deg_sc_body(dst_hbm, ew_hbm, out_hbm, dst_v, ew_v, rows, acc):
    c = lax.axis_index("c")
    s = lax.axis_index("s")
    pltpu.sync_copy(dst_hbm.at[c, s], dst_v)
    pltpu.sync_copy(ew_hbm.at[c, s], ew_v)

    zeros16 = jnp.zeros((16,), jnp.float32)

    def _zrow(i, _):
        for u in range(8):
            rows[i, pl.ds(u * 16, 16)] = zeros16
        return 0

    lax.fori_loop(0, 128, _zrow, 0)
    for k in range(RPS // 128):
        pltpu.sync_copy(rows, acc.at[pl.ds(s * RPS + k * 128, 128)])
    plsc.subcore_barrier()

    def _chunk(j, _):
        def _edge(e, _):
            w = _splat16(ew_v, j * 128 + e)
            for u in range(8):
                rows[e, pl.ds(u * 16, 16)] = w
            return 0

        lax.fori_loop(0, 128, _edge, 0)
        pltpu.sync_copy(rows, acc.at[dst_v.at[j]], add=True)
        return 0

    lax.fori_loop(0, CH, _chunk, 0)
    plsc.subcore_barrier()
    for k in range(RPS // 128):
        r0 = s * RPS + k * 128
        pltpu.sync_copy(acc.at[pl.ds(r0, 128)], out_hbm.at[c, pl.ds(r0, 128)])


@functools.lru_cache(maxsize=None)
def _conv_sc():
    return pl.kernel(
        _conv_sc_body,
        out_type=jax.ShapeDtypeStruct((NC, ACC, H), jnp.float32),
        mesh=_sc_mesh(),
        compiler_params=pltpu.CompilerParams(needs_layout_passes=False),
        scratch_types=[
            pltpu.VMEM((CH, 128), jnp.int32),
            pltpu.VMEM((CH, 128), jnp.int32),
            pltpu.VMEM((CH * 128,), jnp.float32),
            pltpu.VMEM((128, H), jnp.float32),
            pltpu.VMEM_SHARED((ACC, H), jnp.float32),
            pltpu.SemaphoreType.DMA,
        ],
    )


def _conv_sc_body(src_hbm, dst_hbm, ew_hbm, y_hbm, out_hbm,
                  src_v, dst_v, ew_v, rows, acc, sem):
    c = lax.axis_index("c")
    s = lax.axis_index("s")
    pltpu.sync_copy(src_hbm.at[c, s], src_v)
    pltpu.sync_copy(dst_hbm.at[c, s], dst_v)
    pltpu.sync_copy(ew_hbm.at[c, s], ew_v)

    zeros16 = jnp.zeros((16,), jnp.float32)

    def _zrow(i, _):
        for u in range(H // 16):
            rows[i, pl.ds(u * 16, 16)] = zeros16
        return 0

    lax.fori_loop(0, 128, _zrow, 0)
    for k in range(RPS // 128):
        pltpu.sync_copy(rows, acc.at[pl.ds(s * RPS + k * 128, 128)])
    plsc.subcore_barrier()

    def _chunk(j, _):
        pltpu.async_copy(y_hbm.at[src_v.at[j]], rows, sem).wait()

        def _edge(e, _):
            w = _splat16(ew_v, j * 128 + e)
            for u in range(H // 16):
                sl = pl.ds(u * 16, 16)
                rows[e, sl] = rows[e, sl] * w
            return 0

        lax.fori_loop(0, 128, _edge, 0)
        pltpu.sync_copy(rows, acc.at[dst_v.at[j]], add=True)
        return 0

    lax.fori_loop(0, CH, _chunk, 0)
    plsc.subcore_barrier()
    for k in range(RPS // 128):
        r0 = s * RPS + k * 128
        pltpu.sync_copy(acc.at[pl.ds(r0, 128)], out_hbm.at[c, pl.ds(r0, 128)])


def _dot(a, b):
    return jnp.dot(a, b, preferred_element_type=jnp.float32)


def _split3(v):
    p1 = v.astype(jnp.bfloat16).astype(jnp.float32)
    r = v - p1
    p2 = r.astype(jnp.bfloat16).astype(jnp.float32)
    p3 = (r - p2).astype(jnp.bfloat16).astype(jnp.float32)
    return p1, p2, p3


def _mdot(m, v):
    p1, p2, p3 = _split3(v)
    return _dot(m, p1) + _dot(m, p2) + _dot(m, p3)


def _mdot_t(m, v):
    dn = (((0,), (0,)), ((), ()))
    p1, p2, p3 = _split3(v)
    return (lax.dot_general(m, p1, dn, preferred_element_type=jnp.float32)
            + lax.dot_general(m, p2, dn, preferred_element_type=jnp.float32)
            + lax.dot_general(m, p3, dn, preferred_element_type=jnp.float32))


def _pre_tc(x_ref, wpre_ref, bpre_ref, w0_ref, degp_ref,
            dis_ref, y0_ref):
    deg = degp_ref[0, :N, 0:1] + degp_ref[1, :N, 0:1]
    dis = jnp.where(deg > 0, lax.rsqrt(jnp.where(deg > 0, deg, 1.0)), 0.0)
    dis_ref[...] = dis
    h0 = _dot(x_ref[...], wpre_ref[...]) + bpre_ref[...]
    y0_ref[...] = dis * _dot(h0, w0_ref[...])


def _layer_tc_body(has_next, parts_ref, dis_ref, batch_ref,
                   cb_ref, gw_ref, gb_ref, gs_ref, wnext_ref,
                   *out_refs):
    if has_next:
        y_ref, psum_ref, pmax_ref, cnt_ref = out_refs
    else:
        psum_ref, pmax_ref, cnt_ref = out_refs
    dis = dis_ref[...]
    conv = dis * (parts_ref[0, :N, :] + parts_ref[1, :N, :]) + cb_ref[...]

    batch = batch_ref[...]
    gids = lax.broadcasted_iota(jnp.int32, (G, N), 0)
    M = (batch == gids).astype(jnp.float32)
    cnt = jnp.maximum(jnp.sum(M, axis=1, keepdims=True), 1.0)
    cnt_ref[...] = cnt

    mean = _mdot(M, conv) / cnt
    out = conv - _mdot_t(M, mean) * gs_ref[...]
    var = _mdot(M, out * out) / cnt
    istd = lax.rsqrt(var + 1e-5)
    h = _lrelu(out * _mdot_t(M, istd) * gw_ref[...] + gb_ref[...])

    psum_ref[...] = _mdot(M, h)

    neg_inf = jnp.float32(-jnp.inf)
    batch_col = batch.reshape(N, 1)

    def _gmax(g, _):
        masked = jnp.where(batch_col == g, h, neg_inf)
        pmax_ref[pl.ds(g, 1), :] = jnp.max(masked, axis=0, keepdims=True)
        return 0

    lax.fori_loop(0, G, _gmax, 0)

    if has_next:
        y_ref[...] = dis * _dot(h, wnext_ref[...])


def _head_tc(psums_ref, pmaxs_ref, cnt_ref, w0_ref, b0_ref,
             w1_ref, b1_ref, ow_ref, ob_ref, out_ref):
    cnt = cnt_ref[...]
    w0 = w0_ref[...]
    z = jnp.zeros((G, H), jnp.float32)
    for l in range(3):
        psum = psums_ref[l]
        pmax = pmaxs_ref[l]
        pmax = jnp.where(pmax == -jnp.inf, 0.0, pmax)
        z = z + _dot(psum / cnt, w0[l * H:(l + 1) * H, :])
        z = z + _dot(pmax, w0[(3 + l) * H:(4 + l) * H, :])
        z = z + _dot(psum, w0[(6 + l) * H:(7 + l) * H, :])
    z = _lrelu(z + b0_ref[...])
    z = _lrelu(_dot(z, w1_ref[...]) + b1_ref[...])
    out_ref[...] = _dot(z, ow_ref[...]) + ob_ref[...]


def kernel(x, edge_index, edge_weight, batch, W_pre, b_pre,
           conv_W0, conv_b0, gn_w0, gn_b0, gn_s0,
           conv_W1, conv_b1, gn_w1, gn_b1, gn_s1,
           conv_W2, conv_b2, gn_w2, gn_b2, gn_s2,
           head_W0, head_b0, head_W1, head_b1, out_W, out_b):
    f32 = jnp.float32
    src = edge_index[0]
    dst = edge_index[1]
    pad = EPAD - E
    src_p = jnp.concatenate([src, jnp.zeros((pad,), jnp.int32)])
    src_p = src_p.reshape(NC, NS, CH, 128)
    dst_p = jnp.concatenate([dst, jnp.full((pad,), DUMMY, jnp.int32)])
    dst_p = dst_p.reshape(NC, NS, CH, 128)
    ew_p = jnp.concatenate([edge_weight, jnp.zeros((pad,), f32)])
    ew_p = ew_p.reshape(NC, NS, CH * 128)

    deg_parts = _deg_sc()(dst_p, ew_p)

    dis, y = pl.pallas_call(
        _pre_tc,
        out_shape=(jax.ShapeDtypeStruct((N, 1), f32),
                   jax.ShapeDtypeStruct((N, H), f32)),
    )(x, W_pre, b_pre.reshape(1, H), conv_W0, deg_parts)

    batch2 = batch.reshape(1, N)
    convs = [(conv_b0, gn_w0, gn_b0, gn_s0, conv_W1),
             (conv_b1, gn_w1, gn_b1, gn_s1, conv_W2),
             (conv_b2, gn_w2, gn_b2, gn_s2, None)]
    psums, pmaxs, cnt = [], [], None
    for l, (cb, gw, gb, gs, wnext) in enumerate(convs):
        parts = _conv_sc()(src_p, dst_p, ew_p, y)
        has_next = wnext is not None
        outs = [jax.ShapeDtypeStruct((G, H), f32)] * 3
        if has_next:
            outs = [jax.ShapeDtypeStruct((N, H), f32)] + outs
        outs[-1] = jax.ShapeDtypeStruct((G, 1), f32)
        res = pl.pallas_call(
            functools.partial(_layer_tc_body, has_next),
            out_shape=tuple(outs),
        )(parts, dis, batch2, cb.reshape(1, H), gw.reshape(1, H),
          gb.reshape(1, H), gs.reshape(1, H),
          wnext if has_next else jnp.zeros((1, 1), f32))
        if has_next:
            y, psum, pmax, cnt_l = res
        else:
            psum, pmax, cnt_l = res
        psums.append(psum)
        pmaxs.append(pmax)
        if cnt is None:
            cnt = cnt_l

    out = pl.pallas_call(
        _head_tc,
        out_shape=jax.ShapeDtypeStruct((G, 2), f32),
    )(jnp.stack(psums), jnp.stack(pmaxs), cnt, head_W0,
      head_b0.reshape(1, H), head_W1, head_b1.reshape(1, H),
      out_W, out_b.reshape(1, 2))
    return out

# --- scband reference (transcript-rebuilt; emitter-appended) ---
"""Pipeline reference for scband-candidate-job-gnn-86234353369458 (READ-ONLY COPY).

The authoritative reference and input builder live on the scoring server;
editing this copy changes nothing except your own understanding.
"""

import jax, jax.numpy as jnp
import numpy as np

N = 10000
E = 320000
G = 64
H = 128
NEG = 0.1

def lrelu(x):
    return jnp.where(x >= 0, x, NEG * x)

def gcn_conv(x, edge_index, edge_weight, W, b):
    src = edge_index[0]
    dst = edge_index[1]
    deg = jax.ops.segment_sum(edge_weight, dst, num_segments=N)
    safe_deg = jnp.where(deg > 0, deg, 1.0)
    dis = jnp.where(deg > 0, safe_deg ** -0.5, 0.0)
    norm = dis[src] * edge_weight * dis[dst]
    xw = x @ W
    msg = xw[src] * norm[:, None]
    return jax.ops.segment_sum(msg, dst, num_segments=N) + b

def graph_norm(x, batch, w, b, s):
    ones = jnp.ones((N,), x.dtype)
    cnt = jnp.maximum(jax.ops.segment_sum(ones, batch, num_segments=G), 1.0)[:, None]
    mean = jax.ops.segment_sum(x, batch, num_segments=G) / cnt
    out = x - mean[batch] * s
    var = jax.ops.segment_sum(out * out, batch, num_segments=G) / cnt
    std = jnp.sqrt(var + 1e-5)
    return out / std[batch] * w + b

def setup_inputs(seed: int = 0):
    key = jax.random.key(seed)
    ks = jax.random.split(key, 24)
    inp = {}
    inp['x'] = jax.random.normal(ks[0], (N, H), jnp.float32)
    inp['edge_index'] = jax.random.randint(ks[1], (2, E), 0, N, dtype=jnp.int32)
    inp['edge_weight'] = jax.random.uniform(ks[2], (E,), jnp.float32)
    inp['batch'] = jnp.sort(jax.random.randint(ks[3], (N,), 0, G, dtype=jnp.int32))
    inp['W_pre'] = jax.random.normal(ks[4], (H, H), jnp.float32) * 0.05
    inp['b_pre'] = jnp.zeros((H,), jnp.float32)
    for l in range(3):
        inp['conv_W' + str(l)] = jax.random.normal(ks[5 + l], (H, H), jnp.float32) * 0.05
        inp['conv_b' + str(l)] = jnp.zeros((H,), jnp.float32)
        inp['gn_w' + str(l)] = jnp.ones((H,), jnp.float32)
        inp['gn_b' + str(l)] = jnp.zeros((H,), jnp.float32)
        inp['gn_s' + str(l)] = jnp.ones((H,), jnp.float32)
    inp['head_W0'] = jax.random.normal(ks[10], (9 * H, H), jnp.float32) * 0.02
    inp['head_b0'] = jnp.zeros((H,), jnp.float32)
    inp['head_W1'] = jax.random.normal(ks[11], (H, H), jnp.float32) * 0.05
    inp['head_b1'] = jnp.zeros((H,), jnp.float32)
    inp['out_W'] = jax.random.normal(ks[12], (H, 2), jnp.float32) * 0.05
    inp['out_b'] = jnp.zeros((2,), jnp.float32)
    return inp

def reference(x, edge_index, edge_weight, batch, W_pre, b_pre, conv_W0, conv_b0, gn_w0, gn_b0, gn_s0, conv_W1, conv_b1, gn_w1, gn_b1, gn_s1, conv_W2, conv_b2, gn_w2, gn_b2, gn_s2, head_W0, head_b0, head_W1, head_b1, out_W, out_b):
    h = x @ W_pre + b_pre
    xs = []
    params = [(conv_W0, conv_b0, gn_w0, gn_b0, gn_s0), (conv_W1, conv_b1, gn_w1, gn_b1, gn_s1), (conv_W2, conv_b2, gn_w2, gn_b2, gn_s2)]
    for (cW, cb, gw, gb, gs) in params:
        h = gcn_conv(h, edge_index, edge_weight, cW, cb)
        h = graph_norm(h, batch, gw, gb, gs)
        h = lrelu(h)
        xs.append(h)
    h = jnp.concatenate(xs, axis=-1)
    ones = jnp.ones((N,), h.dtype)
    cnt = jnp.maximum(jax.ops.segment_sum(ones, batch, num_segments=G), 1.0)[:, None]
    p_sum = jax.ops.segment_sum(h, batch, num_segments=G)
    p_mean = p_sum / cnt
    p_max = jax.ops.segment_max(h, batch, num_segments=G)
    p_max = jnp.where(jnp.isfinite(p_max), p_max, 0.0)
    pooled = jnp.concatenate([p_mean, p_max, p_sum], axis=-1)
    z = lrelu(pooled @ head_W0 + head_b0)
    z = lrelu(z @ head_W1 + head_b1)
    return z @ out_W + out_b

if __name__ == "__main__":
    import jax
    _d = setup_inputs()
    print(jax.jit(kernel)(*tuple(_d.values())))

</pallas_src>

<mosaic_0001>
#map = affine_map<(d0, d1) -> (0, 0, 0, 0)>
#map1 = affine_map<(d0, d1) -> (0, 0, 0)>
module attributes {stable_mosaic.version = 14 : i64} {
  func.func @_deg_sc_body(%arg0: i32, %arg1: i32, %arg2: memref<2x16x79x128xi32, #tpu.memory_space<hbm>>, %arg3: memref<2x16x10112xf32, #tpu.memory_space<hbm>>, %arg4: memref<2x10240x128xf32, #tpu.memory_space<hbm>>, %arg5: memref<79x128xi32, #tpu.memory_space<vmem>>, %arg6: memref<10112xf32, #tpu.memory_space<vmem>>, %arg7: memref<128x128xf32, #tpu.memory_space<vmem>>, %arg8: memref<10240x128xf32, #tpu.memory_space<vmem_shared>>) attributes {dimension_semantics = [#tpu.dimension_semantics<core_parallel>, #tpu.dimension_semantics<subcore_parallel>], iteration_bounds = array<i64: 2, 16>, scalar_prefetch = 0 : i64, scratch_operands = 4 : i64, tpu.core_type = #tpu.core_type<sc_vector_subcore>, window_params = [{transform_indices = #map}, {transform_indices = #map1}, {transform_indices = #map1}]} {
    "tpu.region"() ({
      %run_scoped3A = tpu.sem_alloc : memref<!tpu.dma_semaphore, #tpu.memory_space<semaphore_mem>>
      %dma_start3A = arith.constant 0 : i32
      %dma_start3A_53 = arith.constant 0 : i32
      %dma_start3A_54 = tpu.memref_slice %arg2[%arg0, %arg1, %dma_start3A, %dma_start3A_53] : memref<2x16x79x128xi32, #tpu.memory_space<hbm>> -> memref<1x1x79x128xi32, #tpu.memory_space<hbm>>
      %dma_start3A_55 = tpu.memref_squeeze %dma_start3A_54 : memref<1x1x79x128xi32, #tpu.memory_space<hbm>> -> memref<79x128xi32, #tpu.memory_space<hbm>>
      %dma_start3A_56 = arith.constant 0 : i32
      %dma_start3A_57 = arith.constant 0 : i32
      %dma_start3A_58 = tpu.memref_slice %arg2[%arg0, %arg1, %dma_start3A_56, %dma_start3A_57] : memref<2x16x79x128xi32, #tpu.memory_space<hbm>> -> memref<1x1x79x128xi32, #tpu.memory_space<hbm>>
      %dma_start3A_59 = tpu.memref_squeeze %dma_start3A_58 : memref<1x1x79x128xi32, #tpu.memory_space<hbm>> -> memref<79x128xi32, #tpu.memory_space<hbm>>
      tpu.enqueue_dma source(%dma_start3A_59 : memref<79x128xi32, #tpu.memory_space<hbm>>) target(%arg5 : memref<79x128xi32, #tpu.memory_space<vmem>>) target_semaphore(%run_scoped3A : memref<!tpu.dma_semaphore, #tpu.memory_space<semaphore_mem>>)
      %dma_wait3A = arith.constant 0 : i32
      %dma_wait3A_60 = arith.constant 0 : i32
      %dma_wait3A_61 = tpu.memref_slice %arg2[%arg0, %arg1, %dma_wait3A, %dma_wait3A_60] : memref<2x16x79x128xi32, #tpu.memory_space<hbm>> -> memref<1x1x79x128xi32, #tpu.memory_space<hbm>>
      %dma_wait3A_62 = tpu.memref_squeeze %dma_wait3A_61 : memref<1x1x79x128xi32, #tpu.memory_space<hbm>> -> memref<79x128xi32, #tpu.memory_space<hbm>>
      %dma_wait3A_63 = arith.constant 0 : i32
      %dma_wait3A_64 = arith.constant 0 : i32
      %dma_wait3A_65 = tpu.memref_slice %arg2[%arg0, %arg1, %dma_wait3A_63, %dma_wait3A_64] : memref<2x16x79x128xi32, #tpu.memory_space<hbm>> -> memref<1x1x79x128xi32, #tpu.memory_space<hbm>>
      %dma_wait3A_66 = tpu.memref_squeeze %dma_wait3A_65 : memref<1x1x79x128xi32, #tpu.memory_space<hbm>> -> memref<79x128xi32, #tpu.memory_space<hbm>>
      tpu.wait_dma2 semaphore(%run_scoped3A : memref<!tpu.dma_semaphore, #tpu.memory_space<semaphore_mem>>) src(%dma_wait3A_66 : memref<79x128xi32, #tpu.memory_space<hbm>>) dst(%arg5 : memref<79x128xi32, #tpu.memory_space<vmem>>)
      tpu.yield
    }) : () -> ()
    "tpu.region"() ({
      %run_scoped3A = tpu.sem_alloc : memref<!tpu.dma_semaphore, #tpu.memory_space<semaphore_mem>>
      %dma_start3A = arith.constant 0 : i32
      %dma_start3A_53 = tpu.memref_slice %arg3[%arg0, %arg1, %dma_start3A] : memref<2x16x10112xf32, #tpu.memory_space<hbm>> -> memref<1x1x10112xf32, #tpu.memory_space<hbm>>
      %dma_start3A_54 = tpu.memref_squeeze %dma_start3A_53 : memref<1x1x10112xf32, #tpu.memory_space<hbm>> -> memref<10112xf32, #tpu.memory_space<hbm>>
      %dma_start3A_55 = arith.constant 0 : i32
      %dma_start3A_56 = tpu.memref_slice %arg3[%arg0, %arg1, %dma_start3A_55] : memref<2x16x10112xf32, #tpu.memory_space<hbm>> -> memref<1x1x10112xf32, #tpu.memory_space<hbm>>
      %dma_start3A_57 = tpu.memref_squeeze %dma_start3A_56 : memref<1x1x10112xf32, #tpu.memory_space<hbm>> -> memref<10112xf32, #tpu.memory_space<hbm>>
      tpu.enqueue_dma source(%dma_start3A_57 : memref<10112xf32, #tpu.memory_space<hbm>>) target(%arg6 : memref<10112xf32, #tpu.memory_space<vmem>>) target_semaphore(%run_scoped3A : memref<!tpu.dma_semaphore, #tpu.memory_space<semaphore_mem>>)
      %dma_wait3A = arith.constant 0 : i32
      %dma_wait3A_58 = tpu.memref_slice %arg3[%arg0, %arg1, %dma_wait3A] : memref<2x16x10112xf32, #tpu.memory_space<hbm>> -> memref<1x1x10112xf32, #tpu.memory_space<hbm>>
      %dma_wait3A_59 = tpu.memref_squeeze %dma_wait3A_58 : memref<1x1x10112xf32, #tpu.memory_space<hbm>> -> memref<10112xf32, #tpu.memory_space<hbm>>
      %dma_wait3A_60 = arith.constant 0 : i32
      %dma_wait3A_61 = tpu.memref_slice %arg3[%arg0, %arg1, %dma_wait3A_60] : memref<2x16x10112xf32, #tpu.memory_space<hbm>> -> memref<1x1x10112xf32, #tpu.memory_space<hbm>>
      %dma_wait3A_62 = tpu.memref_squeeze %dma_wait3A_61 : memref<1x1x10112xf32, #tpu.memory_space<hbm>> -> memref<10112xf32, #tpu.memory_space<hbm>>
      tpu.wait_dma2 semaphore(%run_scoped3A : memref<!tpu.dma_semaphore, #tpu.memory_space<semaphore_mem>>) src(%dma_wait3A_62 : memref<10112xf32, #tpu.memory_space<hbm>>) dst(%arg6 : memref<10112xf32, #tpu.memory_space<vmem>>)
      tpu.yield
    }) : () -> ()
    %broadcast_in_dim3A = arith.constant 0.000000e+00 : f32
    %broadcast_in_dim3A_0 = vector.broadcast %broadcast_in_dim3A : f32 to vector<16xf32>
    %scan3A = arith.constant 0 : i32
    %scan3A_1 = arith.constant 0 : i32
    %scan3A_2 = arith.constant 128 : i32
    %scan3A_3 = arith.addi %scan3A_1, %scan3A_2 : i32
    %scan3A_4 = arith.constant 1 : i32
    %scan3A_5 = scf.for %scan3A_53 = %scan3A_1 to %scan3A_3 step %scan3A_4 iter_args(%scan3A_54 = %scan3A) -> (i32)  : i32 {
      %swap3A = arith.index_cast %scan3A_53 : i32 to index
      %swap3A_55 = arith.constant 0 : index
      %swap3A_56 = tpu.vector_load %arg7[%swap3A, %swap3A_55] {strides = array<i32>} : memref<128x128xf32, #tpu.memory_space<vmem>>, vector<16xf32>,
      tpu.vector_store %arg7[%swap3A, %swap3A_55], %broadcast_in_dim3A_0 {strides = array<i32>} : memref<128x128xf32, #tpu.memory_space<vmem>>, vector<16xf32>,
      %swap3A_57 = arith.index_cast %scan3A_53 : i32 to index
      %swap3A_58 = arith.constant 16 : index
      %swap3A_59 = tpu.vector_load %arg7[%swap3A_57, %swap3A_58] {strides = array<i32>} : memref<128x128xf32, #tpu.memory_space<vmem>>, vector<16xf32>,
      tpu.vector_store %arg7[%swap3A_57, %swap3A_58], %broadcast_in_dim3A_0 {strides = array<i32>} : memref<128x128xf32, #tpu.memory_space<vmem>>, vector<16xf32>,
      %swap3A_60 = arith.index_cast %scan3A_53 : i32 to index
      %swap3A_61 = arith.constant 32 : index
      %swap3A_62 = tpu.vector_load %arg7[%swap3A_60, %swap3A_61] {strides = array<i32>} : memref<128x128xf32, #tpu.memory_space<vmem>>, vector<16xf32>,
      tpu.vector_store %arg7[%swap3A_60, %swap3A_61], %broadcast_in_dim3A_0 {strides = array<i32>} : memref<128x128xf32, #tpu.memory_space<vmem>>, vector<16xf32>,
      %swap3A_63 = arith.index_cast %scan3A_53 : i32 to index
      %swap3A_64 = arith.constant 48 : index
      %swap3A_65 = tpu.vector_load %arg7[%swap3A_63, %swap3A_64] {strides = array<i32>} : memref<128x128xf32, #tpu.memory_space<vmem>>, vector<16xf32>,
      tpu.vector_store %arg7[%swap3A_63, %swap3A_64], %broadcast_in_dim3A_0 {strides = array<i32>} : memref<128x128xf32, #tpu.memory_space<vmem>>, vector<16xf32>,
      %swap3A_66 = arith.index_cast %scan3A_53 : i32 to index
      %swap3A_67 = arith.constant 64 : index
      %swap3A_68 = tpu.vector_load %arg7[%swap3A_66, %swap3A_67] {strides = array<i32>} : memref<128x128xf32, #tpu.memory_space<vmem>>, vector<16xf32>,
      tpu.vector_store %arg7[%swap3A_66, %swap3A_67], %broadcast_in_dim3A_0 {strides = array<i32>} : memref<128x128xf32, #tpu.memory_space<vmem>>, vector<16xf32>,
      %swap3A_69 = arith.index_cast %scan3A_53 : i32 to index
      %swap3A_70 = arith.constant 80 : index
      %swap3A_71 = tpu.vector_load %arg7[%swap3A_69, %swap3A_70] {strides = array<i32>} : memref<128x128xf32, #tpu.memory_space<vmem>>, vector<16xf32>,
      tpu.vector_store %arg7[%swap3A_69, %swap3A_70], %broadcast_in_dim3A_0 {strides = array<i32>} : memref<128x128xf32, #tpu.memory_space<vmem>>, vector<16xf32>,
      %swap3A_72 = arith.index_cast %scan3A_53 : i32 to index
      %swap3A_73 = arith.constant 96 : index
      %swap3A_74 = tpu.vector_load %arg7[%swap3A_72, %swap3A_73] {strides = array<i32>} : memref<128x128xf32, #tpu.memory_space<vmem>>, vector<16xf32>,
      tpu.vector_store %arg7[%swap3A_72, %swap3A_73], %broadcast_in_dim3A_0 {strides = array<i32>} : memref<128x128xf32, #tpu.memory_space<vmem>>, vector<16xf32>,
      %swap3A_75 = arith.index_cast %scan3A_53 : i32 to index
      %swap3A_76 = arith.constant 112 : index
      %swap3A_77 = tpu.vector_load %arg7[%swap3A_75, %swap3A_76] {strides = array<i32>} : memref<128x128xf32, #tpu.memory_space<vmem>>, vector<16xf32>,
      tpu.vector_store %arg7[%swap3A_75, %swap3A_76], %broadcast_in_dim3A_0 {strides = array<i32>} : memref<128x128xf32, #tpu.memory_space<vmem>>, vector<16xf32>,
      %scan3A_78 = arith.constant 0 : i32
      scf.yield %scan3A_78 : i32
    }
    %scan3A_6 = arith.constant 128 : i32
    %mul3A = arith.constant 640 : i32
    %mul3A_7 = arith.muli %arg1, %mul3A : i32
    %add3A = arith.constant 0 : i32
    %add3A_8 = arith.addi %mul3A_7, %add3A : i32
    "tpu.region"() ({
      %run_scoped3A = tpu.sem_alloc : memref<!tpu.dma_semaphore, #tpu.memory_space<semaphore_mem>>
      %dma_start3A = arith.constant 0 : i32
      %dma_start3A_53 = tpu.memref_slice %arg8[%add3A_8, %dma_start3A] : memref<10240x128xf32, #tpu.memory_space<vmem_shared>> -> memref<128x128xf32, #tpu.memory_space<vmem_shared>>
      %dma_start3A_54 = arith.constant 0 : i32
      %dma_start3A_55 = tpu.memref_slice %arg8[%add3A_8, %dma_start3A_54] : memref<10240x128xf32, #tpu.memory_space<vmem_shared>> -> memref<128x128xf32, #tpu.memory_space<vmem_shared>>
      tpu.enqueue_dma source(%arg7 : memref<128x128xf32, #tpu.memory_space<vmem>>) target(%dma_start3A_55 : memref<128x128xf32, #tpu.memory_space<vmem_shared>>) target_semaphore(%run_scoped3A : memref<!tpu.dma_semaphore, #tpu.memory_space<semaphore_mem>>)
      %dma_wait3A = arith.constant 0 : i32
      %dma_wait3A_56 = tpu.memref_slice %arg8[%add3A_8, %dma_wait3A] : memref<10240x128xf32, #tpu.memory_space<vmem_shared>> -> memref<128x128xf32, #tpu.memory_space<vmem_shared>>
      %dma_wait3A_57 = arith.constant 0 : i32
      %dma_wait3A_58 = tpu.memref_slice %arg8[%add3A_8, %dma_wait3A_57] : memref<10240x128xf32, #tpu.memory_space<vmem_shared>> -> memref<128x128xf32, #tpu.memory_space<vmem_shared>>
      tpu.wait_dma2 semaphore(%run_scoped3A : memref<!tpu.dma_semaphore, #tpu.memory_space<semaphore_mem>>) src(%arg7 : memref<128x128xf32, #tpu.memory_space<vmem>>) dst(%dma_wait3A_58 : memref<128x128xf32, #tpu.memory_space<vmem_shared>>)
      tpu.yield
    }) : () -> ()
    %mul3A_9 = arith.constant 640 : i32
    %mul3A_10 = arith.muli %arg1, %mul3A_9 : i32
    %add3A_11 = arith.constant 128 : i32
    %add3A_12 = arith.addi %mul3A_10, %add3A_11 : i32
    "tpu.region"() ({
      %run_scoped3A = tpu.sem_alloc : memref<!tpu.dma_semaphore, #tpu.memory_space<semaphore_mem>>
      %dma_start3A = arith.constant 0 : i32
      %dma_start3A_53 = tpu.memref_slice %arg8[%add3A_12, %dma_start3A] : memref<10240x128xf32, #tpu.memory_space<vmem_shared>> -> memref<128x128xf32, #tpu.memory_space<vmem_shared>>
      %dma_start3A_54 = arith.constant 0 : i32
      %dma_start3A_55 = tpu.memref_slice %arg8[%add3A_12, %dma_start3A_54] : memref<10240x128xf32, #tpu.memory_space<vmem_shared>> -> memref<128x128xf32, #tpu.memory_space<vmem_shared>>
      tpu.enqueue_dma source(%arg7 : memref<128x128xf32, #tpu.memory_space<vmem>>) target(%dma_start3A_55 : memref<128x128xf32, #tpu.memory_space<vmem_shared>>) target_semaphore(%run_scoped3A : memref<!tpu.dma_semaphore, #tpu.memory_space<semaphore_mem>>)
      %dma_wait3A = arith.constant 0 : i32
      %dma_wait3A_56 = tpu.memref_slice %arg8[%add3A_12, %dma_wait3A] : memref<10240x128xf32, #tpu.memory_space<vmem_shared>> -> memref<128x128xf32, #tpu.memory_space<vmem_shared>>
      %dma_wait3A_57 = arith.constant 0 : i32
      %dma_wait3A_58 = tpu.memref_slice %arg8[%add3A_12, %dma_wait3A_57] : memref<10240x128xf32, #tpu.memory_space<vmem_shared>> -> memref<128x128xf32, #tpu.memory_space<vmem_shared>>
      tpu.wait_dma2 semaphore(%run_scoped3A : memref<!tpu.dma_semaphore, #tpu.memory_space<semaphore_mem>>) src(%arg7 : memref<128x128xf32, #tpu.memory_space<vmem>>) dst(%dma_wait3A_58 : memref<128x128xf32, #tpu.memory_space<vmem_shared>>)
      tpu.yield
    }) : () -> ()
    %mul3A_13 = arith.constant 640 : i32
    %mul3A_14 = arith.muli %arg1, %mul3A_13 : i32
    %add3A_15 = arith.constant 256 : i32
    %add3A_16 = arith.addi %mul3A_14, %add3A_15 : i32
    "tpu.region"() ({
      %run_scoped3A = tpu.sem_alloc : memref<!tpu.dma_semaphore, #tpu.memory_space<semaphore_mem>>
      %dma_start3A = arith.constant 0 : i32
      %dma_start3A_53 = tpu.memref_slice %arg8[%add3A_16, %dma_start3A] : memref<10240x128xf32, #tpu.memory_space<vmem_shared>> -> memref<128x128xf32, #tpu.memory_space<vmem_shared>>
      %dma_start3A_54 = arith.constant 0 : i32
      %dma_start3A_55 = tpu.memref_slice %arg8[%add3A_16, %dma_start3A_54] : memref<10240x128xf32, #tpu.memory_space<vmem_shared>> -> memref<128x128xf32, #tpu.memory_space<vmem_shared>>
      tpu.enqueue_dma source(%arg7 : memref<128x128xf32, #tpu.memory_space<vmem>>) target(%dma_start3A_55 : memref<128x128xf32, #tpu.memory_space<vmem_shared>>) target_semaphore(%run_scoped3A : memref<!tpu.dma_semaphore, #tpu.memory_space<semaphore_mem>>)
      %dma_wait3A = arith.constant 0 : i32
      %dma_wait3A_56 = tpu.memref_slice %arg8[%add3A_16, %dma_wait3A] : memref<10240x128xf32, #tpu.memory_space<vmem_shared>> -> memref<128x128xf32, #tpu.memory_space<vmem_shared>>
      %dma_wait3A_57 = arith.constant 0 : i32
      %dma_wait3A_58 = tpu.memref_slice %arg8[%add3A_16, %dma_wait3A_57] : memref<10240x128xf32, #tpu.memory_space<vmem_shared>> -> memref<128x128xf32, #tpu.memory_space<vmem_shared>>
      tpu.wait_dma2 semaphore(%run_scoped3A : memref<!tpu.dma_semaphore, #tpu.memory_space<semaphore_mem>>) src(%arg7 : memref<128x128xf32, #tpu.memory_space<vmem>>) dst(%dma_wait3A_58 : memref<128x128xf32, #tpu.memory_space<vmem_shared>>)
      tpu.yield
    }) : () -> ()
    %mul3A_17 = arith.constant 640 : i32
    %mul3A_18 = arith.muli %arg1, %mul3A_17 : i32
    %add3A_19 = arith.constant 384 : i32
    %add3A_20 = arith.addi %mul3A_18, %add3A_19 : i32
    "tpu.region"() ({
      %run_scoped3A = tpu.sem_alloc : memref<!tpu.dma_semaphore, #tpu.memory_space<semaphore_mem>>
      %dma_start3A = arith.constant 0 : i32
      %dma_start3A_53 = tpu.memref_slice %arg8[%add3A_20, %dma_start3A] : memref<10240x128xf32, #tpu.memory_space<vmem_shared>> -> memref<128x128xf32, #tpu.memory_space<vmem_shared>>
      %dma_start3A_54 = arith.constant 0 : i32
      %dma_start3A_55 = tpu.memref_slice %arg8[%add3A_20, %dma_start3A_54] : memref<10240x128xf32, #tpu.memory_space<vmem_shared>> -> memref<128x128xf32, #tpu.memory_space<vmem_shared>>
      tpu.enqueue_dma source(%arg7 : memref<128x128xf32, #tpu.memory_space<vmem>>) target(%dma_start3A_55 : memref<128x128xf32, #tpu.memory_space<vmem_shared>>) target_semaphore(%run_scoped3A : memref<!tpu.dma_semaphore, #tpu.memory_space<semaphore_mem>>)
      %dma_wait3A = arith.constant 0 : i32
      %dma_wait3A_56 = tpu.memref_slice %arg8[%add3A_20, %dma_wait3A] : memref<10240x128xf32, #tpu.memory_space<vmem_shared>> -> memref<128x128xf32, #tpu.memory_space<vmem_shared>>
      %dma_wait3A_57 = arith.constant 0 : i32
      %dma_wait3A_58 = tpu.memref_slice %arg8[%add3A_20, %dma_wait3A_57] : memref<10240x128xf32, #tpu.memory_space<vmem_shared>> -> memref<128x128xf32, #tpu.memory_space<vmem_shared>>
      tpu.wait_dma2 semaphore(%run_scoped3A : memref<!tpu.dma_semaphore, #tpu.memory_space<semaphore_mem>>) src(%arg7 : memref<128x128xf32, #tpu.memory_space<vmem>>) dst(%dma_wait3A_58 : memref<128x128xf32, #tpu.memory_space<vmem_shared>>)
      tpu.yield
    }) : () -> ()
    %mul3A_21 = arith.constant 640 : i32
    %mul3A_22 = arith.muli %arg1, %mul3A_21 : i32
    %add3A_23 = arith.constant 512 : i32
    %add3A_24 = arith.addi %mul3A_22, %add3A_23 : i32
    "tpu.region"() ({
      %run_scoped3A = tpu.sem_alloc : memref<!tpu.dma_semaphore, #tpu.memory_space<semaphore_mem>>
      %dma_start3A = arith.constant 0 : i32
      %dma_start3A_53 = tpu.memref_slice %arg8[%add3A_24, %dma_start3A] : memref<10240x128xf32, #tpu.memory_space<vmem_shared>> -> memref<128x128xf32, #tpu.memory_space<vmem_shared>>
      %dma_start3A_54 = arith.constant 0 : i32
      %dma_start3A_55 = tpu.memref_slice %arg8[%add3A_24, %dma_start3A_54] : memref<10240x128xf32, #tpu.memory_space<vmem_shared>> -> memref<128x128xf32, #tpu.memory_space<vmem_shared>>
      tpu.enqueue_dma source(%arg7 : memref<128x128xf32, #tpu.memory_space<vmem>>) target(%dma_start3A_55 : memref<128x128xf32, #tpu.memory_space<vmem_shared>>) target_semaphore(%run_scoped3A : memref<!tpu.dma_semaphore, #tpu.memory_space<semaphore_mem>>)
      %dma_wait3A = arith.constant 0 : i32
      %dma_wait3A_56 = tpu.memref_slice %arg8[%add3A_24, %dma_wait3A] : memref<10240x128xf32, #tpu.memory_space<vmem_shared>> -> memref<128x128xf32, #tpu.memory_space<vmem_shared>>
      %dma_wait3A_57 = arith.constant 0 : i32
      %dma_wait3A_58 = tpu.memref_slice %arg8[%add3A_24, %dma_wait3A_57] : memref<10240x128xf32, #tpu.memory_space<vmem_shared>> -> memref<128x128xf32, #tpu.memory_space<vmem_shared>>
      tpu.wait_dma2 semaphore(%run_scoped3A : memref<!tpu.dma_semaphore, #tpu.memory_space<semaphore_mem>>) src(%arg7 : memref<128x128xf32, #tpu.memory_space<vmem>>) dst(%dma_wait3A_58 : memref<128x128xf32, #tpu.memory_space<vmem_shared>>)
      tpu.yield
    }) : () -> ()
    %barrier3A = arith.constant 0 : index
    tpu.barrier barrier_id(%barrier3A)
    %scan3A_25 = arith.constant 0 : i32
    %scan3A_26 = arith.constant 0 : i32
    %scan3A_27 = arith.constant 79 : i32
    %scan3A_28 = arith.addi %scan3A_26, %scan3A_27 : i32
    %scan3A_29 = arith.constant 1 : i32
    %scan3A_30 = scf.for %scan3A_53 = %scan3A_26 to %scan3A_28 step %scan3A_29 iter_args(%scan3A_54 = %scan3A_25) -> (i32)  : i32 {
      %scan3A_55 = arith.constant 0 : i32
      %scan3A_56 = arith.constant 0 : i32
      %scan3A_57 = arith.constant 128 : i32
      %scan3A_58 = arith.addi %scan3A_56, %scan3A_57 : i32
      %scan3A_59 = arith.constant 1 : i32
      %scan3A_60 = scf.for %scan3A_63 = %scan3A_56 to %scan3A_58 step %scan3A_59 iter_args(%scan3A_64 = %scan3A_55) -> (i32)  : i32 {
        %mul3A_65 = arith.constant 128 : i32
        %mul3A_66 = arith.muli %scan3A_53, %mul3A_65 : i32
        %add3A_67 = arith.addi %mul3A_66, %scan3A_63 : i32
        %broadcast_in_dim3A_68 = vector.broadcast %add3A_67 : i32 to vector<16xi32>
        %gather3A = tpu.vector_load_idx %arg6[%broadcast_in_dim3A_68] : memref<10112xf32, #tpu.memory_space<vmem>>[vector<16xi32>], vector<16xf32>,
        %swap3A = arith.index_cast %scan3A_63 : i32 to index
        %swap3A_69 = arith.constant 0 : index
        %swap3A_70 = tpu.vector_load %arg7[%swap3A, %swap3A_69] {strides = array<i32>} : memref<128x128xf32, #tpu.memory_space<vmem>>, vector<16xf32>,
        tpu.vector_store %arg7[%swap3A, %swap3A_69], %gather3A {strides = array<i32>} : memref<128x128xf32, #tpu.memory_space<vmem>>, vector<16xf32>,
        %swap3A_71 = arith.index_cast %scan3A_63 : i32 to index
        %swap3A_72 = arith.constant 16 : index
        %swap3A_73 = tpu.vector_load %arg7[%swap3A_71, %swap3A_72] {strides = array<i32>} : memref<128x128xf32, #tpu.memory_space<vmem>>, vector<16xf32>,
        tpu.vector_store %arg7[%swap3A_71, %swap3A_72], %gather3A {strides = array<i32>} : memref<128x128xf32, #tpu.memory_space<vmem>>, vector<16xf32>,
        %swap3A_74 = arith.index_cast %scan3A_63 : i32 to index
        %swap3A_75 = arith.constant 32 : index
        %swap3A_76 = tpu.vector_load %arg7[%swap3A_74, %swap3A_75] {strides = array<i32>} : memref<128x128xf32, #tpu.memory_space<vmem>>, vector<16xf32>,
        tpu.vector_store %arg7[%swap3A_74, %swap3A_75], %gather3A {strides = array<i32>} : memref<128x128xf32, #tpu.memory_space<vmem>>, vector<16xf32>,
        %swap3A_77 = arith.index_cast %scan3A_63 : i32 to index
        %swap3A_78 = arith.constant 48 : index
        %swap3A_79 = tpu.vector_load %arg7[%swap3A_77, %swap3A_78] {strides = array<i32>} : memref<128x128xf32, #tpu.memory_space<vmem>>, vector<16xf32>,
        tpu.vector_store %arg7[%swap3A_77, %swap3A_78], %gather3A {strides = array<i32>} : memref<128x128xf32, #tpu.memory_space<vmem>>, vector<16xf32>,
        %swap3A_80 = arith.index_cast %scan3A_63 : i32 to index
        %swap3A_81 = arith.constant 64 : index
        %swap3A_82 = tpu.vector_load %arg7[%swap3A_80, %swap3A_81] {strides = array<i32>} : memref<128x128xf32, #tpu.memory_space<vmem>>, vector<16xf32>,
        tpu.vector_store %arg7[%swap3A_80, %swap3A_81], %gather3A {strides = array<i32>} : memref<128x128xf32, #tpu.memory_space<vmem>>, vector<16xf32>,
        %swap3A_83 = arith.index_cast %scan3A_63 : i32 to index
        %swap3A_84 = arith.constant 80 : index
        %swap3A_85 = tpu.vector_load %arg7[%swap3A_83, %swap3A_84] {strides = array<i32>} : memref<128x128xf32, #tpu.memory_space<vmem>>, vector<16xf32>,
        tpu.vector_store %arg7[%swap3A_83, %swap3A_84], %gather3A {strides = array<i32>} : memref<128x128xf32, #tpu.memory_space<vmem>>, vector<16xf32>,
        %swap3A_86 = arith.index_cast %scan3A_63 : i32 to index
        %swap3A_87 = arith.constant 96 : index
        %swap3A_88 = tpu.vector_load %arg7[%swap3A_86, %swap3A_87] {strides = array<i32>} : memref<128x128xf32, #tpu.memory_space<vmem>>, vector<16xf32>,
        tpu.vector_store %arg7[%swap3A_86, %swap3A_87], %gather3A {strides = array<i32>} : memref<128x128xf32, #tpu.memory_space<vmem>>, vector<16xf32>,
        %swap3A_89 = arith.index_cast %scan3A_63 : i32 to index
        %swap3A_90 = arith.constant 112 : index
        %swap3A_91 = tpu.vector_load %arg7[%swap3A_89, %swap3A_90] {strides = array<i32>} : memref<128x128xf32, #tpu.memory_space<vmem>>, vector<16xf32>,
        tpu.vector_store %arg7[%swap3A_89, %swap3A_90], %gather3A {strides = array<i32>} : memref<128x128xf32, #tpu.memory_space<vmem>>, vector<16xf32>,
        %scan3A_92 = arith.constant 0 : i32
        scf.yield %scan3A_92 : i32
      }
      %scan3A_61 = arith.constant 128 : i32
      "tpu.region"() ({
        %run_scoped3A = tpu.sem_alloc : memref<!tpu.dma_semaphore, #tpu.memory_space<semaphore_mem>>
        %dma_start3A = arith.constant 0 : i32
        %dma_start3A_63 = tpu.memref_slice %arg5[%scan3A_53, %dma_start3A] : memref<79x128xi32, #tpu.memory_space<vmem>> -> memref<1x128xi32, #tpu.memory_space<vmem>>
        %dma_start3A_64 = tpu.memref_squeeze %dma_start3A_63 : memref<1x128xi32, #tpu.memory_space<vmem>> -> memref<128xi32, #tpu.memory_space<vmem>>
        %dma_start3A_65 = arith.constant 0 : i32
        %dma_start3A_66 = arith.constant 0 : i32
        %dma_start3A_67 = tpu.memref_slice %arg8[%dma_start3A_65, %dma_start3A_66] : memref<10240x128xf32, #tpu.memory_space<vmem_shared>> -> memref<10240x128xf32, #tpu.memory_space<vmem_shared>>
        tpu.enqueue_indirect_dma source(%arg7 : memref<128x128xf32, #tpu.memory_space<vmem>>) target(%dma_start3A_67 : memref<10240x128xf32, #tpu.memory_space<vmem_shared>>) offsets(%dma_start3A_64 : memref<128xi32, #tpu.memory_space<vmem>>) semaphore(%run_scoped3A : memref<!tpu.dma_semaphore, #tpu.memory_space<semaphore_mem>>) {add = true}
        %dma_wait3A = arith.constant 0 : i32
        %dma_wait3A_68 = tpu.memref_slice %arg5[%scan3A_53, %dma_wait3A] : memref<79x128xi32, #tpu.memory_space<vmem>> -> memref<1x128xi32, #tpu.memory_space<vmem>>
        %dma_wait3A_69 = tpu.memref_squeeze %dma_wait3A_68 : memref<1x128xi32, #tpu.memory_space<vmem>> -> memref<128xi32, #tpu.memory_space<vmem>>
        %dma_wait3A_70 = arith.constant 0 : i32
        %dma_wait3A_71 = arith.constant 0 : i32
        %dma_wait3A_72 = tpu.memref_slice %arg8[%dma_wait3A_70, %dma_wait3A_71] : memref<10240x128xf32, #tpu.memory_space<vmem_shared>> -> memref<10240x128xf32, #tpu.memory_space<vmem_shared>>
        tpu.wait_indirect_dma semaphore(%run_scoped3A : memref<!tpu.dma_semaphore, #tpu.memory_space<semaphore_mem>>) src(%arg7 : memref<128x128xf32, #tpu.memory_space<vmem>>) dst(%dma_wait3A_72 : memref<10240x128xf32, #tpu.memory_space<vmem_shared>>)
        tpu.yield
      }) : () -> ()
      %scan3A_62 = arith.constant 0 : i32
      scf.yield %scan3A_62 : i32
    }
    %scan3A_31 = arith.constant 79 : i32
    %barrier3A_32 = arith.constant 0 : index
    tpu.barrier barrier_id(%barrier3A_32)
    %mul3A_33 = arith.constant 640 : i32
    %mul3A_34 = arith.muli %arg1, %mul3A_33 : i32
    %add3A_35 = arith.constant 0 : i32
    %add3A_36 = arith.addi %mul3A_34, %add3A_35 : i32
    "tpu.region"() ({
      %run_scoped3A = tpu.sem_alloc : memref<!tpu.dma_semaphore, #tpu.memory_space<semaphore_mem>>
      %dma_start3A = arith.constant 0 : i32
      %dma_start3A_53 = tpu.memref_slice %arg4[%arg0, %add3A_36, %dma_start3A] : memref<2x10240x128xf32, #tpu.memory_space<hbm>> -> memref<1x128x128xf32, #tpu.memory_space<hbm>>
      %dma_start3A_54 = tpu.memref_squeeze %dma_start3A_53 : memref<1x128x128xf32, #tpu.memory_space<hbm>> -> memref<128x128xf32, #tpu.memory_space<hbm>>
      %dma_start3A_55 = arith.constant 0 : i32
      %dma_start3A_56 = tpu.memref_slice %arg8[%add3A_36, %dma_start3A_55] : memref<10240x128xf32, #tpu.memory_space<vmem_shared>> -> memref<128x128xf32, #tpu.memory_space<vmem_shared>>
      tpu.enqueue_dma source(%dma_start3A_56 : memref<128x128xf32, #tpu.memory_space<vmem_shared>>) target(%dma_start3A_54 : memref<128x128xf32, #tpu.memory_space<hbm>>) target_semaphore(%run_scoped3A : memref<!tpu.dma_semaphore, #tpu.memory_space<semaphore_mem>>)
      %dma_wait3A = arith.constant 0 : i32
      %dma_wait3A_57 = tpu.memref_slice %arg4[%arg0, %add3A_36, %dma_wait3A] : memref<2x10240x128xf32, #tpu.memory_space<hbm>> -> memref<1x128x128xf32, #tpu.memory_space<hbm>>
      %dma_wait3A_58 = tpu.memref_squeeze %dma_wait3A_57 : memref<1x128x128xf32, #tpu.memory_space<hbm>> -> memref<128x128xf32, #tpu.memory_space<hbm>>
      %dma_wait3A_59 = arith.constant 0 : i32
      %dma_wait3A_60 = tpu.memref_slice %arg8[%add3A_36, %dma_wait3A_59] : memref<10240x128xf32, #tpu.memory_space<vmem_shared>> -> memref<128x128xf32, #tpu.memory_space<vmem_shared>>
      tpu.wait_dma2 semaphore(%run_scoped3A : memref<!tpu.dma_semaphore, #tpu.memory_space<semaphore_mem>>) src(%dma_wait3A_60 : memref<128x128xf32, #tpu.memory_space<vmem_shared>>) dst(%dma_wait3A_58 : memref<128x128xf32, #tpu.memory_space<hbm>>)
      tpu.yield
    }) : () -> ()
    %mul3A_37 = arith.constant 640 : i32
    %mul3A_38 = arith.muli %arg1, %mul3A_37 : i32
    %add3A_39 = arith.constant 128 : i32
    %add3A_40 = arith.addi %mul3A_38, %add3A_39 : i32
    "tpu.region"() ({
      %run_scoped3A = tpu.sem_alloc : memref<!tpu.dma_semaphore, #tpu.memory_space<semaphore_mem>>
      %dma_start3A = arith.constant 0 : i32
      %dma_start3A_53 = tpu.memref_slice %arg4[%arg0, %add3A_40, %dma_start3A] : memref<2x10240x128xf32, #tpu.memory_space<hbm>> -> memref<1x128x128xf32, #tpu.memory_space<hbm>>
      %dma_start3A_54 = tpu.memref_squeeze %dma_start3A_53 : memref<1x128x128xf32, #tpu.memory_space<hbm>> -> memref<128x128xf32, #tpu.memory_space<hbm>>
      %dma_start3A_55 = arith.constant 0 : i32
      %dma_start3A_56 = tpu.memref_slice %arg8[%add3A_40, %dma_start3A_55] : memref<10240x128xf32, #tpu.memory_space<vmem_shared>> -> memref<128x128xf32, #tpu.memory_space<vmem_shared>>
      tpu.enqueue_dma source(%dma_start3A_56 : memref<128x128xf32, #tpu.memory_space<vmem_shared>>) target(%dma_start3A_54 : memref<128x128xf32, #tpu.memory_space<hbm>>) target_semaphore(%run_scoped3A : memref<!tpu.dma_semaphore, #tpu.memory_space<semaphore_mem>>)
      %dma_wait3A = arith.constant 0 : i32
      %dma_wait3A_57 = tpu.memref_slice %arg4[%arg0, %add3A_40, %dma_wait3A] : memref<2x10240x128xf32, #tpu.memory_space<hbm>> -> memref<1x128x128xf32, #tpu.memory_space<hbm>>
      %dma_wait3A_58 = tpu.memref_squeeze %dma_wait3A_57 : memref<1x128x128xf32, #tpu.memory_space<hbm>> -> memref<128x128xf32, #tpu.memory_space<hbm>>
      %dma_wait3A_59 = arith.constant 0 : i32
      %dma_wait3A_60 = tpu.memref_slice %arg8[%add3A_40, %dma_wait3A_59] : memref<10240x128xf32, #tpu.memory_space<vmem_shared>> -> memref<128x128xf32, #tpu.memory_space<vmem_shared>>
      tpu.wait_dma2 semaphore(%run_scoped3A : memref<!tpu.dma_semaphore, #tpu.memory_space<semaphore_mem>>) src(%dma_wait3A_60 : memref<128x128xf32, #tpu.memory_space<vmem_shared>>) dst(%dma_wait3A_58 : memref<128x128xf32, #tpu.memory_space<hbm>>)
      tpu.yield
    }) : () -> ()
    %mul3A_41 = arith.constant 640 : i32
    %mul3A_42 = arith.muli %arg1, %mul3A_41 : i32
    %add3A_43 = arith.constant 256 : i32
    %add3A_44 = arith.addi %mul3A_42, %add3A_43 : i32
    "tpu.region"() ({
      %run_scoped3A = tpu.sem_alloc : memref<!tpu.dma_semaphore, #tpu.memory_space<semaphore_mem>>
      %dma_start3A = arith.constant 0 : i32
      %dma_start3A_53 = tpu.memref_slice %arg4[%arg0, %add3A_44, %dma_start3A] : memref<2x10240x128xf32, #tpu.memory_space<hbm>> -> memref<1x128x128xf32, #tpu.memory_space<hbm>>
      %dma_start3A_54 = tpu.memref_squeeze %dma_start3A_53 : memref<1x128x128xf32, #tpu.memory_space<hbm>> -> memref<128x128xf32, #tpu.memory_space<hbm>>
      %dma_start3A_55 = arith.constant 0 : i32
      %dma_start3A_56 = tpu.memref_slice %arg8[%add3A_44, %dma_start3A_55] : memref<10240x128xf32, #tpu.memory_space<vmem_shared>> -> memref<128x128xf32, #tpu.memory_space<vmem_shared>>
      tpu.enqueue_dma source(%dma_start3A_56 : memref<128x128xf32, #tpu.memory_space<vmem_shared>>) target(%dma_start3A_54 : memref<128x128xf32, #tpu.memory_space<hbm>>) target_semaphore(%run_scoped3A : memref<!tpu.dma_semaphore, #tpu.memory_space<semaphore_mem>>)
      %dma_wait3A = arith.constant 0 : i32
      %dma_wait3A_57 = tpu.memref_slice %arg4[%arg0, %add3A_44, %dma_wait3A] : memref<2x10240x128xf32, #tpu.memory_space<hbm>> -> memref<1x128x128xf32, #tpu.memory_space<hbm>>
      %dma_wait3A_58 = tpu.memref_squeeze %dma_wait3A_57 : memref<1x128x128xf32, #tpu.memory_space<hbm>> -> memref<128x128xf32, #tpu.memory_space<hbm>>
      %dma_wait3A_59 = arith.constant 0 : i32
      %dma_wait3A_60 = tpu.memref_slice %arg8[%add3A_44, %dma_wait3A_59] : memref<10240x128xf32, #tpu.memory_space<vmem_shared>> -> memref<128x128xf32, #tpu.memory_space<vmem_shared>>
      tpu.wait_dma2 semaphore(%run_scoped3A : memref<!tpu.dma_semaphore, #tpu.memory_space<semaphore_mem>>) src(%dma_wait3A_60 : memref<128x128xf32, #tpu.memory_space<vmem_shared>>) dst(%dma_wait3A_58 : memref<128x128xf32, #tpu.memory_space<hbm>>)
      tpu.yield
    }) : () -> ()
    %mul3A_45 = arith.constant 640 : i32
    %mul3A_46 = arith.muli %arg1, %mul3A_45 : i32
    %add3A_47 = arith.constant 384 : i32
    %add3A_48 = arith.addi %mul3A_46, %add3A_47 : i32
    "tpu.region"() ({
      %run_scoped3A = tpu.sem_alloc : memref<!tpu.dma_semaphore, #tpu.memory_space<semaphore_mem>>
      %dma_start3A = arith.constant 0 : i32
      %dma_start3A_53 = tpu.memref_slice %arg4[%arg0, %add3A_48, %dma_start3A] : memref<2x10240x128xf32, #tpu.memory_space<hbm>> -> memref<1x128x128xf32, #tpu.memory_space<hbm>>
      %dma_start3A_54 = tpu.memref_squeeze %dma_start3A_53 : memref<1x128x128xf32, #tpu.memory_space<hbm>> -> memref<128x128xf32, #tpu.memory_space<hbm>>
      %dma_start3A_55 = arith.constant 0 : i32
      %dma_start3A_56 = tpu.memref_slice %arg8[%add3A_48, %dma_start3A_55] : memref<10240x128xf32, #tpu.memory_space<vmem_shared>> -> memref<128x128xf32, #tpu.memory_space<vmem_shared>>
      tpu.enqueue_dma source(%dma_start3A_56 : memref<128x128xf32, #tpu.memory_space<vmem_shared>>) target(%dma_start3A_54 : memref<128x128xf32, #tpu.memory_space<hbm>>) target_semaphore(%run_scoped3A : memref<!tpu.dma_semaphore, #tpu.memory_space<semaphore_mem>>)
      %dma_wait3A = arith.constant 0 : i32
      %dma_wait3A_57 = tpu.memref_slice %arg4[%arg0, %add3A_48, %dma_wait3A] : memref<2x10240x128xf32, #tpu.memory_space<hbm>> -> memref<1x128x128xf32, #tpu.memory_space<hbm>>
      %dma_wait3A_58 = tpu.memref_squeeze %dma_wait3A_57 : memref<1x128x128xf32, #tpu.memory_space<hbm>> -> memref<128x128xf32, #tpu.memory_space<hbm>>
      %dma_wait3A_59 = arith.constant 0 : i32
      %dma_wait3A_60 = tpu.memref_slice %arg8[%add3A_48, %dma_wait3A_59] : memref<10240x128xf32, #tpu.memory_space<vmem_shared>> -> memref<128x128xf32, #tpu.memory_space<vmem_shared>>
      tpu.wait_dma2 semaphore(%run_scoped3A : memref<!tpu.dma_semaphore, #tpu.memory_space<semaphore_mem>>) src(%dma_wait3A_60 : memref<128x128xf32, #tpu.memory_space<vmem_shared>>) dst(%dma_wait3A_58 : memref<128x128xf32, #tpu.memory_space<hbm>>)
      tpu.yield
    }) : () -> ()
    %mul3A_49 = arith.constant 640 : i32
    %mul3A_50 = arith.muli %arg1, %mul3A_49 : i32
    %add3A_51 = arith.constant 512 : i32
    %add3A_52 = arith.addi %mul3A_50, %add3A_51 : i32
    "tpu.region"() ({
      %run_scoped3A = tpu.sem_alloc : memref<!tpu.dma_semaphore, #tpu.memory_space<semaphore_mem>>
      %dma_start3A = arith.constant 0 : i32
      %dma_start3A_53 = tpu.memref_slice %arg4[%arg0, %add3A_52, %dma_start3A] : memref<2x10240x128xf32, #tpu.memory_space<hbm>> -> memref<1x128x128xf32, #tpu.memory_space<hbm>>
      %dma_start3A_54 = tpu.memref_squeeze %dma_start3A_53 : memref<1x128x128xf32, #tpu.memory_space<hbm>> -> memref<128x128xf32, #tpu.memory_space<hbm>>
      %dma_start3A_55 = arith.constant 0 : i32
      %dma_start3A_56 = tpu.memref_slice %arg8[%add3A_52, %dma_start3A_55] : memref<10240x128xf32, #tpu.memory_space<vmem_shared>> -> memref<128x128xf32, #tpu.memory_space<vmem_shared>>
      tpu.enqueue_dma source(%dma_start3A_56 : memref<128x128xf32, #tpu.memory_space<vmem_shared>>) target(%dma_start3A_54 : memref<128x128xf32, #tpu.memory_space<hbm>>) target_semaphore(%run_scoped3A : memref<!tpu.dma_semaphore, #tpu.memory_space<semaphore_mem>>)
      %dma_wait3A = arith.constant 0 : i32
      %dma_wait3A_57 = tpu.memref_slice %arg4[%arg0, %add3A_52, %dma_wait3A] : memref<2x10240x128xf32, #tpu.memory_space<hbm>> -> memref<1x128x128xf32, #tpu.memory_space<hbm>>
      %dma_wait3A_58 = tpu.memref_squeeze %dma_wait3A_57 : memref<1x128x128xf32, #tpu.memory_space<hbm>> -> memref<128x128xf32, #tpu.memory_space<hbm>>
      %dma_wait3A_59 = arith.constant 0 : i32
      %dma_wait3A_60 = tpu.memref_slice %arg8[%add3A_52, %dma_wait3A_59] : memref<10240x128xf32, #tpu.memory_space<vmem_shared>> -> memref<128x128xf32, #tpu.memory_space<vmem_shared>>
      tpu.wait_dma2 semaphore(%run_scoped3A : memref<!tpu.dma_semaphore, #tpu.memory_space<semaphore_mem>>) src(%dma_wait3A_60 : memref<128x128xf32, #tpu.memory_space<vmem_shared>>) dst(%dma_wait3A_58 : memref<128x128xf32, #tpu.memory_space<hbm>>)
      tpu.yield
    }) : () -> ()
    return
  }
}

#map = affine_map<(d0, d1) -> (0, 0, 0, 0)>
#map1 = affine_map<(d0, d1) -> (0, 0, 0)>
#map2 = affine_map<(d0, d1) -> (0, 0)>
module attributes {stable_mosaic.version = 14 : i64} {
  func.func @_conv_sc_body(%arg0: i32, %arg1: i32, %arg2: memref<2x16x79x128xi32, #tpu.memory_space<hbm>>, %arg3: memref<2x16x79x128xi32, #tpu.memory_space<hbm>>, %arg4: memref<2x16x10112xf32, #tpu.memory_space<hbm>>, %arg5: memref<10000x128xf32, #tpu.memory_space<hbm>>, %arg6: memref<2x10240x128xf32, #tpu.memory_space<hbm>>, %arg7: memref<79x128xi32, #tpu.memory_space<vmem>>, %arg8: memref<79x128xi32, #tpu.memory_space<vmem>>, %arg9: memref<10112xf32, #tpu.memory_space<vmem>>, %arg10: memref<128x128xf32, #tpu.memory_space<vmem>>, %arg11: memref<10240x128xf32, #tpu.memory_space<vmem_shared>>, %arg12: memref<!tpu.dma_semaphore, #tpu.memory_space<semaphore_mem>>) attributes {dimension_semantics = [#tpu.dimension_semantics<core_parallel>, #tpu.dimension_semantics<subcore_parallel>], iteration_bounds = array<i64: 2, 16>, scalar_prefetch = 0 : i64, scratch_operands = 6 : i64, tpu.core_type = #tpu.core_type<sc_vector_subcore>, window_params = [{transform_indices = #map}, {transform_indices = #map}, {transform_indices = #map1}, {transform_indices = #map2}, {transform_indices = #map1}]} {
    "tpu.region"() ({
      %run_scoped3A = tpu.sem_alloc : memref<!tpu.dma_semaphore, #tpu.memory_space<semaphore_mem>>
      %dma_start3A = arith.constant 0 : i32
      %dma_start3A_53 = arith.constant 0 : i32
      %dma_start3A_54 = tpu.memref_slice %arg2[%arg0, %arg1, %dma_start3A, %dma_start3A_53] : memref<2x16x79x128xi32, #tpu.memory_space<hbm>> -> memref<1x1x79x128xi32, #tpu.memory_space<hbm>>
      %dma_start3A_55 = tpu.memref_squeeze %dma_start3A_54 : memref<1x1x79x128xi32, #tpu.memory_space<hbm>> -> memref<79x128xi32, #tpu.memory_space<hbm>>
      %dma_start3A_56 = arith.constant 0 : i32
      %dma_start3A_57 = arith.constant 0 : i32
      %dma_start3A_58 = tpu.memref_slice %arg2[%arg0, %arg1, %dma_start3A_56, %dma_start3A_57] : memref<2x16x79x128xi32, #tpu.memory_space<hbm>> -> memref<1x1x79x128xi32, #tpu.memory_space<hbm>>
      %dma_start3A_59 = tpu.memref_squeeze %dma_start3A_58 : memref<1x1x79x128xi32, #tpu.memory_space<hbm>> -> memref<79x128xi32, #tpu.memory_space<hbm>>
      tpu.enqueue_dma source(%dma_start3A_59 : memref<79x128xi32, #tpu.memory_space<hbm>>) target(%arg7 : memref<79x128xi32, #tpu.memory_space<vmem>>) target_semaphore(%run_scoped3A : memref<!tpu.dma_semaphore, #tpu.memory_space<semaphore_mem>>)
      %dma_wait3A = arith.constant 0 : i32
      %dma_wait3A_60 = arith.constant 0 : i32
      %dma_wait3A_61 = tpu.memref_slice %arg2[%arg0, %arg1, %dma_wait3A, %dma_wait3A_60] : memref<2x16x79x128xi32, #tpu.memory_space<hbm>> -> memref<1x1x79x128xi32, #tpu.memory_space<hbm>>
      %dma_wait3A_62 = tpu.memref_squeeze %dma_wait3A_61 : memref<1x1x79x128xi32, #tpu.memory_space<hbm>> -> memref<79x128xi32, #tpu.memory_space<hbm>>
      %dma_wait3A_63 = arith.constant 0 : i32
      %dma_wait3A_64 = arith.constant 0 : i32
      %dma_wait3A_65 = tpu.memref_slice %arg2[%arg0, %arg1, %dma_wait3A_63, %dma_wait3A_64] : memref<2x16x79x128xi32, #tpu.memory_space<hbm>> -> memref<1x1x79x128xi32, #tpu.memory_space<hbm>>
      %dma_wait3A_66 = tpu.memref_squeeze %dma_wait3A_65 : memref<1x1x79x128xi32, #tpu.memory_space<hbm>> -> memref<79x128xi32, #tpu.memory_space<hbm>>
      tpu.wait_dma2 semaphore(%run_scoped3A : memref<!tpu.dma_semaphore, #tpu.memory_space<semaphore_mem>>) src(%dma_wait3A_66 : memref<79x128xi32, #tpu.memory_space<hbm>>) dst(%arg7 : memref<79x128xi32, #tpu.memory_space<vmem>>)
      tpu.yield
    }) : () -> ()
    "tpu.region"() ({
      %run_scoped3A = tpu.sem_alloc : memref<!tpu.dma_semaphore, #tpu.memory_space<semaphore_mem>>
      %dma_start3A = arith.constant 0 : i32
      %dma_start3A_53 = arith.constant 0 : i32
      %dma_start3A_54 = tpu.memref_slice %arg3[%arg0, %arg1, %dma_start3A, %dma_start3A_53] : memref<2x16x79x128xi32, #tpu.memory_space<hbm>> -> memref<1x1x79x128xi32, #tpu.memory_space<hbm>>
      %dma_start3A_55 = tpu.memref_squeeze %dma_start3A_54 : memref<1x1x79x128xi32, #tpu.memory_space<hbm>> -> memref<79x128xi32, #tpu.memory_space<hbm>>
      %dma_start3A_56 = arith.constant 0 : i32
      %dma_start3A_57 = arith.constant 0 : i32
      %dma_start3A_58 = tpu.memref_slice %arg3[%arg0, %arg1, %dma_start3A_56, %dma_start3A_57] : memref<2x16x79x128xi32, #tpu.memory_space<hbm>> -> memref<1x1x79x128xi32, #tpu.memory_space<hbm>>
      %dma_start3A_59 = tpu.memref_squeeze %dma_start3A_58 : memref<1x1x79x128xi32, #tpu.memory_space<hbm>> -> memref<79x128xi32, #tpu.memory_space<hbm>>
      tpu.enqueue_dma source(%dma_start3A_59 : memref<79x128xi32, #tpu.memory_space<hbm>>) target(%arg8 : memref<79x128xi32, #tpu.memory_space<vmem>>) target_semaphore(%run_scoped3A : memref<!tpu.dma_semaphore, #tpu.memory_space<semaphore_mem>>)
      %dma_wait3A = arith.constant 0 : i32
      %dma_wait3A_60 = arith.constant 0 : i32
      %dma_wait3A_61 = tpu.memref_slice %arg3[%arg0, %arg1, %dma_wait3A, %dma_wait3A_60] : memref<2x16x79x128xi32, #tpu.memory_space<hbm>> -> memref<1x1x79x128xi32, #tpu.memory_space<hbm>>
      %dma_wait3A_62 = tpu.memref_squeeze %dma_wait3A_61 : memref<1x1x79x128xi32, #tpu.memory_space<hbm>> -> memref<79x128xi32, #tpu.memory_space<hbm>>
      %dma_wait3A_63 = arith.constant 0 : i32
      %dma_wait3A_64 = arith.constant 0 : i32
      %dma_wait3A_65 = tpu.memref_slice %arg3[%arg0, %arg1, %dma_wait3A_63, %dma_wait3A_64] : memref<2x16x79x128xi32, #tpu.memory_space<hbm>> -> memref<1x1x79x128xi32, #tpu.memory_space<hbm>>
      %dma_wait3A_66 = tpu.memref_squeeze %dma_wait3A_65 : memref<1x1x79x128xi32, #tpu.memory_space<hbm>> -> memref<79x128xi32, #tpu.memory_space<hbm>>
      tpu.wait_dma2 semaphore(%run_scoped3A : memref<!tpu.dma_semaphore, #tpu.memory_space<semaphore_mem>>) src(%dma_wait3A_66 : memref<79x128xi32, #tpu.memory_space<hbm>>) dst(%arg8 : memref<79x128xi32, #tpu.memory_space<vmem>>)
      tpu.yield
    }) : () -> ()
    "tpu.region"() ({
      %run_scoped3A = tpu.sem_alloc : memref<!tpu.dma_semaphore, #tpu.memory_space<semaphore_mem>>
      %dma_start3A = arith.constant 0 : i32
      %dma_start3A_53 = tpu.memref_slice %arg4[%arg0, %arg1, %dma_start3A] : memref<2x16x10112xf32, #tpu.memory_space<hbm>> -> memref<1x1x10112xf32, #tpu.memory_space<hbm>>
      %dma_start3A_54 = tpu.memref_squeeze %dma_start3A_53 : memref<1x1x10112xf32, #tpu.memory_space<hbm>> -> memref<10112xf32, #tpu.memory_space<hbm>>
      %dma_start3A_55 = arith.constant 0 : i32
      %dma_start3A_56 = tpu.memref_slice %arg4[%arg0, %arg1, %dma_start3A_55] : memref<2x16x10112xf32, #tpu.memory_space<hbm>> -> memref<1x1x10112xf32, #tpu.memory_space<hbm>>
      %dma_start3A_57 = tpu.memref_squeeze %dma_start3A_56 : memref<1x1x10112xf32, #tpu.memory_space<hbm>> -> memref<10112xf32, #tpu.memory_space<hbm>>
      tpu.enqueue_dma source(%dma_start3A_57 : memref<10112xf32, #tpu.memory_space<hbm>>) target(%arg9 : memref<10112xf32, #tpu.memory_space<vmem>>) target_semaphore(%run_scoped3A : memref<!tpu.dma_semaphore, #tpu.memory_space<semaphore_mem>>)
      %dma_wait3A = arith.constant 0 : i32
      %dma_wait3A_58 = tpu.memref_slice %arg4[%arg0, %arg1, %dma_wait3A] : memref<2x16x10112xf32, #tpu.memory_space<hbm>> -> memref<1x1x10112xf32, #tpu.memory_space<hbm>>
      %dma_wait3A_59 = tpu.memref_squeeze %dma_wait3A_58 : memref<1x1x10112xf32, #tpu.memory_space<hbm>> -> memref<10112xf32, #tpu.memory_space<hbm>>
      %dma_wait3A_60 = arith.constant 0 : i32
      %dma_wait3A_61 = tpu.memref_slice %arg4[%arg0, %arg1, %dma_wait3A_60] : memref<2x16x10112xf32, #tpu.memory_space<hbm>> -> memref<1x1x10112xf32, #tpu.memory_space<hbm>>
      %dma_wait3A_62 = tpu.memref_squeeze %dma_wait3A_61 : memref<1x1x10112xf32, #tpu.memory_space<hbm>> -> memref<10112xf32, #tpu.memory_space<hbm>>
      tpu.wait_dma2 semaphore(%run_scoped3A : memref<!tpu.dma_semaphore, #tpu.memory_space<semaphore_mem>>) src(%dma_wait3A_62 : memref<10112xf32, #tpu.memory_space<hbm>>) dst(%arg9 : memref<10112xf32, #tpu.memory_space<vmem>>)
      tpu.yield
    }) : () -> ()
    %broadcast_in_dim3A = arith.constant 0.000000e+00 : f32
    %broadcast_in_dim3A_0 = vector.broadcast %broadcast_in_dim3A : f32 to vector<16xf32>
    %scan3A = arith.constant 0 : i32
    %scan3A_1 = arith.constant 0 : i32
    %scan3A_2 = arith.constant 128 : i32
    %scan3A_3 = arith.addi %scan3A_1, %scan3A_2 : i32
    %scan3A_4 = arith.constant 1 : i32
    %scan3A_5 = scf.for %scan3A_53 = %scan3A_1 to %scan3A_3 step %scan3A_4 iter_args(%scan3A_54 = %scan3A) -> (i32)  : i32 {
      %swap3A = arith.index_cast %scan3A_53 : i32 to index
      %swap3A_55 = arith.constant 0 : index
      %swap3A_56 = tpu.vector_load %arg10[%swap3A, %swap3A_55] {strides = array<i32>} : memref<128x128xf32, #tpu.memory_space<vmem>>, vector<16xf32>,
      tpu.vector_store %arg10[%swap3A, %swap3A_55], %broadcast_in_dim3A_0 {strides = array<i32>} : memref<128x128xf32, #tpu.memory_space<vmem>>, vector<16xf32>,
      %swap3A_57 = arith.index_cast %scan3A_53 : i32 to index
      %swap3A_58 = arith.constant 16 : index
      %swap3A_59 = tpu.vector_load %arg10[%swap3A_57, %swap3A_58] {strides = array<i32>} : memref<128x128xf32, #tpu.memory_space<vmem>>, vector<16xf32>,
      tpu.vector_store %arg10[%swap3A_57, %swap3A_58], %broadcast_in_dim3A_0 {strides = array<i32>} : memref<128x128xf32, #tpu.memory_space<vmem>>, vector<16xf32>,
      %swap3A_60 = arith.index_cast %scan3A_53 : i32 to index
      %swap3A_61 = arith.constant 32 : index
      %swap3A_62 = tpu.vector_load %arg10[%swap3A_60, %swap3A_61] {strides = array<i32>} : memref<128x128xf32, #tpu.memory_space<vmem>>, vector<16xf32>,
      tpu.vector_store %arg10[%swap3A_60, %swap3A_61], %broadcast_in_dim3A_0 {strides = array<i32>} : memref<128x128xf32, #tpu.memory_space<vmem>>, vector<16xf32>,
      %swap3A_63 = arith.index_cast %scan3A_53 : i32 to index
      %swap3A_64 = arith.constant 48 : index
      %swap3A_65 = tpu.vector_load %arg10[%swap3A_63, %swap3A_64] {strides = array<i32>} : memref<128x128xf32, #tpu.memory_space<vmem>>, vector<16xf32>,
      tpu.vector_store %arg10[%swap3A_63, %swap3A_64], %broadcast_in_dim3A_0 {strides = array<i32>} : memref<128x128xf32, #tpu.memory_space<vmem>>, vector<16xf32>,
      %swap3A_66 = arith.index_cast %scan3A_53 : i32 to index
      %swap3A_67 = arith.constant 64 : index
      %swap3A_68 = tpu.vector_load %arg10[%swap3A_66, %swap3A_67] {strides = array<i32>} : memref<128x128xf32, #tpu.memory_space<vmem>>, vector<16xf32>,
      tpu.vector_store %arg10[%swap3A_66, %swap3A_67], %broadcast_in_dim3A_0 {strides = array<i32>} : memref<128x128xf32, #tpu.memory_space<vmem>>, vector<16xf32>,
      %swap3A_69 = arith.index_cast %scan3A_53 : i32 to index
      %swap3A_70 = arith.constant 80 : index
      %swap3A_71 = tpu.vector_load %arg10[%swap3A_69, %swap3A_70] {strides = array<i32>} : memref<128x128xf32, #tpu.memory_space<vmem>>, vector<16xf32>,
      tpu.vector_store %arg10[%swap3A_69, %swap3A_70], %broadcast_in_dim3A_0 {strides = array<i32>} : memref<128x128xf32, #tpu.memory_space<vmem>>, vector<16xf32>,
      %swap3A_72 = arith.index_cast %scan3A_53 : i32 to index
      %swap3A_73 = arith.constant 96 : index
      %swap3A_74 = tpu.vector_load %arg10[%swap3A_72, %swap3A_73] {strides = array<i32>} : memref<128x128xf32, #tpu.memory_space<vmem>>, vector<16xf32>,
      tpu.vector_store %arg10[%swap3A_72, %swap3A_73], %broadcast_in_dim3A_0 {strides = array<i32>} : memref<128x128xf32, #tpu.memory_space<vmem>>, vector<16xf32>,
      %swap3A_75 = arith.index_cast %scan3A_53 : i32 to index
      %swap3A_76 = arith.constant 112 : index
      %swap3A_77 = tpu.vector_load %arg10[%swap3A_75, %swap3A_76] {strides = array<i32>} : memref<128x128xf32, #tpu.memory_space<vmem>>, vector<16xf32>,
      tpu.vector_store %arg10[%swap3A_75, %swap3A_76], %broadcast_in_dim3A_0 {strides = array<i32>} : memref<128x128xf32, #tpu.memory_space<vmem>>, vector<16xf32>,
      %scan3A_78 = arith.constant 0 : i32
      scf.yield %scan3A_78 : i32
    }
    %scan3A_6 = arith.constant 128 : i32
    %mul3A = arith.constant 640 : i32
    %mul3A_7 = arith.muli %arg1, %mul3A : i32
    %add3A = arith.constant 0 : i32
    %add3A_8 = arith.addi %mul3A_7, %add3A : i32
    "tpu.region"() ({
      %run_scoped3A = tpu.sem_alloc : memref<!tpu.dma_semaphore, #tpu.memory_space<semaphore_mem>>
      %dma_start3A = arith.constant 0 : i32
      %dma_start3A_53 = tpu.memref_slice %arg11[%add3A_8, %dma_start3A] : memref<10240x128xf32, #tpu.memory_space<vmem_shared>> -> memref<128x128xf32, #tpu.memory_space<vmem_shared>>
      %dma_start3A_54 = arith.constant 0 : i32
      %dma_start3A_55 = tpu.memref_slice %arg11[%add3A_8, %dma_start3A_54] : memref<10240x128xf32, #tpu.memory_space<vmem_shared>> -> memref<128x128xf32, #tpu.memory_space<vmem_shared>>
      tpu.enqueue_dma source(%arg10 : memref<128x128xf32, #tpu.memory_space<vmem>>) target(%dma_start3A_55 : memref<128x128xf32, #tpu.memory_space<vmem_shared>>) target_semaphore(%run_scoped3A : memref<!tpu.dma_semaphore, #tpu.memory_space<semaphore_mem>>)
      %dma_wait3A = arith.constant 0 : i32
      %dma_wait3A_56 = tpu.memref_slice %arg11[%add3A_8, %dma_wait3A] : memref<10240x128xf32, #tpu.memory_space<vmem_shared>> -> memref<128x128xf32, #tpu.memory_space<vmem_shared>>
      %dma_wait3A_57 = arith.constant 0 : i32
      %dma_wait3A_58 = tpu.memref_slice %arg11[%add3A_8, %dma_wait3A_57] : memref<10240x128xf32, #tpu.memory_space<vmem_shared>> -> memref<128x128xf32, #tpu.memory_space<vmem_shared>>
      tpu.wait_dma2 semaphore(%run_scoped3A : memref<!tpu.dma_semaphore, #tpu.memory_space<semaphore_mem>>) src(%arg10 : memref<128x128xf32, #tpu.memory_space<vmem>>) dst(%dma_wait3A_58 : memref<128x128xf32, #tpu.memory_space<vmem_shared>>)
      tpu.yield
    }) : () -> ()
    %mul3A_9 = arith.constant 640 : i32
    %mul3A_10 = arith.muli %arg1, %mul3A_9 : i32
    %add3A_11 = arith.constant 128 : i32
    %add3A_12 = arith.addi %mul3A_10, %add3A_11 : i32
    "tpu.region"() ({
      %run_scoped3A = tpu.sem_alloc : memref<!tpu.dma_semaphore, #tpu.memory_space<semaphore_mem>>
      %dma_start3A = arith.constant 0 : i32
      %dma_start3A_53 = tpu.memref_slice %arg11[%add3A_12, %dma_start3A] : memref<10240x128xf32, #tpu.memory_space<vmem_shared>> -> memref<128x128xf32, #tpu.memory_space<vmem_shared>>
      %dma_start3A_54 = arith.constant 0 : i32
      %dma_start3A_55 = tpu.memref_slice %arg11[%add3A_12, %dma_start3A_54] : memref<10240x128xf32, #tpu.memory_space<vmem_shared>> -> memref<128x128xf32, #tpu.memory_space<vmem_shared>>
      tpu.enqueue_dma source(%arg10 : memref<128x128xf32, #tpu.memory_space<vmem>>) target(%dma_start3A_55 : memref<128x128xf32, #tpu.memory_space<vmem_shared>>) target_semaphore(%run_scoped3A : memref<!tpu.dma_semaphore, #tpu.memory_space<semaphore_mem>>)
      %dma_wait3A = arith.constant 0 : i32
      %dma_wait3A_56 = tpu.memref_slice %arg11[%add3A_12, %dma_wait3A] : memref<10240x128xf32, #tpu.memory_space<vmem_shared>> -> memref<128x128xf32, #tpu.memory_space<vmem_shared>>
      %dma_wait3A_57 = arith.constant 0 : i32
      %dma_wait3A_58 = tpu.memref_slice %arg11[%add3A_12, %dma_wait3A_57] : memref<10240x128xf32, #tpu.memory_space<vmem_shared>> -> memref<128x128xf32, #tpu.memory_space<vmem_shared>>
      tpu.wait_dma2 semaphore(%run_scoped3A : memref<!tpu.dma_semaphore, #tpu.memory_space<semaphore_mem>>) src(%arg10 : memref<128x128xf32, #tpu.memory_space<vmem>>) dst(%dma_wait3A_58 : memref<128x128xf32, #tpu.memory_space<vmem_shared>>)
      tpu.yield
    }) : () -> ()
    %mul3A_13 = arith.constant 640 : i32
    %mul3A_14 = arith.muli %arg1, %mul3A_13 : i32
    %add3A_15 = arith.constant 256 : i32
    %add3A_16 = arith.addi %mul3A_14, %add3A_15 : i32
    "tpu.region"() ({
      %run_scoped3A = tpu.sem_alloc : memref<!tpu.dma_semaphore, #tpu.memory_space<semaphore_mem>>
      %dma_start3A = arith.constant 0 : i32
      %dma_start3A_53 = tpu.memref_slice %arg11[%add3A_16, %dma_start3A] : memref<10240x128xf32, #tpu.memory_space<vmem_shared>> -> memref<128x128xf32, #tpu.memory_space<vmem_shared>>
      %dma_start3A_54 = arith.constant 0 : i32
      %dma_start3A_55 = tpu.memref_slice %arg11[%add3A_16, %dma_start3A_54] : memref<10240x128xf32, #tpu.memory_space<vmem_shared>> -> memref<128x128xf32, #tpu.memory_space<vmem_shared>>
      tpu.enqueue_dma source(%arg10 : memref<128x128xf32, #tpu.memory_space<vmem>>) target(%dma_start3A_55 : memref<128x128xf32, #tpu.memory_space<vmem_shared>>) target_semaphore(%run_scoped3A : memref<!tpu.dma_semaphore, #tpu.memory_space<semaphore_mem>>)
      %dma_wait3A = arith.constant 0 : i32
      %dma_wait3A_56 = tpu.memref_slice %arg11[%add3A_16, %dma_wait3A] : memref<10240x128xf32, #tpu.memory_space<vmem_shared>> -> memref<128x128xf32, #tpu.memory_space<vmem_shared>>
      %dma_wait3A_57 = arith.constant 0 : i32
      %dma_wait3A_58 = tpu.memref_slice %arg11[%add3A_16, %dma_wait3A_57] : memref<10240x128xf32, #tpu.memory_space<vmem_shared>> -> memref<128x128xf32, #tpu.memory_space<vmem_shared>>
      tpu.wait_dma2 semaphore(%run_scoped3A : memref<!tpu.dma_semaphore, #tpu.memory_space<semaphore_mem>>) src(%arg10 : memref<128x128xf32, #tpu.memory_space<vmem>>) dst(%dma_wait3A_58 : memref<128x128xf32, #tpu.memory_space<vmem_shared>>)
      tpu.yield
    }) : () -> ()
    %mul3A_17 = arith.constant 640 : i32
    %mul3A_18 = arith.muli %arg1, %mul3A_17 : i32
    %add3A_19 = arith.constant 384 : i32
    %add3A_20 = arith.addi %mul3A_18, %add3A_19 : i32
    "tpu.region"() ({
      %run_scoped3A = tpu.sem_alloc : memref<!tpu.dma_semaphore, #tpu.memory_space<semaphore_mem>>
      %dma_start3A = arith.constant 0 : i32
      %dma_start3A_53 = tpu.memref_slice %arg11[%add3A_20, %dma_start3A] : memref<10240x128xf32, #tpu.memory_space<vmem_shared>> -> memref<128x128xf32, #tpu.memory_space<vmem_shared>>
      %dma_start3A_54 = arith.constant 0 : i32
      %dma_start3A_55 = tpu.memref_slice %arg11[%add3A_20, %dma_start3A_54] : memref<10240x128xf32, #tpu.memory_space<vmem_shared>> -> memref<128x128xf32, #tpu.memory_space<vmem_shared>>
      tpu.enqueue_dma source(%arg10 : memref<128x128xf32, #tpu.memory_space<vmem>>) target(%dma_start3A_55 : memref<128x128xf32, #tpu.memory_space<vmem_shared>>) target_semaphore(%run_scoped3A : memref<!tpu.dma_semaphore, #tpu.memory_space<semaphore_mem>>)
      %dma_wait3A = arith.constant 0 : i32
      %dma_wait3A_56 = tpu.memref_slice %arg11[%add3A_20, %dma_wait3A] : memref<10240x128xf32, #tpu.memory_space<vmem_shared>> -> memref<128x128xf32, #tpu.memory_space<vmem_shared>>
      %dma_wait3A_57 = arith.constant 0 : i32
      %dma_wait3A_58 = tpu.memref_slice %arg11[%add3A_20, %dma_wait3A_57] : memref<10240x128xf32, #tpu.memory_space<vmem_shared>> -> memref<128x128xf32, #tpu.memory_space<vmem_shared>>
      tpu.wait_dma2 semaphore(%run_scoped3A : memref<!tpu.dma_semaphore, #tpu.memory_space<semaphore_mem>>) src(%arg10 : memref<128x128xf32, #tpu.memory_space<vmem>>) dst(%dma_wait3A_58 : memref<128x128xf32, #tpu.memory_space<vmem_shared>>)
      tpu.yield
    }) : () -> ()
    %mul3A_21 = arith.constant 640 : i32
    %mul3A_22 = arith.muli %arg1, %mul3A_21 : i32
    %add3A_23 = arith.constant 512 : i32
    %add3A_24 = arith.addi %mul3A_22, %add3A_23 : i32
    "tpu.region"() ({
      %run_scoped3A = tpu.sem_alloc : memref<!tpu.dma_semaphore, #tpu.memory_space<semaphore_mem>>
      %dma_start3A = arith.constant 0 : i32
      %dma_start3A_53 = tpu.memref_slice %arg11[%add3A_24, %dma_start3A] : memref<10240x128xf32, #tpu.memory_space<vmem_shared>> -> memref<128x128xf32, #tpu.memory_space<vmem_shared>>
      %dma_start3A_54 = arith.constant 0 : i32
      %dma_start3A_55 = tpu.memref_slice %arg11[%add3A_24, %dma_start3A_54] : memref<10240x128xf32, #tpu.memory_space<vmem_shared>> -> memref<128x128xf32, #tpu.memory_space<vmem_shared>>
      tpu.enqueue_dma source(%arg10 : memref<128x128xf32, #tpu.memory_space<vmem>>) target(%dma_start3A_55 : memref<128x128xf32, #tpu.memory_space<vmem_shared>>) target_semaphore(%run_scoped3A : memref<!tpu.dma_semaphore, #tpu.memory_space<semaphore_mem>>)
      %dma_wait3A = arith.constant 0 : i32
      %dma_wait3A_56 = tpu.memref_slice %arg11[%add3A_24, %dma_wait3A] : memref<10240x128xf32, #tpu.memory_space<vmem_shared>> -> memref<128x128xf32, #tpu.memory_space<vmem_shared>>
      %dma_wait3A_57 = arith.constant 0 : i32
      %dma_wait3A_58 = tpu.memref_slice %arg11[%add3A_24, %dma_wait3A_57] : memref<10240x128xf32, #tpu.memory_space<vmem_shared>> -> memref<128x128xf32, #tpu.memory_space<vmem_shared>>
      tpu.wait_dma2 semaphore(%run_scoped3A : memref<!tpu.dma_semaphore, #tpu.memory_space<semaphore_mem>>) src(%arg10 : memref<128x128xf32, #tpu.memory_space<vmem>>) dst(%dma_wait3A_58 : memref<128x128xf32, #tpu.memory_space<vmem_shared>>)
      tpu.yield
    }) : () -> ()
    %barrier3A = arith.constant 0 : index
    tpu.barrier barrier_id(%barrier3A)
    %scan3A_25 = arith.constant 0 : i32
    %scan3A_26 = arith.constant 0 : i32
    %scan3A_27 = arith.constant 79 : i32
    %scan3A_28 = arith.addi %scan3A_26, %scan3A_27 : i32
    %scan3A_29 = arith.constant 1 : i32
    %scan3A_30 = scf.for %scan3A_53 = %scan3A_26 to %scan3A_28 step %scan3A_29 iter_args(%scan3A_54 = %scan3A_25) -> (i32)  : i32 {
      %dma_start3A = arith.constant 0 : i32
      %dma_start3A_55 = tpu.memref_slice %arg7[%scan3A_53, %dma_start3A] : memref<79x128xi32, #tpu.memory_space<vmem>> -> memref<1x128xi32, #tpu.memory_space<vmem>>
      %dma_start3A_56 = tpu.memref_squeeze %dma_start3A_55 : memref<1x128xi32, #tpu.memory_space<vmem>> -> memref<128xi32, #tpu.memory_space<vmem>>
      %dma_start3A_57 = arith.constant 0 : i32
      %dma_start3A_58 = arith.constant 0 : i32
      %dma_start3A_59 = tpu.memref_slice %arg5[%dma_start3A_57, %dma_start3A_58] : memref<10000x128xf32, #tpu.memory_space<hbm>> -> memref<10000x128xf32, #tpu.memory_space<hbm>>
      tpu.enqueue_indirect_dma source(%dma_start3A_59 : memref<10000x128xf32, #tpu.memory_space<hbm>>) target(%arg10 : memref<128x128xf32, #tpu.memory_space<vmem>>) offsets(%dma_start3A_56 : memref<128xi32, #tpu.memory_space<vmem>>) semaphore(%arg12 : memref<!tpu.dma_semaphore, #tpu.memory_space<semaphore_mem>>)
      %dma_wait3A = arith.constant 0 : i32
      %dma_wait3A_60 = tpu.memref_slice %arg7[%scan3A_53, %dma_wait3A] : memref<79x128xi32, #tpu.memory_space<vmem>> -> memref<1x128xi32, #tpu.memory_space<vmem>>
      %dma_wait3A_61 = tpu.memref_squeeze %dma_wait3A_60 : memref<1x128xi32, #tpu.memory_space<vmem>> -> memref<128xi32, #tpu.memory_space<vmem>>
      %dma_wait3A_62 = arith.constant 0 : i32
      %dma_wait3A_63 = arith.constant 0 : i32
      %dma_wait3A_64 = tpu.memref_slice %arg5[%dma_wait3A_62, %dma_wait3A_63] : memref<10000x128xf32, #tpu.memory_space<hbm>> -> memref<10000x128xf32, #tpu.memory_space<hbm>>
      tpu.wait_indirect_dma semaphore(%arg12 : memref<!tpu.dma_semaphore, #tpu.memory_space<semaphore_mem>>) src(%dma_wait3A_64 : memref<10000x128xf32, #tpu.memory_space<hbm>>) dst(%arg10 : memref<128x128xf32, #tpu.memory_space<vmem>>)
      %scan3A_65 = arith.constant 0 : i32
      %scan3A_66 = arith.constant 0 : i32
      %scan3A_67 = arith.constant 128 : i32
      %scan3A_68 = arith.addi %scan3A_66, %scan3A_67 : i32
      %scan3A_69 = arith.constant 1 : i32
      %scan3A_70 = scf.for %scan3A_73 = %scan3A_66 to %scan3A_68 step %scan3A_69 iter_args(%scan3A_74 = %scan3A_65) -> (i32)  : i32 {
        %mul3A_75 = arith.constant 128 : i32
        %mul3A_76 = arith.muli %scan3A_53, %mul3A_75 : i32
        %add3A_77 = arith.addi %mul3A_76, %scan3A_73 : i32
        %broadcast_in_dim3A_78 = vector.broadcast %add3A_77 : i32 to vector<16xi32>
        %gather3A = tpu.vector_load_idx %arg9[%broadcast_in_dim3A_78] : memref<10112xf32, #tpu.memory_space<vmem>>[vector<16xi32>], vector<16xf32>,
        %get3A = arith.index_cast %scan3A_73 : i32 to index
        %get3A_79 = arith.constant 0 : index
        %get3A_80 = tpu.vector_load %arg10[%get3A, %get3A_79] {strides = array<i32>} : memref<128x128xf32, #tpu.memory_space<vmem>>, vector<16xf32>,
        %mul3A_81 = arith.mulf %get3A_80, %gather3A : vector<16xf32>
        %swap3A = arith.index_cast %scan3A_73 : i32 to index
        %swap3A_82 = arith.constant 0 : index
        %swap3A_83 = tpu.vector_load %arg10[%swap3A, %swap3A_82] {strides = array<i32>} : memref<128x128xf32, #tpu.memory_space<vmem>>, vector<16xf32>,
        tpu.vector_store %arg10[%swap3A, %swap3A_82], %mul3A_81 {strides = array<i32>} : memref<128x128xf32, #tpu.memory_space<vmem>>, vector<16xf32>,
        %get3A_84 = arith.index_cast %scan3A_73 : i32 to index
        %get3A_85 = arith.constant 16 : index
        %get3A_86 = tpu.vector_load %arg10[%get3A_84, %get3A_85] {strides = array<i32>} : memref<128x128xf32, #tpu.memory_space<vmem>>, vector<16xf32>,
        %mul3A_87 = arith.mulf %get3A_86, %gather3A : vector<16xf32>
        %swap3A_88 = arith.index_cast %scan3A_73 : i32 to index
        %swap3A_89 = arith.constant 16 : index
        %swap3A_90 = tpu.vector_load %arg10[%swap3A_88, %swap3A_89] {strides = array<i32>} : memref<128x128xf32, #tpu.memory_space<vmem>>, vector<16xf32>,
        tpu.vector_store %arg10[%swap3A_88, %swap3A_89], %mul3A_87 {strides = array<i32>} : memref<128x128xf32, #tpu.memory_space<vmem>>, vector<16xf32>,
        %get3A_91 = arith.index_cast %scan3A_73 : i32 to index
        %get3A_92 = arith.constant 32 : index
        %get3A_93 = tpu.vector_load %arg10[%get3A_91, %get3A_92] {strides = array<i32>} : memref<128x128xf32, #tpu.memory_space<vmem>>, vector<16xf32>,
        %mul3A_94 = arith.mulf %get3A_93, %gather3A : vector<16xf32>
        %swap3A_95 = arith.index_cast %scan3A_73 : i32 to index
        %swap3A_96 = arith.constant 32 : index
        %swap3A_97 = tpu.vector_load %arg10[%swap3A_95, %swap3A_96] {strides = array<i32>} : memref<128x128xf32, #tpu.memory_space<vmem>>, vector<16xf32>,
        tpu.vector_store %arg10[%swap3A_95, %swap3A_96], %mul3A_94 {strides = array<i32>} : memref<128x128xf32, #tpu.memory_space<vmem>>, vector<16xf32>,
        %get3A_98 = arith.index_cast %scan3A_73 : i32 to index
        %get3A_99 = arith.constant 48 : index
        %get3A_100 = tpu.vector_load %arg10[%get3A_98, %get3A_99] {strides = array<i32>} : memref<128x128xf32, #tpu.memory_space<vmem>>, vector<16xf32>,
        %mul3A_101 = arith.mulf %get3A_100, %gather3A : vector<16xf32>
        %swap3A_102 = arith.index_cast %scan3A_73 : i32 to index
        %swap3A_103 = arith.constant 48 : index
        %swap3A_104 = tpu.vector_load %arg10[%swap3A_102, %swap3A_103] {strides = array<i32>} : memref<128x128xf32, #tpu.memory_space<vmem>>, vector<16xf32>,
        tpu.vector_store %arg10[%swap3A_102, %swap3A_103], %mul3A_101 {strides = array<i32>} : memref<128x128xf32, #tpu.memory_space<vmem>>, vector<16xf32>,
        %get3A_105 = arith.index_cast %scan3A_73 : i32 to index
        %get3A_106 = arith.constant 64 : index
        %get3A_107 = tpu.vector_load %arg10[%get3A_105, %get3A_106] {strides = array<i32>} : memref<128x128xf32, #tpu.memory_space<vmem>>, vector<16xf32>,
        %mul3A_108 = arith.mulf %get3A_107, %gather3A : vector<16xf32>
        %swap3A_109 = arith.index_cast %scan3A_73 : i32 to index
        %swap3A_110 = arith.constant 64 : index
        %swap3A_111 = tpu.vector_load %arg10[%swap3A_109, %swap3A_110] {strides = array<i32>} : memref<128x128xf32, #tpu.memory_space<vmem>>, vector<16xf32>,
        tpu.vector_store %arg10[%swap3A_109, %swap3A_110], %mul3A_108 {strides = array<i32>} : memref<128x128xf32, #tpu.memory_space<vmem>>, vector<16xf32>,
        %get3A_112 = arith.index_cast %scan3A_73 : i32 to index
        %get3A_113 = arith.constant 80 : index
        %get3A_114 = tpu.vector_load %arg10[%get3A_112, %get3A_113] {strides = array<i32>} : memref<128x128xf32, #tpu.memory_space<vmem>>, vector<16xf32>,
        %mul3A_115 = arith.mulf %get3A_114, %gather3A : vector<16xf32>
        %swap3A_116 = arith.index_cast %scan3A_73 : i32 to index
        %swap3A_117 = arith.constant 80 : index
        %swap3A_118 = tpu.vector_load %arg10[%swap3A_116, %swap3A_117] {strides = array<i32>} : memref<128x128xf32, #tpu.memory_space<vmem>>, vector<16xf32>,
        tpu.vector_store %arg10[%swap3A_116, %swap3A_117], %mul3A_115 {strides = array<i32>} : memref<128x128xf32, #tpu.memory_space<vmem>>, vector<16xf32>,
        %get3A_119 = arith.index_cast %scan3A_73 : i32 to index
        %get3A_120 = arith.constant 96 : index
        %get3A_121 = tpu.vector_load %arg10[%get3A_119, %get3A_120] {strides = array<i32>} : memref<128x128xf32, #tpu.memory_space<vmem>>, vector<16xf32>,
        %mul3A_122 = arith.mulf %get3A_121, %gather3A : vector<16xf32>
        %swap3A_123 = arith.index_cast %scan3A_73 : i32 to index
        %swap3A_124 = arith.constant 96 : index
        %swap3A_125 = tpu.vector_load %arg10[%swap3A_123, %swap3A_124] {strides = array<i32>} : memref<128x128xf32, #tpu.memory_space<vmem>>, vector<16xf32>,
        tpu.vector_store %arg10[%swap3A_123, %swap3A_124], %mul3A_122 {strides = array<i32>} : memref<128x128xf32, #tpu.memory_space<vmem>>, vector<16xf32>,
        %get3A_126 = arith.index_cast %scan3A_73 : i32 to index
        %get3A_127 = arith.constant 112 : index
        %get3A_128 = tpu.vector_load %arg10[%get3A_126, %get3A_127] {strides = array<i32>} : memref<128x128xf32, #tpu.memory_space<vmem>>, vector<16xf32>,
        %mul3A_129 = arith.mulf %get3A_128, %gather3A : vector<16xf32>
        %swap3A_130 = arith.index_cast %scan3A_73 : i32 to index
        %swap3A_131 = arith.constant 112 : index
        %swap3A_132 = tpu.vector_load %arg10[%swap3A_130, %swap3A_131] {strides = array<i32>} : memref<128x128xf32, #tpu.memory_space<vmem>>, vector<16xf32>,
        tpu.vector_store %arg10[%swap3A_130, %swap3A_131], %mul3A_129 {strides = array<i32>} : memref<128x128xf32, #tpu.memory_space<vmem>>, vector<16xf32>,
        %scan3A_133 = arith.constant 0 : i32
        scf.yield %scan3A_133 : i32
      }
      %scan3A_71 = arith.constant 128 : i32
      "tpu.region"() ({
        %run_scoped3A = tpu.sem_alloc : memref<!tpu.dma_semaphore, #tpu.memory_space<semaphore_mem>>
        %dma_start3A_73 = arith.constant 0 : i32
        %dma_start3A_74 = tpu.memref_slice %arg8[%scan3A_53, %dma_start3A_73] : memref<79x128xi32, #tpu.memory_space<vmem>> -> memref<1x128xi32, #tpu.memory_space<vmem>>
        %dma_start3A_75 = tpu.memref_squeeze %dma_start3A_74 : memref<1x128xi32, #tpu.memory_space<vmem>> -> memref<128xi32, #tpu.memory_space<vmem>>
        %dma_start3A_76 = arith.constant 0 : i32
        %dma_start3A_77 = arith.constant 0 : i32
        %dma_start3A_78 = tpu.memref_slice %arg11[%dma_start3A_76, %dma_start3A_77] : memref<10240x128xf32, #tpu.memory_space<vmem_shared>> -> memref<10240x128xf32, #tpu.memory_space<vmem_shared>>
        tpu.enqueue_indirect_dma source(%arg10 : memref<128x128xf32, #tpu.memory_space<vmem>>) target(%dma_start3A_78 : memref<10240x128xf32, #tpu.memory_space<vmem_shared>>) offsets(%dma_start3A_75 : memref<128xi32, #tpu.memory_space<vmem>>) semaphore(%run_scoped3A : memref<!tpu.dma_semaphore, #tpu.memory_space<semaphore_mem>>) {add = true}
        %dma_wait3A_79 = arith.constant 0 : i32
        %dma_wait3A_80 = tpu.memref_slice %arg8[%scan3A_53, %dma_wait3A_79] : memref<79x128xi32, #tpu.memory_space<vmem>> -> memref<1x128xi32, #tpu.memory_space<vmem>>
        %dma_wait3A_81 = tpu.memref_squeeze %dma_wait3A_80 : memref<1x128xi32, #tpu.memory_space<vmem>> -> memref<128xi32, #tpu.memory_space<vmem>>
        %dma_wait3A_82 = arith.constant 0 : i32
        %dma_wait3A_83 = arith.constant 0 : i32
        %dma_wait3A_84 = tpu.memref_slice %arg11[%dma_wait3A_82, %dma_wait3A_83] : memref<10240x128xf32, #tpu.memory_space<vmem_shared>> -> memref<10240x128xf32, #tpu.memory_space<vmem_shared>>
        tpu.wait_indirect_dma semaphore(%run_scoped3A : memref<!tpu.dma_semaphore, #tpu.memory_space<semaphore_mem>>) src(%arg10 : memref<128x128xf32, #tpu.memory_space<vmem>>) dst(%dma_wait3A_84 : memref<10240x128xf32, #tpu.memory_space<vmem_shared>>)
        tpu.yield
      }) : () -> ()
      %scan3A_72 = arith.constant 0 : i32
      scf.yield %scan3A_72 : i32
    }
    %scan3A_31 = arith.constant 79 : i32
    %barrier3A_32 = arith.constant 0 : index
    tpu.barrier barrier_id(%barrier3A_32)
    %mul3A_33 = arith.constant 640 : i32
    %mul3A_34 = arith.muli %arg1, %mul3A_33 : i32
    %add3A_35 = arith.constant 0 : i32
    %add3A_36 = arith.addi %mul3A_34, %add3A_35 : i32
    "tpu.region"() ({
      %run_scoped3A = tpu.sem_alloc : memref<!tpu.dma_semaphore, #tpu.memory_space<semaphore_mem>>
      %dma_start3A = arith.constant 0 : i32
      %dma_start3A_53 = tpu.memref_slice %arg6[%arg0, %add3A_36, %dma_start3A] : memref<2x10240x128xf32, #tpu.memory_space<hbm>> -> memref<1x128x128xf32, #tpu.memory_space<hbm>>
      %dma_start3A_54 = tpu.memref_squeeze %dma_start3A_53 : memref<1x128x128xf32, #tpu.memory_space<hbm>> -> memref<128x128xf32, #tpu.memory_space<hbm>>
      %dma_start3A_55 = arith.constant 0 : i32
      %dma_start3A_56 = tpu.memref_slice %arg11[%add3A_36, %dma_start3A_55] : memref<10240x128xf32, #tpu.memory_space<vmem_shared>> -> memref<128x128xf32, #tpu.memory_space<vmem_shared>>
      tpu.enqueue_dma source(%dma_start3A_56 : memref<128x128xf32, #tpu.memory_space<vmem_shared>>) target(%dma_start3A_54 : memref<128x128xf32, #tpu.memory_space<hbm>>) target_semaphore(%run_scoped3A : memref<!tpu.dma_semaphore, #tpu.memory_space<semaphore_mem>>)
      %dma_wait3A = arith.constant 0 : i32
      %dma_wait3A_57 = tpu.memref_slice %arg6[%arg0, %add3A_36, %dma_wait3A] : memref<2x10240x128xf32, #tpu.memory_space<hbm>> -> memref<1x128x128xf32, #tpu.memory_space<hbm>>
      %dma_wait3A_58 = tpu.memref_squeeze %dma_wait3A_57 : memref<1x128x128xf32, #tpu.memory_space<hbm>> -> memref<128x128xf32, #tpu.memory_space<hbm>>
      %dma_wait3A_59 = arith.constant 0 : i32
      %dma_wait3A_60 = tpu.memref_slice %arg11[%add3A_36, %dma_wait3A_59] : memref<10240x128xf32, #tpu.memory_space<vmem_shared>> -> memref<128x128xf32, #tpu.memory_space<vmem_shared>>
      tpu.wait_dma2 semaphore(%run_scoped3A : memref<!tpu.dma_semaphore, #tpu.memory_space<semaphore_mem>>) src(%dma_wait3A_60 : memref<128x128xf32, #tpu.memory_space<vmem_shared>>) dst(%dma_wait3A_58 : memref<128x128xf32, #tpu.memory_space<hbm>>)
      tpu.yield
    }) : () -> ()
    %mul3A_37 = arith.constant 640 : i32
    %mul3A_38 = arith.muli %arg1, %mul3A_37 : i32
    %add3A_39 = arith.constant 128 : i32
    %add3A_40 = arith.addi %mul3A_38, %add3A_39 : i32
    "tpu.region"() ({
      %run_scoped3A = tpu.sem_alloc : memref<!tpu.dma_semaphore, #tpu.memory_space<semaphore_mem>>
      %dma_start3A = arith.constant 0 : i32
      %dma_start3A_53 = tpu.memref_slice %arg6[%arg0, %add3A_40, %dma_start3A] : memref<2x10240x128xf32, #tpu.memory_space<hbm>> -> memref<1x128x128xf32, #tpu.memory_space<hbm>>
      %dma_start3A_54 = tpu.memref_squeeze %dma_start3A_53 : memref<1x128x128xf32, #tpu.memory_space<hbm>> -> memref<128x128xf32, #tpu.memory_space<hbm>>
      %dma_start3A_55 = arith.constant 0 : i32
      %dma_start3A_56 = tpu.memref_slice %arg11[%add3A_40, %dma_start3A_55] : memref<10240x128xf32, #tpu.memory_space<vmem_shared>> -> memref<128x128xf32, #tpu.memory_space<vmem_shared>>
      tpu.enqueue_dma source(%dma_start3A_56 : memref<128x128xf32, #tpu.memory_space<vmem_shared>>) target(%dma_start3A_54 : memref<128x128xf32, #tpu.memory_space<hbm>>) target_semaphore(%run_scoped3A : memref<!tpu.dma_semaphore, #tpu.memory_space<semaphore_mem>>)
      %dma_wait3A = arith.constant 0 : i32
      %dma_wait3A_57 = tpu.memref_slice %arg6[%arg0, %add3A_40, %dma_wait3A] : memref<2x10240x128xf32, #tpu.memory_space<hbm>> -> memref<1x128x128xf32, #tpu.memory_space<hbm>>
      %dma_wait3A_58 = tpu.memref_squeeze %dma_wait3A_57 : memref<1x128x128xf32, #tpu.memory_space<hbm>> -> memref<128x128xf32, #tpu.memory_space<hbm>>
      %dma_wait3A_59 = arith.constant 0 : i32
      %dma_wait3A_60 = tpu.memref_slice %arg11[%add3A_40, %dma_wait3A_59] : memref<10240x128xf32, #tpu.memory_space<vmem_shared>> -> memref<128x128xf32, #tpu.memory_space<vmem_shared>>
      tpu.wait_dma2 semaphore(%run_scoped3A : memref<!tpu.dma_semaphore, #tpu.memory_space<semaphore_mem>>) src(%dma_wait3A_60 : memref<128x128xf32, #tpu.memory_space<vmem_shared>>) dst(%dma_wait3A_58 : memref<128x128xf32, #tpu.memory_space<hbm>>)
      tpu.yield
    }) : () -> ()
    %mul3A_41 = arith.constant 640 : i32
    %mul3A_42 = arith.muli %arg1, %mul3A_41 : i32
    %add3A_43 = arith.constant 256 : i32
    %add3A_44 = arith.addi %mul3A_42, %add3A_43 : i32
    "tpu.region"() ({
      %run_scoped3A = tpu.sem_alloc : memref<!tpu.dma_semaphore, #tpu.memory_space<semaphore_mem>>
      %dma_start3A = arith.constant 0 : i32
      %dma_start3A_53 = tpu.memref_slice %arg6[%arg0, %add3A_44, %dma_start3A] : memref<2x10240x128xf32, #tpu.memory_space<hbm>> -> memref<1x128x128xf32, #tpu.memory_space<hbm>>
      %dma_start3A_54 = tpu.memref_squeeze %dma_start3A_53 : memref<1x128x128xf32, #tpu.memory_space<hbm>> -> memref<128x128xf32, #tpu.memory_space<hbm>>
      %dma_start3A_55 = arith.constant 0 : i32
      %dma_start3A_56 = tpu.memref_slice %arg11[%add3A_44, %dma_start3A_55] : memref<10240x128xf32, #tpu.memory_space<vmem_shared>> -> memref<128x128xf32, #tpu.memory_space<vmem_shared>>
      tpu.enqueue_dma source(%dma_start3A_56 : memref<128x128xf32, #tpu.memory_space<vmem_shared>>) target(%dma_start3A_54 : memref<128x128xf32, #tpu.memory_space<hbm>>) target_semaphore(%run_scoped3A : memref<!tpu.dma_semaphore, #tpu.memory_space<semaphore_mem>>)
      %dma_wait3A = arith.constant 0 : i32
      %dma_wait3A_57 = tpu.memref_slice %arg6[%arg0, %add3A_44, %dma_wait3A] : memref<2x10240x128xf32, #tpu.memory_space<hbm>> -> memref<1x128x128xf32, #tpu.memory_space<hbm>>
      %dma_wait3A_58 = tpu.memref_squeeze %dma_wait3A_57 : memref<1x128x128xf32, #tpu.memory_space<hbm>> -> memref<128x128xf32, #tpu.memory_space<hbm>>
      %dma_wait3A_59 = arith.constant 0 : i32
      %dma_wait3A_60 = tpu.memref_slice %arg11[%add3A_44, %dma_wait3A_59] : memref<10240x128xf32, #tpu.memory_space<vmem_shared>> -> memref<128x128xf32, #tpu.memory_space<vmem_shared>>
      tpu.wait_dma2 semaphore(%run_scoped3A : memref<!tpu.dma_semaphore, #tpu.memory_space<semaphore_mem>>) src(%dma_wait3A_60 : memref<128x128xf32, #tpu.memory_space<vmem_shared>>) dst(%dma_wait3A_58 : memref<128x128xf32, #tpu.memory_space<hbm>>)
      tpu.yield
    }) : () -> ()
    %mul3A_45 = arith.constant 640 : i32
    %mul3A_46 = arith.muli %arg1, %mul3A_45 : i32
    %add3A_47 = arith.constant 384 : i32
    %add3A_48 = arith.addi %mul3A_46, %add3A_47 : i32
    "tpu.region"() ({
      %run_scoped3A = tpu.sem_alloc : memref<!tpu.dma_semaphore, #tpu.memory_space<semaphore_mem>>
      %dma_start3A = arith.constant 0 : i32
      %dma_start3A_53 = tpu.memref_slice %arg6[%arg0, %add3A_48, %dma_start3A] : memref<2x10240x128xf32, #tpu.memory_space<hbm>> -> memref<1x128x128xf32, #tpu.memory_space<hbm>>
      %dma_start3A_54 = tpu.memref_squeeze %dma_start3A_53 : memref<1x128x128xf32, #tpu.memory_space<hbm>> -> memref<128x128xf32, #tpu.memory_space<hbm>>
      %dma_start3A_55 = arith.constant 0 : i32
      %dma_start3A_56 = tpu.memref_slice %arg11[%add3A_48, %dma_start3A_55] : memref<10240x128xf32, #tpu.memory_space<vmem_shared>> -> memref<128x128xf32, #tpu.memory_space<vmem_shared>>
      tpu.enqueue_dma source(%dma_start3A_56 : memref<128x128xf32, #tpu.memory_space<vmem_shared>>) target(%dma_start3A_54 : memref<128x128xf32, #tpu.memory_space<hbm>>) target_semaphore(%run_scoped3A : memref<!tpu.dma_semaphore, #tpu.memory_space<semaphore_mem>>)
      %dma_wait3A = arith.constant 0 : i32
      %dma_wait3A_57 = tpu.memref_slice %arg6[%arg0, %add3A_48, %dma_wait3A] : memref<2x10240x128xf32, #tpu.memory_space<hbm>> -> memref<1x128x128xf32, #tpu.memory_space<hbm>>
      %dma_wait3A_58 = tpu.memref_squeeze %dma_wait3A_57 : memref<1x128x128xf32, #tpu.memory_space<hbm>> -> memref<128x128xf32, #tpu.memory_space<hbm>>
      %dma_wait3A_59 = arith.constant 0 : i32
      %dma_wait3A_60 = tpu.memref_slice %arg11[%add3A_48, %dma_wait3A_59] : memref<10240x128xf32, #tpu.memory_space<vmem_shared>> -> memref<128x128xf32, #tpu.memory_space<vmem_shared>>
      tpu.wait_dma2 semaphore(%run_scoped3A : memref<!tpu.dma_semaphore, #tpu.memory_space<semaphore_mem>>) src(%dma_wait3A_60 : memref<128x128xf32, #tpu.memory_space<vmem_shared>>) dst(%dma_wait3A_58 : memref<128x128xf32, #tpu.memory_space<hbm>>)
      tpu.yield
    }) : () -> ()
    %mul3A_49 = arith.constant 640 : i32
    %mul3A_50 = arith.muli %arg1, %mul3A_49 : i32
    %add3A_51 = arith.constant 512 : i32
    %add3A_52 = arith.addi %mul3A_50, %add3A_51 : i32
    "tpu.region"() ({
      %run_scoped3A = tpu.sem_alloc : memref<!tpu.dma_semaphore, #tpu.memory_space<semaphore_mem>>
      %dma_start3A = arith.constant 0 : i32
      %dma_start3A_53 = tpu.memref_slice %arg6[%arg0, %add3A_52, %dma_start3A] : memref<2x10240x128xf32, #tpu.memory_space<hbm>> -> memref<1x128x128xf32, #tpu.memory_space<hbm>>
      %dma_start3A_54 = tpu.memref_squeeze %dma_start3A_53 : memref<1x128x128xf32, #tpu.memory_space<hbm>> -> memref<128x128xf32, #tpu.memory_space<hbm>>
      %dma_start3A_55 = arith.constant 0 : i32
      %dma_start3A_56 = tpu.memref_slice %arg11[%add3A_52, %dma_start3A_55] : memref<10240x128xf32, #tpu.memory_space<vmem_shared>> -> memref<128x128xf32, #tpu.memory_space<vmem_shared>>
      tpu.enqueue_dma source(%dma_start3A_56 : memref<128x128xf32, #tpu.memory_space<vmem_shared>>) target(%dma_start3A_54 : memref<128x128xf32, #tpu.memory_space<hbm>>) target_semaphore(%run_scoped3A : memref<!tpu.dma_semaphore, #tpu.memory_space<semaphore_mem>>)
      %dma_wait3A = arith.constant 0 : i32
      %dma_wait3A_57 = tpu.memref_slice %arg6[%arg0, %add3A_52, %dma_wait3A] : memref<2x10240x128xf32, #tpu.memory_space<hbm>> -> memref<1x128x128xf32, #tpu.memory_space<hbm>>
      %dma_wait3A_58 = tpu.memref_squeeze %dma_wait3A_57 : memref<1x128x128xf32, #tpu.memory_space<hbm>> -> memref<128x128xf32, #tpu.memory_space<hbm>>
      %dma_wait3A_59 = arith.constant 0 : i32
      %dma_wait3A_60 = tpu.memref_slice %arg11[%add3A_52, %dma_wait3A_59] : memref<10240x128xf32, #tpu.memory_space<vmem_shared>> -> memref<128x128xf32, #tpu.memory_space<vmem_shared>>
      tpu.wait_dma2 semaphore(%run_scoped3A : memref<!tpu.dma_semaphore, #tpu.memory_space<semaphore_mem>>) src(%dma_wait3A_60 : memref<128x128xf32, #tpu.memory_space<vmem_shared>>) dst(%dma_wait3A_58 : memref<128x128xf32, #tpu.memory_space<hbm>>)
      tpu.yield
    }) : () -> ()
    return
  }
}

#map = affine_map<(d0, d1) -> (0, 0, 0, 0)>
#map1 = affine_map<(d0, d1) -> (0, 0, 0)>
#map2 = affine_map<(d0, d1) -> (0, 0)>
module attributes {stable_mosaic.version = 14 : i64} {
  func.func @_conv_sc_body(%arg0: i32, %arg1: i32, %arg2: memref<2x16x79x128xi32, #tpu.memory_space<hbm>>, %arg3: memref<2x16x79x128xi32, #tpu.memory_space<hbm>>, %arg4: memref<2x16x10112xf32, #tpu.memory_space<hbm>>, %arg5: memref<10000x128xf32, #tpu.memory_space<hbm>>, %arg6: memref<2x10240x128xf32, #tpu.memory_space<hbm>>, %arg7: memref<79x128xi32, #tpu.memory_space<vmem>>, %arg8: memref<79x128xi32, #tpu.memory_space<vmem>>, %arg9: memref<10112xf32, #tpu.memory_space<vmem>>, %arg10: memref<128x128xf32, #tpu.memory_space<vmem>>, %arg11: memref<10240x128xf32, #tpu.memory_space<vmem_shared>>, %arg12: memref<!tpu.dma_semaphore, #tpu.memory_space<semaphore_mem>>) attributes {dimension_semantics = [#tpu.dimension_semantics<core_parallel>, #tpu.dimension_semantics<subcore_parallel>], iteration_bounds = array<i64: 2, 16>, scalar_prefetch = 0 : i64, scratch_operands = 6 : i64, tpu.core_type = #tpu.core_type<sc_vector_subcore>, window_params = [{transform_indices = #map}, {transform_indices = #map}, {transform_indices = #map1}, {transform_indices = #map2}, {transform_indices = #map1}]} {
    "tpu.region"() ({
      %run_scoped3A = tpu.sem_alloc : memref<!tpu.dma_semaphore, #tpu.memory_space<semaphore_mem>>
      %dma_start3A = arith.constant 0 : i32
      %dma_start3A_53 = arith.constant 0 : i32
      %dma_start3A_54 = tpu.memref_slice %arg2[%arg0, %arg1, %dma_start3A, %dma_start3A_53] : memref<2x16x79x128xi32, #tpu.memory_space<hbm>> -> memref<1x1x79x128xi32, #tpu.memory_space<hbm>>
      %dma_start3A_55 = tpu.memref_squeeze %dma_start3A_54 : memref<1x1x79x128xi32, #tpu.memory_space<hbm>> -> memref<79x128xi32, #tpu.memory_space<hbm>>
      %dma_start3A_56 = arith.constant 0 : i32
      %dma_start3A_57 = arith.constant 0 : i32
      %dma_start3A_58 = tpu.memref_slice %arg2[%arg0, %arg1, %dma_start3A_56, %dma_start3A_57] : memref<2x16x79x128xi32, #tpu.memory_space<hbm>> -> memref<1x1x79x128xi32, #tpu.memory_space<hbm>>
      %dma_start3A_59 = tpu.memref_squeeze %dma_start3A_58 : memref<1x1x79x128xi32, #tpu.memory_space<hbm>> -> memref<79x128xi32, #tpu.memory_space<hbm>>
      tpu.enqueue_dma source(%dma_start3A_59 : memref<79x128xi32, #tpu.memory_space<hbm>>) target(%arg7 : memref<79x128xi32, #tpu.memory_space<vmem>>) target_semaphore(%run_scoped3A : memref<!tpu.dma_semaphore, #tpu.memory_space<semaphore_mem>>)
      %dma_wait3A = arith.constant 0 : i32
      %dma_wait3A_60 = arith.constant 0 : i32
      %dma_wait3A_61 = tpu.memref_slice %arg2[%arg0, %arg1, %dma_wait3A, %dma_wait3A_60] : memref<2x16x79x128xi32, #tpu.memory_space<hbm>> -> memref<1x1x79x128xi32, #tpu.memory_space<hbm>>
      %dma_wait3A_62 = tpu.memref_squeeze %dma_wait3A_61 : memref<1x1x79x128xi32, #tpu.memory_space<hbm>> -> memref<79x128xi32, #tpu.memory_space<hbm>>
      %dma_wait3A_63 = arith.constant 0 : i32
      %dma_wait3A_64 = arith.constant 0 : i32
      %dma_wait3A_65 = tpu.memref_slice %arg2[%arg0, %arg1, %dma_wait3A_63, %dma_wait3A_64] : memref<2x16x79x128xi32, #tpu.memory_space<hbm>> -> memref<1x1x79x128xi32, #tpu.memory_space<hbm>>
      %dma_wait3A_66 = tpu.memref_squeeze %dma_wait3A_65 : memref<1x1x79x128xi32, #tpu.memory_space<hbm>> -> memref<79x128xi32, #tpu.memory_space<hbm>>
      tpu.wait_dma2 semaphore(%run_scoped3A : memref<!tpu.dma_semaphore, #tpu.memory_space<semaphore_mem>>) src(%dma_wait3A_66 : memref<79x128xi32, #tpu.memory_space<hbm>>) dst(%arg7 : memref<79x128xi32, #tpu.memory_space<vmem>>)
      tpu.yield
    }) : () -> ()
    "tpu.region"() ({
      %run_scoped3A = tpu.sem_alloc : memref<!tpu.dma_semaphore, #tpu.memory_space<semaphore_mem>>
      %dma_start3A = arith.constant 0 : i32
      %dma_start3A_53 = arith.constant 0 : i32
      %dma_start3A_54 = tpu.memref_slice %arg3[%arg0, %arg1, %dma_start3A, %dma_start3A_53] : memref<2x16x79x128xi32, #tpu.memory_space<hbm>> -> memref<1x1x79x128xi32, #tpu.memory_space<hbm>>
      %dma_start3A_55 = tpu.memref_squeeze %dma_start3A_54 : memref<1x1x79x128xi32, #tpu.memory_space<hbm>> -> memref<79x128xi32, #tpu.memory_space<hbm>>
      %dma_start3A_56 = arith.constant 0 : i32
      %dma_start3A_57 = arith.constant 0 : i32
      %dma_start3A_58 = tpu.memref_slice %arg3[%arg0, %arg1, %dma_start3A_56, %dma_start3A_57] : memref<2x16x79x128xi32, #tpu.memory_space<hbm>> -> memref<1x1x79x128xi32, #tpu.memory_space<hbm>>
      %dma_start3A_59 = tpu.memref_squeeze %dma_start3A_58 : memref<1x1x79x128xi32, #tpu.memory_space<hbm>> -> memref<79x128xi32, #tpu.memory_space<hbm>>
      tpu.enqueue_dma source(%dma_start3A_59 : memref<79x128xi32, #tpu.memory_space<hbm>>) target(%arg8 : memref<79x128xi32, #tpu.memory_space<vmem>>) target_semaphore(%run_scoped3A : memref<!tpu.dma_semaphore, #tpu.memory_space<semaphore_mem>>)
      %dma_wait3A = arith.constant 0 : i32
      %dma_wait3A_60 = arith.constant 0 : i32
      %dma_wait3A_61 = tpu.memref_slice %arg3[%arg0, %arg1, %dma_wait3A, %dma_wait3A_60] : memref<2x16x79x128xi32, #tpu.memory_space<hbm>> -> memref<1x1x79x128xi32, #tpu.memory_space<hbm>>
      %dma_wait3A_62 = tpu.memref_squeeze %dma_wait3A_61 : memref<1x1x79x128xi32, #tpu.memory_space<hbm>> -> memref<79x128xi32, #tpu.memory_space<hbm>>
      %dma_wait3A_63 = arith.constant 0 : i32
      %dma_wait3A_64 = arith.constant 0 : i32
      %dma_wait3A_65 = tpu.memref_slice %arg3[%arg0, %arg1, %dma_wait3A_63, %dma_wait3A_64] : memref<2x16x79x128xi32, #tpu.memory_space<hbm>> -> memref<1x1x79x128xi32, #tpu.memory_space<hbm>>
      %dma_wait3A_66 = tpu.memref_squeeze %dma_wait3A_65 : memref<1x1x79x128xi32, #tpu.memory_space<hbm>> -> memref<79x128xi32, #tpu.memory_space<hbm>>
      tpu.wait_dma2 semaphore(%run_scoped3A : memref<!tpu.dma_semaphore, #tpu.memory_space<semaphore_mem>>) src(%dma_wait3A_66 : memref<79x128xi32, #tpu.memory_space<hbm>>) dst(%arg8 : memref<79x128xi32, #tpu.memory_space<vmem>>)
      tpu.yield
    }) : () -> ()
    "tpu.region"() ({
      %run_scoped3A = tpu.sem_alloc : memref<!tpu.dma_semaphore, #tpu.memory_space<semaphore_mem>>
      %dma_start3A = arith.constant 0 : i32
      %dma_start3A_53 = tpu.memref_slice %arg4[%arg0, %arg1, %dma_start3A] : memref<2x16x10112xf32, #tpu.memory_space<hbm>> -> memref<1x1x10112xf32, #tpu.memory_space<hbm>>
      %dma_start3A_54 = tpu.memref_squeeze %dma_start3A_53 : memref<1x1x10112xf32, #tpu.memory_space<hbm>> -> memref<10112xf32, #tpu.memory_space<hbm>>
      %dma_start3A_55 = arith.constant 0 : i32
      %dma_start3A_56 = tpu.memref_slice %arg4[%arg0, %arg1, %dma_start3A_55] : memref<2x16x10112xf32, #tpu.memory_space<hbm>> -> memref<1x1x10112xf32, #tpu.memory_space<hbm>>
      %dma_start3A_57 = tpu.memref_squeeze %dma_start3A_56 : memref<1x1x10112xf32, #tpu.memory_space<hbm>> -> memref<10112xf32, #tpu.memory_space<hbm>>
      tpu.enqueue_dma source(%dma_start3A_57 : memref<10112xf32, #tpu.memory_space<hbm>>) target(%arg9 : memref<10112xf32, #tpu.memory_space<vmem>>) target_semaphore(%run_scoped3A : memref<!tpu.dma_semaphore, #tpu.memory_space<semaphore_mem>>)
      %dma_wait3A = arith.constant 0 : i32
      %dma_wait3A_58 = tpu.memref_slice %arg4[%arg0, %arg1, %dma_wait3A] : memref<2x16x10112xf32, #tpu.memory_space<hbm>> -> memref<1x1x10112xf32, #tpu.memory_space<hbm>>
      %dma_wait3A_59 = tpu.memref_squeeze %dma_wait3A_58 : memref<1x1x10112xf32, #tpu.memory_space<hbm>> -> memref<10112xf32, #tpu.memory_space<hbm>>
      %dma_wait3A_60 = arith.constant 0 : i32
      %dma_wait3A_61 = tpu.memref_slice %arg4[%arg0, %arg1, %dma_wait3A_60] : memref<2x16x10112xf32, #tpu.memory_space<hbm>> -> memref<1x1x10112xf32, #tpu.memory_space<hbm>>
      %dma_wait3A_62 = tpu.memref_squeeze %dma_wait3A_61 : memref<1x1x10112xf32, #tpu.memory_space<hbm>> -> memref<10112xf32, #tpu.memory_space<hbm>>
      tpu.wait_dma2 semaphore(%run_scoped3A : memref<!tpu.dma_semaphore, #tpu.memory_space<semaphore_mem>>) src(%dma_wait3A_62 : memref<10112xf32, #tpu.memory_space<hbm>>) dst(%arg9 : memref<10112xf32, #tpu.memory_space<vmem>>)
      tpu.yield
    }) : () -> ()
    %broadcast_in_dim3A = arith.constant 0.000000e+00 : f32
    %broadcast_in_dim3A_0 = vector.broadcast %broadcast_in_dim3A : f32 to vector<16xf32>
    %scan3A = arith.constant 0 : i32
    %scan3A_1 = arith.constant 0 : i32
    %scan3A_2 = arith.constant 128 : i32
    %scan3A_3 = arith.addi %scan3A_1, %scan3A_2 : i32
    %scan3A_4 = arith.constant 1 : i32
    %scan3A_5 = scf.for %scan3A_53 = %scan3A_1 to %scan3A_3 step %scan3A_4 iter_args(%scan3A_54 = %scan3A) -> (i32)  : i32 {
      %swap3A = arith.index_cast %scan3A_53 : i32 to index
      %swap3A_55 = arith.constant 0 : index
      %swap3A_56 = tpu.vector_load %arg10[%swap3A, %swap3A_55] {strides = array<i32>} : memref<128x128xf32, #tpu.memory_space<vmem>>, vector<16xf32>,
      tpu.vector_store %arg10[%swap3A, %swap3A_55], %broadcast_in_dim3A_0 {strides = array<i32>} : memref<128x128xf32, #tpu.memory_space<vmem>>, vector<16xf32>,
      %swap3A_57 = arith.index_cast %scan3A_53 : i32 to index
      %swap3A_58 = arith.constant 16 : index
      %swap3A_59 = tpu.vector_load %arg10[%swap3A_57, %swap3A_58] {strides = array<i32>} : memref<128x128xf32, #tpu.memory_space<vmem>>, vector<16xf32>,
      tpu.vector_store %arg10[%swap3A_57, %swap3A_58], %broadcast_in_dim3A_0 {strides = array<i32>} : memref<128x128xf32, #tpu.memory_space<vmem>>, vector<16xf32>,
      %swap3A_60 = arith.index_cast %scan3A_53 : i32 to index
      %swap3A_61 = arith.constant 32 : index
      %swap3A_62 = tpu.vector_load %arg10[%swap3A_60, %swap3A_61] {strides = array<i32>} : memref<128x128xf32, #tpu.memory_space<vmem>>, vector<16xf32>,
      tpu.vector_store %arg10[%swap3A_60, %swap3A_61], %broadcast_in_dim3A_0 {strides = array<i32>} : memref<128x128xf32, #tpu.memory_space<vmem>>, vector<16xf32>,
      %swap3A_63 = arith.index_cast %scan3A_53 : i32 to index
      %swap3A_64 = arith.constant 48 : index
      %swap3A_65 = tpu.vector_load %arg10[%swap3A_63, %swap3A_64] {strides = array<i32>} : memref<128x128xf32, #tpu.memory_space<vmem>>, vector<16xf32>,
      tpu.vector_store %arg10[%swap3A_63, %swap3A_64], %broadcast_in_dim3A_0 {strides = array<i32>} : memref<128x128xf32, #tpu.memory_space<vmem>>, vector<16xf32>,
      %swap3A_66 = arith.index_cast %scan3A_53 : i32 to index
      %swap3A_67 = arith.constant 64 : index
      %swap3A_68 = tpu.vector_load %arg10[%swap3A_66, %swap3A_67] {strides = array<i32>} : memref<128x128xf32, #tpu.memory_space<vmem>>, vector<16xf32>,
      tpu.vector_store %arg10[%swap3A_66, %swap3A_67], %broadcast_in_dim3A_0 {strides = array<i32>} : memref<128x128xf32, #tpu.memory_space<vmem>>, vector<16xf32>,
      %swap3A_69 = arith.index_cast %scan3A_53 : i32 to index
      %swap3A_70 = arith.constant 80 : index
      %swap3A_71 = tpu.vector_load %arg10[%swap3A_69, %swap3A_70] {strides = array<i32>} : memref<128x128xf32, #tpu.memory_space<vmem>>, vector<16xf32>,
      tpu.vector_store %arg10[%swap3A_69, %swap3A_70], %broadcast_in_dim3A_0 {strides = array<i32>} : memref<128x128xf32, #tpu.memory_space<vmem>>, vector<16xf32>,
      %swap3A_72 = arith.index_cast %scan3A_53 : i32 to index
      %swap3A_73 = arith.constant 96 : index
      %swap3A_74 = tpu.vector_load %arg10[%swap3A_72, %swap3A_73] {strides = array<i32>} : memref<128x128xf32, #tpu.memory_space<vmem>>, vector<16xf32>,
      tpu.vector_store %arg10[%swap3A_72, %swap3A_73], %broadcast_in_dim3A_0 {strides = array<i32>} : memref<128x128xf32, #tpu.memory_space<vmem>>, vector<16xf32>,
      %swap3A_75 = arith.index_cast %scan3A_53 : i32 to index
      %swap3A_76 = arith.constant 112 : index
      %swap3A_77 = tpu.vector_load %arg10[%swap3A_75, %swap3A_76] {strides = array<i32>} : memref<128x128xf32, #tpu.memory_space<vmem>>, vector<16xf32>,
      tpu.vector_store %arg10[%swap3A_75, %swap3A_76], %broadcast_in_dim3A_0 {strides = array<i32>} : memref<128x128xf32, #tpu.memory_space<vmem>>, vector<16xf32>,
      %scan3A_78 = arith.constant 0 : i32
      scf.yield %scan3A_78 : i32
    }
    %scan3A_6 = arith.constant 128 : i32
    %mul3A = arith.constant 640 : i32
    %mul3A_7 = arith.muli %arg1, %mul3A : i32
    %add3A = arith.constant 0 : i32
    %add3A_8 = arith.addi %mul3A_7, %add3A : i32
    "tpu.region"() ({
      %run_scoped3A = tpu.sem_alloc : memref<!tpu.dma_semaphore, #tpu.memory_space<semaphore_mem>>
      %dma_start3A = arith.constant 0 : i32
      %dma_start3A_53 = tpu.memref_slice %arg11[%add3A_8, %dma_start3A] : memref<10240x128xf32, #tpu.memory_space<vmem_shared>> -> memref<128x128xf32, #tpu.memory_space<vmem_shared>>
      %dma_start3A_54 = arith.constant 0 : i32
      %dma_start3A_55 = tpu.memref_slice %arg11[%add3A_8, %dma_start3A_54] : memref<10240x128xf32, #tpu.memory_space<vmem_shared>> -> memref<128x128xf32, #tpu.memory_space<vmem_shared>>
      tpu.enqueue_dma source(%arg10 : memref<128x128xf32, #tpu.memory_space<vmem>>) target(%dma_start3A_55 : memref<128x128xf32, #tpu.memory_space<vmem_shared>>) target_semaphore(%run_scoped3A : memref<!tpu.dma_semaphore, #tpu.memory_space<semaphore_mem>>)
      %dma_wait3A = arith.constant 0 : i32
      %dma_wait3A_56 = tpu.memref_slice %arg11[%add3A_8, %dma_wait3A] : memref<10240x128xf32, #tpu.memory_space<vmem_shared>> -> memref<128x128xf32, #tpu.memory_space<vmem_shared>>
      %dma_wait3A_57 = arith.constant 0 : i32
      %dma_wait3A_58 = tpu.memref_slice %arg11[%add3A_8, %dma_wait3A_57] : memref<10240x128xf32, #tpu.memory_space<vmem_shared>> -> memref<128x128xf32, #tpu.memory_space<vmem_shared>>
      tpu.wait_dma2 semaphore(%run_scoped3A : memref<!tpu.dma_semaphore, #tpu.memory_space<semaphore_mem>>) src(%arg10 : memref<128x128xf32, #tpu.memory_space<vmem>>) dst(%dma_wait3A_58 : memref<128x128xf32, #tpu.memory_space<vmem_shared>>)
      tpu.yield
    }) : () -> ()
    %mul3A_9 = arith.constant 640 : i32
    %mul3A_10 = arith.muli %arg1, %mul3A_9 : i32
    %add3A_11 = arith.constant 128 : i32
    %add3A_12 = arith.addi %mul3A_10, %add3A_11 : i32
    "tpu.region"() ({
      %run_scoped3A = tpu.sem_alloc : memref<!tpu.dma_semaphore, #tpu.memory_space<semaphore_mem>>
      %dma_start3A = arith.constant 0 : i32
      %dma_start3A_53 = tpu.memref_slice %arg11[%add3A_12, %dma_start3A] : memref<10240x128xf32, #tpu.memory_space<vmem_shared>> -> memref<128x128xf32, #tpu.memory_space<vmem_shared>>
      %dma_start3A_54 = arith.constant 0 : i32
      %dma_start3A_55 = tpu.memref_slice %arg11[%add3A_12, %dma_start3A_54] : memref<10240x128xf32, #tpu.memory_space<vmem_shared>> -> memref<128x128xf32, #tpu.memory_space<vmem_shared>>
      tpu.enqueue_dma source(%arg10 : memref<128x128xf32, #tpu.memory_space<vmem>>) target(%dma_start3A_55 : memref<128x128xf32, #tpu.memory_space<vmem_shared>>) target_semaphore(%run_scoped3A : memref<!tpu.dma_semaphore, #tpu.memory_space<semaphore_mem>>)
      %dma_wait3A = arith.constant 0 : i32
      %dma_wait3A_56 = tpu.memref_slice %arg11[%add3A_12, %dma_wait3A] : memref<10240x128xf32, #tpu.memory_space<vmem_shared>> -> memref<128x128xf32, #tpu.memory_space<vmem_shared>>
      %dma_wait3A_57 = arith.constant 0 : i32
      %dma_wait3A_58 = tpu.memref_slice %arg11[%add3A_12, %dma_wait3A_57] : memref<10240x128xf32, #tpu.memory_space<vmem_shared>> -> memref<128x128xf32, #tpu.memory_space<vmem_shared>>
      tpu.wait_dma2 semaphore(%run_scoped3A : memref<!tpu.dma_semaphore, #tpu.memory_space<semaphore_mem>>) src(%arg10 : memref<128x128xf32, #tpu.memory_space<vmem>>) dst(%dma_wait3A_58 : memref<128x128xf32, #tpu.memory_space<vmem_shared>>)
      tpu.yield
    }) : () -> ()
    %mul3A_13 = arith.constant 640 : i32
    %mul3A_14 = arith.muli %arg1, %mul3A_13 : i32
    %add3A_15 = arith.constant 256 : i32
    %add3A_16 = arith.addi %mul3A_14, %add3A_15 : i32
    "tpu.region"() ({
      %run_scoped3A = tpu.sem_alloc : memref<!tpu.dma_semaphore, #tpu.memory_space<semaphore_mem>>
      %dma_start3A = arith.constant 0 : i32
      %dma_start3A_53 = tpu.memref_slice %arg11[%add3A_16, %dma_start3A] : memref<10240x128xf32, #tpu.memory_space<vmem_shared>> -> memref<128x128xf32, #tpu.memory_space<vmem_shared>>
      %dma_start3A_54 = arith.constant 0 : i32
      %dma_start3A_55 = tpu.memref_slice %arg11[%add3A_16, %dma_start3A_54] : memref<10240x128xf32, #tpu.memory_space<vmem_shared>> -> memref<128x128xf32, #tpu.memory_space<vmem_shared>>
      tpu.enqueue_dma source(%arg10 : memref<128x128xf32, #tpu.memory_space<vmem>>) target(%dma_start3A_55 : memref<128x128xf32, #tpu.memory_space<vmem_shared>>) target_semaphore(%run_scoped3A : memref<!tpu.dma_semaphore, #tpu.memory_space<semaphore_mem>>)
      %dma_wait3A = arith.constant 0 : i32
      %dma_wait3A_56 = tpu.memref_slice %arg11[%add3A_16, %dma_wait3A] : memref<10240x128xf32, #tpu.memory_space<vmem_shared>> -> memref<128x128xf32, #tpu.memory_space<vmem_shared>>
      %dma_wait3A_57 = arith.constant 0 : i32
      %dma_wait3A_58 = tpu.memref_slice %arg11[%add3A_16, %dma_wait3A_57] : memref<10240x128xf32, #tpu.memory_space<vmem_shared>> -> memref<128x128xf32, #tpu.memory_space<vmem_shared>>
      tpu.wait_dma2 semaphore(%run_scoped3A : memref<!tpu.dma_semaphore, #tpu.memory_space<semaphore_mem>>) src(%arg10 : memref<128x128xf32, #tpu.memory_space<vmem>>) dst(%dma_wait3A_58 : memref<128x128xf32, #tpu.memory_space<vmem_shared>>)
      tpu.yield
    }) : () -> ()
    %mul3A_17 = arith.constant 640 : i32
    %mul3A_18 = arith.muli %arg1, %mul3A_17 : i32
    %add3A_19 = arith.constant 384 : i32
    %add3A_20 = arith.addi %mul3A_18, %add3A_19 : i32
    "tpu.region"() ({
      %run_scoped3A = tpu.sem_alloc : memref<!tpu.dma_semaphore, #tpu.memory_space<semaphore_mem>>
      %dma_start3A = arith.constant 0 : i32
      %dma_start3A_53 = tpu.memref_slice %arg11[%add3A_20, %dma_start3A] : memref<10240x128xf32, #tpu.memory_space<vmem_shared>> -> memref<128x128xf32, #tpu.memory_space<vmem_shared>>
      %dma_start3A_54 = arith.constant 0 : i32
      %dma_start3A_55 = tpu.memref_slice %arg11[%add3A_20, %dma_start3A_54] : memref<10240x128xf32, #tpu.memory_space<vmem_shared>> -> memref<128x128xf32, #tpu.memory_space<vmem_shared>>
      tpu.enqueue_dma source(%arg10 : memref<128x128xf32, #tpu.memory_space<vmem>>) target(%dma_start3A_55 : memref<128x128xf32, #tpu.memory_space<vmem_shared>>) target_semaphore(%run_scoped3A : memref<!tpu.dma_semaphore, #tpu.memory_space<semaphore_mem>>)
      %dma_wait3A = arith.constant 0 : i32
      %dma_wait3A_56 = tpu.memref_slice %arg11[%add3A_20, %dma_wait3A] : memref<10240x128xf32, #tpu.memory_space<vmem_shared>> -> memref<128x128xf32, #tpu.memory_space<vmem_shared>>
      %dma_wait3A_57 = arith.constant 0 : i32
      %dma_wait3A_58 = tpu.memref_slice %arg11[%add3A_20, %dma_wait3A_57] : memref<10240x128xf32, #tpu.memory_space<vmem_shared>> -> memref<128x128xf32, #tpu.memory_space<vmem_shared>>
      tpu.wait_dma2 semaphore(%run_scoped3A : memref<!tpu.dma_semaphore, #tpu.memory_space<semaphore_mem>>) src(%arg10 : memref<128x128xf32, #tpu.memory_space<vmem>>) dst(%dma_wait3A_58 : memref<128x128xf32, #tpu.memory_space<vmem_shared>>)
      tpu.yield
    }) : () -> ()
    %mul3A_21 = arith.constant 640 : i32
    %mul3A_22 = arith.muli %arg1, %mul3A_21 : i32
    %add3A_23 = arith.constant 512 : i32
    %add3A_24 = arith.addi %mul3A_22, %add3A_23 : i32
    "tpu.region"() ({
      %run_scoped3A = tpu.sem_alloc : memref<!tpu.dma_semaphore, #tpu.memory_space<semaphore_mem>>
      %dma_start3A = arith.constant 0 : i32
      %dma_start3A_53 = tpu.memref_slice %arg11[%add3A_24, %dma_start3A] : memref<10240x128xf32, #tpu.memory_space<vmem_shared>> -> memref<128x128xf32, #tpu.memory_space<vmem_shared>>
      %dma_start3A_54 = arith.constant 0 : i32
      %dma_start3A_55 = tpu.memref_slice %arg11[%add3A_24, %dma_start3A_54] : memref<10240x128xf32, #tpu.memory_space<vmem_shared>> -> memref<128x128xf32, #tpu.memory_space<vmem_shared>>
      tpu.enqueue_dma source(%arg10 : memref<128x128xf32, #tpu.memory_space<vmem>>) target(%dma_start3A_55 : memref<128x128xf32, #tpu.memory_space<vmem_shared>>) target_semaphore(%run_scoped3A : memref<!tpu.dma_semaphore, #tpu.memory_space<semaphore_mem>>)
      %dma_wait3A = arith.constant 0 : i32
      %dma_wait3A_56 = tpu.memref_slice %arg11[%add3A_24, %dma_wait3A] : memref<10240x128xf32, #tpu.memory_space<vmem_shared>> -> memref<128x128xf32, #tpu.memory_space<vmem_shared>>
      %dma_wait3A_57 = arith.constant 0 : i32
      %dma_wait3A_58 = tpu.memref_slice %arg11[%add3A_24, %dma_wait3A_57] : memref<10240x128xf32, #tpu.memory_space<vmem_shared>> -> memref<128x128xf32, #tpu.memory_space<vmem_shared>>
      tpu.wait_dma2 semaphore(%run_scoped3A : memref<!tpu.dma_semaphore, #tpu.memory_space<semaphore_mem>>) src(%arg10 : memref<128x128xf32, #tpu.memory_space<vmem>>) dst(%dma_wait3A_58 : memref<128x128xf32, #tpu.memory_space<vmem_shared>>)
      tpu.yield
    }) : () -> ()
    %barrier3A = arith.constant 0 : index
    tpu.barrier barrier_id(%barrier3A)
    %scan3A_25 = arith.constant 0 : i32
    %scan3A_26 = arith.constant 0 : i32
    %scan3A_27 = arith.constant 79 : i32
    %scan3A_28 = arith.addi %scan3A_26, %scan3A_27 : i32
    %scan3A_29 = arith.constant 1 : i32
    %scan3A_30 = scf.for %scan3A_53 = %scan3A_26 to %scan3A_28 step %scan3A_29 iter_args(%scan3A_54 = %scan3A_25) -> (i32)  : i32 {
      %dma_start3A = arith.constant 0 : i32
      %dma_start3A_55 = tpu.memref_slice %arg7[%scan3A_53, %dma_start3A] : memref<79x128xi32, #tpu.memory_space<vmem>> -> memref<1x128xi32, #tpu.memory_space<vmem>>
      %dma_start3A_56 = tpu.memref_squeeze %dma_start3A_55 : memref<1x128xi32, #tpu.memory_space<vmem>> -> memref<128xi32, #tpu.memory_space<vmem>>
      %dma_start3A_57 = arith.constant 0 : i32
      %dma_start3A_58 = arith.constant 0 : i32
      %dma_start3A_59 = tpu.memref_slice %arg5[%dma_start3A_57, %dma_start3A_58] : memref<10000x128xf32, #tpu.memory_space<hbm>> -> memref<10000x128xf32, #tpu.memory_space<hbm>>
      tpu.enqueue_indirect_dma source(%dma_start3A_59 : memref<10000x128xf32, #tpu.memory_space<hbm>>) target(%arg10 : memref<128x128xf32, #tpu.memory_space<vmem>>) offsets(%dma_start3A_56 : memref<128xi32, #tpu.memory_space<vmem>>) semaphore(%arg12 : memref<!tpu.dma_semaphore, #tpu.memory_space<semaphore_mem>>)
      %dma_wait3A = arith.constant 0 : i32
      %dma_wait3A_60 = tpu.memref_slice %arg7[%scan3A_53, %dma_wait3A] : memref<79x128xi32, #tpu.memory_space<vmem>> -> memref<1x128xi32, #tpu.memory_space<vmem>>
      %dma_wait3A_61 = tpu.memref_squeeze %dma_wait3A_60 : memref<1x128xi32, #tpu.memory_space<vmem>> -> memref<128xi32, #tpu.memory_space<vmem>>
      %dma_wait3A_62 = arith.constant 0 : i32
      %dma_wait3A_63 = arith.constant 0 : i32
      %dma_wait3A_64 = tpu.memref_slice %arg5[%dma_wait3A_62, %dma_wait3A_63] : memref<10000x128xf32, #tpu.memory_space<hbm>> -> memref<10000x128xf32, #tpu.memory_space<hbm>>
      tpu.wait_indirect_dma semaphore(%arg12 : memref<!tpu.dma_semaphore, #tpu.memory_space<semaphore_mem>>) src(%dma_wait3A_64 : memref<10000x128xf32, #tpu.memory_space<hbm>>) dst(%arg10 : memref<128x128xf32, #tpu.memory_space<vmem>>)
      %scan3A_65 = arith.constant 0 : i32
      %scan3A_66 = arith.constant 0 : i32
      %scan3A_67 = arith.constant 128 : i32
      %scan3A_68 = arith.addi %scan3A_66, %scan3A_67 : i32
      %scan3A_69 = arith.constant 1 : i32
      %scan3A_70 = scf.for %scan3A_73 = %scan3A_66 to %scan3A_68 step %scan3A_69 iter_args(%scan3A_74 = %scan3A_65) -> (i32)  : i32 {
        %mul3A_75 = arith.constant 128 : i32
        %mul3A_76 = arith.muli %scan3A_53, %mul3A_75 : i32
        %add3A_77 = arith.addi %mul3A_76, %scan3A_73 : i32
        %broadcast_in_dim3A_78 = vector.broadcast %add3A_77 : i32 to vector<16xi32>
        %gather3A = tpu.vector_load_idx %arg9[%broadcast_in_dim3A_78] : memref<10112xf32, #tpu.memory_space<vmem>>[vector<16xi32>], vector<16xf32>,
        %get3A = arith.index_cast %scan3A_73 : i32 to index
        %get3A_79 = arith.constant 0 : index
        %get3A_80 = tpu.vector_load %arg10[%get3A, %get3A_79] {strides = array<i32>} : memref<128x128xf32, #tpu.memory_space<vmem>>, vector<16xf32>,
        %mul3A_81 = arith.mulf %get3A_80, %gather3A : vector<16xf32>
        %swap3A = arith.index_cast %scan3A_73 : i32 to index
        %swap3A_82 = arith.constant 0 : index
        %swap3A_83 = tpu.vector_load %arg10[%swap3A, %swap3A_82] {strides = array<i32>} : memref<128x128xf32, #tpu.memory_space<vmem>>, vector<16xf32>,
        tpu.vector_store %arg10[%swap3A, %swap3A_82], %mul3A_81 {strides = array<i32>} : memref<128x128xf32, #tpu.memory_space<vmem>>, vector<16xf32>,
        %get3A_84 = arith.index_cast %scan3A_73 : i32 to index
        %get3A_85 = arith.constant 16 : index
        %get3A_86 = tpu.vector_load %arg10[%get3A_84, %get3A_85] {strides = array<i32>} : memref<128x128xf32, #tpu.memory_space<vmem>>, vector<16xf32>,
        %mul3A_87 = arith.mulf %get3A_86, %gather3A : vector<16xf32>
        %swap3A_88 = arith.index_cast %scan3A_73 : i32 to index
        %swap3A_89 = arith.constant 16 : index
        %swap3A_90 = tpu.vector_load %arg10[%swap3A_88, %swap3A_89] {strides = array<i32>} : memref<128x128xf32, #tpu.memory_space<vmem>>, vector<16xf32>,
        tpu.vector_store %arg10[%swap3A_88, %swap3A_89], %mul3A_87 {strides = array<i32>} : memref<128x128xf32, #tpu.memory_space<vmem>>, vector<16xf32>,
        %get3A_91 = arith.index_cast %scan3A_73 : i32 to index
        %get3A_92 = arith.constant 32 : index
        %get3A_93 = tpu.vector_load %arg10[%get3A_91, %get3A_92] {strides = array<i32>} : memref<128x128xf32, #tpu.memory_space<vmem>>, vector<16xf32>,
        %mul3A_94 = arith.mulf %get3A_93, %gather3A : vector<16xf32>
        %swap3A_95 = arith.index_cast %scan3A_73 : i32 to index
        %swap3A_96 = arith.constant 32 : index
        %swap3A_97 = tpu.vector_load %arg10[%swap3A_95, %swap3A_96] {strides = array<i32>} : memref<128x128xf32, #tpu.memory_space<vmem>>, vector<16xf32>,
        tpu.vector_store %arg10[%swap3A_95, %swap3A_96], %mul3A_94 {strides = array<i32>} : memref<128x128xf32, #tpu.memory_space<vmem>>, vector<16xf32>,
        %get3A_98 = arith.index_cast %scan3A_73 : i32 to index
        %get3A_99 = arith.constant 48 : index
        %get3A_100 = tpu.vector_load %arg10[%get3A_98, %get3A_99] {strides = array<i32>} : memref<128x128xf32, #tpu.memory_space<vmem>>, vector<16xf32>,
        %mul3A_101 = arith.mulf %get3A_100, %gather3A : vector<16xf32>
        %swap3A_102 = arith.index_cast %scan3A_73 : i32 to index
        %swap3A_103 = arith.constant 48 : index
        %swap3A_104 = tpu.vector_load %arg10[%swap3A_102, %swap3A_103] {strides = array<i32>} : memref<128x128xf32, #tpu.memory_space<vmem>>, vector<16xf32>,
        tpu.vector_store %arg10[%swap3A_102, %swap3A_103], %mul3A_101 {strides = array<i32>} : memref<128x128xf32, #tpu.memory_space<vmem>>, vector<16xf32>,
        %get3A_105 = arith.index_cast %scan3A_73 : i32 to index
        %get3A_106 = arith.constant 64 : index
        %get3A_107 = tpu.vector_load %arg10[%get3A_105, %get3A_106] {strides = array<i32>} : memref<128x128xf32, #tpu.memory_space<vmem>>, vector<16xf32>,
        %mul3A_108 = arith.mulf %get3A_107, %gather3A : vector<16xf32>
        %swap3A_109 = arith.index_cast %scan3A_73 : i32 to index
        %swap3A_110 = arith.constant 64 : index
        %swap3A_111 = tpu.vector_load %arg10[%swap3A_109, %swap3A_110] {strides = array<i32>} : memref<128x128xf32, #tpu.memory_space<vmem>>, vector<16xf32>,
        tpu.vector_store %arg10[%swap3A_109, %swap3A_110], %mul3A_108 {strides = array<i32>} : memref<128x128xf32, #tpu.memory_space<vmem>>, vector<16xf32>,
        %get3A_112 = arith.index_cast %scan3A_73 : i32 to index
        %get3A_113 = arith.constant 80 : index
        %get3A_114 = tpu.vector_load %arg10[%get3A_112, %get3A_113] {strides = array<i32>} : memref<128x128xf32, #tpu.memory_space<vmem>>, vector<16xf32>,
        %mul3A_115 = arith.mulf %get3A_114, %gather3A : vector<16xf32>
        %swap3A_116 = arith.index_cast %scan3A_73 : i32 to index
        %swap3A_117 = arith.constant 80 : index
        %swap3A_118 = tpu.vector_load %arg10[%swap3A_116, %swap3A_117] {strides = array<i32>} : memref<128x128xf32, #tpu.memory_space<vmem>>, vector<16xf32>,
        tpu.vector_store %arg10[%swap3A_116, %swap3A_117], %mul3A_115 {strides = array<i32>} : memref<128x128xf32, #tpu.memory_space<vmem>>, vector<16xf32>,
        %get3A_119 = arith.index_cast %scan3A_73 : i32 to index
        %get3A_120 = arith.constant 96 : index
        %get3A_121 = tpu.vector_load %arg10[%get3A_119, %get3A_120] {strides = array<i32>} : memref<128x128xf32, #tpu.memory_space<vmem>>, vector<16xf32>,
        %mul3A_122 = arith.mulf %get3A_121, %gather3A : vector<16xf32>
        %swap3A_123 = arith.index_cast %scan3A_73 : i32 to index
        %swap3A_124 = arith.constant 96 : index
        %swap3A_125 = tpu.vector_load %arg10[%swap3A_123, %swap3A_124] {strides = array<i32>} : memref<128x128xf32, #tpu.memory_space<vmem>>, vector<16xf32>,
        tpu.vector_store %arg10[%swap3A_123, %swap3A_124], %mul3A_122 {strides = array<i32>} : memref<128x128xf32, #tpu.memory_space<vmem>>, vector<16xf32>,
        %get3A_126 = arith.index_cast %scan3A_73 : i32 to index
        %get3A_127 = arith.constant 112 : index
        %get3A_128 = tpu.vector_load %arg10[%get3A_126, %get3A_127] {strides = array<i32>} : memref<128x128xf32, #tpu.memory_space<vmem>>, vector<16xf32>,
        %mul3A_129 = arith.mulf %get3A_128, %gather3A : vector<16xf32>
        %swap3A_130 = arith.index_cast %scan3A_73 : i32 to index
        %swap3A_131 = arith.constant 112 : index
        %swap3A_132 = tpu.vector_load %arg10[%swap3A_130, %swap3A_131] {strides = array<i32>} : memref<128x128xf32, #tpu.memory_space<vmem>>, vector<16xf32>,
        tpu.vector_store %arg10[%swap3A_130, %swap3A_131], %mul3A_129 {strides = array<i32>} : memref<128x128xf32, #tpu.memory_space<vmem>>, vector<16xf32>,
        %scan3A_133 = arith.constant 0 : i32
        scf.yield %scan3A_133 : i32
      }
      %scan3A_71 = arith.constant 128 : i32
      "tpu.region"() ({
        %run_scoped3A = tpu.sem_alloc : memref<!tpu.dma_semaphore, #tpu.memory_space<semaphore_mem>>
        %dma_start3A_73 = arith.constant 0 : i32
        %dma_start3A_74 = tpu.memref_slice %arg8[%scan3A_53, %dma_start3A_73] : memref<79x128xi32, #tpu.memory_space<vmem>> -> memref<1x128xi32, #tpu.memory_space<vmem>>
        %dma_start3A_75 = tpu.memref_squeeze %dma_start3A_74 : memref<1x128xi32, #tpu.memory_space<vmem>> -> memref<128xi32, #tpu.memory_space<vmem>>
        %dma_start3A_76 = arith.constant 0 : i32
        %dma_start3A_77 = arith.constant 0 : i32
        %dma_start3A_78 = tpu.memref_slice %arg11[%dma_start3A_76, %dma_start3A_77] : memref<10240x128xf32, #tpu.memory_space<vmem_shared>> -> memref<10240x128xf32, #tpu.memory_space<vmem_shared>>
        tpu.enqueue_indirect_dma source(%arg10 : memref<128x128xf32, #tpu.memory_space<vmem>>) target(%dma_start3A_78 : memref<10240x128xf32, #tpu.memory_space<vmem_shared>>) offsets(%dma_start3A_75 : memref<128xi32, #tpu.memory_space<vmem>>) semaphore(%run_scoped3A : memref<!tpu.dma_semaphore, #tpu.memory_space<semaphore_mem>>) {add = true}
        %dma_wait3A_79 = arith.constant 0 : i32
        %dma_wait3A_80 = tpu.memref_slice %arg8[%scan3A_53, %dma_wait3A_79] : memref<79x128xi32, #tpu.memory_space<vmem>> -> memref<1x128xi32, #tpu.memory_space<vmem>>
        %dma_wait3A_81 = tpu.memref_squeeze %dma_wait3A_80 : memref<1x128xi32, #tpu.memory_space<vmem>> -> memref<128xi32, #tpu.memory_space<vmem>>
        %dma_wait3A_82 = arith.constant 0 : i32
        %dma_wait3A_83 = arith.constant 0 : i32
        %dma_wait3A_84 = tpu.memref_slice %arg11[%dma_wait3A_82, %dma_wait3A_83] : memref<10240x128xf32, #tpu.memory_space<vmem_shared>> -> memref<10240x128xf32, #tpu.memory_space<vmem_shared>>
        tpu.wait_indirect_dma semaphore(%run_scoped3A : memref<!tpu.dma_semaphore, #tpu.memory_space<semaphore_mem>>) src(%arg10 : memref<128x128xf32, #tpu.memory_space<vmem>>) dst(%dma_wait3A_84 : memref<10240x128xf32, #tpu.memory_space<vmem_shared>>)
        tpu.yield
      }) : () -> ()
      %scan3A_72 = arith.constant 0 : i32
      scf.yield %scan3A_72 : i32
    }
    %scan3A_31 = arith.constant 79 : i32
    %barrier3A_32 = arith.constant 0 : index
    tpu.barrier barrier_id(%barrier3A_32)
    %mul3A_33 = arith.constant 640 : i32
    %mul3A_34 = arith.muli %arg1, %mul3A_33 : i32
    %add3A_35 = arith.constant 0 : i32
    %add3A_36 = arith.addi %mul3A_34, %add3A_35 : i32
    "tpu.region"() ({
      %run_scoped3A = tpu.sem_alloc : memref<!tpu.dma_semaphore, #tpu.memory_space<semaphore_mem>>
      %dma_start3A = arith.constant 0 : i32
      %dma_start3A_53 = tpu.memref_slice %arg6[%arg0, %add3A_36, %dma_start3A] : memref<2x10240x128xf32, #tpu.memory_space<hbm>> -> memref<1x128x128xf32, #tpu.memory_space<hbm>>
      %dma_start3A_54 = tpu.memref_squeeze %dma_start3A_53 : memref<1x128x128xf32, #tpu.memory_space<hbm>> -> memref<128x128xf32, #tpu.memory_space<hbm>>
      %dma_start3A_55 = arith.constant 0 : i32
      %dma_start3A_56 = tpu.memref_slice %arg11[%add3A_36, %dma_start3A_55] : memref<10240x128xf32, #tpu.memory_space<vmem_shared>> -> memref<128x128xf32, #tpu.memory_space<vmem_shared>>
      tpu.enqueue_dma source(%dma_start3A_56 : memref<128x128xf32, #tpu.memory_space<vmem_shared>>) target(%dma_start3A_54 : memref<128x128xf32, #tpu.memory_space<hbm>>) target_semaphore(%run_scoped3A : memref<!tpu.dma_semaphore, #tpu.memory_space<semaphore_mem>>)
      %dma_wait3A = arith.constant 0 : i32
      %dma_wait3A_57 = tpu.memref_slice %arg6[%arg0, %add3A_36, %dma_wait3A] : memref<2x10240x128xf32, #tpu.memory_space<hbm>> -> memref<1x128x128xf32, #tpu.memory_space<hbm>>
      %dma_wait3A_58 = tpu.memref_squeeze %dma_wait3A_57 : memref<1x128x128xf32, #tpu.memory_space<hbm>> -> memref<128x128xf32, #tpu.memory_space<hbm>>
      %dma_wait3A_59 = arith.constant 0 : i32
      %dma_wait3A_60 = tpu.memref_slice %arg11[%add3A_36, %dma_wait3A_59] : memref<10240x128xf32, #tpu.memory_space<vmem_shared>> -> memref<128x128xf32, #tpu.memory_space<vmem_shared>>
      tpu.wait_dma2 semaphore(%run_scoped3A : memref<!tpu.dma_semaphore, #tpu.memory_space<semaphore_mem>>) src(%dma_wait3A_60 : memref<128x128xf32, #tpu.memory_space<vmem_shared>>) dst(%dma_wait3A_58 : memref<128x128xf32, #tpu.memory_space<hbm>>)
      tpu.yield
    }) : () -> ()
    %mul3A_37 = arith.constant 640 : i32
    %mul3A_38 = arith.muli %arg1, %mul3A_37 : i32
    %add3A_39 = arith.constant 128 : i32
    %add3A_40 = arith.addi %mul3A_38, %add3A_39 : i32
    "tpu.region"() ({
      %run_scoped3A = tpu.sem_alloc : memref<!tpu.dma_semaphore, #tpu.memory_space<semaphore_mem>>
      %dma_start3A = arith.constant 0 : i32
      %dma_start3A_53 = tpu.memref_slice %arg6[%arg0, %add3A_40, %dma_start3A] : memref<2x10240x128xf32, #tpu.memory_space<hbm>> -> memref<1x128x128xf32, #tpu.memory_space<hbm>>
      %dma_start3A_54 = tpu.memref_squeeze %dma_start3A_53 : memref<1x128x128xf32, #tpu.memory_space<hbm>> -> memref<128x128xf32, #tpu.memory_space<hbm>>
      %dma_start3A_55 = arith.constant 0 : i32
      %dma_start3A_56 = tpu.memref_slice %arg11[%add3A_40, %dma_start3A_55] : memref<10240x128xf32, #tpu.memory_space<vmem_shared>> -> memref<128x128xf32, #tpu.memory_space<vmem_shared>>
      tpu.enqueue_dma source(%dma_start3A_56 : memref<128x128xf32, #tpu.memory_space<vmem_shared>>) target(%dma_start3A_54 : memref<128x128xf32, #tpu.memory_space<hbm>>) target_semaphore(%run_scoped3A : memref<!tpu.dma_semaphore, #tpu.memory_space<semaphore_mem>>)
      %dma_wait3A = arith.constant 0 : i32
      %dma_wait3A_57 = tpu.memref_slice %arg6[%arg0, %add3A_40, %dma_wait3A] : memref<2x10240x128xf32, #tpu.memory_space<hbm>> -> memref<1x128x128xf32, #tpu.memory_space<hbm>>
      %dma_wait3A_58 = tpu.memref_squeeze %dma_wait3A_57 : memref<1x128x128xf32, #tpu.memory_space<hbm>> -> memref<128x128xf32, #tpu.memory_space<hbm>>
      %dma_wait3A_59 = arith.constant 0 : i32
      %dma_wait3A_60 = tpu.memref_slice %arg11[%add3A_40, %dma_wait3A_59] : memref<10240x128xf32, #tpu.memory_space<vmem_shared>> -> memref<128x128xf32, #tpu.memory_space<vmem_shared>>
      tpu.wait_dma2 semaphore(%run_scoped3A : memref<!tpu.dma_semaphore, #tpu.memory_space<semaphore_mem>>) src(%dma_wait3A_60 : memref<128x128xf32, #tpu.memory_space<vmem_shared>>) dst(%dma_wait3A_58 : memref<128x128xf32, #tpu.memory_space<hbm>>)
      tpu.yield
    }) : () -> ()
    %mul3A_41 = arith.constant 640 : i32
    %mul3A_42 = arith.muli %arg1, %mul3A_41 : i32
    %add3A_43 = arith.constant 256 : i32
    %add3A_44 = arith.addi %mul3A_42, %add3A_43 : i32
    "tpu.region"() ({
      %run_scoped3A = tpu.sem_alloc : memref<!tpu.dma_semaphore, #tpu.memory_space<semaphore_mem>>
      %dma_start3A = arith.constant 0 : i32
      %dma_start3A_53 = tpu.memref_slice %arg6[%arg0, %add3A_44, %dma_start3A] : memref<2x10240x128xf32, #tpu.memory_space<hbm>> -> memref<1x128x128xf32, #tpu.memory_space<hbm>>
      %dma_start3A_54 = tpu.memref_squeeze %dma_start3A_53 : memref<1x128x128xf32, #tpu.memory_space<hbm>> -> memref<128x128xf32, #tpu.memory_space<hbm>>
      %dma_start3A_55 = arith.constant 0 : i32
      %dma_start3A_56 = tpu.memref_slice %arg11[%add3A_44, %dma_start3A_55] : memref<10240x128xf32, #tpu.memory_space<vmem_shared>> -> memref<128x128xf32, #tpu.memory_space<vmem_shared>>
      tpu.enqueue_dma source(%dma_start3A_56 : memref<128x128xf32, #tpu.memory_space<vmem_shared>>) target(%dma_start3A_54 : memref<128x128xf32, #tpu.memory_space<hbm>>) target_semaphore(%run_scoped3A : memref<!tpu.dma_semaphore, #tpu.memory_space<semaphore_mem>>)
      %dma_wait3A = arith.constant 0 : i32
      %dma_wait3A_57 = tpu.memref_slice %arg6[%arg0, %add3A_44, %dma_wait3A] : memref<2x10240x128xf32, #tpu.memory_space<hbm>> -> memref<1x128x128xf32, #tpu.memory_space<hbm>>
      %dma_wait3A_58 = tpu.memref_squeeze %dma_wait3A_57 : memref<1x128x128xf32, #tpu.memory_space<hbm>> -> memref<128x128xf32, #tpu.memory_space<hbm>>
      %dma_wait3A_59 = arith.constant 0 : i32
      %dma_wait3A_60 = tpu.memref_slice %arg11[%add3A_44, %dma_wait3A_59] : memref<10240x128xf32, #tpu.memory_space<vmem_shared>> -> memref<128x128xf32, #tpu.memory_space<vmem_shared>>
      tpu.wait_dma2 semaphore(%run_scoped3A : memref<!tpu.dma_semaphore, #tpu.memory_space<semaphore_mem>>) src(%dma_wait3A_60 : memref<128x128xf32, #tpu.memory_space<vmem_shared>>) dst(%dma_wait3A_58 : memref<128x128xf32, #tpu.memory_space<hbm>>)
      tpu.yield
    }) : () -> ()
    %mul3A_45 = arith.constant 640 : i32
    %mul3A_46 = arith.muli %arg1, %mul3A_45 : i32
    %add3A_47 = arith.constant 384 : i32
    %add3A_48 = arith.addi %mul3A_46, %add3A_47 : i32
    "tpu.region"() ({
      %run_scoped3A = tpu.sem_alloc : memref<!tpu.dma_semaphore, #tpu.memory_space<semaphore_mem>>
      %dma_start3A = arith.constant 0 : i32
      %dma_start3A_53 = tpu.memref_slice %arg6[%arg0, %add3A_48, %dma_start3A] : memref<2x10240x128xf32, #tpu.memory_space<hbm>> -> memref<1x128x128xf32, #tpu.memory_space<hbm>>
      %dma_start3A_54 = tpu.memref_squeeze %dma_start3A_53 : memref<1x128x128xf32, #tpu.memory_space<hbm>> -> memref<128x128xf32, #tpu.memory_space<hbm>>
      %dma_start3A_55 = arith.constant 0 : i32
      %dma_start3A_56 = tpu.memref_slice %arg11[%add3A_48, %dma_start3A_55] : memref<10240x128xf32, #tpu.memory_space<vmem_shared>> -> memref<128x128xf32, #tpu.memory_space<vmem_shared>>
      tpu.enqueue_dma source(%dma_start3A_56 : memref<128x128xf32, #tpu.memory_space<vmem_shared>>) target(%dma_start3A_54 : memref<128x128xf32, #tpu.memory_space<hbm>>) target_semaphore(%run_scoped3A : memref<!tpu.dma_semaphore, #tpu.memory_space<semaphore_mem>>)
      %dma_wait3A = arith.constant 0 : i32
      %dma_wait3A_57 = tpu.memref_slice %arg6[%arg0, %add3A_48, %dma_wait3A] : memref<2x10240x128xf32, #tpu.memory_space<hbm>> -> memref<1x128x128xf32, #tpu.memory_space<hbm>>
      %dma_wait3A_58 = tpu.memref_squeeze %dma_wait3A_57 : memref<1x128x128xf32, #tpu.memory_space<hbm>> -> memref<128x128xf32, #tpu.memory_space<hbm>>
      %dma_wait3A_59 = arith.constant 0 : i32
      %dma_wait3A_60 = tpu.memref_slice %arg11[%add3A_48, %dma_wait3A_59] : memref<10240x128xf32, #tpu.memory_space<vmem_shared>> -> memref<128x128xf32, #tpu.memory_space<vmem_shared>>
      tpu.wait_dma2 semaphore(%run_scoped3A : memref<!tpu.dma_semaphore, #tpu.memory_space<semaphore_mem>>) src(%dma_wait3A_60 : memref<128x128xf32, #tpu.memory_space<vmem_shared>>) dst(%dma_wait3A_58 : memref<128x128xf32, #tpu.memory_space<hbm>>)
      tpu.yield
    }) : () -> ()
    %mul3A_49 = arith.constant 640 : i32
    %mul3A_50 = arith.muli %arg1, %mul3A_49 : i32
    %add3A_51 = arith.constant 512 : i32
    %add3A_52 = arith.addi %mul3A_50, %add3A_51 : i32
    "tpu.region"() ({
      %run_scoped3A = tpu.sem_alloc : memref<!tpu.dma_semaphore, #tpu.memory_space<semaphore_mem>>
      %dma_start3A = arith.constant 0 : i32
      %dma_start3A_53 = tpu.memref_slice %arg6[%arg0, %add3A_52, %dma_start3A] : memref<2x10240x128xf32, #tpu.memory_space<hbm>> -> memref<1x128x128xf32, #tpu.memory_space<hbm>>
      %dma_start3A_54 = tpu.memref_squeeze %dma_start3A_53 : memref<1x128x128xf32, #tpu.memory_space<hbm>> -> memref<128x128xf32, #tpu.memory_space<hbm>>
      %dma_start3A_55 = arith.constant 0 : i32
      %dma_start3A_56 = tpu.memref_slice %arg11[%add3A_52, %dma_start3A_55] : memref<10240x128xf32, #tpu.memory_space<vmem_shared>> -> memref<128x128xf32, #tpu.memory_space<vmem_shared>>
      tpu.enqueue_dma source(%dma_start3A_56 : memref<128x128xf32, #tpu.memory_space<vmem_shared>>) target(%dma_start3A_54 : memref<128x128xf32, #tpu.memory_space<hbm>>) target_semaphore(%run_scoped3A : memref<!tpu.dma_semaphore, #tpu.memory_space<semaphore_mem>>)
      %dma_wait3A = arith.constant 0 : i32
      %dma_wait3A_57 = tpu.memref_slice %arg6[%arg0, %add3A_52, %dma_wait3A] : memref<2x10240x128xf32, #tpu.memory_space<hbm>> -> memref<1x128x128xf32, #tpu.memory_space<hbm>>
      %dma_wait3A_58 = tpu.memref_squeeze %dma_wait3A_57 : memref<1x128x128xf32, #tpu.memory_space<hbm>> -> memref<128x128xf32, #tpu.memory_space<hbm>>
      %dma_wait3A_59 = arith.constant 0 : i32
      %dma_wait3A_60 = tpu.memref_slice %arg11[%add3A_52, %dma_wait3A_59] : memref<10240x128xf32, #tpu.memory_space<vmem_shared>> -> memref<128x128xf32, #tpu.memory_space<vmem_shared>>
      tpu.wait_dma2 semaphore(%run_scoped3A : memref<!tpu.dma_semaphore, #tpu.memory_space<semaphore_mem>>) src(%dma_wait3A_60 : memref<128x128xf32, #tpu.memory_space<vmem_shared>>) dst(%dma_wait3A_58 : memref<128x128xf32, #tpu.memory_space<hbm>>)
      tpu.yield
    }) : () -> ()
    return
  }
}

#map = affine_map<(d0, d1) -> (0, 0, 0, 0)>
#map1 = affine_map<(d0, d1) -> (0, 0, 0)>
#map2 = affine_map<(d0, d1) -> (0, 0)>
module attributes {stable_mosaic.version = 14 : i64} {
  func.func @_conv_sc_body(%arg0: i32, %arg1: i32, %arg2: memref<2x16x79x128xi32, #tpu.memory_space<hbm>>, %arg3: memref<2x16x79x128xi32, #tpu.memory_space<hbm>>, %arg4: memref<2x16x10112xf32, #tpu.memory_space<hbm>>, %arg5: memref<10000x128xf32, #tpu.memory_space<hbm>>, %arg6: memref<2x10240x128xf32, #tpu.memory_space<hbm>>, %arg7: memref<79x128xi32, #tpu.memory_space<vmem>>, %arg8: memref<79x128xi32, #tpu.memory_space<vmem>>, %arg9: memref<10112xf32, #tpu.memory_space<vmem>>, %arg10: memref<128x128xf32, #tpu.memory_space<vmem>>, %arg11: memref<10240x128xf32, #tpu.memory_space<vmem_shared>>, %arg12: memref<!tpu.dma_semaphore, #tpu.memory_space<semaphore_mem>>) attributes {dimension_semantics = [#tpu.dimension_semantics<core_parallel>, #tpu.dimension_semantics<subcore_parallel>], iteration_bounds = array<i64: 2, 16>, scalar_prefetch = 0 : i64, scratch_operands = 6 : i64, tpu.core_type = #tpu.core_type<sc_vector_subcore>, window_params = [{transform_indices = #map}, {transform_indices = #map}, {transform_indices = #map1}, {transform_indices = #map2}, {transform_indices = #map1}]} {
    "tpu.region"() ({
      %run_scoped3A = tpu.sem_alloc : memref<!tpu.dma_semaphore, #tpu.memory_space<semaphore_mem>>
      %dma_start3A = arith.constant 0 : i32
      %dma_start3A_53 = arith.constant 0 : i32
      %dma_start3A_54 = tpu.memref_slice %arg2[%arg0, %arg1, %dma_start3A, %dma_start3A_53] : memref<2x16x79x128xi32, #tpu.memory_space<hbm>> -> memref<1x1x79x128xi32, #tpu.memory_space<hbm>>
      %dma_start3A_55 = tpu.memref_squeeze %dma_start3A_54 : memref<1x1x79x128xi32, #tpu.memory_space<hbm>> -> memref<79x128xi32, #tpu.memory_space<hbm>>
      %dma_start3A_56 = arith.constant 0 : i32
      %dma_start3A_57 = arith.constant 0 : i32
      %dma_start3A_58 = tpu.memref_slice %arg2[%arg0, %arg1, %dma_start3A_56, %dma_start3A_57] : memref<2x16x79x128xi32, #tpu.memory_space<hbm>> -> memref<1x1x79x128xi32, #tpu.memory_space<hbm>>
      %dma_start3A_59 = tpu.memref_squeeze %dma_start3A_58 : memref<1x1x79x128xi32, #tpu.memory_space<hbm>> -> memref<79x128xi32, #tpu.memory_space<hbm>>
      tpu.enqueue_dma source(%dma_start3A_59 : memref<79x128xi32, #tpu.memory_space<hbm>>) target(%arg7 : memref<79x128xi32, #tpu.memory_space<vmem>>) target_semaphore(%run_scoped3A : memref<!tpu.dma_semaphore, #tpu.memory_space<semaphore_mem>>)
      %dma_wait3A = arith.constant 0 : i32
      %dma_wait3A_60 = arith.constant 0 : i32
      %dma_wait3A_61 = tpu.memref_slice %arg2[%arg0, %arg1, %dma_wait3A, %dma_wait3A_60] : memref<2x16x79x128xi32, #tpu.memory_space<hbm>> -> memref<1x1x79x128xi32, #tpu.memory_space<hbm>>
      %dma_wait3A_62 = tpu.memref_squeeze %dma_wait3A_61 : memref<1x1x79x128xi32, #tpu.memory_space<hbm>> -> memref<79x128xi32, #tpu.memory_space<hbm>>
      %dma_wait3A_63 = arith.constant 0 : i32
      %dma_wait3A_64 = arith.constant 0 : i32
      %dma_wait3A_65 = tpu.memref_slice %arg2[%arg0, %arg1, %dma_wait3A_63, %dma_wait3A_64] : memref<2x16x79x128xi32, #tpu.memory_space<hbm>> -> memref<1x1x79x128xi32, #tpu.memory_space<hbm>>
      %dma_wait3A_66 = tpu.memref_squeeze %dma_wait3A_65 : memref<1x1x79x128xi32, #tpu.memory_space<hbm>> -> memref<79x128xi32, #tpu.memory_space<hbm>>
      tpu.wait_dma2 semaphore(%run_scoped3A : memref<!tpu.dma_semaphore, #tpu.memory_space<semaphore_mem>>) src(%dma_wait3A_66 : memref<79x128xi32, #tpu.memory_space<hbm>>) dst(%arg7 : memref<79x128xi32, #tpu.memory_space<vmem>>)
      tpu.yield
    }) : () -> ()
    "tpu.region"() ({
      %run_scoped3A = tpu.sem_alloc : memref<!tpu.dma_semaphore, #tpu.memory_space<semaphore_mem>>
      %dma_start3A = arith.constant 0 : i32
      %dma_start3A_53 = arith.constant 0 : i32
      %dma_start3A_54 = tpu.memref_slice %arg3[%arg0, %arg1, %dma_start3A, %dma_start3A_53] : memref<2x16x79x128xi32, #tpu.memory_space<hbm>> -> memref<1x1x79x128xi32, #tpu.memory_space<hbm>>
      %dma_start3A_55 = tpu.memref_squeeze %dma_start3A_54 : memref<1x1x79x128xi32, #tpu.memory_space<hbm>> -> memref<79x128xi32, #tpu.memory_space<hbm>>
      %dma_start3A_56 = arith.constant 0 : i32
      %dma_start3A_57 = arith.constant 0 : i32
      %dma_start3A_58 = tpu.memref_slice %arg3[%arg0, %arg1, %dma_start3A_56, %dma_start3A_57] : memref<2x16x79x128xi32, #tpu.memory_space<hbm>> -> memref<1x1x79x128xi32, #tpu.memory_space<hbm>>
      %dma_start3A_59 = tpu.memref_squeeze %dma_start3A_58 : memref<1x1x79x128xi32, #tpu.memory_space<hbm>> -> memref<79x128xi32, #tpu.memory_space<hbm>>
      tpu.enqueue_dma source(%dma_start3A_59 : memref<79x128xi32, #tpu.memory_space<hbm>>) target(%arg8 : memref<79x128xi32, #tpu.memory_space<vmem>>) target_semaphore(%run_scoped3A : memref<!tpu.dma_semaphore, #tpu.memory_space<semaphore_mem>>)
      %dma_wait3A = arith.constant 0 : i32
      %dma_wait3A_60 = arith.constant 0 : i32
      %dma_wait3A_61 = tpu.memref_slice %arg3[%arg0, %arg1, %dma_wait3A, %dma_wait3A_60] : memref<2x16x79x128xi32, #tpu.memory_space<hbm>> -> memref<1x1x79x128xi32, #tpu.memory_space<hbm>>
      %dma_wait3A_62 = tpu.memref_squeeze %dma_wait3A_61 : memref<1x1x79x128xi32, #tpu.memory_space<hbm>> -> memref<79x128xi32, #tpu.memory_space<hbm>>
      %dma_wait3A_63 = arith.constant 0 : i32
      %dma_wait3A_64 = arith.constant 0 : i32
      %dma_wait3A_65 = tpu.memref_slice %arg3[%arg0, %arg1, %dma_wait3A_63, %dma_wait3A_64] : memref<2x16x79x128xi32, #tpu.memory_space<hbm>> -> memref<1x1x79x128xi32, #tpu.memory_space<hbm>>
      %dma_wait3A_66 = tpu.memref_squeeze %dma_wait3A_65 : memref<1x1x79x128xi32, #tpu.memory_space<hbm>> -> memref<79x128xi32, #tpu.memory_space<hbm>>
      tpu.wait_dma2 semaphore(%run_scoped3A : memref<!tpu.dma_semaphore, #tpu.memory_space<semaphore_mem>>) src(%dma_wait3A_66 : memref<79x128xi32, #tpu.memory_space<hbm>>) dst(%arg8 : memref<79x128xi32, #tpu.memory_space<vmem>>)
      tpu.yield
    }) : () -> ()
    "tpu.region"() ({
      %run_scoped3A = tpu.sem_alloc : memref<!tpu.dma_semaphore, #tpu.memory_space<semaphore_mem>>
      %dma_start3A = arith.constant 0 : i32
      %dma_start3A_53 = tpu.memref_slice %arg4[%arg0, %arg1, %dma_start3A] : memref<2x16x10112xf32, #tpu.memory_space<hbm>> -> memref<1x1x10112xf32, #tpu.memory_space<hbm>>
      %dma_start3A_54 = tpu.memref_squeeze %dma_start3A_53 : memref<1x1x10112xf32, #tpu.memory_space<hbm>> -> memref<10112xf32, #tpu.memory_space<hbm>>
      %dma_start3A_55 = arith.constant 0 : i32
      %dma_start3A_56 = tpu.memref_slice %arg4[%arg0, %arg1, %dma_start3A_55] : memref<2x16x10112xf32, #tpu.memory_space<hbm>> -> memref<1x1x10112xf32, #tpu.memory_space<hbm>>
      %dma_start3A_57 = tpu.memref_squeeze %dma_start3A_56 : memref<1x1x10112xf32, #tpu.memory_space<hbm>> -> memref<10112xf32, #tpu.memory_space<hbm>>
      tpu.enqueue_dma source(%dma_start3A_57 : memref<10112xf32, #tpu.memory_space<hbm>>) target(%arg9 : memref<10112xf32, #tpu.memory_space<vmem>>) target_semaphore(%run_scoped3A : memref<!tpu.dma_semaphore, #tpu.memory_space<semaphore_mem>>)
      %dma_wait3A = arith.constant 0 : i32
      %dma_wait3A_58 = tpu.memref_slice %arg4[%arg0, %arg1, %dma_wait3A] : memref<2x16x10112xf32, #tpu.memory_space<hbm>> -> memref<1x1x10112xf32, #tpu.memory_space<hbm>>
      %dma_wait3A_59 = tpu.memref_squeeze %dma_wait3A_58 : memref<1x1x10112xf32, #tpu.memory_space<hbm>> -> memref<10112xf32, #tpu.memory_space<hbm>>
      %dma_wait3A_60 = arith.constant 0 : i32
      %dma_wait3A_61 = tpu.memref_slice %arg4[%arg0, %arg1, %dma_wait3A_60] : memref<2x16x10112xf32, #tpu.memory_space<hbm>> -> memref<1x1x10112xf32, #tpu.memory_space<hbm>>
      %dma_wait3A_62 = tpu.memref_squeeze %dma_wait3A_61 : memref<1x1x10112xf32, #tpu.memory_space<hbm>> -> memref<10112xf32, #tpu.memory_space<hbm>>
      tpu.wait_dma2 semaphore(%run_scoped3A : memref<!tpu.dma_semaphore, #tpu.memory_space<semaphore_mem>>) src(%dma_wait3A_62 : memref<10112xf32, #tpu.memory_space<hbm>>) dst(%arg9 : memref<10112xf32, #tpu.memory_space<vmem>>)
      tpu.yield
    }) : () -> ()
    %broadcast_in_dim3A = arith.constant 0.000000e+00 : f32
    %broadcast_in_dim3A_0 = vector.broadcast %broadcast_in_dim3A : f32 to vector<16xf32>
    %scan3A = arith.constant 0 : i32
    %scan3A_1 = arith.constant 0 : i32
    %scan3A_2 = arith.constant 128 : i32
    %scan3A_3 = arith.addi %scan3A_1, %scan3A_2 : i32
    %scan3A_4 = arith.constant 1 : i32
    %scan3A_5 = scf.for %scan3A_53 = %scan3A_1 to %scan3A_3 step %scan3A_4 iter_args(%scan3A_54 = %scan3A) -> (i32)  : i32 {
      %swap3A = arith.index_cast %scan3A_53 : i32 to index
      %swap3A_55 = arith.constant 0 : index
      %swap3A_56 = tpu.vector_load %arg10[%swap3A, %swap3A_55] {strides = array<i32>} : memref<128x128xf32, #tpu.memory_space<vmem>>, vector<16xf32>,
      tpu.vector_store %arg10[%swap3A, %swap3A_55], %broadcast_in_dim3A_0 {strides = array<i32>} : memref<128x128xf32, #tpu.memory_space<vmem>>, vector<16xf32>,
      %swap3A_57 = arith.index_cast %scan3A_53 : i32 to index
      %swap3A_58 = arith.constant 16 : index
      %swap3A_59 = tpu.vector_load %arg10[%swap3A_57, %swap3A_58] {strides = array<i32>} : memref<128x128xf32, #tpu.memory_space<vmem>>, vector<16xf32>,
      tpu.vector_store %arg10[%swap3A_57, %swap3A_58], %broadcast_in_dim3A_0 {strides = array<i32>} : memref<128x128xf32, #tpu.memory_space<vmem>>, vector<16xf32>,
      %swap3A_60 = arith.index_cast %scan3A_53 : i32 to index
      %swap3A_61 = arith.constant 32 : index
      %swap3A_62 = tpu.vector_load %arg10[%swap3A_60, %swap3A_61] {strides = array<i32>} : memref<128x128xf32, #tpu.memory_space<vmem>>, vector<16xf32>,
      tpu.vector_store %arg10[%swap3A_60, %swap3A_61], %broadcast_in_dim3A_0 {strides = array<i32>} : memref<128x128xf32, #tpu.memory_space<vmem>>, vector<16xf32>,
      %swap3A_63 = arith.index_cast %scan3A_53 : i32 to index
      %swap3A_64 = arith.constant 48 : index
      %swap3A_65 = tpu.vector_load %arg10[%swap3A_63, %swap3A_64] {strides = array<i32>} : memref<128x128xf32, #tpu.memory_space<vmem>>, vector<16xf32>,
      tpu.vector_store %arg10[%swap3A_63, %swap3A_64], %broadcast_in_dim3A_0 {strides = array<i32>} : memref<128x128xf32, #tpu.memory_space<vmem>>, vector<16xf32>,
      %swap3A_66 = arith.index_cast %scan3A_53 : i32 to index
      %swap3A_67 = arith.constant 64 : index
      %swap3A_68 = tpu.vector_load %arg10[%swap3A_66, %swap3A_67] {strides = array<i32>} : memref<128x128xf32, #tpu.memory_space<vmem>>, vector<16xf32>,
      tpu.vector_store %arg10[%swap3A_66, %swap3A_67], %broadcast_in_dim3A_0 {strides = array<i32>} : memref<128x128xf32, #tpu.memory_space<vmem>>, vector<16xf32>,
      %swap3A_69 = arith.index_cast %scan3A_53 : i32 to index
      %swap3A_70 = arith.constant 80 : index
      %swap3A_71 = tpu.vector_load %arg10[%swap3A_69, %swap3A_70] {strides = array<i32>} : memref<128x128xf32, #tpu.memory_space<vmem>>, vector<16xf32>,
      tpu.vector_store %arg10[%swap3A_69, %swap3A_70], %broadcast_in_dim3A_0 {strides = array<i32>} : memref<128x128xf32, #tpu.memory_space<vmem>>, vector<16xf32>,
      %swap3A_72 = arith.index_cast %scan3A_53 : i32 to index
      %swap3A_73 = arith.constant 96 : index
      %swap3A_74 = tpu.vector_load %arg10[%swap3A_72, %swap3A_73] {strides = array<i32>} : memref<128x128xf32, #tpu.memory_space<vmem>>, vector<16xf32>,
      tpu.vector_store %arg10[%swap3A_72, %swap3A_73], %broadcast_in_dim3A_0 {strides = array<i32>} : memref<128x128xf32, #tpu.memory_space<vmem>>, vector<16xf32>,
      %swap3A_75 = arith.index_cast %scan3A_53 : i32 to index
      %swap3A_76 = arith.constant 112 : index
      %swap3A_77 = tpu.vector_load %arg10[%swap3A_75, %swap3A_76] {strides = array<i32>} : memref<128x128xf32, #tpu.memory_space<vmem>>, vector<16xf32>,
      tpu.vector_store %arg10[%swap3A_75, %swap3A_76], %broadcast_in_dim3A_0 {strides = array<i32>} : memref<128x128xf32, #tpu.memory_space<vmem>>, vector<16xf32>,
      %scan3A_78 = arith.constant 0 : i32
      scf.yield %scan3A_78 : i32
    }
    %scan3A_6 = arith.constant 128 : i32
    %mul3A = arith.constant 640 : i32
    %mul3A_7 = arith.muli %arg1, %mul3A : i32
    %add3A = arith.constant 0 : i32
    %add3A_8 = arith.addi %mul3A_7, %add3A : i32
    "tpu.region"() ({
      %run_scoped3A = tpu.sem_alloc : memref<!tpu.dma_semaphore, #tpu.memory_space<semaphore_mem>>
      %dma_start3A = arith.constant 0 : i32
      %dma_start3A_53 = tpu.memref_slice %arg11[%add3A_8, %dma_start3A] : memref<10240x128xf32, #tpu.memory_space<vmem_shared>> -> memref<128x128xf32, #tpu.memory_space<vmem_shared>>
      %dma_start3A_54 = arith.constant 0 : i32
      %dma_start3A_55 = tpu.memref_slice %arg11[%add3A_8, %dma_start3A_54] : memref<10240x128xf32, #tpu.memory_space<vmem_shared>> -> memref<128x128xf32, #tpu.memory_space<vmem_shared>>
      tpu.enqueue_dma source(%arg10 : memref<128x128xf32, #tpu.memory_space<vmem>>) target(%dma_start3A_55 : memref<128x128xf32, #tpu.memory_space<vmem_shared>>) target_semaphore(%run_scoped3A : memref<!tpu.dma_semaphore, #tpu.memory_space<semaphore_mem>>)
      %dma_wait3A = arith.constant 0 : i32
      %dma_wait3A_56 = tpu.memref_slice %arg11[%add3A_8, %dma_wait3A] : memref<10240x128xf32, #tpu.memory_space<vmem_shared>> -> memref<128x128xf32, #tpu.memory_space<vmem_shared>>
      %dma_wait3A_57 = arith.constant 0 : i32
      %dma_wait3A_58 = tpu.memref_slice %arg11[%add3A_8, %dma_wait3A_57] : memref<10240x128xf32, #tpu.memory_space<vmem_shared>> -> memref<128x128xf32, #tpu.memory_space<vmem_shared>>
      tpu.wait_dma2 semaphore(%run_scoped3A : memref<!tpu.dma_semaphore, #tpu.memory_space<semaphore_mem>>) src(%arg10 : memref<128x128xf32, #tpu.memory_space<vmem>>) dst(%dma_wait3A_58 : memref<128x128xf32, #tpu.memory_space<vmem_shared>>)
      tpu.yield
    }) : () -> ()
    %mul3A_9 = arith.constant 640 : i32
    %mul3A_10 = arith.muli %arg1, %mul3A_9 : i32
    %add3A_11 = arith.constant 128 : i32
    %add3A_12 = arith.addi %mul3A_10, %add3A_11 : i32
    "tpu.region"() ({
      %run_scoped3A = tpu.sem_alloc : memref<!tpu.dma_semaphore, #tpu.memory_space<semaphore_mem>>
      %dma_start3A = arith.constant 0 : i32
      %dma_start3A_53 = tpu.memref_slice %arg11[%add3A_12, %dma_start3A] : memref<10240x128xf32, #tpu.memory_space<vmem_shared>> -> memref<128x128xf32, #tpu.memory_space<vmem_shared>>
      %dma_start3A_54 = arith.constant 0 : i32
      %dma_start3A_55 = tpu.memref_slice %arg11[%add3A_12, %dma_start3A_54] : memref<10240x128xf32, #tpu.memory_space<vmem_shared>> -> memref<128x128xf32, #tpu.memory_space<vmem_shared>>
      tpu.enqueue_dma source(%arg10 : memref<128x128xf32, #tpu.memory_space<vmem>>) target(%dma_start3A_55 : memref<128x128xf32, #tpu.memory_space<vmem_shared>>) target_semaphore(%run_scoped3A : memref<!tpu.dma_semaphore, #tpu.memory_space<semaphore_mem>>)
      %dma_wait3A = arith.constant 0 : i32
      %dma_wait3A_56 = tpu.memref_slice %arg11[%add3A_12, %dma_wait3A] : memref<10240x128xf32, #tpu.memory_space<vmem_shared>> -> memref<128x128xf32, #tpu.memory_space<vmem_shared>>
      %dma_wait3A_57 = arith.constant 0 : i32
      %dma_wait3A_58 = tpu.memref_slice %arg11[%add3A_12, %dma_wait3A_57] : memref<10240x128xf32, #tpu.memory_space<vmem_shared>> -> memref<128x128xf32, #tpu.memory_space<vmem_shared>>
      tpu.wait_dma2 semaphore(%run_scoped3A : memref<!tpu.dma_semaphore, #tpu.memory_space<semaphore_mem>>) src(%arg10 : memref<128x128xf32, #tpu.memory_space<vmem>>) dst(%dma_wait3A_58 : memref<128x128xf32, #tpu.memory_space<vmem_shared>>)
      tpu.yield
    }) : () -> ()
    %mul3A_13 = arith.constant 640 : i32
    %mul3A_14 = arith.muli %arg1, %mul3A_13 : i32
    %add3A_15 = arith.constant 256 : i32
    %add3A_16 = arith.addi %mul3A_14, %add3A_15 : i32
    "tpu.region"() ({
      %run_scoped3A = tpu.sem_alloc : memref<!tpu.dma_semaphore, #tpu.memory_space<semaphore_mem>>
      %dma_start3A = arith.constant 0 : i32
      %dma_start3A_53 = tpu.memref_slice %arg11[%add3A_16, %dma_start3A] : memref<10240x128xf32, #tpu.memory_space<vmem_shared>> -> memref<128x128xf32, #tpu.memory_space<vmem_shared>>
      %dma_start3A_54 = arith.constant 0 : i32
      %dma_start3A_55 = tpu.memref_slice %arg11[%add3A_16, %dma_start3A_54] : memref<10240x128xf32, #tpu.memory_space<vmem_shared>> -> memref<128x128xf32, #tpu.memory_space<vmem_shared>>
      tpu.enqueue_dma source(%arg10 : memref<128x128xf32, #tpu.memory_space<vmem>>) target(%dma_start3A_55 : memref<128x128xf32, #tpu.memory_space<vmem_shared>>) target_semaphore(%run_scoped3A : memref<!tpu.dma_semaphore, #tpu.memory_space<semaphore_mem>>)
      %dma_wait3A = arith.constant 0 : i32
      %dma_wait3A_56 = tpu.memref_slice %arg11[%add3A_16, %dma_wait3A] : memref<10240x128xf32, #tpu.memory_space<vmem_shared>> -> memref<128x128xf32, #tpu.memory_space<vmem_shared>>
      %dma_wait3A_57 = arith.constant 0 : i32
      %dma_wait3A_58 = tpu.memref_slice %arg11[%add3A_16, %dma_wait3A_57] : memref<10240x128xf32, #tpu.memory_space<vmem_shared>> -> memref<128x128xf32, #tpu.memory_space<vmem_shared>>
      tpu.wait_dma2 semaphore(%run_scoped3A : memref<!tpu.dma_semaphore, #tpu.memory_space<semaphore_mem>>) src(%arg10 : memref<128x128xf32, #tpu.memory_space<vmem>>) dst(%dma_wait3A_58 : memref<128x128xf32, #tpu.memory_space<vmem_shared>>)
      tpu.yield
    }) : () -> ()
    %mul3A_17 = arith.constant 640 : i32
    %mul3A_18 = arith.muli %arg1, %mul3A_17 : i32
    %add3A_19 = arith.constant 384 : i32
    %add3A_20 = arith.addi %mul3A_18, %add3A_19 : i32
    "tpu.region"() ({
      %run_scoped3A = tpu.sem_alloc : memref<!tpu.dma_semaphore, #tpu.memory_space<semaphore_mem>>
      %dma_start3A = arith.constant 0 : i32
      %dma_start3A_53 = tpu.memref_slice %arg11[%add3A_20, %dma_start3A] : memref<10240x128xf32, #tpu.memory_space<vmem_shared>> -> memref<128x128xf32, #tpu.memory_space<vmem_shared>>
      %dma_start3A_54 = arith.constant 0 : i32
      %dma_start3A_55 = tpu.memref_slice %arg11[%add3A_20, %dma_start3A_54] : memref<10240x128xf32, #tpu.memory_space<vmem_shared>> -> memref<128x128xf32, #tpu.memory_space<vmem_shared>>
      tpu.enqueue_dma source(%arg10 : memref<128x128xf32, #tpu.memory_space<vmem>>) target(%dma_start3A_55 : memref<128x128xf32, #tpu.memory_space<vmem_shared>>) target_semaphore(%run_scoped3A : memref<!tpu.dma_semaphore, #tpu.memory_space<semaphore_mem>>)
      %dma_wait3A = arith.constant 0 : i32
      %dma_wait3A_56 = tpu.memref_slice %arg11[%add3A_20, %dma_wait3A] : memref<10240x128xf32, #tpu.memory_space<vmem_shared>> -> memref<128x128xf32, #tpu.memory_space<vmem_shared>>
      %dma_wait3A_57 = arith.constant 0 : i32
      %dma_wait3A_58 = tpu.memref_slice %arg11[%add3A_20, %dma_wait3A_57] : memref<10240x128xf32, #tpu.memory_space<vmem_shared>> -> memref<128x128xf32, #tpu.memory_space<vmem_shared>>
      tpu.wait_dma2 semaphore(%run_scoped3A : memref<!tpu.dma_semaphore, #tpu.memory_space<semaphore_mem>>) src(%arg10 : memref<128x128xf32, #tpu.memory_space<vmem>>) dst(%dma_wait3A_58 : memref<128x128xf32, #tpu.memory_space<vmem_shared>>)
      tpu.yield
    }) : () -> ()
    %mul3A_21 = arith.constant 640 : i32
    %mul3A_22 = arith.muli %arg1, %mul3A_21 : i32
    %add3A_23 = arith.constant 512 : i32
    %add3A_24 = arith.addi %mul3A_22, %add3A_23 : i32
    "tpu.region"() ({
      %run_scoped3A = tpu.sem_alloc : memref<!tpu.dma_semaphore, #tpu.memory_space<semaphore_mem>>
      %dma_start3A = arith.constant 0 : i32
      %dma_start3A_53 = tpu.memref_slice %arg11[%add3A_24, %dma_start3A] : memref<10240x128xf32, #tpu.memory_space<vmem_shared>> -> memref<128x128xf32, #tpu.memory_space<vmem_shared>>
      %dma_start3A_54 = arith.constant 0 : i32
      %dma_start3A_55 = tpu.memref_slice %arg11[%add3A_24, %dma_start3A_54] : memref<10240x128xf32, #tpu.memory_space<vmem_shared>> -> memref<128x128xf32, #tpu.memory_space<vmem_shared>>
      tpu.enqueue_dma source(%arg10 : memref<128x128xf32, #tpu.memory_space<vmem>>) target(%dma_start3A_55 : memref<128x128xf32, #tpu.memory_space<vmem_shared>>) target_semaphore(%run_scoped3A : memref<!tpu.dma_semaphore, #tpu.memory_space<semaphore_mem>>)
      %dma_wait3A = arith.constant 0 : i32
      %dma_wait3A_56 = tpu.memref_slice %arg11[%add3A_24, %dma_wait3A] : memref<10240x128xf32, #tpu.memory_space<vmem_shared>> -> memref<128x128xf32, #tpu.memory_space<vmem_shared>>
      %dma_wait3A_57 = arith.constant 0 : i32
      %dma_wait3A_58 = tpu.memref_slice %arg11[%add3A_24, %dma_wait3A_57] : memref<10240x128xf32, #tpu.memory_space<vmem_shared>> -> memref<128x128xf32, #tpu.memory_space<vmem_shared>>
      tpu.wait_dma2 semaphore(%run_scoped3A : memref<!tpu.dma_semaphore, #tpu.memory_space<semaphore_mem>>) src(%arg10 : memref<128x128xf32, #tpu.memory_space<vmem>>) dst(%dma_wait3A_58 : memref<128x128xf32, #tpu.memory_space<vmem_shared>>)
      tpu.yield
    }) : () -> ()
    %barrier3A = arith.constant 0 : index
    tpu.barrier barrier_id(%barrier3A)
    %scan3A_25 = arith.constant 0 : i32
    %scan3A_26 = arith.constant 0 : i32
    %scan3A_27 = arith.constant 79 : i32
    %scan3A_28 = arith.addi %scan3A_26, %scan3A_27 : i32
    %scan3A_29 = arith.constant 1 : i32
    %scan3A_30 = scf.for %scan3A_53 = %scan3A_26 to %scan3A_28 step %scan3A_29 iter_args(%scan3A_54 = %scan3A_25) -> (i32)  : i32 {
      %dma_start3A = arith.constant 0 : i32
      %dma_start3A_55 = tpu.memref_slice %arg7[%scan3A_53, %dma_start3A] : memref<79x128xi32, #tpu.memory_space<vmem>> -> memref<1x128xi32, #tpu.memory_space<vmem>>
      %dma_start3A_56 = tpu.memref_squeeze %dma_start3A_55 : memref<1x128xi32, #tpu.memory_space<vmem>> -> memref<128xi32, #tpu.memory_space<vmem>>
      %dma_start3A_57 = arith.constant 0 : i32
      %dma_start3A_58 = arith.constant 0 : i32
      %dma_start3A_59 = tpu.memref_slice %arg5[%dma_start3A_57, %dma_start3A_58] : memref<10000x128xf32, #tpu.memory_space<hbm>> -> memref<10000x128xf32, #tpu.memory_space<hbm>>
      tpu.enqueue_indirect_dma source(%dma_start3A_59 : memref<10000x128xf32, #tpu.memory_space<hbm>>) target(%arg10 : memref<128x128xf32, #tpu.memory_space<vmem>>) offsets(%dma_start3A_56 : memref<128xi32, #tpu.memory_space<vmem>>) semaphore(%arg12 : memref<!tpu.dma_semaphore, #tpu.memory_space<semaphore_mem>>)
      %dma_wait3A = arith.constant 0 : i32
      %dma_wait3A_60 = tpu.memref_slice %arg7[%scan3A_53, %dma_wait3A] : memref<79x128xi32, #tpu.memory_space<vmem>> -> memref<1x128xi32, #tpu.memory_space<vmem>>
      %dma_wait3A_61 = tpu.memref_squeeze %dma_wait3A_60 : memref<1x128xi32, #tpu.memory_space<vmem>> -> memref<128xi32, #tpu.memory_space<vmem>>
      %dma_wait3A_62 = arith.constant 0 : i32
      %dma_wait3A_63 = arith.constant 0 : i32
      %dma_wait3A_64 = tpu.memref_slice %arg5[%dma_wait3A_62, %dma_wait3A_63] : memref<10000x128xf32, #tpu.memory_space<hbm>> -> memref<10000x128xf32, #tpu.memory_space<hbm>>
      tpu.wait_indirect_dma semaphore(%arg12 : memref<!tpu.dma_semaphore, #tpu.memory_space<semaphore_mem>>) src(%dma_wait3A_64 : memref<10000x128xf32, #tpu.memory_space<hbm>>) dst(%arg10 : memref<128x128xf32, #tpu.memory_space<vmem>>)
      %scan3A_65 = arith.constant 0 : i32
      %scan3A_66 = arith.constant 0 : i32
      %scan3A_67 = arith.constant 128 : i32
      %scan3A_68 = arith.addi %scan3A_66, %scan3A_67 : i32
      %scan3A_69 = arith.constant 1 : i32
      %scan3A_70 = scf.for %scan3A_73 = %scan3A_66 to %scan3A_68 step %scan3A_69 iter_args(%scan3A_74 = %scan3A_65) -> (i32)  : i32 {
        %mul3A_75 = arith.constant 128 : i32
        %mul3A_76 = arith.muli %scan3A_53, %mul3A_75 : i32
        %add3A_77 = arith.addi %mul3A_76, %scan3A_73 : i32
        %broadcast_in_dim3A_78 = vector.broadcast %add3A_77 : i32 to vector<16xi32>
        %gather3A = tpu.vector_load_idx %arg9[%broadcast_in_dim3A_78] : memref<10112xf32, #tpu.memory_space<vmem>>[vector<16xi32>], vector<16xf32>,
        %get3A = arith.index_cast %scan3A_73 : i32 to index
        %get3A_79 = arith.constant 0 : index
        %get3A_80 = tpu.vector_load %arg10[%get3A, %get3A_79] {strides = array<i32>} : memref<128x128xf32, #tpu.memory_space<vmem>>, vector<16xf32>,
        %mul3A_81 = arith.mulf %get3A_80, %gather3A : vector<16xf32>
        %swap3A = arith.index_cast %scan3A_73 : i32 to index
        %swap3A_82 = arith.constant 0 : index
        %swap3A_83 = tpu.vector_load %arg10[%swap3A, %swap3A_82] {strides = array<i32>} : memref<128x128xf32, #tpu.memory_space<vmem>>, vector<16xf32>,
        tpu.vector_store %arg10[%swap3A, %swap3A_82], %mul3A_81 {strides = array<i32>} : memref<128x128xf32, #tpu.memory_space<vmem>>, vector<16xf32>,
        %get3A_84 = arith.index_cast %scan3A_73 : i32 to index
        %get3A_85 = arith.constant 16 : index
        %get3A_86 = tpu.vector_load %arg10[%get3A_84, %get3A_85] {strides = array<i32>} : memref<128x128xf32, #tpu.memory_space<vmem>>, vector<16xf32>,
        %mul3A_87 = arith.mulf %get3A_86, %gather3A : vector<16xf32>
        %swap3A_88 = arith.index_cast %scan3A_73 : i32 to index
        %swap3A_89 = arith.constant 16 : index
        %swap3A_90 = tpu.vector_load %arg10[%swap3A_88, %swap3A_89] {strides = array<i32>} : memref<128x128xf32, #tpu.memory_space<vmem>>, vector<16xf32>,
        tpu.vector_store %arg10[%swap3A_88, %swap3A_89], %mul3A_87 {strides = array<i32>} : memref<128x128xf32, #tpu.memory_space<vmem>>, vector<16xf32>,
        %get3A_91 = arith.index_cast %scan3A_73 : i32 to index
        %get3A_92 = arith.constant 32 : index
        %get3A_93 = tpu.vector_load %arg10[%get3A_91, %get3A_92] {strides = array<i32>} : memref<128x128xf32, #tpu.memory_space<vmem>>, vector<16xf32>,
        %mul3A_94 = arith.mulf %get3A_93, %gather3A : vector<16xf32>
        %swap3A_95 = arith.index_cast %scan3A_73 : i32 to index
        %swap3A_96 = arith.constant 32 : index
        %swap3A_97 = tpu.vector_load %arg10[%swap3A_95, %swap3A_96] {strides = array<i32>} : memref<128x128xf32, #tpu.memory_space<vmem>>, vector<16xf32>,
        tpu.vector_store %arg10[%swap3A_95, %swap3A_96], %mul3A_94 {strides = array<i32>} : memref<128x128xf32, #tpu.memory_space<vmem>>, vector<16xf32>,
        %get3A_98 = arith.index_cast %scan3A_73 : i32 to index
        %get3A_99 = arith.constant 48 : index
        %get3A_100 = tpu.vector_load %arg10[%get3A_98, %get3A_99] {strides = array<i32>} : memref<128x128xf32, #tpu.memory_space<vmem>>, vector<16xf32>,
        %mul3A_101 = arith.mulf %get3A_100, %gather3A : vector<16xf32>
        %swap3A_102 = arith.index_cast %scan3A_73 : i32 to index
        %swap3A_103 = arith.constant 48 : index
        %swap3A_104 = tpu.vector_load %arg10[%swap3A_102, %swap3A_103] {strides = array<i32>} : memref<128x128xf32, #tpu.memory_space<vmem>>, vector<16xf32>,
        tpu.vector_store %arg10[%swap3A_102, %swap3A_103], %mul3A_101 {strides = array<i32>} : memref<128x128xf32, #tpu.memory_space<vmem>>, vector<16xf32>,
        %get3A_105 = arith.index_cast %scan3A_73 : i32 to index
        %get3A_106 = arith.constant 64 : index
        %get3A_107 = tpu.vector_load %arg10[%get3A_105, %get3A_106] {strides = array<i32>} : memref<128x128xf32, #tpu.memory_space<vmem>>, vector<16xf32>,
        %mul3A_108 = arith.mulf %get3A_107, %gather3A : vector<16xf32>
        %swap3A_109 = arith.index_cast %scan3A_73 : i32 to index
        %swap3A_110 = arith.constant 64 : index
        %swap3A_111 = tpu.vector_load %arg10[%swap3A_109, %swap3A_110] {strides = array<i32>} : memref<128x128xf32, #tpu.memory_space<vmem>>, vector<16xf32>,
        tpu.vector_store %arg10[%swap3A_109, %swap3A_110], %mul3A_108 {strides = array<i32>} : memref<128x128xf32, #tpu.memory_space<vmem>>, vector<16xf32>,
        %get3A_112 = arith.index_cast %scan3A_73 : i32 to index
        %get3A_113 = arith.constant 80 : index
        %get3A_114 = tpu.vector_load %arg10[%get3A_112, %get3A_113] {strides = array<i32>} : memref<128x128xf32, #tpu.memory_space<vmem>>, vector<16xf32>,
        %mul3A_115 = arith.mulf %get3A_114, %gather3A : vector<16xf32>
        %swap3A_116 = arith.index_cast %scan3A_73 : i32 to index
        %swap3A_117 = arith.constant 80 : index
        %swap3A_118 = tpu.vector_load %arg10[%swap3A_116, %swap3A_117] {strides = array<i32>} : memref<128x128xf32, #tpu.memory_space<vmem>>, vector<16xf32>,
        tpu.vector_store %arg10[%swap3A_116, %swap3A_117], %mul3A_115 {strides = array<i32>} : memref<128x128xf32, #tpu.memory_space<vmem>>, vector<16xf32>,
        %get3A_119 = arith.index_cast %scan3A_73 : i32 to index
        %get3A_120 = arith.constant 96 : index
        %get3A_121 = tpu.vector_load %arg10[%get3A_119, %get3A_120] {strides = array<i32>} : memref<128x128xf32, #tpu.memory_space<vmem>>, vector<16xf32>,
        %mul3A_122 = arith.mulf %get3A_121, %gather3A : vector<16xf32>
        %swap3A_123 = arith.index_cast %scan3A_73 : i32 to index
        %swap3A_124 = arith.constant 96 : index
        %swap3A_125 = tpu.vector_load %arg10[%swap3A_123, %swap3A_124] {strides = array<i32>} : memref<128x128xf32, #tpu.memory_space<vmem>>, vector<16xf32>,
        tpu.vector_store %arg10[%swap3A_123, %swap3A_124], %mul3A_122 {strides = array<i32>} : memref<128x128xf32, #tpu.memory_space<vmem>>, vector<16xf32>,
        %get3A_126 = arith.index_cast %scan3A_73 : i32 to index
        %get3A_127 = arith.constant 112 : index
        %get3A_128 = tpu.vector_load %arg10[%get3A_126, %get3A_127] {strides = array<i32>} : memref<128x128xf32, #tpu.memory_space<vmem>>, vector<16xf32>,
        %mul3A_129 = arith.mulf %get3A_128, %gather3A : vector<16xf32>
        %swap3A_130 = arith.index_cast %scan3A_73 : i32 to index
        %swap3A_131 = arith.constant 112 : index
        %swap3A_132 = tpu.vector_load %arg10[%swap3A_130, %swap3A_131] {strides = array<i32>} : memref<128x128xf32, #tpu.memory_space<vmem>>, vector<16xf32>,
        tpu.vector_store %arg10[%swap3A_130, %swap3A_131], %mul3A_129 {strides = array<i32>} : memref<128x128xf32, #tpu.memory_space<vmem>>, vector<16xf32>,
        %scan3A_133 = arith.constant 0 : i32
        scf.yield %scan3A_133 : i32
      }
      %scan3A_71 = arith.constant 128 : i32
      "tpu.region"() ({
        %run_scoped3A = tpu.sem_alloc : memref<!tpu.dma_semaphore, #tpu.memory_space<semaphore_mem>>
        %dma_start3A_73 = arith.constant 0 : i32
        %dma_start3A_74 = tpu.memref_slice %arg8[%scan3A_53, %dma_start3A_73] : memref<79x128xi32, #tpu.memory_space<vmem>> -> memref<1x128xi32, #tpu.memory_space<vmem>>
        %dma_start3A_75 = tpu.memref_squeeze %dma_start3A_74 : memref<1x128xi32, #tpu.memory_space<vmem>> -> memref<128xi32, #tpu.memory_space<vmem>>
        %dma_start3A_76 = arith.constant 0 : i32
        %dma_start3A_77 = arith.constant 0 : i32
        %dma_start3A_78 = tpu.memref_slice %arg11[%dma_start3A_76, %dma_start3A_77] : memref<10240x128xf32, #tpu.memory_space<vmem_shared>> -> memref<10240x128xf32, #tpu.memory_space<vmem_shared>>
        tpu.enqueue_indirect_dma source(%arg10 : memref<128x128xf32, #tpu.memory_space<vmem>>) target(%dma_start3A_78 : memref<10240x128xf32, #tpu.memory_space<vmem_shared>>) offsets(%dma_start3A_75 : memref<128xi32, #tpu.memory_space<vmem>>) semaphore(%run_scoped3A : memref<!tpu.dma_semaphore, #tpu.memory_space<semaphore_mem>>) {add = true}
        %dma_wait3A_79 = arith.constant 0 : i32
        %dma_wait3A_80 = tpu.memref_slice %arg8[%scan3A_53, %dma_wait3A_79] : memref<79x128xi32, #tpu.memory_space<vmem>> -> memref<1x128xi32, #tpu.memory_space<vmem>>
        %dma_wait3A_81 = tpu.memref_squeeze %dma_wait3A_80 : memref<1x128xi32, #tpu.memory_space<vmem>> -> memref<128xi32, #tpu.memory_space<vmem>>
        %dma_wait3A_82 = arith.constant 0 : i32
        %dma_wait3A_83 = arith.constant 0 : i32
        %dma_wait3A_84 = tpu.memref_slice %arg11[%dma_wait3A_82, %dma_wait3A_83] : memref<10240x128xf32, #tpu.memory_space<vmem_shared>> -> memref<10240x128xf32, #tpu.memory_space<vmem_shared>>
        tpu.wait_indirect_dma semaphore(%run_scoped3A : memref<!tpu.dma_semaphore, #tpu.memory_space<semaphore_mem>>) src(%arg10 : memref<128x128xf32, #tpu.memory_space<vmem>>) dst(%dma_wait3A_84 : memref<10240x128xf32, #tpu.memory_space<vmem_shared>>)
        tpu.yield
      }) : () -> ()
      %scan3A_72 = arith.constant 0 : i32
      scf.yield %scan3A_72 : i32
    }
    %scan3A_31 = arith.constant 79 : i32
    %barrier3A_32 = arith.constant 0 : index
    tpu.barrier barrier_id(%barrier3A_32)
    %mul3A_33 = arith.constant 640 : i32
    %mul3A_34 = arith.muli %arg1, %mul3A_33 : i32
    %add3A_35 = arith.constant 0 : i32
    %add3A_36 = arith.addi %mul3A_34, %add3A_35 : i32
    "tpu.region"() ({
      %run_scoped3A = tpu.sem_alloc : memref<!tpu.dma_semaphore, #tpu.memory_space<semaphore_mem>>
      %dma_start3A = arith.constant 0 : i32
      %dma_start3A_53 = tpu.memref_slice %arg6[%arg0, %add3A_36, %dma_start3A] : memref<2x10240x128xf32, #tpu.memory_space<hbm>> -> memref<1x128x128xf32, #tpu.memory_space<hbm>>
      %dma_start3A_54 = tpu.memref_squeeze %dma_start3A_53 : memref<1x128x128xf32, #tpu.memory_space<hbm>> -> memref<128x128xf32, #tpu.memory_space<hbm>>
      %dma_start3A_55 = arith.constant 0 : i32
      %dma_start3A_56 = tpu.memref_slice %arg11[%add3A_36, %dma_start3A_55] : memref<10240x128xf32, #tpu.memory_space<vmem_shared>> -> memref<128x128xf32, #tpu.memory_space<vmem_shared>>
      tpu.enqueue_dma source(%dma_start3A_56 : memref<128x128xf32, #tpu.memory_space<vmem_shared>>) target(%dma_start3A_54 : memref<128x128xf32, #tpu.memory_space<hbm>>) target_semaphore(%run_scoped3A : memref<!tpu.dma_semaphore, #tpu.memory_space<semaphore_mem>>)
      %dma_wait3A = arith.constant 0 : i32
      %dma_wait3A_57 = tpu.memref_slice %arg6[%arg0, %add3A_36, %dma_wait3A] : memref<2x10240x128xf32, #tpu.memory_space<hbm>> -> memref<1x128x128xf32, #tpu.memory_space<hbm>>
      %dma_wait3A_58 = tpu.memref_squeeze %dma_wait3A_57 : memref<1x128x128xf32, #tpu.memory_space<hbm>> -> memref<128x128xf32, #tpu.memory_space<hbm>>
      %dma_wait3A_59 = arith.constant 0 : i32
      %dma_wait3A_60 = tpu.memref_slice %arg11[%add3A_36, %dma_wait3A_59] : memref<10240x128xf32, #tpu.memory_space<vmem_shared>> -> memref<128x128xf32, #tpu.memory_space<vmem_shared>>
      tpu.wait_dma2 semaphore(%run_scoped3A : memref<!tpu.dma_semaphore, #tpu.memory_space<semaphore_mem>>) src(%dma_wait3A_60 : memref<128x128xf32, #tpu.memory_space<vmem_shared>>) dst(%dma_wait3A_58 : memref<128x128xf32, #tpu.memory_space<hbm>>)
      tpu.yield
    }) : () -> ()
    %mul3A_37 = arith.constant 640 : i32
    %mul3A_38 = arith.muli %arg1, %mul3A_37 : i32
    %add3A_39 = arith.constant 128 : i32
    %add3A_40 = arith.addi %mul3A_38, %add3A_39 : i32
    "tpu.region"() ({
      %run_scoped3A = tpu.sem_alloc : memref<!tpu.dma_semaphore, #tpu.memory_space<semaphore_mem>>
      %dma_start3A = arith.constant 0 : i32
      %dma_start3A_53 = tpu.memref_slice %arg6[%arg0, %add3A_40, %dma_start3A] : memref<2x10240x128xf32, #tpu.memory_space<hbm>> -> memref<1x128x128xf32, #tpu.memory_space<hbm>>
      %dma_start3A_54 = tpu.memref_squeeze %dma_start3A_53 : memref<1x128x128xf32, #tpu.memory_space<hbm>> -> memref<128x128xf32, #tpu.memory_space<hbm>>
      %dma_start3A_55 = arith.constant 0 : i32
      %dma_start3A_56 = tpu.memref_slice %arg11[%add3A_40, %dma_start3A_55] : memref<10240x128xf32, #tpu.memory_space<vmem_shared>> -> memref<128x128xf32, #tpu.memory_space<vmem_shared>>
      tpu.enqueue_dma source(%dma_start3A_56 : memref<128x128xf32, #tpu.memory_space<vmem_shared>>) target(%dma_start3A_54 : memref<128x128xf32, #tpu.memory_space<hbm>>) target_semaphore(%run_scoped3A : memref<!tpu.dma_semaphore, #tpu.memory_space<semaphore_mem>>)
      %dma_wait3A = arith.constant 0 : i32
      %dma_wait3A_57 = tpu.memref_slice %arg6[%arg0, %add3A_40, %dma_wait3A] : memref<2x10240x128xf32, #tpu.memory_space<hbm>> -> memref<1x128x128xf32, #tpu.memory_space<hbm>>
      %dma_wait3A_58 = tpu.memref_squeeze %dma_wait3A_57 : memref<1x128x128xf32, #tpu.memory_space<hbm>> -> memref<128x128xf32, #tpu.memory_space<hbm>>
      %dma_wait3A_59 = arith.constant 0 : i32
      %dma_wait3A_60 = tpu.memref_slice %arg11[%add3A_40, %dma_wait3A_59] : memref<10240x128xf32, #tpu.memory_space<vmem_shared>> -> memref<128x128xf32, #tpu.memory_space<vmem_shared>>
      tpu.wait_dma2 semaphore(%run_scoped3A : memref<!tpu.dma_semaphore, #tpu.memory_space<semaphore_mem>>) src(%dma_wait3A_60 : memref<128x128xf32, #tpu.memory_space<vmem_shared>>) dst(%dma_wait3A_58 : memref<128x128xf32, #tpu.memory_space<hbm>>)
      tpu.yield
    }) : () -> ()
    %mul3A_41 = arith.constant 640 : i32
    %mul3A_42 = arith.muli %arg1, %mul3A_41 : i32
    %add3A_43 = arith.constant 256 : i32
    %add3A_44 = arith.addi %mul3A_42, %add3A_43 : i32
    "tpu.region"() ({
      %run_scoped3A = tpu.sem_alloc : memref<!tpu.dma_semaphore, #tpu.memory_space<semaphore_mem>>
      %dma_start3A = arith.constant 0 : i32
      %dma_start3A_53 = tpu.memref_slice %arg6[%arg0, %add3A_44, %dma_start3A] : memref<2x10240x128xf32, #tpu.memory_space<hbm>> -> memref<1x128x128xf32, #tpu.memory_space<hbm>>
      %dma_start3A_54 = tpu.memref_squeeze %dma_start3A_53 : memref<1x128x128xf32, #tpu.memory_space<hbm>> -> memref<128x128xf32, #tpu.memory_space<hbm>>
      %dma_start3A_55 = arith.constant 0 : i32
      %dma_start3A_56 = tpu.memref_slice %arg11[%add3A_44, %dma_start3A_55] : memref<10240x128xf32, #tpu.memory_space<vmem_shared>> -> memref<128x128xf32, #tpu.memory_space<vmem_shared>>
      tpu.enqueue_dma source(%dma_start3A_56 : memref<128x128xf32, #tpu.memory_space<vmem_shared>>) target(%dma_start3A_54 : memref<128x128xf32, #tpu.memory_space<hbm>>) target_semaphore(%run_scoped3A : memref<!tpu.dma_semaphore, #tpu.memory_space<semaphore_mem>>)
      %dma_wait3A = arith.constant 0 : i32
      %dma_wait3A_57 = tpu.memref_slice %arg6[%arg0, %add3A_44, %dma_wait3A] : memref<2x10240x128xf32, #tpu.memory_space<hbm>> -> memref<1x128x128xf32, #tpu.memory_space<hbm>>
      %dma_wait3A_58 = tpu.memref_squeeze %dma_wait3A_57 : memref<1x128x128xf32, #tpu.memory_space<hbm>> -> memref<128x128xf32, #tpu.memory_space<hbm>>
      %dma_wait3A_59 = arith.constant 0 : i32
      %dma_wait3A_60 = tpu.memref_slice %arg11[%add3A_44, %dma_wait3A_59] : memref<10240x128xf32, #tpu.memory_space<vmem_shared>> -> memref<128x128xf32, #tpu.memory_space<vmem_shared>>
      tpu.wait_dma2 semaphore(%run_scoped3A : memref<!tpu.dma_semaphore, #tpu.memory_space<semaphore_mem>>) src(%dma_wait3A_60 : memref<128x128xf32, #tpu.memory_space<vmem_shared>>) dst(%dma_wait3A_58 : memref<128x128xf32, #tpu.memory_space<hbm>>)
      tpu.yield
    }) : () -> ()
    %mul3A_45 = arith.constant 640 : i32
    %mul3A_46 = arith.muli %arg1, %mul3A_45 : i32
    %add3A_47 = arith.constant 384 : i32
    %add3A_48 = arith.addi %mul3A_46, %add3A_47 : i32
    "tpu.region"() ({
      %run_scoped3A = tpu.sem_alloc : memref<!tpu.dma_semaphore, #tpu.memory_space<semaphore_mem>>
      %dma_start3A = arith.constant 0 : i32
      %dma_start3A_53 = tpu.memref_slice %arg6[%arg0, %add3A_48, %dma_start3A] : memref<2x10240x128xf32, #tpu.memory_space<hbm>> -> memref<1x128x128xf32, #tpu.memory_space<hbm>>
      %dma_start3A_54 = tpu.memref_squeeze %dma_start3A_53 : memref<1x128x128xf32, #tpu.memory_space<hbm>> -> memref<128x128xf32, #tpu.memory_space<hbm>>
      %dma_start3A_55 = arith.constant 0 : i32
      %dma_start3A_56 = tpu.memref_slice %arg11[%add3A_48, %dma_start3A_55] : memref<10240x128xf32, #tpu.memory_space<vmem_shared>> -> memref<128x128xf32, #tpu.memory_space<vmem_shared>>
      tpu.enqueue_dma source(%dma_start3A_56 : memref<128x128xf32, #tpu.memory_space<vmem_shared>>) target(%dma_start3A_54 : memref<128x128xf32, #tpu.memory_space<hbm>>) target_semaphore(%run_scoped3A : memref<!tpu.dma_semaphore, #tpu.memory_space<semaphore_mem>>)
      %dma_wait3A = arith.constant 0 : i32
      %dma_wait3A_57 = tpu.memref_slice %arg6[%arg0, %add3A_48, %dma_wait3A] : memref<2x10240x128xf32, #tpu.memory_space<hbm>> -> memref<1x128x128xf32, #tpu.memory_space<hbm>>
      %dma_wait3A_58 = tpu.memref_squeeze %dma_wait3A_57 : memref<1x128x128xf32, #tpu.memory_space<hbm>> -> memref<128x128xf32, #tpu.memory_space<hbm>>
      %dma_wait3A_59 = arith.constant 0 : i32
      %dma_wait3A_60 = tpu.memref_slice %arg11[%add3A_48, %dma_wait3A_59] : memref<10240x128xf32, #tpu.memory_space<vmem_shared>> -> memref<128x128xf32, #tpu.memory_space<vmem_shared>>
      tpu.wait_dma2 semaphore(%run_scoped3A : memref<!tpu.dma_semaphore, #tpu.memory_space<semaphore_mem>>) src(%dma_wait3A_60 : memref<128x128xf32, #tpu.memory_space<vmem_shared>>) dst(%dma_wait3A_58 : memref<128x128xf32, #tpu.memory_space<hbm>>)
      tpu.yield
    }) : () -> ()
    %mul3A_49 = arith.constant 640 : i32
    %mul3A_50 = arith.muli %arg1, %mul3A_49 : i32
    %add3A_51 = arith.constant 512 : i32
    %add3A_52 = arith.addi %mul3A_50, %add3A_51 : i32
    "tpu.region"() ({
      %run_scoped3A = tpu.sem_alloc : memref<!tpu.dma_semaphore, #tpu.memory_space<semaphore_mem>>
      %dma_start3A = arith.constant 0 : i32
      %dma_start3A_53 = tpu.memref_slice %arg6[%arg0, %add3A_52, %dma_start3A] : memref<2x10240x128xf32, #tpu.memory_space<hbm>> -> memref<1x128x128xf32, #tpu.memory_space<hbm>>
      %dma_start3A_54 = tpu.memref_squeeze %dma_start3A_53 : memref<1x128x128xf32, #tpu.memory_space<hbm>> -> memref<128x128xf32, #tpu.memory_space<hbm>>
      %dma_start3A_55 = arith.constant 0 : i32
      %dma_start3A_56 = tpu.memref_slice %arg11[%add3A_52, %dma_start3A_55] : memref<10240x128xf32, #tpu.memory_space<vmem_shared>> -> memref<128x128xf32, #tpu.memory_space<vmem_shared>>
      tpu.enqueue_dma source(%dma_start3A_56 : memref<128x128xf32, #tpu.memory_space<vmem_shared>>) target(%dma_start3A_54 : memref<128x128xf32, #tpu.memory_space<hbm>>) target_semaphore(%run_scoped3A : memref<!tpu.dma_semaphore, #tpu.memory_space<semaphore_mem>>)
      %dma_wait3A = arith.constant 0 : i32
      %dma_wait3A_57 = tpu.memref_slice %arg6[%arg0, %add3A_52, %dma_wait3A] : memref<2x10240x128xf32, #tpu.memory_space<hbm>> -> memref<1x128x128xf32, #tpu.memory_space<hbm>>
      %dma_wait3A_58 = tpu.memref_squeeze %dma_wait3A_57 : memref<1x128x128xf32, #tpu.memory_space<hbm>> -> memref<128x128xf32, #tpu.memory_space<hbm>>
      %dma_wait3A_59 = arith.constant 0 : i32
      %dma_wait3A_60 = tpu.memref_slice %arg11[%add3A_52, %dma_wait3A_59] : memref<10240x128xf32, #tpu.memory_space<vmem_shared>> -> memref<128x128xf32, #tpu.memory_space<vmem_shared>>
      tpu.wait_dma2 semaphore(%run_scoped3A : memref<!tpu.dma_semaphore, #tpu.memory_space<semaphore_mem>>) src(%dma_wait3A_60 : memref<128x128xf32, #tpu.memory_space<vmem_shared>>) dst(%dma_wait3A_58 : memref<128x128xf32, #tpu.memory_space<hbm>>)
      tpu.yield
    }) : () -> ()
    return
  }
}

module attributes {stable_mosaic.version = 14 : i64} {
  func.func @_pre_tc(%arg0: memref<10000x128xf32, #tpu.memory_space<vmem>>, %arg1: memref<128x128xf32, #tpu.memory_space<vmem>>, %arg2: memref<1x128xf32, #tpu.memory_space<vmem>>, %arg3: memref<128x128xf32, #tpu.memory_space<vmem>>, %arg4: memref<2x10240x128xf32, #tpu.memory_space<vmem>>, %arg5: memref<10000x1xf32, #tpu.memory_space<vmem>>, %arg6: memref<10000x128xf32, #tpu.memory_space<vmem>>) attributes {dimension_semantics = [], scalar_prefetch = 0 : i64, scratch_operands = 0 : i64, tpu.core_type = #tpu.core_type<tc>} {
    %get3A = arith.constant 0 : index
    %get3A_0 = arith.constant 0 : index
    %get3A_1 = arith.constant 0 : index
    %get3A_2 = vector.load %arg4[%get3A, %get3A_0, %get3A_1] : memref<2x10240x128xf32, #tpu.memory_space<vmem>>, vector<1x10000x1xf32>
    %get3A_3 = vector.shape_cast %get3A_2 : vector<1x10000x1xf32> to vector<10000x1xf32>
    %get3A_4 = arith.constant 1 : index
    %get3A_5 = arith.constant 0 : index
    %get3A_6 = arith.constant 0 : index
    %get3A_7 = vector.load %arg4[%get3A_4, %get3A_5, %get3A_6] : memref<2x10240x128xf32, #tpu.memory_space<vmem>>, vector<1x10000x1xf32>
    %get3A_8 = vector.shape_cast %get3A_7 : vector<1x10000x1xf32> to vector<10000x1xf32>
    %add3A = arith.addf %get3A_3, %get3A_8 : vector<10000x1xf32>
    %gt3A = arith.constant 0.000000e+00 : f32
    %gt3A_9 = vector.broadcast %gt3A : f32 to vector<10000x1xf32>
    %gt3A_10 = arith.cmpf ogt, %add3A, %gt3A_9 : vector<10000x1xf32>
    %gt3A_11 = arith.constant 0.000000e+00 : f32
    %gt3A_12 = vector.broadcast %gt3A_11 : f32 to vector<10000x1xf32>
    %gt3A_13 = arith.cmpf ogt, %add3A, %gt3A_12 : vector<10000x1xf32>
    %jit3A = arith.constant 1.000000e+00 : f32
    %broadcast_in_dim3A = vector.broadcast %jit3A : f32 to vector<10000x1xf32>
    %select_n3A = arith.select %gt3A_13, %add3A, %broadcast_in_dim3A : vector<10000x1xi1>, vector<10000x1xf32>
    %rsqrt3A = math.rsqrt %select_n3A : vector<10000x1xf32>
    %jit3A_14 = arith.constant 0.000000e+00 : f32
    %broadcast_in_dim3A_15 = vector.broadcast %jit3A_14 : f32 to vector<10000x1xf32>
    %select_n3A_16 = arith.select %gt3A_10, %rsqrt3A, %broadcast_in_dim3A_15 : vector<10000x1xi1>, vector<10000x1xf32>
    %swap3A = arith.constant 0 : index
    %swap3A_17 = arith.constant 0 : index
    %swap3A_18 = vector.load %arg5[%swap3A, %swap3A_17] : memref<10000x1xf32, #tpu.memory_space<vmem>>, vector<10000x1xf32>
    tpu.vector_store %arg5[%swap3A, %swap3A_17], %select_n3A_16 {strides = array<i32>} : memref<10000x1xf32, #tpu.memory_space<vmem>>, vector<10000x1xf32>,
    %get3A_19 = arith.constant 0 : index
    %get3A_20 = arith.constant 0 : index
    %get3A_21 = vector.load %arg0[%get3A_19, %get3A_20] : memref<10000x128xf32, #tpu.memory_space<vmem>>, vector<10000x128xf32>
    %get3A_22 = arith.constant 0 : index
    %get3A_23 = arith.constant 0 : index
    %get3A_24 = vector.load %arg1[%get3A_22, %get3A_23] : memref<128x128xf32, #tpu.memory_space<vmem>>, vector<128x128xf32>
    %dot_general3A = arith.constant dense<0.000000e+00> : vector<10000x128xf32>
    %dot_general3A_25 = tpu.matmul %get3A_21, %get3A_24, %dot_general3A {dimension_numbers = #tpu.dot_dimension_numbers<[1], [0], [0], [1], [0, 0, 1, 1], [], []>, transpose_lhs_hint = false} : vector<10000x128xf32>, vector<128x128xf32>, vector<10000x128xf32> -> vector<10000x128xf32>
    %get3A_26 = arith.constant 0 : index
    %get3A_27 = arith.constant 0 : index
    %get3A_28 = vector.load %arg2[%get3A_26, %get3A_27] : memref<1x128xf32, #tpu.memory_space<vmem>>, vector<1x128xf32>
    %add3A_29 = vector.broadcast %get3A_28 : vector<1x128xf32> to vector<10000x128xf32>
    %add3A_30 = arith.addf %dot_general3A_25, %add3A_29 : vector<10000x128xf32>
    %get3A_31 = arith.constant 0 : index
    %get3A_32 = arith.constant 0 : index
    %get3A_33 = vector.load %arg3[%get3A_31, %get3A_32] : memref<128x128xf32, #tpu.memory_space<vmem>>, vector<128x128xf32>
    %dot_general3A_34 = arith.constant dense<0.000000e+00> : vector<10000x128xf32>
    %dot_general3A_35 = tpu.matmul %add3A_30, %get3A_33, %dot_general3A_34 {dimension_numbers = #tpu.dot_dimension_numbers<[1], [0], [0], [1], [0, 0, 1, 1], [], []>, transpose_lhs_hint = false} : vector<10000x128xf32>, vector<128x128xf32>, vector<10000x128xf32> -> vector<10000x128xf32>
    %mul3A = vector.broadcast %select_n3A_16 : vector<10000x1xf32> to vector<10000x128xf32>
    %mul3A_36 = arith.mulf %mul3A, %dot_general3A_35 : vector<10000x128xf32>
    %swap3A_37 = arith.constant 0 : index
    %swap3A_38 = arith.constant 0 : index
    %swap3A_39 = vector.load %arg6[%swap3A_37, %swap3A_38] : memref<10000x128xf32, #tpu.memory_space<vmem>>, vector<10000x128xf32>
    tpu.vector_store %arg6[%swap3A_37, %swap3A_38], %mul3A_36 {strides = array<i32>} : memref<10000x128xf32, #tpu.memory_space<vmem>>, vector<10000x128xf32>,
    return
  }
}

module attributes {stable_mosaic.version = 14 : i64} {
  func.func @_layer_tc_body(%arg0: memref<2x10240x128xf32, #tpu.memory_space<vmem>>, %arg1: memref<10000x1xf32, #tpu.memory_space<vmem>>, %arg2: memref<1x10000xi32, #tpu.memory_space<vmem>>, %arg3: memref<1x128xf32, #tpu.memory_space<vmem>>, %arg4: memref<1x128xf32, #tpu.memory_space<vmem>>, %arg5: memref<1x128xf32, #tpu.memory_space<vmem>>, %arg6: memref<1x128xf32, #tpu.memory_space<vmem>>, %arg7: memref<128x128xf32, #tpu.memory_space<vmem>>, %arg8: memref<10000x128xf32, #tpu.memory_space<vmem>>, %arg9: memref<64x128xf32, #tpu.memory_space<vmem>>, %arg10: memref<64x128xf32, #tpu.memory_space<vmem>>, %arg11: memref<64x1xf32, #tpu.memory_space<vmem>>) attributes {dimension_semantics = [], scalar_prefetch = 0 : i64, scratch_operands = 0 : i64, tpu.core_type = #tpu.core_type<tc>} {
    %get3A = arith.constant 0 : index
    %get3A_0 = arith.constant 0 : index
    %get3A_1 = vector.load %arg1[%get3A, %get3A_0] : memref<10000x1xf32, #tpu.memory_space<vmem>>, vector<10000x1xf32>
    %get3A_2 = arith.constant 0 : index
    %get3A_3 = arith.constant 0 : index
    %get3A_4 = arith.constant 0 : index
    %get3A_5 = vector.load %arg0[%get3A_2, %get3A_3, %get3A_4] : memref<2x10240x128xf32, #tpu.memory_space<vmem>>, vector<1x10000x128xf32>
    %get3A_6 = vector.shape_cast %get3A_5 : vector<1x10000x128xf32> to vector<10000x128xf32>
    %get3A_7 = arith.constant 1 : index
    %get3A_8 = arith.constant 0 : index
    %get3A_9 = arith.constant 0 : index
    %get3A_10 = vector.load %arg0[%get3A_7, %get3A_8, %get3A_9] : memref<2x10240x128xf32, #tpu.memory_space<vmem>>, vector<1x10000x128xf32>
    %get3A_11 = vector.shape_cast %get3A_10 : vector<1x10000x128xf32> to vector<10000x128xf32>
    %add3A = arith.addf %get3A_6, %get3A_11 : vector<10000x128xf32>
    %mul3A = vector.broadcast %get3A_1 : vector<10000x1xf32> to vector<10000x128xf32>
    %mul3A_12 = arith.mulf %mul3A, %add3A : vector<10000x128xf32>
    %get3A_13 = arith.constant 0 : index
    %get3A_14 = arith.constant 0 : index
    %get3A_15 = vector.load %arg3[%get3A_13, %get3A_14] : memref<1x128xf32, #tpu.memory_space<vmem>>, vector<1x128xf32>
    %add3A_16 = vector.broadcast %get3A_15 : vector<1x128xf32> to vector<10000x128xf32>
    %add3A_17 = arith.addf %mul3A_12, %add3A_16 : vector<10000x128xf32>
    %get3A_18 = arith.constant 0 : index
    %get3A_19 = arith.constant 0 : index
    %get3A_20 = vector.load %arg2[%get3A_18, %get3A_19] : memref<1x10000xi32, #tpu.memory_space<vmem>>, vector<1x10000xi32>
    %iota3A = tpu.iota {dimensions = array<i32: 0>} : vector<64x10000xi32>
    %eq3A = vector.broadcast %get3A_20 : vector<1x10000xi32> to vector<64x10000xi32>
    %eq3A_21 = arith.cmpi eq, %eq3A, %iota3A : vector<64x10000xi32>
    %convert_element_type3A = arith.extui %eq3A_21 : vector<64x10000xi1> to vector<64x10000xi32>
    %convert_element_type3A_22 = arith.sitofp %convert_element_type3A : vector<64x10000xi32> to vector<64x10000xf32>
    %reduce_sum3A = arith.constant dense<0.000000e+00> : vector<64xf32>
    %reduce_sum3A_23 = vector.multi_reduction <add>, %convert_element_type3A_22, %reduce_sum3A [1] : vector<64x10000xf32> to vector<64xf32>
    %broadcast_in_dim3A = vector.shape_cast %reduce_sum3A_23 : vector<64xf32> to vector<64x1xf32>
    %max3A = arith.constant 1.000000e+00 : f32
    %max3A_24 = vector.broadcast %max3A : f32 to vector<64x1xf32>
    %max3A_25 = arith.maximumf %broadcast_in_dim3A, %max3A_24 : vector<64x1xf32>
    %swap3A = arith.constant 0 : index
    %swap3A_26 = arith.constant 0 : index
    %swap3A_27 = vector.load %arg11[%swap3A, %swap3A_26] : memref<64x1xf32, #tpu.memory_space<vmem>>, vector<64x1xf32>
    tpu.vector_store %arg11[%swap3A, %swap3A_26], %max3A_25 {strides = array<i32>} : memref<64x1xf32, #tpu.memory_space<vmem>>, vector<64x1xf32>,
    %convert_element_type3A_28 = arith.truncf %add3A_17 : vector<10000x128xf32> to vector<10000x128xbf16>
    %convert_element_type3A_29 = arith.extf %convert_element_type3A_28 : vector<10000x128xbf16> to vector<10000x128xf32>
    %sub3A = arith.subf %add3A_17, %convert_element_type3A_29 : vector<10000x128xf32>
    %convert_element_type3A_30 = arith.truncf %sub3A : vector<10000x128xf32> to vector<10000x128xbf16>
    %convert_element_type3A_31 = arith.extf %convert_element_type3A_30 : vector<10000x128xbf16> to vector<10000x128xf32>
    %sub3A_32 = arith.subf %sub3A, %convert_element_type3A_31 : vector<10000x128xf32>
    %convert_element_type3A_33 = arith.truncf %sub3A_32 : vector<10000x128xf32> to vector<10000x128xbf16>
    %convert_element_type3A_34 = arith.extf %convert_element_type3A_33 : vector<10000x128xbf16> to vector<10000x128xf32>
    %dot_general3A = arith.constant dense<0.000000e+00> : vector<64x128xf32>
    %dot_general3A_35 = tpu.matmul %convert_element_type3A_22, %convert_element_type3A_29, %dot_general3A {dimension_numbers = #tpu.dot_dimension_numbers<[1], [0], [0], [1], [0, 0, 1, 1], [], []>, transpose_lhs_hint = false} : vector<64x10000xf32>, vector<10000x128xf32>, vector<64x128xf32> -> vector<64x128xf32>
    %dot_general3A_36 = arith.constant dense<0.000000e+00> : vector<64x128xf32>
    %dot_general3A_37 = tpu.matmul %convert_element_type3A_22, %convert_element_type3A_31, %dot_general3A_36 {dimension_numbers = #tpu.dot_dimension_numbers<[1], [0], [0], [1], [0, 0, 1, 1], [], []>, transpose_lhs_hint = false} : vector<64x10000xf32>, vector<10000x128xf32>, vector<64x128xf32> -> vector<64x128xf32>
    %add3A_38 = arith.addf %dot_general3A_35, %dot_general3A_37 : vector<64x128xf32>
    %dot_general3A_39 = arith.constant dense<0.000000e+00> : vector<64x128xf32>
    %dot_general3A_40 = tpu.matmul %convert_element_type3A_22, %convert_element_type3A_34, %dot_general3A_39 {dimension_numbers = #tpu.dot_dimension_numbers<[1], [0], [0], [1], [0, 0, 1, 1], [], []>, transpose_lhs_hint = false} : vector<64x10000xf32>, vector<10000x128xf32>, vector<64x128xf32> -> vector<64x128xf32>
    %add3A_41 = arith.addf %add3A_38, %dot_general3A_40 : vector<64x128xf32>
    %div3A = vector.broadcast %max3A_25 : vector<64x1xf32> to vector<64x128xf32>
    %div3A_42 = arith.divf %add3A_41, %div3A : vector<64x128xf32>
    %convert_element_type3A_43 = arith.truncf %div3A_42 : vector<64x128xf32> to vector<64x128xbf16>
    %convert_element_type3A_44 = arith.extf %convert_element_type3A_43 : vector<64x128xbf16> to vector<64x128xf32>
    %sub3A_45 = arith.subf %div3A_42, %convert_element_type3A_44 : vector<64x128xf32>
    %convert_element_type3A_46 = arith.truncf %sub3A_45 : vector<64x128xf32> to vector<64x128xbf16>
    %convert_element_type3A_47 = arith.extf %convert_element_type3A_46 : vector<64x128xbf16> to vector<64x128xf32>
    %sub3A_48 = arith.subf %sub3A_45, %convert_element_type3A_47 : vector<64x128xf32>
    %convert_element_type3A_49 = arith.truncf %sub3A_48 : vector<64x128xf32> to vector<64x128xbf16>
    %convert_element_type3A_50 = arith.extf %convert_element_type3A_49 : vector<64x128xbf16> to vector<64x128xf32>
    %dot_general3A_51 = arith.constant dense<0.000000e+00> : vector<10000x128xf32>
    %dot_general3A_52 = tpu.matmul %convert_element_type3A_22, %convert_element_type3A_44, %dot_general3A_51 {dimension_numbers = #tpu.dot_dimension_numbers<[0], [0], [1], [1], [0, 1, 1, 1], [], []>, transpose_lhs_hint = false} : vector<64x10000xf32>, vector<64x128xf32>, vector<10000x128xf32> -> vector<10000x128xf32>
    %dot_general3A_53 = arith.constant dense<0.000000e+00> : vector<10000x128xf32>
    %dot_general3A_54 = tpu.matmul %convert_element_type3A_22, %convert_element_type3A_47, %dot_general3A_53 {dimension_numbers = #tpu.dot_dimension_numbers<[0], [0], [1], [1], [0, 1, 1, 1], [], []>, transpose_lhs_hint = false} : vector<64x10000xf32>, vector<64x128xf32>, vector<10000x128xf32> -> vector<10000x128xf32>
    %add3A_55 = arith.addf %dot_general3A_52, %dot_general3A_54 : vector<10000x128xf32>
    %dot_general3A_56 = arith.constant dense<0.000000e+00> : vector<10000x128xf32>
    %dot_general3A_57 = tpu.matmul %convert_element_type3A_22, %convert_element_type3A_50, %dot_general3A_56 {dimension_numbers = #tpu.dot_dimension_numbers<[0], [0], [1], [1], [0, 1, 1, 1], [], []>, transpose_lhs_hint = false} : vector<64x10000xf32>, vector<64x128xf32>, vector<10000x128xf32> -> vector<10000x128xf32>
    %add3A_58 = arith.addf %add3A_55, %dot_general3A_57 : vector<10000x128xf32>
    %get3A_59 = arith.constant 0 : index
    %get3A_60 = arith.constant 0 : index
    %get3A_61 = vector.load %arg6[%get3A_59, %get3A_60] : memref<1x128xf32, #tpu.memory_space<vmem>>, vector<1x128xf32>
    %mul3A_62 = vector.broadcast %get3A_61 : vector<1x128xf32> to vector<10000x128xf32>
    %mul3A_63 = arith.mulf %add3A_58, %mul3A_62 : vector<10000x128xf32>
    %sub3A_64 = arith.subf %add3A_17, %mul3A_63 : vector<10000x128xf32>
    %mul3A_65 = arith.mulf %sub3A_64, %sub3A_64 : vector<10000x128xf32>
    %convert_element_type3A_66 = arith.truncf %mul3A_65 : vector<10000x128xf32> to vector<10000x128xbf16>
    %convert_element_type3A_67 = arith.extf %convert_element_type3A_66 : vector<10000x128xbf16> to vector<10000x128xf32>
    %sub3A_68 = arith.subf %mul3A_65, %convert_element_type3A_67 : vector<10000x128xf32>
    %convert_element_type3A_69 = arith.truncf %sub3A_68 : vector<10000x128xf32> to vector<10000x128xbf16>
    %convert_element_type3A_70 = arith.extf %convert_element_type3A_69 : vector<10000x128xbf16> to vector<10000x128xf32>
    %sub3A_71 = arith.subf %sub3A_68, %convert_element_type3A_70 : vector<10000x128xf32>
    %convert_element_type3A_72 = arith.truncf %sub3A_71 : vector<10000x128xf32> to vector<10000x128xbf16>
    %convert_element_type3A_73 = arith.extf %convert_element_type3A_72 : vector<10000x128xbf16> to vector<10000x128xf32>
    %dot_general3A_74 = arith.constant dense<0.000000e+00> : vector<64x128xf32>
    %dot_general3A_75 = tpu.matmul %convert_element_type3A_22, %convert_element_type3A_67, %dot_general3A_74 {dimension_numbers = #tpu.dot_dimension_numbers<[1], [0], [0], [1], [0, 0, 1, 1], [], []>, transpose_lhs_hint = false} : vector<64x10000xf32>, vector<10000x128xf32>, vector<64x128xf32> -> vector<64x128xf32>
    %dot_general3A_76 = arith.constant dense<0.000000e+00> : vector<64x128xf32>
    %dot_general3A_77 = tpu.matmul %convert_element_type3A_22, %convert_element_type3A_70, %dot_general3A_76 {dimension_numbers = #tpu.dot_dimension_numbers<[1], [0], [0], [1], [0, 0, 1, 1], [], []>, transpose_lhs_hint = false} : vector<64x10000xf32>, vector<10000x128xf32>, vector<64x128xf32> -> vector<64x128xf32>
    %add3A_78 = arith.addf %dot_general3A_75, %dot_general3A_77 : vector<64x128xf32>
    %dot_general3A_79 = arith.constant dense<0.000000e+00> : vector<64x128xf32>
    %dot_general3A_80 = tpu.matmul %convert_element_type3A_22, %convert_element_type3A_73, %dot_general3A_79 {dimension_numbers = #tpu.dot_dimension_numbers<[1], [0], [0], [1], [0, 0, 1, 1], [], []>, transpose_lhs_hint = false} : vector<64x10000xf32>, vector<10000x128xf32>, vector<64x128xf32> -> vector<64x128xf32>
    %add3A_81 = arith.addf %add3A_78, %dot_general3A_80 : vector<64x128xf32>
    %div3A_82 = vector.broadcast %max3A_25 : vector<64x1xf32> to vector<64x128xf32>
    %div3A_83 = arith.divf %add3A_81, %div3A_82 : vector<64x128xf32>
    %add3A_84 = arith.constant 9.99999974E-6 : f32
    %add3A_85 = vector.broadcast %add3A_84 : f32 to vector<64x128xf32>
    %add3A_86 = arith.addf %div3A_83, %add3A_85 : vector<64x128xf32>
    %rsqrt3A = math.rsqrt %add3A_86 : vector<64x128xf32>
    %convert_element_type3A_87 = arith.truncf %rsqrt3A : vector<64x128xf32> to vector<64x128xbf16>
    %convert_element_type3A_88 = arith.extf %convert_element_type3A_87 : vector<64x128xbf16> to vector<64x128xf32>
    %sub3A_89 = arith.subf %rsqrt3A, %convert_element_type3A_88 : vector<64x128xf32>
    %convert_element_type3A_90 = arith.truncf %sub3A_89 : vector<64x128xf32> to vector<64x128xbf16>
    %convert_element_type3A_91 = arith.extf %convert_element_type3A_90 : vector<64x128xbf16> to vector<64x128xf32>
    %sub3A_92 = arith.subf %sub3A_89, %convert_element_type3A_91 : vector<64x128xf32>
    %convert_element_type3A_93 = arith.truncf %sub3A_92 : vector<64x128xf32> to vector<64x128xbf16>
    %convert_element_type3A_94 = arith.extf %convert_element_type3A_93 : vector<64x128xbf16> to vector<64x128xf32>
    %dot_general3A_95 = arith.constant dense<0.000000e+00> : vector<10000x128xf32>
    %dot_general3A_96 = tpu.matmul %convert_element_type3A_22, %convert_element_type3A_88, %dot_general3A_95 {dimension_numbers = #tpu.dot_dimension_numbers<[0], [0], [1], [1], [0, 1, 1, 1], [], []>, transpose_lhs_hint = false} : vector<64x10000xf32>, vector<64x128xf32>, vector<10000x128xf32> -> vector<10000x128xf32>
    %dot_general3A_97 = arith.constant dense<0.000000e+00> : vector<10000x128xf32>
    %dot_general3A_98 = tpu.matmul %convert_element_type3A_22, %convert_element_type3A_91, %dot_general3A_97 {dimension_numbers = #tpu.dot_dimension_numbers<[0], [0], [1], [1], [0, 1, 1, 1], [], []>, transpose_lhs_hint = false} : vector<64x10000xf32>, vector<64x128xf32>, vector<10000x128xf32> -> vector<10000x128xf32>
    %add3A_99 = arith.addf %dot_general3A_96, %dot_general3A_98 : vector<10000x128xf32>
    %dot_general3A_100 = arith.constant dense<0.000000e+00> : vector<10000x128xf32>
    %dot_general3A_101 = tpu.matmul %convert_element_type3A_22, %convert_element_type3A_94, %dot_general3A_100 {dimension_numbers = #tpu.dot_dimension_numbers<[0], [0], [1], [1], [0, 1, 1, 1], [], []>, transpose_lhs_hint = false} : vector<64x10000xf32>, vector<64x128xf32>, vector<10000x128xf32> -> vector<10000x128xf32>
    %add3A_102 = arith.addf %add3A_99, %dot_general3A_101 : vector<10000x128xf32>
    %mul3A_103 = arith.mulf %sub3A_64, %add3A_102 : vector<10000x128xf32>
    %get3A_104 = arith.constant 0 : index
    %get3A_105 = arith.constant 0 : index
    %get3A_106 = vector.load %arg4[%get3A_104, %get3A_105] : memref<1x128xf32, #tpu.memory_space<vmem>>, vector<1x128xf32>
    %mul3A_107 = vector.broadcast %get3A_106 : vector<1x128xf32> to vector<10000x128xf32>
    %mul3A_108 = arith.mulf %mul3A_103, %mul3A_107 : vector<10000x128xf32>
    %get3A_109 = arith.constant 0 : index
    %get3A_110 = arith.constant 0 : index
    %get3A_111 = vector.load %arg5[%get3A_109, %get3A_110] : memref<1x128xf32, #tpu.memory_space<vmem>>, vector<1x128xf32>
    %add3A_112 = vector.broadcast %get3A_111 : vector<1x128xf32> to vector<10000x128xf32>
    %add3A_113 = arith.addf %mul3A_108, %add3A_112 : vector<10000x128xf32>
    %ge3A = arith.constant 0.000000e+00 : f32
    %ge3A_114 = vector.broadcast %ge3A : f32 to vector<10000x128xf32>
    %ge3A_115 = arith.cmpf oge, %add3A_113, %ge3A_114 : vector<10000x128xf32>
    %mul3A_116 = arith.constant 1.000000e-01 : f32
    %mul3A_117 = vector.broadcast %mul3A_116 : f32 to vector<10000x128xf32>
    %mul3A_118 = arith.mulf %mul3A_117, %add3A_113 : vector<10000x128xf32>
    %select_n3A = arith.select %ge3A_115, %add3A_113, %mul3A_118 : vector<10000x128xi1>, vector<10000x128xf32>
    %convert_element_type3A_119 = arith.truncf %select_n3A : vector<10000x128xf32> to vector<10000x128xbf16>
    %convert_element_type3A_120 = arith.extf %convert_element_type3A_119 : vector<10000x128xbf16> to vector<10000x128xf32>
    %sub3A_121 = arith.subf %select_n3A, %convert_element_type3A_120 : vector<10000x128xf32>
    %convert_element_type3A_122 = arith.truncf %sub3A_121 : vector<10000x128xf32> to vector<10000x128xbf16>
    %convert_element_type3A_123 = arith.extf %convert_element_type3A_122 : vector<10000x128xbf16> to vector<10000x128xf32>
    %sub3A_124 = arith.subf %sub3A_121, %convert_element_type3A_123 : vector<10000x128xf32>
    %convert_element_type3A_125 = arith.truncf %sub3A_124 : vector<10000x128xf32> to vector<10000x128xbf16>
    %convert_element_type3A_126 = arith.extf %convert_element_type3A_125 : vector<10000x128xbf16> to vector<10000x128xf32>
    %dot_general3A_127 = arith.constant dense<0.000000e+00> : vector<64x128xf32>
    %dot_general3A_128 = tpu.matmul %convert_element_type3A_22, %convert_element_type3A_120, %dot_general3A_127 {dimension_numbers = #tpu.dot_dimension_numbers<[1], [0], [0], [1], [0, 0, 1, 1], [], []>, transpose_lhs_hint = false} : vector<64x10000xf32>, vector<10000x128xf32>, vector<64x128xf32> -> vector<64x128xf32>
    %dot_general3A_129 = arith.constant dense<0.000000e+00> : vector<64x128xf32>
    %dot_general3A_130 = tpu.matmul %convert_element_type3A_22, %convert_element_type3A_123, %dot_general3A_129 {dimension_numbers = #tpu.dot_dimension_numbers<[1], [0], [0], [1], [0, 0, 1, 1], [], []>, transpose_lhs_hint = false} : vector<64x10000xf32>, vector<10000x128xf32>, vector<64x128xf32> -> vector<64x128xf32>
    %add3A_131 = arith.addf %dot_general3A_128, %dot_general3A_130 : vector<64x128xf32>
    %dot_general3A_132 = arith.constant dense<0.000000e+00> : vector<64x128xf32>
    %dot_general3A_133 = tpu.matmul %convert_element_type3A_22, %convert_element_type3A_126, %dot_general3A_132 {dimension_numbers = #tpu.dot_dimension_numbers<[1], [0], [0], [1], [0, 0, 1, 1], [], []>, transpose_lhs_hint = false} : vector<64x10000xf32>, vector<10000x128xf32>, vector<64x128xf32> -> vector<64x128xf32>
    %add3A_134 = arith.addf %add3A_131, %dot_general3A_133 : vector<64x128xf32>
    %swap3A_135 = arith.constant 0 : index
    %swap3A_136 = arith.constant 0 : index
    %swap3A_137 = vector.load %arg9[%swap3A_135, %swap3A_136] : memref<64x128xf32, #tpu.memory_space<vmem>>, vector<64x128xf32>
    tpu.vector_store %arg9[%swap3A_135, %swap3A_136], %add3A_134 {strides = array<i32>} : memref<64x128xf32, #tpu.memory_space<vmem>>, vector<64x128xf32>,
    %reshape3A = vector.shape_cast %get3A_20 : vector<1x10000xi32> to vector<10000x1xi32>
    %scan3A = arith.constant 0xFF800000 : f32
    %scan3A_138 = arith.constant 0 : i32
    %scan3A_139 = arith.constant 64 : i32
    %scan3A_140 = arith.addi %scan3A_138, %scan3A_139 : i32
    %scan3A_141 = arith.constant 1 : i32
    scf.for %scan3A_153 = %scan3A_138 to %scan3A_140 step %scan3A_141  : i32 {
      %eq3A_154 = vector.broadcast %scan3A_153 : i32 to vector<10000x1xi32>
      %eq3A_155 = arith.cmpi eq, %reshape3A, %eq3A_154 : vector<10000x1xi32>
      %broadcast_in_dim3A_156 = vector.shape_cast %eq3A_155 : vector<10000x1xi1> to vector<10000x1xi1>
      %broadcast_in_dim3A_157 = vector.broadcast %broadcast_in_dim3A_156 : vector<10000x1xi1> to vector<10000x128xi1>
      %broadcast_in_dim3A_158 = vector.broadcast %scan3A : f32 to vector<10000x128xf32>
      %select_n3A_159 = arith.select %broadcast_in_dim3A_157, %select_n3A, %broadcast_in_dim3A_158 : vector<10000x128xi1>, vector<10000x128xf32>
      %reduce_max3A = arith.constant dense<0xFF800000> : vector<128xf32>
      %reduce_max3A_160 = vector.multi_reduction <maximumf>, %select_n3A_159, %reduce_max3A [0] : vector<10000x128xf32> to vector<128xf32>
      %broadcast_in_dim3A_161 = vector.shape_cast %reduce_max3A_160 : vector<128xf32> to vector<1x128xf32>
      %swap3A_162 = arith.index_cast %scan3A_153 : i32 to index
      %swap3A_163 = arith.constant 0 : index
      %swap3A_164 = vector.load %arg10[%swap3A_162, %swap3A_163] : memref<64x128xf32, #tpu.memory_space<vmem>>, vector<1x128xf32>
      tpu.vector_store %arg10[%swap3A_162, %swap3A_163], %broadcast_in_dim3A_161 {strides = array<i32>} : memref<64x128xf32, #tpu.memory_space<vmem>>, vector<1x128xf32>,
    }
    %scan3A_142 = arith.constant 64 : i32
    %get3A_143 = arith.constant 0 : index
    %get3A_144 = arith.constant 0 : index
    %get3A_145 = vector.load %arg7[%get3A_143, %get3A_144] : memref<128x128xf32, #tpu.memory_space<vmem>>, vector<128x128xf32>
    %dot_general3A_146 = arith.constant dense<0.000000e+00> : vector<10000x128xf32>
    %dot_general3A_147 = tpu.matmul %select_n3A, %get3A_145, %dot_general3A_146 {dimension_numbers = #tpu.dot_dimension_numbers<[1], [0], [0], [1], [0, 0, 1, 1], [], []>, transpose_lhs_hint = false} : vector<10000x128xf32>, vector<128x128xf32>, vector<10000x128xf32> -> vector<10000x128xf32>
    %mul3A_148 = vector.broadcast %get3A_1 : vector<10000x1xf32> to vector<10000x128xf32>
    %mul3A_149 = arith.mulf %mul3A_148, %dot_general3A_147 : vector<10000x128xf32>
    %swap3A_150 = arith.constant 0 : index
    %swap3A_151 = arith.constant 0 : index
    %swap3A_152 = vector.load %arg8[%swap3A_150, %swap3A_151] : memref<10000x128xf32, #tpu.memory_space<vmem>>, vector<10000x128xf32>
    tpu.vector_store %arg8[%swap3A_150, %swap3A_151], %mul3A_149 {strides = array<i32>} : memref<10000x128xf32, #tpu.memory_space<vmem>>, vector<10000x128xf32>,
    return
  }
}

module attributes {stable_mosaic.version = 14 : i64} {
  func.func @_layer_tc_body(%arg0: memref<2x10240x128xf32, #tpu.memory_space<vmem>>, %arg1: memref<10000x1xf32, #tpu.memory_space<vmem>>, %arg2: memref<1x10000xi32, #tpu.memory_space<vmem>>, %arg3: memref<1x128xf32, #tpu.memory_space<vmem>>, %arg4: memref<1x128xf32, #tpu.memory_space<vmem>>, %arg5: memref<1x128xf32, #tpu.memory_space<vmem>>, %arg6: memref<1x128xf32, #tpu.memory_space<vmem>>, %arg7: memref<128x128xf32, #tpu.memory_space<vmem>>, %arg8: memref<10000x128xf32, #tpu.memory_space<vmem>>, %arg9: memref<64x128xf32, #tpu.memory_space<vmem>>, %arg10: memref<64x128xf32, #tpu.memory_space<vmem>>, %arg11: memref<64x1xf32, #tpu.memory_space<vmem>>) attributes {dimension_semantics = [], scalar_prefetch = 0 : i64, scratch_operands = 0 : i64, tpu.core_type = #tpu.core_type<tc>} {
    %get3A = arith.constant 0 : index
    %get3A_0 = arith.constant 0 : index
    %get3A_1 = vector.load %arg1[%get3A, %get3A_0] : memref<10000x1xf32, #tpu.memory_space<vmem>>, vector<10000x1xf32>
    %get3A_2 = arith.constant 0 : index
    %get3A_3 = arith.constant 0 : index
    %get3A_4 = arith.constant 0 : index
    %get3A_5 = vector.load %arg0[%get3A_2, %get3A_3, %get3A_4] : memref<2x10240x128xf32, #tpu.memory_space<vmem>>, vector<1x10000x128xf32>
    %get3A_6 = vector.shape_cast %get3A_5 : vector<1x10000x128xf32> to vector<10000x128xf32>
    %get3A_7 = arith.constant 1 : index
    %get3A_8 = arith.constant 0 : index
    %get3A_9 = arith.constant 0 : index
    %get3A_10 = vector.load %arg0[%get3A_7, %get3A_8, %get3A_9] : memref<2x10240x128xf32, #tpu.memory_space<vmem>>, vector<1x10000x128xf32>
    %get3A_11 = vector.shape_cast %get3A_10 : vector<1x10000x128xf32> to vector<10000x128xf32>
    %add3A = arith.addf %get3A_6, %get3A_11 : vector<10000x128xf32>
    %mul3A = vector.broadcast %get3A_1 : vector<10000x1xf32> to vector<10000x128xf32>
    %mul3A_12 = arith.mulf %mul3A, %add3A : vector<10000x128xf32>
    %get3A_13 = arith.constant 0 : index
    %get3A_14 = arith.constant 0 : index
    %get3A_15 = vector.load %arg3[%get3A_13, %get3A_14] : memref<1x128xf32, #tpu.memory_space<vmem>>, vector<1x128xf32>
    %add3A_16 = vector.broadcast %get3A_15 : vector<1x128xf32> to vector<10000x128xf32>
    %add3A_17 = arith.addf %mul3A_12, %add3A_16 : vector<10000x128xf32>
    %get3A_18 = arith.constant 0 : index
    %get3A_19 = arith.constant 0 : index
    %get3A_20 = vector.load %arg2[%get3A_18, %get3A_19] : memref<1x10000xi32, #tpu.memory_space<vmem>>, vector<1x10000xi32>
    %iota3A = tpu.iota {dimensions = array<i32: 0>} : vector<64x10000xi32>
    %eq3A = vector.broadcast %get3A_20 : vector<1x10000xi32> to vector<64x10000xi32>
    %eq3A_21 = arith.cmpi eq, %eq3A, %iota3A : vector<64x10000xi32>
    %convert_element_type3A = arith.extui %eq3A_21 : vector<64x10000xi1> to vector<64x10000xi32>
    %convert_element_type3A_22 = arith.sitofp %convert_element_type3A : vector<64x10000xi32> to vector<64x10000xf32>
    %reduce_sum3A = arith.constant dense<0.000000e+00> : vector<64xf32>
    %reduce_sum3A_23 = vector.multi_reduction <add>, %convert_element_type3A_22, %reduce_sum3A [1] : vector<64x10000xf32> to vector<64xf32>
    %broadcast_in_dim3A = vector.shape_cast %reduce_sum3A_23 : vector<64xf32> to vector<64x1xf32>
    %max3A = arith.constant 1.000000e+00 : f32
    %max3A_24 = vector.broadcast %max3A : f32 to vector<64x1xf32>
    %max3A_25 = arith.maximumf %broadcast_in_dim3A, %max3A_24 : vector<64x1xf32>
    %swap3A = arith.constant 0 : index
    %swap3A_26 = arith.constant 0 : index
    %swap3A_27 = vector.load %arg11[%swap3A, %swap3A_26] : memref<64x1xf32, #tpu.memory_space<vmem>>, vector<64x1xf32>
    tpu.vector_store %arg11[%swap3A, %swap3A_26], %max3A_25 {strides = array<i32>} : memref<64x1xf32, #tpu.memory_space<vmem>>, vector<64x1xf32>,
    %convert_element_type3A_28 = arith.truncf %add3A_17 : vector<10000x128xf32> to vector<10000x128xbf16>
    %convert_element_type3A_29 = arith.extf %convert_element_type3A_28 : vector<10000x128xbf16> to vector<10000x128xf32>
    %sub3A = arith.subf %add3A_17, %convert_element_type3A_29 : vector<10000x128xf32>
    %convert_element_type3A_30 = arith.truncf %sub3A : vector<10000x128xf32> to vector<10000x128xbf16>
    %convert_element_type3A_31 = arith.extf %convert_element_type3A_30 : vector<10000x128xbf16> to vector<10000x128xf32>
    %sub3A_32 = arith.subf %sub3A, %convert_element_type3A_31 : vector<10000x128xf32>
    %convert_element_type3A_33 = arith.truncf %sub3A_32 : vector<10000x128xf32> to vector<10000x128xbf16>
    %convert_element_type3A_34 = arith.extf %convert_element_type3A_33 : vector<10000x128xbf16> to vector<10000x128xf32>
    %dot_general3A = arith.constant dense<0.000000e+00> : vector<64x128xf32>
    %dot_general3A_35 = tpu.matmul %convert_element_type3A_22, %convert_element_type3A_29, %dot_general3A {dimension_numbers = #tpu.dot_dimension_numbers<[1], [0], [0], [1], [0, 0, 1, 1], [], []>, transpose_lhs_hint = false} : vector<64x10000xf32>, vector<10000x128xf32>, vector<64x128xf32> -> vector<64x128xf32>
    %dot_general3A_36 = arith.constant dense<0.000000e+00> : vector<64x128xf32>
    %dot_general3A_37 = tpu.matmul %convert_element_type3A_22, %convert_element_type3A_31, %dot_general3A_36 {dimension_numbers = #tpu.dot_dimension_numbers<[1], [0], [0], [1], [0, 0, 1, 1], [], []>, transpose_lhs_hint = false} : vector<64x10000xf32>, vector<10000x128xf32>, vector<64x128xf32> -> vector<64x128xf32>
    %add3A_38 = arith.addf %dot_general3A_35, %dot_general3A_37 : vector<64x128xf32>
    %dot_general3A_39 = arith.constant dense<0.000000e+00> : vector<64x128xf32>
    %dot_general3A_40 = tpu.matmul %convert_element_type3A_22, %convert_element_type3A_34, %dot_general3A_39 {dimension_numbers = #tpu.dot_dimension_numbers<[1], [0], [0], [1], [0, 0, 1, 1], [], []>, transpose_lhs_hint = false} : vector<64x10000xf32>, vector<10000x128xf32>, vector<64x128xf32> -> vector<64x128xf32>
    %add3A_41 = arith.addf %add3A_38, %dot_general3A_40 : vector<64x128xf32>
    %div3A = vector.broadcast %max3A_25 : vector<64x1xf32> to vector<64x128xf32>
    %div3A_42 = arith.divf %add3A_41, %div3A : vector<64x128xf32>
    %convert_element_type3A_43 = arith.truncf %div3A_42 : vector<64x128xf32> to vector<64x128xbf16>
    %convert_element_type3A_44 = arith.extf %convert_element_type3A_43 : vector<64x128xbf16> to vector<64x128xf32>
    %sub3A_45 = arith.subf %div3A_42, %convert_element_type3A_44 : vector<64x128xf32>
    %convert_element_type3A_46 = arith.truncf %sub3A_45 : vector<64x128xf32> to vector<64x128xbf16>
    %convert_element_type3A_47 = arith.extf %convert_element_type3A_46 : vector<64x128xbf16> to vector<64x128xf32>
    %sub3A_48 = arith.subf %sub3A_45, %convert_element_type3A_47 : vector<64x128xf32>
    %convert_element_type3A_49 = arith.truncf %sub3A_48 : vector<64x128xf32> to vector<64x128xbf16>
    %convert_element_type3A_50 = arith.extf %convert_element_type3A_49 : vector<64x128xbf16> to vector<64x128xf32>
    %dot_general3A_51 = arith.constant dense<0.000000e+00> : vector<10000x128xf32>
    %dot_general3A_52 = tpu.matmul %convert_element_type3A_22, %convert_element_type3A_44, %dot_general3A_51 {dimension_numbers = #tpu.dot_dimension_numbers<[0], [0], [1], [1], [0, 1, 1, 1], [], []>, transpose_lhs_hint = false} : vector<64x10000xf32>, vector<64x128xf32>, vector<10000x128xf32> -> vector<10000x128xf32>
    %dot_general3A_53 = arith.constant dense<0.000000e+00> : vector<10000x128xf32>
    %dot_general3A_54 = tpu.matmul %convert_element_type3A_22, %convert_element_type3A_47, %dot_general3A_53 {dimension_numbers = #tpu.dot_dimension_numbers<[0], [0], [1], [1], [0, 1, 1, 1], [], []>, transpose_lhs_hint = false} : vector<64x10000xf32>, vector<64x128xf32>, vector<10000x128xf32> -> vector<10000x128xf32>
    %add3A_55 = arith.addf %dot_general3A_52, %dot_general3A_54 : vector<10000x128xf32>
    %dot_general3A_56 = arith.constant dense<0.000000e+00> : vector<10000x128xf32>
    %dot_general3A_57 = tpu.matmul %convert_element_type3A_22, %convert_element_type3A_50, %dot_general3A_56 {dimension_numbers = #tpu.dot_dimension_numbers<[0], [0], [1], [1], [0, 1, 1, 1], [], []>, transpose_lhs_hint = false} : vector<64x10000xf32>, vector<64x128xf32>, vector<10000x128xf32> -> vector<10000x128xf32>
    %add3A_58 = arith.addf %add3A_55, %dot_general3A_57 : vector<10000x128xf32>
    %get3A_59 = arith.constant 0 : index
    %get3A_60 = arith.constant 0 : index
    %get3A_61 = vector.load %arg6[%get3A_59, %get3A_60] : memref<1x128xf32, #tpu.memory_space<vmem>>, vector<1x128xf32>
    %mul3A_62 = vector.broadcast %get3A_61 : vector<1x128xf32> to vector<10000x128xf32>
    %mul3A_63 = arith.mulf %add3A_58, %mul3A_62 : vector<10000x128xf32>
    %sub3A_64 = arith.subf %add3A_17, %mul3A_63 : vector<10000x128xf32>
    %mul3A_65 = arith.mulf %sub3A_64, %sub3A_64 : vector<10000x128xf32>
    %convert_element_type3A_66 = arith.truncf %mul3A_65 : vector<10000x128xf32> to vector<10000x128xbf16>
    %convert_element_type3A_67 = arith.extf %convert_element_type3A_66 : vector<10000x128xbf16> to vector<10000x128xf32>
    %sub3A_68 = arith.subf %mul3A_65, %convert_element_type3A_67 : vector<10000x128xf32>
    %convert_element_type3A_69 = arith.truncf %sub3A_68 : vector<10000x128xf32> to vector<10000x128xbf16>
    %convert_element_type3A_70 = arith.extf %convert_element_type3A_69 : vector<10000x128xbf16> to vector<10000x128xf32>
    %sub3A_71 = arith.subf %sub3A_68, %convert_element_type3A_70 : vector<10000x128xf32>
    %convert_element_type3A_72 = arith.truncf %sub3A_71 : vector<10000x128xf32> to vector<10000x128xbf16>
    %convert_element_type3A_73 = arith.extf %convert_element_type3A_72 : vector<10000x128xbf16> to vector<10000x128xf32>
    %dot_general3A_74 = arith.constant dense<0.000000e+00> : vector<64x128xf32>
    %dot_general3A_75 = tpu.matmul %convert_element_type3A_22, %convert_element_type3A_67, %dot_general3A_74 {dimension_numbers = #tpu.dot_dimension_numbers<[1], [0], [0], [1], [0, 0, 1, 1], [], []>, transpose_lhs_hint = false} : vector<64x10000xf32>, vector<10000x128xf32>, vector<64x128xf32> -> vector<64x128xf32>
    %dot_general3A_76 = arith.constant dense<0.000000e+00> : vector<64x128xf32>
    %dot_general3A_77 = tpu.matmul %convert_element_type3A_22, %convert_element_type3A_70, %dot_general3A_76 {dimension_numbers = #tpu.dot_dimension_numbers<[1], [0], [0], [1], [0, 0, 1, 1], [], []>, transpose_lhs_hint = false} : vector<64x10000xf32>, vector<10000x128xf32>, vector<64x128xf32> -> vector<64x128xf32>
    %add3A_78 = arith.addf %dot_general3A_75, %dot_general3A_77 : vector<64x128xf32>
    %dot_general3A_79 = arith.constant dense<0.000000e+00> : vector<64x128xf32>
    %dot_general3A_80 = tpu.matmul %convert_element_type3A_22, %convert_element_type3A_73, %dot_general3A_79 {dimension_numbers = #tpu.dot_dimension_numbers<[1], [0], [0], [1], [0, 0, 1, 1], [], []>, transpose_lhs_hint = false} : vector<64x10000xf32>, vector<10000x128xf32>, vector<64x128xf32> -> vector<64x128xf32>
    %add3A_81 = arith.addf %add3A_78, %dot_general3A_80 : vector<64x128xf32>
    %div3A_82 = vector.broadcast %max3A_25 : vector<64x1xf32> to vector<64x128xf32>
    %div3A_83 = arith.divf %add3A_81, %div3A_82 : vector<64x128xf32>
    %add3A_84 = arith.constant 9.99999974E-6 : f32
    %add3A_85 = vector.broadcast %add3A_84 : f32 to vector<64x128xf32>
    %add3A_86 = arith.addf %div3A_83, %add3A_85 : vector<64x128xf32>
    %rsqrt3A = math.rsqrt %add3A_86 : vector<64x128xf32>
    %convert_element_type3A_87 = arith.truncf %rsqrt3A : vector<64x128xf32> to vector<64x128xbf16>
    %convert_element_type3A_88 = arith.extf %convert_element_type3A_87 : vector<64x128xbf16> to vector<64x128xf32>
    %sub3A_89 = arith.subf %rsqrt3A, %convert_element_type3A_88 : vector<64x128xf32>
    %convert_element_type3A_90 = arith.truncf %sub3A_89 : vector<64x128xf32> to vector<64x128xbf16>
    %convert_element_type3A_91 = arith.extf %convert_element_type3A_90 : vector<64x128xbf16> to vector<64x128xf32>
    %sub3A_92 = arith.subf %sub3A_89, %convert_element_type3A_91 : vector<64x128xf32>
    %convert_element_type3A_93 = arith.truncf %sub3A_92 : vector<64x128xf32> to vector<64x128xbf16>
    %convert_element_type3A_94 = arith.extf %convert_element_type3A_93 : vector<64x128xbf16> to vector<64x128xf32>
    %dot_general3A_95 = arith.constant dense<0.000000e+00> : vector<10000x128xf32>
    %dot_general3A_96 = tpu.matmul %convert_element_type3A_22, %convert_element_type3A_88, %dot_general3A_95 {dimension_numbers = #tpu.dot_dimension_numbers<[0], [0], [1], [1], [0, 1, 1, 1], [], []>, transpose_lhs_hint = false} : vector<64x10000xf32>, vector<64x128xf32>, vector<10000x128xf32> -> vector<10000x128xf32>
    %dot_general3A_97 = arith.constant dense<0.000000e+00> : vector<10000x128xf32>
    %dot_general3A_98 = tpu.matmul %convert_element_type3A_22, %convert_element_type3A_91, %dot_general3A_97 {dimension_numbers = #tpu.dot_dimension_numbers<[0], [0], [1], [1], [0, 1, 1, 1], [], []>, transpose_lhs_hint = false} : vector<64x10000xf32>, vector<64x128xf32>, vector<10000x128xf32> -> vector<10000x128xf32>
    %add3A_99 = arith.addf %dot_general3A_96, %dot_general3A_98 : vector<10000x128xf32>
    %dot_general3A_100 = arith.constant dense<0.000000e+00> : vector<10000x128xf32>
    %dot_general3A_101 = tpu.matmul %convert_element_type3A_22, %convert_element_type3A_94, %dot_general3A_100 {dimension_numbers = #tpu.dot_dimension_numbers<[0], [0], [1], [1], [0, 1, 1, 1], [], []>, transpose_lhs_hint = false} : vector<64x10000xf32>, vector<64x128xf32>, vector<10000x128xf32> -> vector<10000x128xf32>
    %add3A_102 = arith.addf %add3A_99, %dot_general3A_101 : vector<10000x128xf32>
    %mul3A_103 = arith.mulf %sub3A_64, %add3A_102 : vector<10000x128xf32>
    %get3A_104 = arith.constant 0 : index
    %get3A_105 = arith.constant 0 : index
    %get3A_106 = vector.load %arg4[%get3A_104, %get3A_105] : memref<1x128xf32, #tpu.memory_space<vmem>>, vector<1x128xf32>
    %mul3A_107 = vector.broadcast %get3A_106 : vector<1x128xf32> to vector<10000x128xf32>
    %mul3A_108 = arith.mulf %mul3A_103, %mul3A_107 : vector<10000x128xf32>
    %get3A_109 = arith.constant 0 : index
    %get3A_110 = arith.constant 0 : index
    %get3A_111 = vector.load %arg5[%get3A_109, %get3A_110] : memref<1x128xf32, #tpu.memory_space<vmem>>, vector<1x128xf32>
    %add3A_112 = vector.broadcast %get3A_111 : vector<1x128xf32> to vector<10000x128xf32>
    %add3A_113 = arith.addf %mul3A_108, %add3A_112 : vector<10000x128xf32>
    %ge3A = arith.constant 0.000000e+00 : f32
    %ge3A_114 = vector.broadcast %ge3A : f32 to vector<10000x128xf32>
    %ge3A_115 = arith.cmpf oge, %add3A_113, %ge3A_114 : vector<10000x128xf32>
    %mul3A_116 = arith.constant 1.000000e-01 : f32
    %mul3A_117 = vector.broadcast %mul3A_116 : f32 to vector<10000x128xf32>
    %mul3A_118 = arith.mulf %mul3A_117, %add3A_113 : vector<10000x128xf32>
    %select_n3A = arith.select %ge3A_115, %add3A_113, %mul3A_118 : vector<10000x128xi1>, vector<10000x128xf32>
    %convert_element_type3A_119 = arith.truncf %select_n3A : vector<10000x128xf32> to vector<10000x128xbf16>
    %convert_element_type3A_120 = arith.extf %convert_element_type3A_119 : vector<10000x128xbf16> to vector<10000x128xf32>
    %sub3A_121 = arith.subf %select_n3A, %convert_element_type3A_120 : vector<10000x128xf32>
    %convert_element_type3A_122 = arith.truncf %sub3A_121 : vector<10000x128xf32> to vector<10000x128xbf16>
    %convert_element_type3A_123 = arith.extf %convert_element_type3A_122 : vector<10000x128xbf16> to vector<10000x128xf32>
    %sub3A_124 = arith.subf %sub3A_121, %convert_element_type3A_123 : vector<10000x128xf32>
    %convert_element_type3A_125 = arith.truncf %sub3A_124 : vector<10000x128xf32> to vector<10000x128xbf16>
    %convert_element_type3A_126 = arith.extf %convert_element_type3A_125 : vector<10000x128xbf16> to vector<10000x128xf32>
    %dot_general3A_127 = arith.constant dense<0.000000e+00> : vector<64x128xf32>
    %dot_general3A_128 = tpu.matmul %convert_element_type3A_22, %convert_element_type3A_120, %dot_general3A_127 {dimension_numbers = #tpu.dot_dimension_numbers<[1], [0], [0], [1], [0, 0, 1, 1], [], []>, transpose_lhs_hint = false} : vector<64x10000xf32>, vector<10000x128xf32>, vector<64x128xf32> -> vector<64x128xf32>
    %dot_general3A_129 = arith.constant dense<0.000000e+00> : vector<64x128xf32>
    %dot_general3A_130 = tpu.matmul %convert_element_type3A_22, %convert_element_type3A_123, %dot_general3A_129 {dimension_numbers = #tpu.dot_dimension_numbers<[1], [0], [0], [1], [0, 0, 1, 1], [], []>, transpose_lhs_hint = false} : vector<64x10000xf32>, vector<10000x128xf32>, vector<64x128xf32> -> vector<64x128xf32>
    %add3A_131 = arith.addf %dot_general3A_128, %dot_general3A_130 : vector<64x128xf32>
    %dot_general3A_132 = arith.constant dense<0.000000e+00> : vector<64x128xf32>
    %dot_general3A_133 = tpu.matmul %convert_element_type3A_22, %convert_element_type3A_126, %dot_general3A_132 {dimension_numbers = #tpu.dot_dimension_numbers<[1], [0], [0], [1], [0, 0, 1, 1], [], []>, transpose_lhs_hint = false} : vector<64x10000xf32>, vector<10000x128xf32>, vector<64x128xf32> -> vector<64x128xf32>
    %add3A_134 = arith.addf %add3A_131, %dot_general3A_133 : vector<64x128xf32>
    %swap3A_135 = arith.constant 0 : index
    %swap3A_136 = arith.constant 0 : index
    %swap3A_137 = vector.load %arg9[%swap3A_135, %swap3A_136] : memref<64x128xf32, #tpu.memory_space<vmem>>, vector<64x128xf32>
    tpu.vector_store %arg9[%swap3A_135, %swap3A_136], %add3A_134 {strides = array<i32>} : memref<64x128xf32, #tpu.memory_space<vmem>>, vector<64x128xf32>,
    %reshape3A = vector.shape_cast %get3A_20 : vector<1x10000xi32> to vector<10000x1xi32>
    %scan3A = arith.constant 0xFF800000 : f32
    %scan3A_138 = arith.constant 0 : i32
    %scan3A_139 = arith.constant 64 : i32
    %scan3A_140 = arith.addi %scan3A_138, %scan3A_139 : i32
    %scan3A_141 = arith.constant 1 : i32
    scf.for %scan3A_153 = %scan3A_138 to %scan3A_140 step %scan3A_141  : i32 {
      %eq3A_154 = vector.broadcast %scan3A_153 : i32 to vector<10000x1xi32>
      %eq3A_155 = arith.cmpi eq, %reshape3A, %eq3A_154 : vector<10000x1xi32>
      %broadcast_in_dim3A_156 = vector.shape_cast %eq3A_155 : vector<10000x1xi1> to vector<10000x1xi1>
      %broadcast_in_dim3A_157 = vector.broadcast %broadcast_in_dim3A_156 : vector<10000x1xi1> to vector<10000x128xi1>
      %broadcast_in_dim3A_158 = vector.broadcast %scan3A : f32 to vector<10000x128xf32>
      %select_n3A_159 = arith.select %broadcast_in_dim3A_157, %select_n3A, %broadcast_in_dim3A_158 : vector<10000x128xi1>, vector<10000x128xf32>
      %reduce_max3A = arith.constant dense<0xFF800000> : vector<128xf32>
      %reduce_max3A_160 = vector.multi_reduction <maximumf>, %select_n3A_159, %reduce_max3A [0] : vector<10000x128xf32> to vector<128xf32>
      %broadcast_in_dim3A_161 = vector.shape_cast %reduce_max3A_160 : vector<128xf32> to vector<1x128xf32>
      %swap3A_162 = arith.index_cast %scan3A_153 : i32 to index
      %swap3A_163 = arith.constant 0 : index
      %swap3A_164 = vector.load %arg10[%swap3A_162, %swap3A_163] : memref<64x128xf32, #tpu.memory_space<vmem>>, vector<1x128xf32>
      tpu.vector_store %arg10[%swap3A_162, %swap3A_163], %broadcast_in_dim3A_161 {strides = array<i32>} : memref<64x128xf32, #tpu.memory_space<vmem>>, vector<1x128xf32>,
    }
    %scan3A_142 = arith.constant 64 : i32
    %get3A_143 = arith.constant 0 : index
    %get3A_144 = arith.constant 0 : index
    %get3A_145 = vector.load %arg7[%get3A_143, %get3A_144] : memref<128x128xf32, #tpu.memory_space<vmem>>, vector<128x128xf32>
    %dot_general3A_146 = arith.constant dense<0.000000e+00> : vector<10000x128xf32>
    %dot_general3A_147 = tpu.matmul %select_n3A, %get3A_145, %dot_general3A_146 {dimension_numbers = #tpu.dot_dimension_numbers<[1], [0], [0], [1], [0, 0, 1, 1], [], []>, transpose_lhs_hint = false} : vector<10000x128xf32>, vector<128x128xf32>, vector<10000x128xf32> -> vector<10000x128xf32>
    %mul3A_148 = vector.broadcast %get3A_1 : vector<10000x1xf32> to vector<10000x128xf32>
    %mul3A_149 = arith.mulf %mul3A_148, %dot_general3A_147 : vector<10000x128xf32>
    %swap3A_150 = arith.constant 0 : index
    %swap3A_151 = arith.constant 0 : index
    %swap3A_152 = vector.load %arg8[%swap3A_150, %swap3A_151] : memref<10000x128xf32, #tpu.memory_space<vmem>>, vector<10000x128xf32>
    tpu.vector_store %arg8[%swap3A_150, %swap3A_151], %mul3A_149 {strides = array<i32>} : memref<10000x128xf32, #tpu.memory_space<vmem>>, vector<10000x128xf32>,
    return
  }
}

module attributes {stable_mosaic.version = 14 : i64} {
  func.func @_layer_tc_body(%arg0: memref<2x10240x128xf32, #tpu.memory_space<vmem>>, %arg1: memref<10000x1xf32, #tpu.memory_space<vmem>>, %arg2: memref<1x10000xi32, #tpu.memory_space<vmem>>, %arg3: memref<1x128xf32, #tpu.memory_space<vmem>>, %arg4: memref<1x128xf32, #tpu.memory_space<vmem>>, %arg5: memref<1x128xf32, #tpu.memory_space<vmem>>, %arg6: memref<1x128xf32, #tpu.memory_space<vmem>>, %arg7: memref<1x1xf32, #tpu.memory_space<vmem>>, %arg8: memref<64x128xf32, #tpu.memory_space<vmem>>, %arg9: memref<64x128xf32, #tpu.memory_space<vmem>>, %arg10: memref<64x1xf32, #tpu.memory_space<vmem>>) attributes {dimension_semantics = [], scalar_prefetch = 0 : i64, scratch_operands = 0 : i64, tpu.core_type = #tpu.core_type<tc>} {
    %get3A = arith.constant 0 : index
    %get3A_0 = arith.constant 0 : index
    %get3A_1 = vector.load %arg1[%get3A, %get3A_0] : memref<10000x1xf32, #tpu.memory_space<vmem>>, vector<10000x1xf32>
    %get3A_2 = arith.constant 0 : index
    %get3A_3 = arith.constant 0 : index
    %get3A_4 = arith.constant 0 : index
    %get3A_5 = vector.load %arg0[%get3A_2, %get3A_3, %get3A_4] : memref<2x10240x128xf32, #tpu.memory_space<vmem>>, vector<1x10000x128xf32>
    %get3A_6 = vector.shape_cast %get3A_5 : vector<1x10000x128xf32> to vector<10000x128xf32>
    %get3A_7 = arith.constant 1 : index
    %get3A_8 = arith.constant 0 : index
    %get3A_9 = arith.constant 0 : index
    %get3A_10 = vector.load %arg0[%get3A_7, %get3A_8, %get3A_9] : memref<2x10240x128xf32, #tpu.memory_space<vmem>>, vector<1x10000x128xf32>
    %get3A_11 = vector.shape_cast %get3A_10 : vector<1x10000x128xf32> to vector<10000x128xf32>
    %add3A = arith.addf %get3A_6, %get3A_11 : vector<10000x128xf32>
    %mul3A = vector.broadcast %get3A_1 : vector<10000x1xf32> to vector<10000x128xf32>
    %mul3A_12 = arith.mulf %mul3A, %add3A : vector<10000x128xf32>
    %get3A_13 = arith.constant 0 : index
    %get3A_14 = arith.constant 0 : index
    %get3A_15 = vector.load %arg3[%get3A_13, %get3A_14] : memref<1x128xf32, #tpu.memory_space<vmem>>, vector<1x128xf32>
    %add3A_16 = vector.broadcast %get3A_15 : vector<1x128xf32> to vector<10000x128xf32>
    %add3A_17 = arith.addf %mul3A_12, %add3A_16 : vector<10000x128xf32>
    %get3A_18 = arith.constant 0 : index
    %get3A_19 = arith.constant 0 : index
    %get3A_20 = vector.load %arg2[%get3A_18, %get3A_19] : memref<1x10000xi32, #tpu.memory_space<vmem>>, vector<1x10000xi32>
    %iota3A = tpu.iota {dimensions = array<i32: 0>} : vector<64x10000xi32>
    %eq3A = vector.broadcast %get3A_20 : vector<1x10000xi32> to vector<64x10000xi32>
    %eq3A_21 = arith.cmpi eq, %eq3A, %iota3A : vector<64x10000xi32>
    %convert_element_type3A = arith.extui %eq3A_21 : vector<64x10000xi1> to vector<64x10000xi32>
    %convert_element_type3A_22 = arith.sitofp %convert_element_type3A : vector<64x10000xi32> to vector<64x10000xf32>
    %reduce_sum3A = arith.constant dense<0.000000e+00> : vector<64xf32>
    %reduce_sum3A_23 = vector.multi_reduction <add>, %convert_element_type3A_22, %reduce_sum3A [1] : vector<64x10000xf32> to vector<64xf32>
    %broadcast_in_dim3A = vector.shape_cast %reduce_sum3A_23 : vector<64xf32> to vector<64x1xf32>
    %max3A = arith.constant 1.000000e+00 : f32
    %max3A_24 = vector.broadcast %max3A : f32 to vector<64x1xf32>
    %max3A_25 = arith.maximumf %broadcast_in_dim3A, %max3A_24 : vector<64x1xf32>
    %swap3A = arith.constant 0 : index
    %swap3A_26 = arith.constant 0 : index
    %swap3A_27 = vector.load %arg10[%swap3A, %swap3A_26] : memref<64x1xf32, #tpu.memory_space<vmem>>, vector<64x1xf32>
    tpu.vector_store %arg10[%swap3A, %swap3A_26], %max3A_25 {strides = array<i32>} : memref<64x1xf32, #tpu.memory_space<vmem>>, vector<64x1xf32>,
    %convert_element_type3A_28 = arith.truncf %add3A_17 : vector<10000x128xf32> to vector<10000x128xbf16>
    %convert_element_type3A_29 = arith.extf %convert_element_type3A_28 : vector<10000x128xbf16> to vector<10000x128xf32>
    %sub3A = arith.subf %add3A_17, %convert_element_type3A_29 : vector<10000x128xf32>
    %convert_element_type3A_30 = arith.truncf %sub3A : vector<10000x128xf32> to vector<10000x128xbf16>
    %convert_element_type3A_31 = arith.extf %convert_element_type3A_30 : vector<10000x128xbf16> to vector<10000x128xf32>
    %sub3A_32 = arith.subf %sub3A, %convert_element_type3A_31 : vector<10000x128xf32>
    %convert_element_type3A_33 = arith.truncf %sub3A_32 : vector<10000x128xf32> to vector<10000x128xbf16>
    %convert_element_type3A_34 = arith.extf %convert_element_type3A_33 : vector<10000x128xbf16> to vector<10000x128xf32>
    %dot_general3A = arith.constant dense<0.000000e+00> : vector<64x128xf32>
    %dot_general3A_35 = tpu.matmul %convert_element_type3A_22, %convert_element_type3A_29, %dot_general3A {dimension_numbers = #tpu.dot_dimension_numbers<[1], [0], [0], [1], [0, 0, 1, 1], [], []>, transpose_lhs_hint = false} : vector<64x10000xf32>, vector<10000x128xf32>, vector<64x128xf32> -> vector<64x128xf32>
    %dot_general3A_36 = arith.constant dense<0.000000e+00> : vector<64x128xf32>
    %dot_general3A_37 = tpu.matmul %convert_element_type3A_22, %convert_element_type3A_31, %dot_general3A_36 {dimension_numbers = #tpu.dot_dimension_numbers<[1], [0], [0], [1], [0, 0, 1, 1], [], []>, transpose_lhs_hint = false} : vector<64x10000xf32>, vector<10000x128xf32>, vector<64x128xf32> -> vector<64x128xf32>
    %add3A_38 = arith.addf %dot_general3A_35, %dot_general3A_37 : vector<64x128xf32>
    %dot_general3A_39 = arith.constant dense<0.000000e+00> : vector<64x128xf32>
    %dot_general3A_40 = tpu.matmul %convert_element_type3A_22, %convert_element_type3A_34, %dot_general3A_39 {dimension_numbers = #tpu.dot_dimension_numbers<[1], [0], [0], [1], [0, 0, 1, 1], [], []>, transpose_lhs_hint = false} : vector<64x10000xf32>, vector<10000x128xf32>, vector<64x128xf32> -> vector<64x128xf32>
    %add3A_41 = arith.addf %add3A_38, %dot_general3A_40 : vector<64x128xf32>
    %div3A = vector.broadcast %max3A_25 : vector<64x1xf32> to vector<64x128xf32>
    %div3A_42 = arith.divf %add3A_41, %div3A : vector<64x128xf32>
    %convert_element_type3A_43 = arith.truncf %div3A_42 : vector<64x128xf32> to vector<64x128xbf16>
    %convert_element_type3A_44 = arith.extf %convert_element_type3A_43 : vector<64x128xbf16> to vector<64x128xf32>
    %sub3A_45 = arith.subf %div3A_42, %convert_element_type3A_44 : vector<64x128xf32>
    %convert_element_type3A_46 = arith.truncf %sub3A_45 : vector<64x128xf32> to vector<64x128xbf16>
    %convert_element_type3A_47 = arith.extf %convert_element_type3A_46 : vector<64x128xbf16> to vector<64x128xf32>
    %sub3A_48 = arith.subf %sub3A_45, %convert_element_type3A_47 : vector<64x128xf32>
    %convert_element_type3A_49 = arith.truncf %sub3A_48 : vector<64x128xf32> to vector<64x128xbf16>
    %convert_element_type3A_50 = arith.extf %convert_element_type3A_49 : vector<64x128xbf16> to vector<64x128xf32>
    %dot_general3A_51 = arith.constant dense<0.000000e+00> : vector<10000x128xf32>
    %dot_general3A_52 = tpu.matmul %convert_element_type3A_22, %convert_element_type3A_44, %dot_general3A_51 {dimension_numbers = #tpu.dot_dimension_numbers<[0], [0], [1], [1], [0, 1, 1, 1], [], []>, transpose_lhs_hint = false} : vector<64x10000xf32>, vector<64x128xf32>, vector<10000x128xf32> -> vector<10000x128xf32>
    %dot_general3A_53 = arith.constant dense<0.000000e+00> : vector<10000x128xf32>
    %dot_general3A_54 = tpu.matmul %convert_element_type3A_22, %convert_element_type3A_47, %dot_general3A_53 {dimension_numbers = #tpu.dot_dimension_numbers<[0], [0], [1], [1], [0, 1, 1, 1], [], []>, transpose_lhs_hint = false} : vector<64x10000xf32>, vector<64x128xf32>, vector<10000x128xf32> -> vector<10000x128xf32>
    %add3A_55 = arith.addf %dot_general3A_52, %dot_general3A_54 : vector<10000x128xf32>
    %dot_general3A_56 = arith.constant dense<0.000000e+00> : vector<10000x128xf32>
    %dot_general3A_57 = tpu.matmul %convert_element_type3A_22, %convert_element_type3A_50, %dot_general3A_56 {dimension_numbers = #tpu.dot_dimension_numbers<[0], [0], [1], [1], [0, 1, 1, 1], [], []>, transpose_lhs_hint = false} : vector<64x10000xf32>, vector<64x128xf32>, vector<10000x128xf32> -> vector<10000x128xf32>
    %add3A_58 = arith.addf %add3A_55, %dot_general3A_57 : vector<10000x128xf32>
    %get3A_59 = arith.constant 0 : index
    %get3A_60 = arith.constant 0 : index
    %get3A_61 = vector.load %arg6[%get3A_59, %get3A_60] : memref<1x128xf32, #tpu.memory_space<vmem>>, vector<1x128xf32>
    %mul3A_62 = vector.broadcast %get3A_61 : vector<1x128xf32> to vector<10000x128xf32>
    %mul3A_63 = arith.mulf %add3A_58, %mul3A_62 : vector<10000x128xf32>
    %sub3A_64 = arith.subf %add3A_17, %mul3A_63 : vector<10000x128xf32>
    %mul3A_65 = arith.mulf %sub3A_64, %sub3A_64 : vector<10000x128xf32>
    %convert_element_type3A_66 = arith.truncf %mul3A_65 : vector<10000x128xf32> to vector<10000x128xbf16>
    %convert_element_type3A_67 = arith.extf %convert_element_type3A_66 : vector<10000x128xbf16> to vector<10000x128xf32>
    %sub3A_68 = arith.subf %mul3A_65, %convert_element_type3A_67 : vector<10000x128xf32>
    %convert_element_type3A_69 = arith.truncf %sub3A_68 : vector<10000x128xf32> to vector<10000x128xbf16>
    %convert_element_type3A_70 = arith.extf %convert_element_type3A_69 : vector<10000x128xbf16> to vector<10000x128xf32>
    %sub3A_71 = arith.subf %sub3A_68, %convert_element_type3A_70 : vector<10000x128xf32>
    %convert_element_type3A_72 = arith.truncf %sub3A_71 : vector<10000x128xf32> to vector<10000x128xbf16>
    %convert_element_type3A_73 = arith.extf %convert_element_type3A_72 : vector<10000x128xbf16> to vector<10000x128xf32>
    %dot_general3A_74 = arith.constant dense<0.000000e+00> : vector<64x128xf32>
    %dot_general3A_75 = tpu.matmul %convert_element_type3A_22, %convert_element_type3A_67, %dot_general3A_74 {dimension_numbers = #tpu.dot_dimension_numbers<[1], [0], [0], [1], [0, 0, 1, 1], [], []>, transpose_lhs_hint = false} : vector<64x10000xf32>, vector<10000x128xf32>, vector<64x128xf32> -> vector<64x128xf32>
    %dot_general3A_76 = arith.constant dense<0.000000e+00> : vector<64x128xf32>
    %dot_general3A_77 = tpu.matmul %convert_element_type3A_22, %convert_element_type3A_70, %dot_general3A_76 {dimension_numbers = #tpu.dot_dimension_numbers<[1], [0], [0], [1], [0, 0, 1, 1], [], []>, transpose_lhs_hint = false} : vector<64x10000xf32>, vector<10000x128xf32>, vector<64x128xf32> -> vector<64x128xf32>
    %add3A_78 = arith.addf %dot_general3A_75, %dot_general3A_77 : vector<64x128xf32>
    %dot_general3A_79 = arith.constant dense<0.000000e+00> : vector<64x128xf32>
    %dot_general3A_80 = tpu.matmul %convert_element_type3A_22, %convert_element_type3A_73, %dot_general3A_79 {dimension_numbers = #tpu.dot_dimension_numbers<[1], [0], [0], [1], [0, 0, 1, 1], [], []>, transpose_lhs_hint = false} : vector<64x10000xf32>, vector<10000x128xf32>, vector<64x128xf32> -> vector<64x128xf32>
    %add3A_81 = arith.addf %add3A_78, %dot_general3A_80 : vector<64x128xf32>
    %div3A_82 = vector.broadcast %max3A_25 : vector<64x1xf32> to vector<64x128xf32>
    %div3A_83 = arith.divf %add3A_81, %div3A_82 : vector<64x128xf32>
    %add3A_84 = arith.constant 9.99999974E-6 : f32
    %add3A_85 = vector.broadcast %add3A_84 : f32 to vector<64x128xf32>
    %add3A_86 = arith.addf %div3A_83, %add3A_85 : vector<64x128xf32>
    %rsqrt3A = math.rsqrt %add3A_86 : vector<64x128xf32>
    %convert_element_type3A_87 = arith.truncf %rsqrt3A : vector<64x128xf32> to vector<64x128xbf16>
    %convert_element_type3A_88 = arith.extf %convert_element_type3A_87 : vector<64x128xbf16> to vector<64x128xf32>
    %sub3A_89 = arith.subf %rsqrt3A, %convert_element_type3A_88 : vector<64x128xf32>
    %convert_element_type3A_90 = arith.truncf %sub3A_89 : vector<64x128xf32> to vector<64x128xbf16>
    %convert_element_type3A_91 = arith.extf %convert_element_type3A_90 : vector<64x128xbf16> to vector<64x128xf32>
    %sub3A_92 = arith.subf %sub3A_89, %convert_element_type3A_91 : vector<64x128xf32>
    %convert_element_type3A_93 = arith.truncf %sub3A_92 : vector<64x128xf32> to vector<64x128xbf16>
    %convert_element_type3A_94 = arith.extf %convert_element_type3A_93 : vector<64x128xbf16> to vector<64x128xf32>
    %dot_general3A_95 = arith.constant dense<0.000000e+00> : vector<10000x128xf32>
    %dot_general3A_96 = tpu.matmul %convert_element_type3A_22, %convert_element_type3A_88, %dot_general3A_95 {dimension_numbers = #tpu.dot_dimension_numbers<[0], [0], [1], [1], [0, 1, 1, 1], [], []>, transpose_lhs_hint = false} : vector<64x10000xf32>, vector<64x128xf32>, vector<10000x128xf32> -> vector<10000x128xf32>
    %dot_general3A_97 = arith.constant dense<0.000000e+00> : vector<10000x128xf32>
    %dot_general3A_98 = tpu.matmul %convert_element_type3A_22, %convert_element_type3A_91, %dot_general3A_97 {dimension_numbers = #tpu.dot_dimension_numbers<[0], [0], [1], [1], [0, 1, 1, 1], [], []>, transpose_lhs_hint = false} : vector<64x10000xf32>, vector<64x128xf32>, vector<10000x128xf32> -> vector<10000x128xf32>
    %add3A_99 = arith.addf %dot_general3A_96, %dot_general3A_98 : vector<10000x128xf32>
    %dot_general3A_100 = arith.constant dense<0.000000e+00> : vector<10000x128xf32>
    %dot_general3A_101 = tpu.matmul %convert_element_type3A_22, %convert_element_type3A_94, %dot_general3A_100 {dimension_numbers = #tpu.dot_dimension_numbers<[0], [0], [1], [1], [0, 1, 1, 1], [], []>, transpose_lhs_hint = false} : vector<64x10000xf32>, vector<64x128xf32>, vector<10000x128xf32> -> vector<10000x128xf32>
    %add3A_102 = arith.addf %add3A_99, %dot_general3A_101 : vector<10000x128xf32>
    %mul3A_103 = arith.mulf %sub3A_64, %add3A_102 : vector<10000x128xf32>
    %get3A_104 = arith.constant 0 : index
    %get3A_105 = arith.constant 0 : index
    %get3A_106 = vector.load %arg4[%get3A_104, %get3A_105] : memref<1x128xf32, #tpu.memory_space<vmem>>, vector<1x128xf32>
    %mul3A_107 = vector.broadcast %get3A_106 : vector<1x128xf32> to vector<10000x128xf32>
    %mul3A_108 = arith.mulf %mul3A_103, %mul3A_107 : vector<10000x128xf32>
    %get3A_109 = arith.constant 0 : index
    %get3A_110 = arith.constant 0 : index
    %get3A_111 = vector.load %arg5[%get3A_109, %get3A_110] : memref<1x128xf32, #tpu.memory_space<vmem>>, vector<1x128xf32>
    %add3A_112 = vector.broadcast %get3A_111 : vector<1x128xf32> to vector<10000x128xf32>
    %add3A_113 = arith.addf %mul3A_108, %add3A_112 : vector<10000x128xf32>
    %ge3A = arith.constant 0.000000e+00 : f32
    %ge3A_114 = vector.broadcast %ge3A : f32 to vector<10000x128xf32>
    %ge3A_115 = arith.cmpf oge, %add3A_113, %ge3A_114 : vector<10000x128xf32>
    %mul3A_116 = arith.constant 1.000000e-01 : f32
    %mul3A_117 = vector.broadcast %mul3A_116 : f32 to vector<10000x128xf32>
    %mul3A_118 = arith.mulf %mul3A_117, %add3A_113 : vector<10000x128xf32>
    %select_n3A = arith.select %ge3A_115, %add3A_113, %mul3A_118 : vector<10000x128xi1>, vector<10000x128xf32>
    %convert_element_type3A_119 = arith.truncf %select_n3A : vector<10000x128xf32> to vector<10000x128xbf16>
    %convert_element_type3A_120 = arith.extf %convert_element_type3A_119 : vector<10000x128xbf16> to vector<10000x128xf32>
    %sub3A_121 = arith.subf %select_n3A, %convert_element_type3A_120 : vector<10000x128xf32>
    %convert_element_type3A_122 = arith.truncf %sub3A_121 : vector<10000x128xf32> to vector<10000x128xbf16>
    %convert_element_type3A_123 = arith.extf %convert_element_type3A_122 : vector<10000x128xbf16> to vector<10000x128xf32>
    %sub3A_124 = arith.subf %sub3A_121, %convert_element_type3A_123 : vector<10000x128xf32>
    %convert_element_type3A_125 = arith.truncf %sub3A_124 : vector<10000x128xf32> to vector<10000x128xbf16>
    %convert_element_type3A_126 = arith.extf %convert_element_type3A_125 : vector<10000x128xbf16> to vector<10000x128xf32>
    %dot_general3A_127 = arith.constant dense<0.000000e+00> : vector<64x128xf32>
    %dot_general3A_128 = tpu.matmul %convert_element_type3A_22, %convert_element_type3A_120, %dot_general3A_127 {dimension_numbers = #tpu.dot_dimension_numbers<[1], [0], [0], [1], [0, 0, 1, 1], [], []>, transpose_lhs_hint = false} : vector<64x10000xf32>, vector<10000x128xf32>, vector<64x128xf32> -> vector<64x128xf32>
    %dot_general3A_129 = arith.constant dense<0.000000e+00> : vector<64x128xf32>
    %dot_general3A_130 = tpu.matmul %convert_element_type3A_22, %convert_element_type3A_123, %dot_general3A_129 {dimension_numbers = #tpu.dot_dimension_numbers<[1], [0], [0], [1], [0, 0, 1, 1], [], []>, transpose_lhs_hint = false} : vector<64x10000xf32>, vector<10000x128xf32>, vector<64x128xf32> -> vector<64x128xf32>
    %add3A_131 = arith.addf %dot_general3A_128, %dot_general3A_130 : vector<64x128xf32>
    %dot_general3A_132 = arith.constant dense<0.000000e+00> : vector<64x128xf32>
    %dot_general3A_133 = tpu.matmul %convert_element_type3A_22, %convert_element_type3A_126, %dot_general3A_132 {dimension_numbers = #tpu.dot_dimension_numbers<[1], [0], [0], [1], [0, 0, 1, 1], [], []>, transpose_lhs_hint = false} : vector<64x10000xf32>, vector<10000x128xf32>, vector<64x128xf32> -> vector<64x128xf32>
    %add3A_134 = arith.addf %add3A_131, %dot_general3A_133 : vector<64x128xf32>
    %swap3A_135 = arith.constant 0 : index
    %swap3A_136 = arith.constant 0 : index
    %swap3A_137 = vector.load %arg8[%swap3A_135, %swap3A_136] : memref<64x128xf32, #tpu.memory_space<vmem>>, vector<64x128xf32>
    tpu.vector_store %arg8[%swap3A_135, %swap3A_136], %add3A_134 {strides = array<i32>} : memref<64x128xf32, #tpu.memory_space<vmem>>, vector<64x128xf32>,
    %reshape3A = vector.shape_cast %get3A_20 : vector<1x10000xi32> to vector<10000x1xi32>
    %scan3A = arith.constant 0xFF800000 : f32
    %scan3A_138 = arith.constant 0 : i32
    %scan3A_139 = arith.constant 64 : i32
    %scan3A_140 = arith.addi %scan3A_138, %scan3A_139 : i32
    %scan3A_141 = arith.constant 1 : i32
    scf.for %scan3A_143 = %scan3A_138 to %scan3A_140 step %scan3A_141  : i32 {
      %eq3A_144 = vector.broadcast %scan3A_143 : i32 to vector<10000x1xi32>
      %eq3A_145 = arith.cmpi eq, %reshape3A, %eq3A_144 : vector<10000x1xi32>
      %broadcast_in_dim3A_146 = vector.shape_cast %eq3A_145 : vector<10000x1xi1> to vector<10000x1xi1>
      %broadcast_in_dim3A_147 = vector.broadcast %broadcast_in_dim3A_146 : vector<10000x1xi1> to vector<10000x128xi1>
      %broadcast_in_dim3A_148 = vector.broadcast %scan3A : f32 to vector<10000x128xf32>
      %select_n3A_149 = arith.select %broadcast_in_dim3A_147, %select_n3A, %broadcast_in_dim3A_148 : vector<10000x128xi1>, vector<10000x128xf32>
      %reduce_max3A = arith.constant dense<0xFF800000> : vector<128xf32>
      %reduce_max3A_150 = vector.multi_reduction <maximumf>, %select_n3A_149, %reduce_max3A [0] : vector<10000x128xf32> to vector<128xf32>
      %broadcast_in_dim3A_151 = vector.shape_cast %reduce_max3A_150 : vector<128xf32> to vector<1x128xf32>
      %swap3A_152 = arith.index_cast %scan3A_143 : i32 to index
      %swap3A_153 = arith.constant 0 : index
      %swap3A_154 = vector.load %arg9[%swap3A_152, %swap3A_153] : memref<64x128xf32, #tpu.memory_space<vmem>>, vector<1x128xf32>
      tpu.vector_store %arg9[%swap3A_152, %swap3A_153], %broadcast_in_dim3A_151 {strides = array<i32>} : memref<64x128xf32, #tpu.memory_space<vmem>>, vector<1x128xf32>,
    }
    %scan3A_142 = arith.constant 64 : i32
    return
  }
}

module attributes {stable_mosaic.version = 14 : i64} {
  func.func @_head_tc(%arg0: memref<3x64x128xf32, #tpu.memory_space<vmem>>, %arg1: memref<3x64x128xf32, #tpu.memory_space<vmem>>, %arg2: memref<64x1xf32, #tpu.memory_space<vmem>>, %arg3: memref<1152x128xf32, #tpu.memory_space<vmem>>, %arg4: memref<1x128xf32, #tpu.memory_space<vmem>>, %arg5: memref<128x128xf32, #tpu.memory_space<vmem>>, %arg6: memref<1x128xf32, #tpu.memory_space<vmem>>, %arg7: memref<128x2xf32, #tpu.memory_space<vmem>>, %arg8: memref<1x2xf32, #tpu.memory_space<vmem>>, %arg9: memref<64x2xf32, #tpu.memory_space<vmem>>) attributes {dimension_semantics = [], scalar_prefetch = 0 : i64, scratch_operands = 0 : i64, tpu.core_type = #tpu.core_type<tc>} {
    %get3A = arith.constant 0 : index
    %get3A_0 = arith.constant 0 : index
    %get3A_1 = vector.load %arg2[%get3A, %get3A_0] : memref<64x1xf32, #tpu.memory_space<vmem>>, vector<64x1xf32>
    %get3A_2 = arith.constant 0 : index
    %get3A_3 = arith.constant 0 : index
    %get3A_4 = vector.load %arg3[%get3A_2, %get3A_3] : memref<1152x128xf32, #tpu.memory_space<vmem>>, vector<1152x128xf32>
    %broadcast_in_dim3A = arith.constant 0.000000e+00 : f32
    %broadcast_in_dim3A_5 = vector.broadcast %broadcast_in_dim3A : f32 to vector<64x128xf32>
    %get3A_6 = arith.constant 0 : index
    %get3A_7 = arith.constant 0 : index
    %get3A_8 = arith.constant 0 : index
    %get3A_9 = vector.load %arg0[%get3A_6, %get3A_7, %get3A_8] : memref<3x64x128xf32, #tpu.memory_space<vmem>>, vector<1x64x128xf32>
    %get3A_10 = vector.shape_cast %get3A_9 : vector<1x64x128xf32> to vector<64x128xf32>
    %get3A_11 = arith.constant 0 : index
    %get3A_12 = arith.constant 0 : index
    %get3A_13 = arith.constant 0 : index
    %get3A_14 = vector.load %arg1[%get3A_11, %get3A_12, %get3A_13] : memref<3x64x128xf32, #tpu.memory_space<vmem>>, vector<1x64x128xf32>
    %get3A_15 = vector.shape_cast %get3A_14 : vector<1x64x128xf32> to vector<64x128xf32>
    %eq3A = arith.constant 0xFF800000 : f32
    %eq3A_16 = vector.broadcast %eq3A : f32 to vector<64x128xf32>
    %eq3A_17 = arith.cmpf oeq, %get3A_15, %eq3A_16 : vector<64x128xf32>
    %jit3A = arith.constant 0.000000e+00 : f32
    %broadcast_in_dim3A_18 = vector.broadcast %jit3A : f32 to vector<64x128xf32>
    %select_n3A = arith.select %eq3A_17, %broadcast_in_dim3A_18, %get3A_15 : vector<64x128xi1>, vector<64x128xf32>
    %div3A = vector.broadcast %get3A_1 : vector<64x1xf32> to vector<64x128xf32>
    %div3A_19 = arith.divf %get3A_10, %div3A : vector<64x128xf32>
    %slice3A = vector.extract_strided_slice %get3A_4 {offsets = [0, 0], sizes = [128, 128], strides = [1, 1]} : vector<1152x128xf32> to vector<128x128xf32>
    %dot_general3A = arith.constant dense<0.000000e+00> : vector<64x128xf32>
    %dot_general3A_20 = tpu.matmul %div3A_19, %slice3A, %dot_general3A {dimension_numbers = #tpu.dot_dimension_numbers<[1], [0], [0], [1], [0, 0, 1, 1], [], []>, transpose_lhs_hint = false} : vector<64x128xf32>, vector<128x128xf32>, vector<64x128xf32> -> vector<64x128xf32>
    %add3A = arith.addf %broadcast_in_dim3A_5, %dot_general3A_20 : vector<64x128xf32>
    %slice3A_21 = vector.extract_strided_slice %get3A_4 {offsets = [384, 0], sizes = [128, 128], strides = [1, 1]} : vector<1152x128xf32> to vector<128x128xf32>
    %dot_general3A_22 = arith.constant dense<0.000000e+00> : vector<64x128xf32>
    %dot_general3A_23 = tpu.matmul %select_n3A, %slice3A_21, %dot_general3A_22 {dimension_numbers = #tpu.dot_dimension_numbers<[1], [0], [0], [1], [0, 0, 1, 1], [], []>, transpose_lhs_hint = false} : vector<64x128xf32>, vector<128x128xf32>, vector<64x128xf32> -> vector<64x128xf32>
    %add3A_24 = arith.addf %add3A, %dot_general3A_23 : vector<64x128xf32>
    %slice3A_25 = vector.extract_strided_slice %get3A_4 {offsets = [768, 0], sizes = [128, 128], strides = [1, 1]} : vector<1152x128xf32> to vector<128x128xf32>
    %dot_general3A_26 = arith.constant dense<0.000000e+00> : vector<64x128xf32>
    %dot_general3A_27 = tpu.matmul %get3A_10, %slice3A_25, %dot_general3A_26 {dimension_numbers = #tpu.dot_dimension_numbers<[1], [0], [0], [1], [0, 0, 1, 1], [], []>, transpose_lhs_hint = false} : vector<64x128xf32>, vector<128x128xf32>, vector<64x128xf32> -> vector<64x128xf32>
    %add3A_28 = arith.addf %add3A_24, %dot_general3A_27 : vector<64x128xf32>
    %get3A_29 = arith.constant 1 : index
    %get3A_30 = arith.constant 0 : index
    %get3A_31 = arith.constant 0 : index
    %get3A_32 = vector.load %arg0[%get3A_29, %get3A_30, %get3A_31] : memref<3x64x128xf32, #tpu.memory_space<vmem>>, vector<1x64x128xf32>
    %get3A_33 = vector.shape_cast %get3A_32 : vector<1x64x128xf32> to vector<64x128xf32>
    %get3A_34 = arith.constant 1 : index
    %get3A_35 = arith.constant 0 : index
    %get3A_36 = arith.constant 0 : index
    %get3A_37 = vector.load %arg1[%get3A_34, %get3A_35, %get3A_36] : memref<3x64x128xf32, #tpu.memory_space<vmem>>, vector<1x64x128xf32>
    %get3A_38 = vector.shape_cast %get3A_37 : vector<1x64x128xf32> to vector<64x128xf32>
    %eq3A_39 = arith.constant 0xFF800000 : f32
    %eq3A_40 = vector.broadcast %eq3A_39 : f32 to vector<64x128xf32>
    %eq3A_41 = arith.cmpf oeq, %get3A_38, %eq3A_40 : vector<64x128xf32>
    %jit3A_42 = arith.constant 0.000000e+00 : f32
    %broadcast_in_dim3A_43 = vector.broadcast %jit3A_42 : f32 to vector<64x128xf32>
    %select_n3A_44 = arith.select %eq3A_41, %broadcast_in_dim3A_43, %get3A_38 : vector<64x128xi1>, vector<64x128xf32>
    %div3A_45 = vector.broadcast %get3A_1 : vector<64x1xf32> to vector<64x128xf32>
    %div3A_46 = arith.divf %get3A_33, %div3A_45 : vector<64x128xf32>
    %slice3A_47 = vector.extract_strided_slice %get3A_4 {offsets = [128, 0], sizes = [128, 128], strides = [1, 1]} : vector<1152x128xf32> to vector<128x128xf32>
    %dot_general3A_48 = arith.constant dense<0.000000e+00> : vector<64x128xf32>
    %dot_general3A_49 = tpu.matmul %div3A_46, %slice3A_47, %dot_general3A_48 {dimension_numbers = #tpu.dot_dimension_numbers<[1], [0], [0], [1], [0, 0, 1, 1], [], []>, transpose_lhs_hint = false} : vector<64x128xf32>, vector<128x128xf32>, vector<64x128xf32> -> vector<64x128xf32>
    %add3A_50 = arith.addf %add3A_28, %dot_general3A_49 : vector<64x128xf32>
    %slice3A_51 = vector.extract_strided_slice %get3A_4 {offsets = [512, 0], sizes = [128, 128], strides = [1, 1]} : vector<1152x128xf32> to vector<128x128xf32>
    %dot_general3A_52 = arith.constant dense<0.000000e+00> : vector<64x128xf32>
    %dot_general3A_53 = tpu.matmul %select_n3A_44, %slice3A_51, %dot_general3A_52 {dimension_numbers = #tpu.dot_dimension_numbers<[1], [0], [0], [1], [0, 0, 1, 1], [], []>, transpose_lhs_hint = false} : vector<64x128xf32>, vector<128x128xf32>, vector<64x128xf32> -> vector<64x128xf32>
    %add3A_54 = arith.addf %add3A_50, %dot_general3A_53 : vector<64x128xf32>
    %slice3A_55 = vector.extract_strided_slice %get3A_4 {offsets = [896, 0], sizes = [128, 128], strides = [1, 1]} : vector<1152x128xf32> to vector<128x128xf32>
    %dot_general3A_56 = arith.constant dense<0.000000e+00> : vector<64x128xf32>
    %dot_general3A_57 = tpu.matmul %get3A_33, %slice3A_55, %dot_general3A_56 {dimension_numbers = #tpu.dot_dimension_numbers<[1], [0], [0], [1], [0, 0, 1, 1], [], []>, transpose_lhs_hint = false} : vector<64x128xf32>, vector<128x128xf32>, vector<64x128xf32> -> vector<64x128xf32>
    %add3A_58 = arith.addf %add3A_54, %dot_general3A_57 : vector<64x128xf32>
    %get3A_59 = arith.constant 2 : index
    %get3A_60 = arith.constant 0 : index
    %get3A_61 = arith.constant 0 : index
    %get3A_62 = vector.load %arg0[%get3A_59, %get3A_60, %get3A_61] : memref<3x64x128xf32, #tpu.memory_space<vmem>>, vector<1x64x128xf32>
    %get3A_63 = vector.shape_cast %get3A_62 : vector<1x64x128xf32> to vector<64x128xf32>
    %get3A_64 = arith.constant 2 : index
    %get3A_65 = arith.constant 0 : index
    %get3A_66 = arith.constant 0 : index
    %get3A_67 = vector.load %arg1[%get3A_64, %get3A_65, %get3A_66] : memref<3x64x128xf32, #tpu.memory_space<vmem>>, vector<1x64x128xf32>
    %get3A_68 = vector.shape_cast %get3A_67 : vector<1x64x128xf32> to vector<64x128xf32>
    %eq3A_69 = arith.constant 0xFF800000 : f32
    %eq3A_70 = vector.broadcast %eq3A_69 : f32 to vector<64x128xf32>
    %eq3A_71 = arith.cmpf oeq, %get3A_68, %eq3A_70 : vector<64x128xf32>
    %jit3A_72 = arith.constant 0.000000e+00 : f32
    %broadcast_in_dim3A_73 = vector.broadcast %jit3A_72 : f32 to vector<64x128xf32>
    %select_n3A_74 = arith.select %eq3A_71, %broadcast_in_dim3A_73, %get3A_68 : vector<64x128xi1>, vector<64x128xf32>
    %div3A_75 = vector.broadcast %get3A_1 : vector<64x1xf32> to vector<64x128xf32>
    %div3A_76 = arith.divf %get3A_63, %div3A_75 : vector<64x128xf32>
    %slice3A_77 = vector.extract_strided_slice %get3A_4 {offsets = [256, 0], sizes = [128, 128], strides = [1, 1]} : vector<1152x128xf32> to vector<128x128xf32>
    %dot_general3A_78 = arith.constant dense<0.000000e+00> : vector<64x128xf32>
    %dot_general3A_79 = tpu.matmul %div3A_76, %slice3A_77, %dot_general3A_78 {dimension_numbers = #tpu.dot_dimension_numbers<[1], [0], [0], [1], [0, 0, 1, 1], [], []>, transpose_lhs_hint = false} : vector<64x128xf32>, vector<128x128xf32>, vector<64x128xf32> -> vector<64x128xf32>
    %add3A_80 = arith.addf %add3A_58, %dot_general3A_79 : vector<64x128xf32>
    %slice3A_81 = vector.extract_strided_slice %get3A_4 {offsets = [640, 0], sizes = [128, 128], strides = [1, 1]} : vector<1152x128xf32> to vector<128x128xf32>
    %dot_general3A_82 = arith.constant dense<0.000000e+00> : vector<64x128xf32>
    %dot_general3A_83 = tpu.matmul %select_n3A_74, %slice3A_81, %dot_general3A_82 {dimension_numbers = #tpu.dot_dimension_numbers<[1], [0], [0], [1], [0, 0, 1, 1], [], []>, transpose_lhs_hint = false} : vector<64x128xf32>, vector<128x128xf32>, vector<64x128xf32> -> vector<64x128xf32>
    %add3A_84 = arith.addf %add3A_80, %dot_general3A_83 : vector<64x128xf32>
    %slice3A_85 = vector.extract_strided_slice %get3A_4 {offsets = [1024, 0], sizes = [128, 128], strides = [1, 1]} : vector<1152x128xf32> to vector<128x128xf32>
    %dot_general3A_86 = arith.constant dense<0.000000e+00> : vector<64x128xf32>
    %dot_general3A_87 = tpu.matmul %get3A_63, %slice3A_85, %dot_general3A_86 {dimension_numbers = #tpu.dot_dimension_numbers<[1], [0], [0], [1], [0, 0, 1, 1], [], []>, transpose_lhs_hint = false} : vector<64x128xf32>, vector<128x128xf32>, vector<64x128xf32> -> vector<64x128xf32>
    %add3A_88 = arith.addf %add3A_84, %dot_general3A_87 : vector<64x128xf32>
    %get3A_89 = arith.constant 0 : index
    %get3A_90 = arith.constant 0 : index
    %get3A_91 = vector.load %arg4[%get3A_89, %get3A_90] : memref<1x128xf32, #tpu.memory_space<vmem>>, vector<1x128xf32>
    %add3A_92 = vector.broadcast %get3A_91 : vector<1x128xf32> to vector<64x128xf32>
    %add3A_93 = arith.addf %add3A_88, %add3A_92 : vector<64x128xf32>
    %ge3A = arith.constant 0.000000e+00 : f32
    %ge3A_94 = vector.broadcast %ge3A : f32 to vector<64x128xf32>
    %ge3A_95 = arith.cmpf oge, %add3A_93, %ge3A_94 : vector<64x128xf32>
    %mul3A = arith.constant 1.000000e-01 : f32
    %mul3A_96 = vector.broadcast %mul3A : f32 to vector<64x128xf32>
    %mul3A_97 = arith.mulf %mul3A_96, %add3A_93 : vector<64x128xf32>
    %select_n3A_98 = arith.select %ge3A_95, %add3A_93, %mul3A_97 : vector<64x128xi1>, vector<64x128xf32>
    %get3A_99 = arith.constant 0 : index
    %get3A_100 = arith.constant 0 : index
    %get3A_101 = vector.load %arg5[%get3A_99, %get3A_100] : memref<128x128xf32, #tpu.memory_space<vmem>>, vector<128x128xf32>
    %dot_general3A_102 = arith.constant dense<0.000000e+00> : vector<64x128xf32>
    %dot_general3A_103 = tpu.matmul %select_n3A_98, %get3A_101, %dot_general3A_102 {dimension_numbers = #tpu.dot_dimension_numbers<[1], [0], [0], [1], [0, 0, 1, 1], [], []>, transpose_lhs_hint = false} : vector<64x128xf32>, vector<128x128xf32>, vector<64x128xf32> -> vector<64x128xf32>
    %get3A_104 = arith.constant 0 : index
    %get3A_105 = arith.constant 0 : index
    %get3A_106 = vector.load %arg6[%get3A_104, %get3A_105] : memref<1x128xf32, #tpu.memory_space<vmem>>, vector<1x128xf32>
    %add3A_107 = vector.broadcast %get3A_106 : vector<1x128xf32> to vector<64x128xf32>
    %add3A_108 = arith.addf %dot_general3A_103, %add3A_107 : vector<64x128xf32>
    %ge3A_109 = arith.constant 0.000000e+00 : f32
    %ge3A_110 = vector.broadcast %ge3A_109 : f32 to vector<64x128xf32>
    %ge3A_111 = arith.cmpf oge, %add3A_108, %ge3A_110 : vector<64x128xf32>
    %mul3A_112 = arith.constant 1.000000e-01 : f32
    %mul3A_113 = vector.broadcast %mul3A_112 : f32 to vector<64x128xf32>
    %mul3A_114 = arith.mulf %mul3A_113, %add3A_108 : vector<64x128xf32>
    %select_n3A_115 = arith.select %ge3A_111, %add3A_108, %mul3A_114 : vector<64x128xi1>, vector<64x128xf32>
    %get3A_116 = arith.constant 0 : index
    %get3A_117 = arith.constant 0 : index
    %get3A_118 = vector.load %arg7[%get3A_116, %get3A_117] : memref<128x2xf32, #tpu.memory_space<vmem>>, vector<128x2xf32>
    %dot_general3A_119 = arith.constant dense<0.000000e+00> : vector<64x2xf32>
    %dot_general3A_120 = tpu.matmul %select_n3A_115, %get3A_118, %dot_general3A_119 {dimension_numbers = #tpu.dot_dimension_numbers<[1], [0], [0], [1], [0, 0, 1, 1], [], []>, transpose_lhs_hint = false} : vector<64x128xf32>, vector<128x2xf32>, vector<64x2xf32> -> vector<64x2xf32>
    %get3A_121 = arith.constant 0 : index
    %get3A_122 = arith.constant 0 : index
    %get3A_123 = vector.load %arg8[%get3A_121, %get3A_122] : memref<1x2xf32, #tpu.memory_space<vmem>>, vector<1x2xf32>
    %add3A_124 = vector.broadcast %get3A_123 : vector<1x2xf32> to vector<64x2xf32>
    %add3A_125 = arith.addf %dot_general3A_120, %add3A_124 : vector<64x2xf32>
    %swap3A = arith.constant 0 : index
    %swap3A_126 = arith.constant 0 : index
    %swap3A_127 = vector.load %arg9[%swap3A, %swap3A_126] : memref<64x2xf32, #tpu.memory_space<vmem>>, vector<64x2xf32>
    tpu.vector_store %arg9[%swap3A, %swap3A_126], %add3A_125 {strides = array<i32>} : memref<64x2xf32, #tpu.memory_space<vmem>>, vector<64x2xf32>,
    return
  }
}

</mosaic_0001>

<sc_bundles>
// kernel: kernel.11.cloned.1.call-start
scs
__scs_entry_jumppad:
0x0: {  	(pc) =	sbr.rel $0x88, $3  }
0x1: {  	(tag) =	ssettag $0x0;
	lr =	simm.s32 $0x1  }
0x2: {  	[smem:$0x3F86] =	sst lr;
	_ =	strace $0xD0000000  }
0x3: {  	_ = 	snop  }
0x4: {  	_ = 	snop  }
0x5: {  	_ = 	snop  }
0x6: {  	_ = 	snop  }
0x7: {  	_ = 	snop  }
__scs_overlays_trampoline_lowered:
0x8: {  	[smem:$0x3F95] =	sst s0  }
0x9: {  	[smem:$0x3F96] =	sst s1  }
0xa: {  	[smem:$0x3F97] =	sst s2  }
0xb: {  	[smem:$0x3F98] =	sst s3  }
0xc: {  	[smem:$0x3F99] =	sst s4  }
0xd: {  	[smem:$0x3F9A] =	sst s5  }
0xe: {  	[smem:$0x3F9B] =	sst s6  }
0xf: {  	[smem:$0x3F9C] =	sst s7  }
0x10: {  	[smem:$0x3F9D] =	sst s8  }
0x11: {  	[smem:$0x3F9E] =	sst s9;
	s0 =	simm.s32 @!p0 $0x0  }
0x12: {  	s1 =	sld [smem:$0x3F84];
	s0 =	simm.s32 @p0 $0x1  }
0x13: {  	[smem:$0x3F9F] =	sst s0;
	s0 =	simm.s32 @!p1 $0x0  }
0x14: {  	s2 =	sld [smem:$0x3F83];
	s0 =	simm.s32 @p1 $0x1  }
0x15: {  	[smem:$0x3FA0] =	sst s0;
	s0 =	simm.s32 @!p2 $0x0  }
0x16: {  	s3 =	sld [smem:$0x3FDB];
	s0 =	simm.s32 @p2 $0x1  }
0x17: {  	s4 =	simm.s32 $0x1BF5;
	[smem:$0x3FA2] =	sst s0  }
0x18: {  	s0 =	sld [smem:$0x3F85];
	_ =	swait.ge [sflag:s4], $0x0  }
0x19: {  	s7 =	sld [smem:$0x3F86]  }
0x1a: {  	s8 =	sadd.s32 $0xFFFFE003, lr  }
0x1b: {  	s9 =	sadd.s32 $0xFFFFFEF7, lr;
	s5 =	simm.s32 $0xFFFFFFFF;
	p2 =	slt.u32 s8, $0xFFFFF086  }
0x1c: {  	p1 =	slt.u32 s9, $0xF7A;
	s5 =	simm.s32 @!p2 $0x0  }
0x1d: {  	s5 =	simm.s32 @p1 $0x1;
	p0 =	seq.s32 s7, s2  }
0x1e: {  	s7 =	smul.u32 @!p0 $0xF7A, s2;
	p2 =	seq.s32 @!p0 s5, $0x0  }
0x1f: {  	s9 =	smul.u32 $0xF7A, s1;
	s8 =	simm.s32 @!p0 $0x1BF5;
	p2 =	por !p2, p0  }
0x20: {  	[sflag:s8] =	ssyncset.s32 @!p0 $0xFFFFF086;
	s6 =	sadd.s32 @!p0 s3, s7;
	s7 =	simm.s32 @!p0 $0x108  }
0x21: {  	s3 =	sadd.s32 s3, s9;
	s6 =	sadd.s32 @!p0 $0x88, s6;
	s7 =	simm.s32 @p2 $0x1082  }
0x22: {  	[simem:s7], [sflag:s8] =	dma.local @!p0 [hbm:s6], $0xF7A  }
0x23: {  	s9 =	sor.u32 $0xD0000000, s2;
	s6 =	simm.s32 $0x108;
	_ =	swait.ge @!p0 [sflag:s8], $0x0  }
0x24: {  	s3 =	sadd.s32 $0x88, s3;
	s6 =	simm.s32 @!p1 $0x1082;
	[sflag:s4] =	ssyncset.s32 $0xFFFFF086  }
0x25: {  	[simem:s6], [sflag:s4] =	dma.local [hbm:s3], $0xF7A  }
0x26: {  	[smem:$0x3F86] =	sst s1;
	(tag) =	ssettag s2;
	_ =	strace s9  }
0x27: {  	s1 =	sld [smem:$0x3F96]  }
0x28: {  	s2 =	sld [smem:$0x3F97]  }
0x29: {  	s4 =	sld [smem:$0x3F99]  }
0x2a: {  	p0 =	seq.s32 s5, $0x0;
	s5 =	sld [smem:$0x3F9A]  }
0x2b: {  	s6 =	sld [smem:$0x3F9B]  }
0x2c: {  	s7 =	sld [smem:$0x3F9C]  }
0x2d: {  	s3 =	simm.s32 $0x108;
	s8 =	sld [smem:$0x3F9D]  }
0x2e: {  	s3 =	simm.s32 @!p0 $0x1082;
	s9 =	sld [smem:$0x3F9E]  }
0x2f: {  	lr =	sadd.s32 s0, s3;
	s0 =	sld [smem:$0x3F95]  }
0x30: {  	s3 =	sld [smem:$0x3F98]  }
0x31: {  	[smem:$0x3FA1] =	sst s10  }
0x32: {  	s10 =	sld [smem:$0x3F9F];
	_ =	sdelay $0x3  }
0x33: {  	p0 =	seq.s32 s10, $0x1;
	s10 =	sld [smem:$0x3FA1];
	_ =	sdelay $0x3  }
0x34: {  	[smem:$0x3FA1] =	sst s10  }
0x35: {  	s10 =	sld [smem:$0x3FA0];
	_ =	sdelay $0x3  }
0x36: {  	p1 =	seq.s32 s10, $0x1;
	s10 =	sld [smem:$0x3FA1];
	_ =	sdelay $0x3  }
0x37: {  	[smem:$0x3FA1] =	sst s10  }
0x38: {  	s10 =	sld [smem:$0x3FA2]  }
0x39: {  	_ = 	snop;
	(pc) =	sbr.ind lr, $3  }
0x3a: {  	_ = 	snop  }
0x3b: {  	_ = 	snop  }
0x3c: {  	p2 =	seq.s32 s10, $0x1;
	s10 =	sld [smem:$0x3FA1]  }
0x3d: {  	_ =	shalt  }
0x3e: {  	_ =	shalt  }
0x3f: {  	_ =	shalt  }
0x40: {  	_ =	shalt  }
0x41: {  	_ =	shalt  }
0x42: {  	_ =	shalt  }
0x43: {  	_ =	shalt  }
0x44: {  	_ =	shalt  }
0x45: {  	_ =	shalt  }
0x46: {  	_ =	shalt  }
0x47: {  	_ =	shalt  }
0x48: {  	_ =	shalt  }
0x49: {  	_ =	shalt  }
0x4a: {  	_ =	shalt  }
0x4b: {  	_ =	shalt  }
0x4c: {  	_ =	shalt  }
0x4d: {  	_ =	shalt  }
0x4e: {  	_ =	shalt  }
0x4f: {  	_ =	shalt  }
0x50: {  	_ =	shalt  }
0x51: {  	_ =	shalt  }
0x52: {  	_ =	shalt  }
0x53: {  	_ =	shalt  }
0x54: {  	_ =	shalt  }
0x55: {  	_ =	shalt  }
0x56: {  	_ =	shalt  }
0x57: {  	_ =	shalt  }
0x58: {  	_ =	shalt  }
0x59: {  	_ =	shalt  }
0x5a: {  	_ =	shalt  }
0x5b: {  	_ =	shalt  }
0x5c: {  	_ =	shalt  }
0x5d: {  	_ =	shalt  }
0x5e: {  	_ =	shalt  }
0x5f: {  	_ =	shalt  }
0x60: {  	_ =	shalt  }
0x61: {  	_ =	shalt  }
0x62: {  	_ =	shalt  }
0x63: {  	_ =	shalt  }
0x64: {  	_ =	shalt  }
0x65: {  	_ =	shalt  }
0x66: {  	_ =	shalt  }
0x67: {  	_ =	shalt  }
0x68: {  	_ =	shalt  }
0x69: {  	_ =	shalt  }
0x6a: {  	_ =	shalt  }
0x6b: {  	_ =	shalt  }
0x6c: {  	_ =	shalt  }
0x6d: {  	_ =	shalt  }
0x6e: {  	_ =	shalt  }
0x6f: {  	_ =	shalt  }
0x70: {  	_ =	shalt  }
0x71: {  	_ =	shalt  }
0x72: {  	_ =	shalt  }
0x73: {  	_ =	shalt  }
0x74: {  	_ =	shalt  }
0x75: {  	_ =	shalt  }
0x76: {  	_ =	shalt  }
0x77: {  	_ =	shalt  }
0x78: {  	_ =	shalt  }
0x79: {  	_ =	shalt  }
0x7a: {  	_ =	shalt  }
0x7b: {  	_ =	shalt  }
0x7c: {  	_ =	shalt  }
0x7d: {  	_ =	shalt  }
0x7e: {  	_ =	shalt  }
0x7f: {  	_ =	shalt  }
0x80: {  	_ =	shalt  }
0x81: {  	_ =	shalt  }
0x82: {  	_ =	shalt  }
0x83: {  	_ =	shalt  }
0x84: {  	_ =	shalt  }
0x85: {  	_ =	shalt  }
0x86: {  	_ =	shalt  }
0x87: {  	_ =	shalt  }
.Lfunc_end0:
.L_simem_size_0:
called_computation_lowered:
.L_overlay_start_0:
0x88: {  	s2 =	sld [smem:$0x3FD9]  }
0x89: {  	s3 =	sld [smem:$0x3FFE];
	_ =	sdelay $0x1  }
0x8a: {  	s1 =	srdreg.scid  }
0x8b: {  	s0 =	sand.u32 $0x1, s1  }
0x8c: {  	s16 =	sshll.u32 s0, $0xA;
	s2 =	sadd.s32 s3, s2  }
0x8d: {  	s2 =	sadd.s32 s2, s16  }
0x8e: {  	[smem:$0x3FAD] =	sst s2  }
0x8f: {  	_ = 	snop  }
0x90: {  	(tm) =	ssettm $0x1  }
0x91: {  	s17 =	sld [smem:$0x3FFB];
	_ =	sdelay $0x3  }
0x92: {  	_ =	strace s17  }
0x93: {  	s2 =	sld [smem:$0x3FFC];
	_ =	sdelay $0x3  }
0x94: {  	_ =	strace s2  }
0x95: {  	s2 =	sld [smem:$0x3FFD];
	_ =	sdelay $0x3  }
0x96: {  	_ =	strace s2  }
0x97: {  	_ =	strace $0x8FFFFFFF  }
0x98: {  	s18 =	sld [smem:$0x3FDB];
	_ =	sdelay $0x1  }
0x99: {  	s19 =	simm.s32 $_scs_section_size  }
0x9a: {  	s4 =	simm.s32 $_size__tile_overlayer_lowered;
	s5 =	simm.s32 $_tile_overlayer_lowered  }
0x9b: {  	s22 =	simm.s32 $0x1BFF;
	s21 =	sshll.u32 s5, $0x1;
	s2 =	sadd.s32 s19, s18  }
0x9c: {  	s6 =	simm.s32 $0x0;
	s20 =	sshll.u32 s4, $0x1;
	s4 =	sadd.s32 s21, s2  }
0x9d: {  	[timem:s6], [sflag:s22] =	dma.local [hbm:s4], s20  }
0x9e: {  	_ =	swait.ge [sflag:s22], s20  }
0x9f: {  	s3 =	ssub.s32 $0x0, s20;
	[sflag:s22] =	ssyncset.done $0x0  }
0xa0: {  	[sflag:s22] =	ssyncadd.s32 s3;
	_ =	sdelay $0x1  }
0xa1: {  	s23 =	simm.s32 $0x1B8B  }
0xa2: {  	_ =	swait.ge [sflag:s23], $0x1  }
0xa3: {  	[sflag:s23] =	ssyncset.done $0x0  }
0xa4: {  	s25 =	simm.s32 $0x1B8E;
	s24 =	sld [smem:$0x3FFE];
	[sflag:s23] =	ssyncadd.s32 $0xFFFFFFFF  }
0xa5: {  	s26 =	simm.s32 $execute0_lowered;
	[smem:$0x3FD2] =	sst s25  }
0xa6: {  	s4 =	sshll.u32 s26, $0x1;
	_ =	strace $0x80000046;
	[dreg:$0x1] =	wrdreg $0xFFFFFFFF  }
0xa7: {  	s28 =	simm.s32 $_size_execute0_lowered;
	s2 =	sadd.s32 s2, s4;
	[dreg:$0x0] =	wrdreg $0x0  }
0xa8: {  	s4 =	sshll.u32 s28, $0x1;
	[dreg:$0x2] =	wrdreg s2  }
0xa9: {  	[dreg:$0x3] =	wrdreg s4  }
0xaa: {  	[dreg:$0x4] =	wrdreg $0xC0  }
0xab: {  	_ =	task [dreg:s6], $0x5FFFF  }
0xac: {  	[dreg:$0x1] =	wrdreg $0xFFFFFFFF  }
0xad: {  	[dreg:$0x0] =	wrdreg $0x60  }
0xae: {  	[dreg:$0x2] =	wrdreg s24  }
0xaf: {  	[dreg:$0x3] =	wrdreg $0x8F800  }
0xb0: {  	[dreg:$0x4] =	wrdreg $0x9  }
0xb1: {  	_ =	task.clear_ibuf [dreg:s6], $0x5FFFF;
	_ =	strace $0x90000046  }
0xb2: {  	s29 =	simm.s32 $0x9;
	_ =	strace $0x80000048  }
0xb3: {  	_ =	swait.ge [sflag:s29], $0x1  }
0xb4: {  	[sflag:s29] =	ssyncadd.s32 $0xFFFFFFFF  }
0xb5: {  	_ =	strace $0x90000048  }
0xb6: {  	_ =	sfence  }
0xb7: {  	s30 =	sld [smem:$0x0];
	_ =	sdelay $0x2  }
0xb8: {  	s31 =	sshll.u32 s1, $0xD;
	s1 =	sshrl.u32 s1, $0x2  }
0xb9: {  	s3 =	sand.u32 $0x4000, s31;
	s1 =	sadd.s32 s1, s30  }
0xba: {  	s0 =	sor.u32 s3, s0;
	s1 =	sshll.u32 s1, $0x11  }
0xbb: {  	s0 =	sor.u32 s1, s0  }
0xbc: {  	s0 =	sadd.s32 $0x8F2B, s0  }
0xbd: {  	[sflag:s0] =	ssyncadd.remote.s32 $0x1  }
0xbe: {  	_ =	sfence.sel $0xFFFF  }
0xbf: {  	[dreg:$0x0] =	wrdreg $0xFFFFFFFF;
	(pc) =	sbr.abs _section_cstart, $3  }
0xc0: {  	[dreg:$0x1] =	wrdreg $0xFFFFFFFF  }
0xc1: {  	_ =	task.clear_ibuf [dreg:s6], $0x2FFFF;
	_ =	strace $0x9FFFFFFF  }
0xc2: {  	(tm) =	ssettm $0x7FFFFFFF  }
0xc3: {  	_ =	shalt  }
tec
execute0_lowered:
.L_overlay_start_1:
0x0: {  	(tag) =	ssettag $0x1  }
0x1: {  	s0 =	srdreg.scid  }
0x2: {  	s6 =	rddreg [dreg:$0x0];
	s7 =	sand.u32 $0x1, s0  }
0x3: {  	s0 =	stileid.u32;
	s4 =	smul.u32 $0x28000, s7  }
0x4: {  	s2 =	rddreg [dreg:$0x1];
	s5 =	smul.u32 $0x2800, s0  }
0x5: {  	s3 =	simm.s32 $0x0;
	s20 =	simm.s32 $0x2800;
	s8 =	smul.u32 $0x27800, s7  }
0x6: {  	s21 =	simm.s32 $0x4F80;
	s22 =	simm.s32 $0x0;
	s28 =	smul.u32 $0x50000, s0  }
0x7: {  	[smem:$0x7FF] =	sst s3;
	s15 =	sadd.s32 $0x19600, s6;
	s30 =	smul.u32 $0x14000, s0  }
0x8: {  	s1 =	sshrl.u32 s0, $0x3;
	s10 =	sshll.u32 s0, $0x7;
	s17 =	smul.u32 $0x140000, s7  }
0x9: {  	s26 =	ssub.s32 $0x2, s7;
	s9 =	smul.u32 $0x13C00, s1;
	s1 =	rddreg [dreg:$0x2]  }
0xa: {  	s25 =	sand.u32 $0x380, s10;
	_ =	strace $0x80000047;
	s29 =	sshrl.u32 s26, $0x1  }
0xb: {  	s4 =	sadd.s32 s5, s4;
	s16 =	ssub.s32 s26, s29;
	s31 =	sshrl.u32 s28, $0x2  }
0xc: {  	s11 =	sadd.s32 $0x4000, s30;
	s13 =	sadd.s32 $0x8000, s30;
	s14 =	sadd.s32 $0xC000, s30  }
0xd: {  	s18 =	sadd.s32 $0x10000, s30;
	s12 =	sadd.s32 s30, s17;
	s24 =	sadd.s32 s8, s9  }
0xe: {  	s4 =	sshrl.u32 s4, $0x3;
	s7 =	sadd.s32 s11, s2;
	s8 =	sadd.s32 s13, s2  }
0xf: {  	s9 =	sadd.s32 s14, s2;
	s11 =	sadd.s32 s17, s11;
	s10 =	sadd.s32 s18, s2  }
0x10: {  	s12 =	sshrl.u32 s12, $0x3;
	s13 =	sadd.s32 s17, s13;
	s14 =	sadd.s32 s17, s14  }
0x11: {  	s17 =	sadd.s32 s17, s18;
	s16 =	smax.u32 s16, $0x1;
	s18 =	simm.s32 $0x80  }
0x12: {  	s5 =	sor.u32 s25, s24;
	s4 =	sadd.s32 s4, s6;
	s19 =	sshrl.u32 s11, $0x3  }
0x13: {  	s11 =	sadd.s32 s15, s12;
	s13 =	sshrl.u32 s13, $0x3;
	s14 =	sshrl.u32 s14, $0x3  }
0x14: {  	s17 =	sshrl.u32 s17, $0x3;
	s5 =	sshrl.u32 s5, $0x3;
	s4 =	sadd.s32 $0x5800, s4  }
0x15: {  	s12 =	sadd.s32 s15, s19;
	s13 =	sadd.s32 s15, s13;
	s14 =	sadd.s32 s15, s14  }
0x16: {  	s15 =	sadd.s32 s15, s17;
	s17 =	simm.s32 $0x1;
	s5 =	sadd.s32 s5, s6  }
0x17: {  	v0 =	vimm.f32 $0.0e+00;
	s19 =	simm.s32 $0x400;
	s6 =	sadd.s32 s31, s2;
	s5 =	sadd.s32 $0xF800, s5  }
.LBB2_1:
0x18: {  	[tilespmem:s3], [sflag:$0x1] =	stream.linear.gather [hbm4b:s4+s3], $0x2780, $0x38;
	[tilespmem:$0x1CF80] =	vst v63  }
0x19: {  	_ =	swait.ge [sflag:s17], $0x2780  }
0x1a: {  	[sflag:s17] =	ssyncset.done $0x0  }
0x1b: {  	[sflag:s17] =	ssyncadd.s32 $0xFFFFD880  }
0x1c: {  	[tilespmem:s20], [sflag:$0x1] =	stream.strided.gather [hbm4b:s5+s18], $0x2780, s19, s18, $0x38;
	[tilespmem:$0x1CF80] =	vst v63  }
0x1d: {  	_ =	swait.ge [sflag:s17], $0x2780  }
0x1e: {  	[sflag:s17] =	ssyncset.done $0x0  }
0x1f: {  	s23 =	simm.s32 $0x0;
	s24 =	simm.s32 $0x200;
	[sflag:s17] =	ssyncadd.s32 $0xFFFFD880  }
.LBB2_2:
0x20: {  	p0 =	sne.s32 s24, $0xFE00;
	[tilespmem:s23+$0x4FF0] =	vst v0  }
0x21: {  	[tilespmem:s23+$0x4F80] =	vst v0  }
0x22: {  	[tilespmem:s23+$0x4F90] =	vst v0  }
.Ltmp0:
0x23: {  	[tilespmem:s23+$0x4FA0] =	vst v0;
	(pc) =	sbr.rel @p0 .LBB2_2-.Ltmp0, $4  }
0x24: {  	[tilespmem:s23+$0x4FB0] =	vst v0  }
0x25: {  	[tilespmem:s23+$0x4FC0] =	vst v0  }
0x26: {  	[tilespmem:s23+$0x4FD0] =	vst v0  }
0x27: {  	[tilespmem:s23+$0x4FE0] =	vst v0;
	s23 =	sshra.s32 s24, $0x2;
	s24 =	sadd.s32 $0x200, s24  }
0x28: {  	[tilespmem:s23+$0x4FF0] =	vst v0  }
0x29: {  	[tilespmem:s23+$0x4F80] =	vst v0  }
0x2a: {  	[tilespmem:s23+$0x4F90] =	vst v0  }
0x2b: {  	[tilespmem:s23+$0x4FA0] =	vst v0  }
0x2c: {  	[tilespmem:s23+$0x4FB0] =	vst v0  }
0x2d: {  	[tilespmem:s23+$0x4FC0] =	vst v0  }
0x2e: {  	[tilespmem:s23+$0x4FD0] =	vst v0  }
0x2f: {  	[tilespmem:s23+$0x4FE0] =	vst v0  }
0x30: {  	[spmem:s6] =	stream.linear.scatter [tilespmem:s21], [sflag:$0x1], $0x4000, $0x38;
	[tilespmem:$0x1CF80] =	vst v63  }
0x31: {  	_ =	swait.ge [sflag:s17], $0x4000  }
0x32: {  	[sflag:s17] =	ssyncset.done $0x0  }
0x33: {  	[sflag:s17] =	ssyncadd.s32 $0xFFFFC000  }
0x34: {  	[spmem:s7] =	stream.linear.scatter [tilespmem:s21], [sflag:$0x1], $0x4000, $0x38;
	[tilespmem:$0x1CF80] =	vst v63  }
0x35: {  	_ =	swait.ge [sflag:s17], $0x4000  }
0x36: {  	[sflag:s17] =	ssyncset.done $0x0  }
0x37: {  	[sflag:s17] =	ssyncadd.s32 $0xFFFFC000  }
0x38: {  	[spmem:s8] =	stream.linear.scatter [tilespmem:s21], [sflag:$0x1], $0x4000, $0x38;
	[tilespmem:$0x1CF80] =	vst v63  }
0x39: {  	_ =	swait.ge [sflag:s17], $0x4000  }
0x3a: {  	[sflag:s17] =	ssyncset.done $0x0  }
0x3b: {  	[sflag:s17] =	ssyncadd.s32 $0xFFFFC000  }
0x3c: {  	[spmem:s9] =	stream.linear.scatter [tilespmem:s21], [sflag:$0x1], $0x4000, $0x38;
	[tilespmem:$0x1CF80] =	vst v63  }
0x3d: {  	_ =	swait.ge [sflag:s17], $0x4000  }
0x3e: {  	[sflag:s17] =	ssyncset.done $0x0  }
0x3f: {  	[sflag:s17] =	ssyncadd.s32 $0xFFFFC000  }
0x40: {  	[spmem:s10] =	stream.linear.scatter [tilespmem:s21], [sflag:$0x1], $0x4000, $0x38;
	[tilespmem:$0x1CF80] =	vst v63  }
0x41: {  	_ =	swait.ge [sflag:s17], $0x4000  }
0x42: {  	[sflag:s17] =	ssyncset.done $0x0  }
0x43: {  	[sflag:s17] =	ssyncadd.s32 $0xFFFFC000  }
0x44: {  	s23 =	simm.s32 $0x0;
	s24 =	simm.s32 $0x0;
	[bflag:$0x0] =	sbarrier.arrive $0xFFFF  }
.LBB2_4:
0x45: {  	s25 =	sadd.s32 $0x0, s23  }
0x46: {  	v1 =	vmov s25;
	_ =	sdelay $0x4  }
0x47: {  	v1 =	vld.idx.msk [tilespmem:v1+s20+$0x0], $0xffff;
	_ =	sdelay $0x3  }
0x48: {  	s25 =	simm.s32 $0x4FC0  }
0x49: {  	[tilespmem:s25+$0xFFFFFFC0] =	vst v1  }
0x4a: {  	[tilespmem:s25+$0xFFFFFFD0] =	vst v1  }
0x4b: {  	s28 =	sadd.s32 $0x1, s23;
	s26 =	simm.s32 $0x2;
	[tilespmem:s25+$0xFFFFFFE0] =	vst v1  }
.LBB2_5:
0x4c: {  	p0 =	sne.s32 s26, $0x7F;
	v2 =	vmov s28;
	[tilespmem:s25+$0xFFFFFFF0] =	vst v1  }
0x4d: {  	[tilespmem:s25+$0x0] =	vst v1  }
0x4e: {  	[tilespmem:s25+$0x10] =	vst v1  }
0x4f: {  	[tilespmem:s25+$0x20] =	vst v1  }
0x50: {  	[tilespmem:s25+$0x30] =	vst v1  }
0x51: {  	v1 =	vld.idx.msk [tilespmem:v2+s20+$0x0], $0xffff;
	_ =	sdelay $0x3  }
.Ltmp1:
0x52: {  	(pc) =	sbr.rel @p0 .LBB2_5-.Ltmp1, $4  }
0x53: {  	s25 =	sadd.s32 $0x80, s25  }
0x54: {  	[tilespmem:s25+$0xFFFFFFC0] =	vst v1  }
0x55: {  	[tilespmem:s25+$0xFFFFFFD0] =	vst v1  }
0x56: {  	s28 =	sadd.s32 s26, s23;
	s26 =	sadd.s32 $0x1, s26;
	[tilespmem:s25+$0xFFFFFFE0] =	vst v1  }
0x57: {  	v2 =	vmov s28;
	[tilespmem:s25+$0xFFFFFFF0] =	vst v1  }
0x58: {  	[tilespmem:s25+$0x0] =	vst v1  }
0x59: {  	[tilespmem:s25+$0x10] =	vst v1  }
0x5a: {  	[tilespmem:s25+$0x20] =	vst v1  }
0x5b: {  	[tilespmem:s25+$0x30] =	vst v1  }
0x5c: {  	v1 =	vld.idx.msk [tilespmem:v2+s20+$0x0], $0xffff;
	_ =	sdelay $0x3  }
0x5d: {  	s30 =	sadd.s32 $0x80, s25  }
0x5e: {  	[tilespmem:s30+$0xFFFFFFC0] =	vst v1  }
0x5f: {  	[tilespmem:s30+$0xFFFFFFD0] =	vst v1  }
0x60: {  	[tilespmem:s30+$0xFFFFFFE0] =	vst v1  }
0x61: {  	[tilespmem:s30+$0xFFFFFFF0] =	vst v1  }
0x62: {  	[tilespmem:s30+$0x0] =	vst v1  }
0x63: {  	s26 =	sshll.u32 s24, $0x7;
	s24 =	sadd.s32 $0x1, s24;
	[tilespmem:s30+$0x10] =	vst v1  }
0x64: {  	p0 =	sne.s32 s24, $0x4F;
	[tilespmem:s30+$0x20] =	vst v1  }
.Ltmp2:
0x65: {  	s31 =	sand.u32 $0x3FFFFF80, s26;
	[tilespmem:s30+$0x30] =	vst v1;
	(pc) =	sbr.rel @p0 .LBB2_4-.Ltmp2, $4  }
0x66: {  	[spmem:s2] =	stream.indirect.scatter.add.f32 [tilespmem:s21], [sflag:$0x1], $0x80, s31, s18, $0xb8;
	[tilespmem:$0x1CF80] =	vst v63  }
0x67: {  	_ =	swait.ge [sflag:s17], $0x4000  }
0x68: {  	[sflag:s17] =	ssyncset.done $0x0  }
0x69: {  	s23 =	sadd.s32 $0x80, s23;
	[sflag:s17] =	ssyncadd.s32 $0xFFFFC000  }
0x6a: {  	s23 =	sshll.u32 s0, $0x6  }
0x6b: {  	[bflag:$0x0] =	sbarrier.arrive $0xFFFF;
	s24 =	sshrl.u32 s6, $0x3;
	s23 =	sor.u32 $0x1C01, s23  }
0x6c: {  	[hbm:s11], [sflag:s23] =	dma.local [spmem:s24], $0x800  }
0x6d: {  	_ =	swait.ge [sflag:s17], $0x800  }
0x6e: {  	[sflag:s17] =	ssyncset.done $0x0  }
0x6f: {  	s28 =	sshrl.u32 s7, $0x3;
	[sflag:s17] =	ssyncadd.s32 $0xFFFFF800  }
0x70: {  	[hbm:s12], [sflag:s23] =	dma.local [spmem:s28], $0x800  }
0x71: {  	_ =	swait.ge [sflag:s17], $0x800  }
0x72: {  	[sflag:s17] =	ssyncset.done $0x0  }
0x73: {  	s29 =	sshrl.u32 s8, $0x3;
	[sflag:s17] =	ssyncadd.s32 $0xFFFFF800  }
0x74: {  	[hbm:s13], [sflag:s23] =	dma.local [spmem:s29], $0x800  }
0x75: {  	_ =	swait.ge [sflag:s17], $0x800  }
0x76: {  	[sflag:s17] =	ssyncset.done $0x0  }
0x77: {  	s30 =	sshrl.u32 s9, $0x3;
	[sflag:s17] =	ssyncadd.s32 $0xFFFFF800  }
0x78: {  	[hbm:s14], [sflag:s23] =	dma.local [spmem:s30], $0x800  }
0x79: {  	s22 =	sadd.s32 $0x1, s22;
	_ =	swait.ge [sflag:s17], $0x800  }
0x7a: {  	p0 =	sne.s32 s22, s16;
	[sflag:s17] =	ssyncset.done $0x0  }
.Ltmp3:
0x7b: {  	s31 =	sshrl.u32 s10, $0x3;
	[sflag:s17] =	ssyncadd.s32 $0xFFFFF800;
	(pc) =	sbr.rel @p0 .LBB2_1-.Ltmp3, $4  }
0x7c: {  	[hbm:s15], [sflag:s23] =	dma.local [spmem:s31], $0x800  }
0x7d: {  	_ =	swait.ge [sflag:s17], $0x800  }
0x7e: {  	[sflag:s17] =	ssyncset.done $0x0  }
0x7f: {  	[sflag:s17] =	ssyncadd.s32 $0xFFFFF800  }
0x80: {  	_ =	sfence.sel $0x180000  }
0x81: {  	[bflag:$0x0] =	sbarrier.arrive $0xFFFF  }
0x82: {  	p0 =	sne.s32 s0, $0x0;
	_ =	strace $0x90000047  }
0x83: {  	s0 =	sadd.s32 @!p0 $0x100000, s1;
	[bflag:$0x2] =	sbarrier.arrive $0xFFFF  }
0x84: {  	[sflag:s0] =	ssyncadd.tile.s32 @!p0 $0x1;
	_ =	shalt  }
.Lfunc_end2:
_tile_overlayer_lowered:
.L_overlay_start_2:
0x85: {  	(tag) =	ssettag $0x2  }
0x86: {  	s0 =	rddreg [dreg:$0x0];
	s2 =	stileid.u32  }
0x87: {  	s1 =	rddreg [dreg:$0x1];
	p0 =	sne.s32 s2, $0x0  }
0x88: {  	s3 =	rddreg [dreg:$0x2];
	[bflag:$0x3] =	sbarrier.arrive $0xFFFF;
	s2 =	simm.s32 @!p0 $0x1C01  }
0x89: {  	[timem:s3], [sflag:s2] =	dma.local @!p0 [hbm:s0], s1  }
0x8a: {  	s0 =	simm.s32 @!p0 $0x1  }
0x8b: {  	_ =	swait.ge @!p0 [sflag:s0], s1  }
0x8c: {  	s1 =	ssub.s32 @!p0 $0x0, s1;
	[sflag:s0] =	ssyncset.done @!p0 $0x0  }
0x8d: {  	[sflag:s0] =	ssyncadd.s32 @!p0 s1  }
0x8e: {  	[bflag:$0x3] =	sbarrier.arrive $0xFFFF  }
0x8f: {  	_ =	shalt  }

// kernel: kernel.14.cloned.1.call-start
scs
__scs_entry_jumppad:
0x0: {  	(pc) =	sbr.rel $0x88, $3  }
0x1: {  	(tag) =	ssettag $0x0;
	lr =	simm.s32 $0x1  }
0x2: {  	[smem:$0x3F86] =	sst lr;
	_ =	strace $0xD0000000  }
0x3: {  	_ = 	snop  }
0x4: {  	_ = 	snop  }
0x5: {  	_ = 	snop  }
0x6: {  	_ = 	snop  }
0x7: {  	_ = 	snop  }
__scs_overlays_trampoline_lowered:
0x8: {  	[smem:$0x3F95] =	sst s0  }
0x9: {  	[smem:$0x3F96] =	sst s1  }
0xa: {  	[smem:$0x3F97] =	sst s2  }
0xb: {  	[smem:$0x3F98] =	sst s3  }
0xc: {  	[smem:$0x3F99] =	sst s4  }
0xd: {  	[smem:$0x3F9A] =	sst s5  }
0xe: {  	[smem:$0x3F9B] =	sst s6  }
0xf: {  	[smem:$0x3F9C] =	sst s7  }
0x10: {  	[smem:$0x3F9D] =	sst s8  }
0x11: {  	[smem:$0x3F9E] =	sst s9;
	s0 =	simm.s32 @!p0 $0x0  }
0x12: {  	s1 =	sld [smem:$0x3F84];
	s0 =	simm.s32 @p0 $0x1  }
0x13: {  	[smem:$0x3F9F] =	sst s0;
	s0 =	simm.s32 @!p1 $0x0  }
0x14: {  	s2 =	sld [smem:$0x3F83];
	s0 =	simm.s32 @p1 $0x1  }
0x15: {  	[smem:$0x3FA0] =	sst s0;
	s0 =	simm.s32 @!p2 $0x0  }
0x16: {  	s3 =	sld [smem:$0x3FDB];
	s0 =	simm.s32 @p2 $0x1  }
0x17: {  	s4 =	simm.s32 $0x1BF5;
	[smem:$0x3FA2] =	sst s0  }
0x18: {  	s0 =	sld [smem:$0x3F85];
	_ =	swait.ge [sflag:s4], $0x0  }
0x19: {  	s7 =	sld [smem:$0x3F86]  }
0x1a: {  	s8 =	sadd.s32 $0xFFFFE003, lr  }
0x1b: {  	s9 =	sadd.s32 $0xFFFFFEF7, lr;
	s5 =	simm.s32 $0xFFFFFFFF;
	p2 =	slt.u32 s8, $0xFFFFF086  }
0x1c: {  	p1 =	slt.u32 s9, $0xF7A;
	s5 =	simm.s32 @!p2 $0x0  }
0x1d: {  	s5 =	simm.s32 @p1 $0x1;
	p0 =	seq.s32 s7, s2  }
0x1e: {  	s7 =	smul.u32 @!p0 $0xF7A, s2;
	p2 =	seq.s32 @!p0 s5, $0x0  }
0x1f: {  	s9 =	smul.u32 $0xF7A, s1;
	s8 =	simm.s32 @!p0 $0x1BF5;
	p2 =	por !p2, p0  }
0x20: {  	[sflag:s8] =	ssyncset.s32 @!p0 $0xFFFFF086;
	s6 =	sadd.s32 @!p0 s3, s7;
	s7 =	simm.s32 @!p0 $0x108  }
0x21: {  	s3 =	sadd.s32 s3, s9;
	s6 =	sadd.s32 @!p0 $0x88, s6;
	s7 =	simm.s32 @p2 $0x1082  }
0x22: {  	[simem:s7], [sflag:s8] =	dma.local @!p0 [hbm:s6], $0xF7A  }
0x23: {  	s9 =	sor.u32 $0xD0000000, s2;
	s6 =	simm.s32 $0x108;
	_ =	swait.ge @!p0 [sflag:s8], $0x0  }
0x24: {  	s3 =	sadd.s32 $0x88, s3;
	s6 =	simm.s32 @!p1 $0x1082;
	[sflag:s4] =	ssyncset.s32 $0xFFFFF086  }
0x25: {  	[simem:s6], [sflag:s4] =	dma.local [hbm:s3], $0xF7A  }
0x26: {  	[smem:$0x3F86] =	sst s1;
	(tag) =	ssettag s2;
	_ =	strace s9  }
0x27: {  	s1 =	sld [smem:$0x3F96]  }
0x28: {  	s2 =	sld [smem:$0x3F97]  }
0x29: {  	s4 =	sld [smem:$0x3F99]  }
0x2a: {  	p0 =	seq.s32 s5, $0x0;
	s5 =	sld [smem:$0x3F9A]  }
0x2b: {  	s6 =	sld [smem:$0x3F9B]  }
0x2c: {  	s7 =	sld [smem:$0x3F9C]  }
0x2d: {  	s3 =	simm.s32 $0x108;
	s8 =	sld [smem:$0x3F9D]  }
0x2e: {  	s3 =	simm.s32 @!p0 $0x1082;
	s9 =	sld [smem:$0x3F9E]  }
0x2f: {  	lr =	sadd.s32 s0, s3;
	s0 =	sld [smem:$0x3F95]  }
0x30: {  	s3 =	sld [smem:$0x3F98]  }
0x31: {  	[smem:$0x3FA1] =	sst s10  }
0x32: {  	s10 =	sld [smem:$0x3F9F];
	_ =	sdelay $0x3  }
0x33: {  	p0 =	seq.s32 s10, $0x1;
	s10 =	sld [smem:$0x3FA1];
	_ =	sdelay $0x3  }
0x34: {  	[smem:$0x3FA1] =	sst s10  }
0x35: {  	s10 =	sld [smem:$0x3FA0];
	_ =	sdelay $0x3  }
0x36: {  	p1 =	seq.s32 s10, $0x1;
	s10 =	sld [smem:$0x3FA1];
	_ =	sdelay $0x3  }
0x37: {  	[smem:$0x3FA1] =	sst s10  }
0x38: {  	s10 =	sld [smem:$0x3FA2]  }
0x39: {  	_ = 	snop;
	(pc) =	sbr.ind lr, $3  }
0x3a: {  	_ = 	snop  }
0x3b: {  	_ = 	snop  }
0x3c: {  	p2 =	seq.s32 s10, $0x1;
	s10 =	sld [smem:$0x3FA1]  }
0x3d: {  	_ =	shalt  }
0x3e: {  	_ =	shalt  }
0x3f: {  	_ =	shalt  }
0x40: {  	_ =	shalt  }
0x41: {  	_ =	shalt  }
0x42: {  	_ =	shalt  }
0x43: {  	_ =	shalt  }
0x44: {  	_ =	shalt  }
0x45: {  	_ =	shalt  }
0x46: {  	_ =	shalt  }
0x47: {  	_ =	shalt  }
0x48: {  	_ =	shalt  }
0x49: {  	_ =	shalt  }
0x4a: {  	_ =	shalt  }
0x4b: {  	_ =	shalt  }
0x4c: {  	_ =	shalt  }
0x4d: {  	_ =	shalt  }
0x4e: {  	_ =	shalt  }
0x4f: {  	_ =	shalt  }
0x50: {  	_ =	shalt  }
0x51: {  	_ =	shalt  }
0x52: {  	_ =	shalt  }
0x53: {  	_ =	shalt  }
0x54: {  	_ =	shalt  }
0x55: {  	_ =	shalt  }
0x56: {  	_ =	shalt  }
0x57: {  	_ =	shalt  }
0x58: {  	_ =	shalt  }
0x59: {  	_ =	shalt  }
0x5a: {  	_ =	shalt  }
0x5b: {  	_ =	shalt  }
0x5c: {  	_ =	shalt  }
0x5d: {  	_ =	shalt  }
0x5e: {  	_ =	shalt  }
0x5f: {  	_ =	shalt  }
0x60: {  	_ =	shalt  }
0x61: {  	_ =	shalt  }
0x62: {  	_ =	shalt  }
0x63: {  	_ =	shalt  }
0x64: {  	_ =	shalt  }
0x65: {  	_ =	shalt  }
0x66: {  	_ =	shalt  }
0x67: {  	_ =	shalt  }
0x68: {  	_ =	shalt  }
0x69: {  	_ =	shalt  }
0x6a: {  	_ =	shalt  }
0x6b: {  	_ =	shalt  }
0x6c: {  	_ =	shalt  }
0x6d: {  	_ =	shalt  }
0x6e: {  	_ =	shalt  }
0x6f: {  	_ =	shalt  }
0x70: {  	_ =	shalt  }
0x71: {  	_ =	shalt  }
0x72: {  	_ =	shalt  }
0x73: {  	_ =	shalt  }
0x74: {  	_ =	shalt  }
0x75: {  	_ =	shalt  }
0x76: {  	_ =	shalt  }
0x77: {  	_ =	shalt  }
0x78: {  	_ =	shalt  }
0x79: {  	_ =	shalt  }
0x7a: {  	_ =	shalt  }
0x7b: {  	_ =	shalt  }
0x7c: {  	_ =	shalt  }
0x7d: {  	_ =	shalt  }
0x7e: {  	_ =	shalt  }
0x7f: {  	_ =	shalt  }
0x80: {  	_ =	shalt  }
0x81: {  	_ =	shalt  }
0x82: {  	_ =	shalt  }
0x83: {  	_ =	shalt  }
0x84: {  	_ =	shalt  }
0x85: {  	_ =	shalt  }
0x86: {  	_ =	shalt  }
0x87: {  	_ =	shalt  }
.Lfunc_end0:
.L_simem_size_0:
called_computation.1_lowered:
.L_overlay_start_0:
0x88: {  	s2 =	sld [smem:$0x3FD9]  }
0x89: {  	s3 =	sld [smem:$0x3FFE];
	_ =	sdelay $0x1  }
0x8a: {  	s1 =	srdreg.scid  }
0x8b: {  	s0 =	sand.u32 $0x1, s1  }
0x8c: {  	s16 =	sshll.u32 s0, $0xA;
	s2 =	sadd.s32 s3, s2  }
0x8d: {  	s2 =	sadd.s32 s2, s16  }
0x8e: {  	[smem:$0x3FAD] =	sst s2  }
0x8f: {  	_ = 	snop  }
0x90: {  	(tm) =	ssettm $0x1  }
0x91: {  	s17 =	sld [smem:$0x3FFB];
	_ =	sdelay $0x3  }
0x92: {  	_ =	strace s17  }
0x93: {  	s2 =	sld [smem:$0x3FFC];
	_ =	sdelay $0x3  }
0x94: {  	_ =	strace s2  }
0x95: {  	s2 =	sld [smem:$0x3FFD];
	_ =	sdelay $0x3  }
0x96: {  	_ =	strace s2  }
0x97: {  	_ =	strace $0x8FFFFFFF  }
0x98: {  	s18 =	sld [smem:$0x3FDB];
	_ =	sdelay $0x1  }
0x99: {  	s19 =	simm.s32 $_scs_section_size  }
0x9a: {  	s4 =	simm.s32 $_size__tile_overlayer_lowered;
	s5 =	simm.s32 $_tile_overlayer_lowered  }
0x9b: {  	s22 =	simm.s32 $0x1BFF;
	s21 =	sshll.u32 s5, $0x1;
	s2 =	sadd.s32 s19, s18  }
0x9c: {  	s6 =	simm.s32 $0x0;
	s20 =	sshll.u32 s4, $0x1;
	s4 =	sadd.s32 s21, s2  }
0x9d: {  	[timem:s6], [sflag:s22] =	dma.local [hbm:s4], s20  }
0x9e: {  	_ =	swait.ge [sflag:s22], s20  }
0x9f: {  	s3 =	ssub.s32 $0x0, s20;
	[sflag:s22] =	ssyncset.done $0x0  }
0xa0: {  	[sflag:s22] =	ssyncadd.s32 s3;
	_ =	sdelay $0x1  }
0xa1: {  	s23 =	simm.s32 $0x1B8B  }
0xa2: {  	_ =	swait.ge [sflag:s23], $0x1  }
0xa3: {  	[sflag:s23] =	ssyncset.done $0x0  }
0xa4: {  	s25 =	simm.s32 $0x1B8E;
	s24 =	sld [smem:$0x3FFE];
	[sflag:s23] =	ssyncadd.s32 $0xFFFFFFFF  }
0xa5: {  	s26 =	simm.s32 $execute0_lowered;
	[smem:$0x3FD2] =	sst s25  }
0xa6: {  	s4 =	sshll.u32 s26, $0x1;
	_ =	strace $0x80000049;
	[dreg:$0x1] =	wrdreg $0xFFFFFFFF  }
0xa7: {  	s28 =	simm.s32 $_size_execute0_lowered;
	s2 =	sadd.s32 s2, s4;
	[dreg:$0x0] =	wrdreg $0x0  }
0xa8: {  	s4 =	sshll.u32 s28, $0x1;
	[dreg:$0x2] =	wrdreg s2  }
0xa9: {  	[dreg:$0x3] =	wrdreg s4  }
0xaa: {  	[dreg:$0x4] =	wrdreg $0xC0  }
0xab: {  	_ =	task [dreg:s6], $0x5FFFF  }
0xac: {  	[dreg:$0x1] =	wrdreg $0xFFFFFFFF  }
0xad: {  	[dreg:$0x0] =	wrdreg $0x60  }
0xae: {  	[dreg:$0x2] =	wrdreg s24  }
0xaf: {  	[dreg:$0x3] =	wrdreg $0xB7800  }
0xb0: {  	[dreg:$0x4] =	wrdreg $0x9  }
0xb1: {  	_ =	task.clear_ibuf [dreg:s6], $0x5FFFF;
	_ =	strace $0x90000049  }
0xb2: {  	s29 =	simm.s32 $0x9;
	_ =	strace $0x8000004B  }
0xb3: {  	_ =	swait.ge [sflag:s29], $0x1  }
0xb4: {  	[sflag:s29] =	ssyncadd.s32 $0xFFFFFFFF  }
0xb5: {  	_ =	strace $0x9000004B  }
0xb6: {  	_ =	sfence  }
0xb7: {  	s30 =	sld [smem:$0x0];
	_ =	sdelay $0x2  }
0xb8: {  	s31 =	sshll.u32 s1, $0xD;
	s1 =	sshrl.u32 s1, $0x2  }
0xb9: {  	s3 =	sand.u32 $0x4000, s31;
	s1 =	sadd.s32 s1, s30  }
0xba: {  	s0 =	sor.u32 s3, s0;
	s1 =	sshll.u32 s1, $0x11  }
0xbb: {  	s0 =	sor.u32 s1, s0  }
0xbc: {  	s0 =	sadd.s32 $0x8F2B, s0  }
0xbd: {  	[sflag:s0] =	ssyncadd.remote.s32 $0x1  }
0xbe: {  	_ =	sfence.sel $0xFFFF  }
0xbf: {  	[dreg:$0x0] =	wrdreg $0xFFFFFFFF;
	(pc) =	sbr.abs _section_cstart, $3  }
0xc0: {  	[dreg:$0x1] =	wrdreg $0xFFFFFFFF  }
0xc1: {  	_ =	task.clear_ibuf [dreg:s6], $0x2FFFF;
	_ =	strace $0x9FFFFFFF  }
0xc2: {  	(tm) =	ssettm $0x7FFFFFFF  }
0xc3: {  	_ =	shalt  }
tec
execute0_lowered:
.L_overlay_start_1:
0x0: {  	(tag) =	ssettag $0x1  }
0x1: {  	s0 =	srdreg.scid;
	s10 =	stileid.u32  }
0x2: {  	s5 =	rddreg [dreg:$0x0];
	s4 =	smul.u32 $0x2800, s10  }
0x3: {  	s2 =	rddreg [dreg:$0x1];
	s9 =	smul.u32 $0x50000, s10  }
0x4: {  	s3 =	simm.s32 $0x0;
	s0 =	sand.u32 $0x1, s0;
	s12 =	smul.u32 $0x14000, s10  }
0x5: {  	s21 =	simm.s32 $0x80;
	s7 =	sshrl.u32 s10, $0x3;
	s1 =	smul.u32 $0x28000, s0  }
0x6: {  	[smem:$0x7FF] =	sst s3;
	s8 =	sshll.u32 s10, $0x7;
	s6 =	smul.u32 $0x27800, s0  }
0x7: {  	s17 =	sadd.s32 $0x73600, s5;
	s7 =	smul.u32 $0x13C00, s7;
	s23 =	sand.u32 $0x380, s8  }
0x8: {  	_ =	strace $0x8000004A;
	s24 =	ssub.s32 $0x2, s0;
	s0 =	smul.u32 $0x140000, s0  }
0x9: {  	s26 =	sshrl.u32 s24, $0x1;
	s28 =	sshrl.u32 s9, $0x2;
	s29 =	sadd.s32 $0x4000, s12  }
0xa: {  	s15 =	sadd.s32 $0x8000, s12;
	s16 =	sadd.s32 $0xC000, s12;
	s19 =	sadd.s32 $0x10000, s12  }
0xb: {  	s1 =	sadd.s32 s4, s1;
	s22 =	sadd.s32 s6, s7;
	s18 =	ssub.s32 s24, s26  }
0xc: {  	s8 =	sadd.s32 s28, s2;
	s9 =	sadd.s32 s29, s2;
	s10 =	sadd.s32 s15, s2  }
0xd: {  	s11 =	sadd.s32 s16, s2;
	s13 =	sadd.s32 s12, s0;
	s12 =	sadd.s32 s19, s2  }
0xe: {  	s30 =	sadd.s32 s0, s15;
	s31 =	sadd.s32 s0, s16;
	s24 =	simm.s32 $0x7780  }
0xf: {  	s26 =	simm.s32 $0x0;
	s1 =	sshrl.u32 s1, $0x3;
	s4 =	sor.u32 s23, s22  }
0x10: {  	s13 =	sshrl.u32 s13, $0x3;
	s16 =	sshrl.u32 s31, $0x3;
	s18 =	smax.u32 s18, $0x1  }
0x11: {  	s22 =	simm.s32 $0x400;
	s23 =	simm.s32 $0x5000;
	s1 =	sadd.s32 s1, s5  }
0x12: {  	s4 =	sshrl.u32 s4, $0x3;
	s13 =	sadd.s32 s17, s13;
	s16 =	sadd.s32 s17, s16  }
0x13: {  	s25 =	sadd.s32 s4, s5;
	s4 =	sadd.s32 $0x19600, s5;
	s5 =	sadd.s32 $0x69600, s1  }
0x14: {  	s6 =	sadd.s32 $0x5800, s1;
	s1 =	sadd.s32 s0, s29;
	s0 =	sadd.s32 s0, s19  }
0x15: {  	s19 =	simm.s32 $0x2;
	s7 =	sadd.s32 $0xF800, s25;
	s1 =	sshrl.u32 s1, $0x3  }
0x16: {  	s0 =	sshrl.u32 s0, $0x3;
	s14 =	sadd.s32 s17, s1;
	s1 =	sshrl.u32 s30, $0x3  }
0x17: {  	v0 =	vimm.f32 $0.0e+00;
	s25 =	simm.s32 $0x1;
	s15 =	sadd.s32 s17, s1;
	s17 =	sadd.s32 s17, s0  }
.LBB2_1:
0x18: {  	[tilespmem:s3], [sflag:$0x2] =	stream.linear.gather [hbm4b:s5+s3], $0x2780, $0x38;
	[tilespmem:$0x1F780] =	vst v63  }
0x19: {  	_ =	swait.ge [sflag:s19], $0x2780  }
0x1a: {  	[sflag:s19] =	ssyncset.done $0x0  }
0x1b: {  	s0 =	simm.s32 $0x2800;
	[sflag:s19] =	ssyncadd.s32 $0xFFFFD880  }
0x1c: {  	[tilespmem:s0], [sflag:$0x2] =	stream.linear.gather [hbm4b:s6+s3], $0x2780, $0x38;
	[tilespmem:$0x1F780] =	vst v63  }
0x1d: {  	_ =	swait.ge [sflag:s19], $0x2780  }
0x1e: {  	[sflag:s19] =	ssyncset.done $0x0  }
0x1f: {  	[sflag:s19] =	ssyncadd.s32 $0xFFFFD880  }
0x20: {  	[tilespmem:s23], [sflag:$0x2] =	stream.strided.gather [hbm4b:s7+s21], $0x2780, s22, s21, $0x38;
	[tilespmem:$0x1F780] =	vst v63  }
0x21: {  	_ =	swait.ge [sflag:s19], $0x2780  }
0x22: {  	[sflag:s19] =	ssyncset.done $0x0  }
0x23: {  	s1 =	simm.s32 $0x200;
	s0 =	simm.s32 $0x0;
	[sflag:s19] =	ssyncadd.s32 $0xFFFFD880  }
.LBB2_2:
0x24: {  	p0 =	sne.s32 s1, $0xFE00;
	[tilespmem:s0+$0x77F0] =	vst v0  }
0x25: {  	[tilespmem:s0+$0x7780] =	vst v0  }
0x26: {  	[tilespmem:s0+$0x7790] =	vst v0  }
.Ltmp0:
0x27: {  	[tilespmem:s0+$0x77A0] =	vst v0;
	(pc) =	sbr.rel @p0 .LBB2_2-.Ltmp0, $4  }
0x28: {  	[tilespmem:s0+$0x77B0] =	vst v0  }
0x29: {  	[tilespmem:s0+$0x77C0] =	vst v0  }
0x2a: {  	[tilespmem:s0+$0x77D0] =	vst v0  }
0x2b: {  	[tilespmem:s0+$0x77E0] =	vst v0;
	s0 =	sshra.s32 s1, $0x2;
	s1 =	sadd.s32 $0x200, s1  }
0x2c: {  	[tilespmem:s0+$0x77F0] =	vst v0  }
0x2d: {  	[tilespmem:s0+$0x7780] =	vst v0  }
0x2e: {  	[tilespmem:s0+$0x7790] =	vst v0  }
0x2f: {  	[tilespmem:s0+$0x77A0] =	vst v0  }
0x30: {  	[tilespmem:s0+$0x77B0] =	vst v0  }
0x31: {  	[tilespmem:s0+$0x77C0] =	vst v0  }
0x32: {  	[tilespmem:s0+$0x77D0] =	vst v0  }
0x33: {  	[tilespmem:s0+$0x77E0] =	vst v0  }
0x34: {  	[spmem:s8] =	stream.linear.scatter [tilespmem:s24], [sflag:$0x2], $0x4000, $0x38;
	[tilespmem:$0x1F780] =	vst v63  }
0x35: {  	_ =	swait.ge [sflag:s19], $0x4000  }
0x36: {  	[sflag:s19] =	ssyncset.done $0x0  }
0x37: {  	[sflag:s19] =	ssyncadd.s32 $0xFFFFC000  }
0x38: {  	[spmem:s9] =	stream.linear.scatter [tilespmem:s24], [sflag:$0x2], $0x4000, $0x38;
	[tilespmem:$0x1F780] =	vst v63  }
0x39: {  	_ =	swait.ge [sflag:s19], $0x4000  }
0x3a: {  	[sflag:s19] =	ssyncset.done $0x0  }
0x3b: {  	[sflag:s19] =	ssyncadd.s32 $0xFFFFC000  }
0x3c: {  	[spmem:s10] =	stream.linear.scatter [tilespmem:s24], [sflag:$0x2], $0x4000, $0x38;
	[tilespmem:$0x1F780] =	vst v63  }
0x3d: {  	_ =	swait.ge [sflag:s19], $0x4000  }
0x3e: {  	[sflag:s19] =	ssyncset.done $0x0  }
0x3f: {  	[sflag:s19] =	ssyncadd.s32 $0xFFFFC000  }
0x40: {  	[spmem:s11] =	stream.linear.scatter [tilespmem:s24], [sflag:$0x2], $0x4000, $0x38;
	[tilespmem:$0x1F780] =	vst v63  }
0x41: {  	_ =	swait.ge [sflag:s19], $0x4000  }
0x42: {  	[sflag:s19] =	ssyncset.done $0x0  }
0x43: {  	[sflag:s19] =	ssyncadd.s32 $0xFFFFC000  }
0x44: {  	[spmem:s12] =	stream.linear.scatter [tilespmem:s24], [sflag:$0x2], $0x4000, $0x38;
	[tilespmem:$0x1F780] =	vst v63  }
0x45: {  	_ =	swait.ge [sflag:s19], $0x4000  }
0x46: {  	[sflag:s19] =	ssyncset.done $0x0  }
0x47: {  	[sflag:s19] =	ssyncadd.s32 $0xFFFFC000  }
0x48: {  	s28 =	simm.s32 $0x0;
	s29 =	simm.s32 $0x0;
	[bflag:$0x0] =	sbarrier.arrive $0xFFFF  }
.LBB2_4:
0x49: {  	s30 =	sshll.u32 s29, $0x7  }
0x4a: {  	[tilespmem:s24], [sflag:$0x1] =	stream.indirect.gather [hbm4b:s4+s21], $0x80, s30, s21, $0xb8;
	[tilespmem:$0x1F780] =	vst v63  }
0x4b: {  	s0 =	sadd.s32 $0x0, s28;
	_ =	swait.ge [sflag:s25], $0x4000  }
0x4c: {  	v1 =	vmov s0;
	[sflag:s25] =	ssyncset.done $0x0  }
0x4d: {  	s31 =	simm.s32 $0x77C0;
	[sflag:s25] =	ssyncadd.s32 $0xFFFFC000  }
0x4e: {  	v5 =	vld [tilespmem:s31+$0x30]  }
0x4f: {  	v8 =	vld [tilespmem:s31+$0x10]  }
0x50: {  	v6 =	vld [tilespmem:s31+$0xFFFFFFC0]  }
0x51: {  	v2 =	vld.idx.msk [tilespmem:v1+s23+$0x0], $0xffff  }
0x52: {  	v10 =	vld [tilespmem:s31+$0xFFFFFFE0]  }
0x53: {  	v3 =	vld [tilespmem:s31+$0x20]  }
0x54: {  	v4 =	vld [tilespmem:s31+$0xFFFFFFD0]  }
0x55: {  	v1 =	vld [tilespmem:s31+$0xFFFFFFF0]  }
0x56: {  	v9 =	vmul.f32 v5, v2;
	v5 =	vld [tilespmem:s31+$0x0]  }
0x57: {  	v7 =	vmul.f32 v6, v2  }
0x58: {  	s1 =	simm.s32 $0x1;
	s0 =	simm.s32 $0x77C0;
	v6 =	vmul.f32 v10, v2;
	v8 =	vmul.f32 v8, v2  }
.LBB2_5:
0x59: {  	p0 =	sne.s32 s1, $0x7F  }
0x5a: {  	v4 =	vmul.f32 v4, v2;
	v3 =	vmul.f32 v3, v2;
	[tilespmem:s31+$0x30] =	vst v9;
	s0 =	sadd.s32 $0x80, s0;
	s20 =	smov.u32 s1;
	s1 =	sadd.s32 $0x1, s1  }
0x5b: {  	[tilespmem:s31+$0xFFFFFFC0] =	vst v7;
	v7 =	vmul.f32 v1, v2;
	v2 =	vmul.f32 v5, v2  }
0x5c: {  	s20 =	sadd.s32 s20, s28;
	[tilespmem:s31+$0x10] =	vst v8  }
0x5d: {  	v5 =	vmov s20;
	[tilespmem:s31+$0xFFFFFFE0] =	vst v6  }
0x5e: {  	v1 =	vld [tilespmem:s0+$0xFFFFFFF0];
	[tilespmem:s31+$0xFFFFFFF0] =	vst v7  }
0x5f: {  	v6 =	vld [tilespmem:s0+$0x30];
	[tilespmem:s31+$0x0] =	vst v2  }
0x60: {  	v8 =	vld [tilespmem:s0+$0x10];
	[tilespmem:s31+$0x20] =	vst v3  }
0x61: {  	v7 =	vld [tilespmem:s0+$0xFFFFFFC0];
	[tilespmem:s31+$0xFFFFFFD0] =	vst v4;
	s31 =	smov.u32 s0  }
0x62: {  	v2 =	vld.idx.msk [tilespmem:v5+s23+$0x0], $0xffff  }
0x63: {  	v10 =	vld [tilespmem:s0+$0xFFFFFFE0]  }
0x64: {  	v3 =	vld [tilespmem:s0+$0x20]  }
.Ltmp1:
0x65: {  	v4 =	vld [tilespmem:s0+$0xFFFFFFD0];
	(pc) =	sbr.rel @p0 .LBB2_5-.Ltmp1, $3  }
0x66: {  	v5 =	vld [tilespmem:s0+$0x0];
	_ =	sdelay $0x1  }
0x67: {  	v7 =	vmul.f32 v7, v2;
	v9 =	vmul.f32 v6, v2  }
0x68: {  	v8 =	vmul.f32 v8, v2;
	v6 =	vmul.f32 v10, v2  }
0x69: {  	[tilespmem:s31+$0x30] =	vst v9  }
0x6a: {  	[tilespmem:s31+$0xFFFFFFC0] =	vst v7  }
0x6b: {  	v1 =	vmul.f32 v1, v2;
	[tilespmem:s31+$0x10] =	vst v8  }
0x6c: {  	v3 =	vmul.f32 v3, v2;
	[tilespmem:s31+$0xFFFFFFE0] =	vst v6  }
0x6d: {  	v5 =	vmul.f32 v5, v2;
	[tilespmem:s31+$0xFFFFFFF0] =	vst v1  }
0x6e: {  	s29 =	sadd.s32 $0x1, s29;
	v1 =	vmul.f32 v4, v2;
	[tilespmem:s31+$0x20] =	vst v3  }
0x6f: {  	p0 =	sne.s32 s29, $0x4F;
	[tilespmem:s31+$0x0] =	vst v5  }
.Ltmp2:
0x70: {  	s0 =	sadd.s32 $0x2800, s30;
	[tilespmem:s31+$0xFFFFFFD0] =	vst v1;
	(pc) =	sbr.rel @p0 .LBB2_4-.Ltmp2, $4  }
0x71: {  	[spmem:s2] =	stream.indirect.scatter.add.f32 [tilespmem:s24], [sflag:$0x2], $0x80, s0, s21, $0xb8;
	[tilespmem:$0x1F780] =	vst v63  }
0x72: {  	_ =	swait.ge [sflag:s19], $0x4000  }
0x73: {  	[sflag:s19] =	ssyncset.done $0x0  }
0x74: {  	s28 =	sadd.s32 $0x80, s28;
	[sflag:s19] =	ssyncadd.s32 $0xFFFFC000  }
0x75: {  	s0 =	stileid.u32  }
0x76: {  	s0 =	sshll.u32 s0, $0x6  }
0x77: {  	[bflag:$0x0] =	sbarrier.arrive $0xFFFF;
	s1 =	sshrl.u32 s8, $0x3;
	s0 =	sor.u32 $0x1C02, s0  }
0x78: {  	[hbm:s13], [sflag:s0] =	dma.local [spmem:s1], $0x800  }
0x79: {  	_ =	swait.ge [sflag:s19], $0x800  }
0x7a: {  	[sflag:s19] =	ssyncset.done $0x0  }
0x7b: {  	s28 =	sshrl.u32 s9, $0x3;
	[sflag:s19] =	ssyncadd.s32 $0xFFFFF800  }
0x7c: {  	[hbm:s14], [sflag:s0] =	dma.local [spmem:s28], $0x800  }
0x7d: {  	_ =	swait.ge [sflag:s19], $0x800  }
0x7e: {  	[sflag:s19] =	ssyncset.done $0x0  }
0x7f: {  	s29 =	sshrl.u32 s10, $0x3;
	[sflag:s19] =	ssyncadd.s32 $0xFFFFF800  }
0x80: {  	[hbm:s15], [sflag:s0] =	dma.local [spmem:s29], $0x800  }
0x81: {  	_ =	swait.ge [sflag:s19], $0x800  }
0x82: {  	[sflag:s19] =	ssyncset.done $0x0  }
0x83: {  	s30 =	sshrl.u32 s11, $0x3;
	[sflag:s19] =	ssyncadd.s32 $0xFFFFF800  }
0x84: {  	[hbm:s16], [sflag:s0] =	dma.local [spmem:s30], $0x800  }
0x85: {  	s26 =	sadd.s32 $0x1, s26;
	_ =	swait.ge [sflag:s19], $0x800  }
0x86: {  	p0 =	sne.s32 s26, s18;
	[sflag:s19] =	ssyncset.done $0x0  }
.Ltmp3:
0x87: {  	s31 =	sshrl.u32 s12, $0x3;
	[sflag:s19] =	ssyncadd.s32 $0xFFFFF800;
	(pc) =	sbr.rel @p0 .LBB2_1-.Ltmp3, $4  }
0x88: {  	[hbm:s17], [sflag:s0] =	dma.local [spmem:s31], $0x800  }
0x89: {  	_ =	swait.ge [sflag:s19], $0x800  }
0x8a: {  	[sflag:s19] =	ssyncset.done $0x0  }
0x8b: {  	[sflag:s19] =	ssyncadd.s32 $0xFFFFF800  }
0x8c: {  	_ =	sfence.sel $0x180000  }
0x8d: {  	[bflag:$0x0] =	sbarrier.arrive $0xFFFF  }
0x8e: {  	_ =	strace $0x9000004A  }
0x8f: {  	s0 =	stileid.u32;
	[bflag:$0x2] =	sbarrier.arrive $0xFFFF  }
0x90: {  	p0 =	sne.s32 s0, $0x0;
	s0 =	rddreg [dreg:$0x2]  }
0x91: {  	s0 =	sadd.s32 @!p0 $0x100000, s0  }
0x92: {  	[sflag:s0] =	ssyncadd.tile.s32 @!p0 $0x1;
	_ =	shalt  }
.Lfunc_end2:
_tile_overlayer_lowered:
.L_overlay_start_2:
0x93: {  	(tag) =	ssettag $0x2  }
0x94: {  	s0 =	rddreg [dreg:$0x0];
	s2 =	stileid.u32  }
0x95: {  	s1 =	rddreg [dreg:$0x1];
	p0 =	sne.s32 s2, $0x0  }
0x96: {  	s3 =	rddreg [dreg:$0x2];
	[bflag:$0x3] =	sbarrier.arrive $0xFFFF;
	s2 =	simm.s32 @!p0 $0x1C02  }
0x97: {  	[timem:s3], [sflag:s2] =	dma.local @!p0 [hbm:s0], s1  }
0x98: {  	s0 =	simm.s32 @!p0 $0x2  }
0x99: {  	_ =	swait.ge @!p0 [sflag:s0], s1  }
0x9a: {  	s1 =	ssub.s32 @!p0 $0x0, s1;
	[sflag:s0] =	ssyncset.done @!p0 $0x0  }
0x9b: {  	[sflag:s0] =	ssyncadd.s32 @!p0 s1  }
0x9c: {  	[bflag:$0x3] =	sbarrier.arrive $0xFFFF  }
0x9d: {  	_ =	shalt  }

// kernel: kernel.17.cloned.1.call-start
scs
__scs_entry_jumppad:
0x0: {  	(pc) =	sbr.rel $0x88, $3  }
0x1: {  	(tag) =	ssettag $0x0;
	lr =	simm.s32 $0x1  }
0x2: {  	[smem:$0x3F86] =	sst lr;
	_ =	strace $0xD0000000  }
0x3: {  	_ = 	snop  }
0x4: {  	_ = 	snop  }
0x5: {  	_ = 	snop  }
0x6: {  	_ = 	snop  }
0x7: {  	_ = 	snop  }
__scs_overlays_trampoline_lowered:
0x8: {  	[smem:$0x3F95] =	sst s0  }
0x9: {  	[smem:$0x3F96] =	sst s1  }
0xa: {  	[smem:$0x3F97] =	sst s2  }
0xb: {  	[smem:$0x3F98] =	sst s3  }
0xc: {  	[smem:$0x3F99] =	sst s4  }
0xd: {  	[smem:$0x3F9A] =	sst s5  }
0xe: {  	[smem:$0x3F9B] =	sst s6  }
0xf: {  	[smem:$0x3F9C] =	sst s7  }
0x10: {  	[smem:$0x3F9D] =	sst s8  }
0x11: {  	[smem:$0x3F9E] =	sst s9;
	s0 =	simm.s32 @!p0 $0x0  }
0x12: {  	s1 =	sld [smem:$0x3F84];
	s0 =	simm.s32 @p0 $0x1  }
0x13: {  	[smem:$0x3F9F] =	sst s0;
	s0 =	simm.s32 @!p1 $0x0  }
0x14: {  	s2 =	sld [smem:$0x3F83];
	s0 =	simm.s32 @p1 $0x1  }
0x15: {  	[smem:$0x3FA0] =	sst s0;
	s0 =	simm.s32 @!p2 $0x0  }
0x16: {  	s3 =	sld [smem:$0x3FDB];
	s0 =	simm.s32 @p2 $0x1  }
0x17: {  	s4 =	simm.s32 $0x1BF5;
	[smem:$0x3FA2] =	sst s0  }
0x18: {  	s0 =	sld [smem:$0x3F85];
	_ =	swait.ge [sflag:s4], $0x0  }
0x19: {  	s7 =	sld [smem:$0x3F86]  }
0x1a: {  	s8 =	sadd.s32 $0xFFFFE003, lr  }
0x1b: {  	s9 =	sadd.s32 $0xFFFFFEF7, lr;
	s5 =	simm.s32 $0xFFFFFFFF;
	p2 =	slt.u32 s8, $0xFFFFF086  }
0x1c: {  	p1 =	slt.u32 s9, $0xF7A;
	s5 =	simm.s32 @!p2 $0x0  }
0x1d: {  	s5 =	simm.s32 @p1 $0x1;
	p0 =	seq.s32 s7, s2  }
0x1e: {  	s7 =	smul.u32 @!p0 $0xF7A, s2;
	p2 =	seq.s32 @!p0 s5, $0x0  }
0x1f: {  	s9 =	smul.u32 $0xF7A, s1;
	s8 =	simm.s32 @!p0 $0x1BF5;
	p2 =	por !p2, p0  }
0x20: {  	[sflag:s8] =	ssyncset.s32 @!p0 $0xFFFFF086;
	s6 =	sadd.s32 @!p0 s3, s7;
	s7 =	simm.s32 @!p0 $0x108  }
0x21: {  	s3 =	sadd.s32 s3, s9;
	s6 =	sadd.s32 @!p0 $0x88, s6;
	s7 =	simm.s32 @p2 $0x1082  }
0x22: {  	[simem:s7], [sflag:s8] =	dma.local @!p0 [hbm:s6], $0xF7A  }
0x23: {  	s9 =	sor.u32 $0xD0000000, s2;
	s6 =	simm.s32 $0x108;
	_ =	swait.ge @!p0 [sflag:s8], $0x0  }
0x24: {  	s3 =	sadd.s32 $0x88, s3;
	s6 =	simm.s32 @!p1 $0x1082;
	[sflag:s4] =	ssyncset.s32 $0xFFFFF086  }
0x25: {  	[simem:s6], [sflag:s4] =	dma.local [hbm:s3], $0xF7A  }
0x26: {  	[smem:$0x3F86] =	sst s1;
	(tag) =	ssettag s2;
	_ =	strace s9  }
0x27: {  	s1 =	sld [smem:$0x3F96]  }
0x28: {  	s2 =	sld [smem:$0x3F97]  }
0x29: {  	s4 =	sld [smem:$0x3F99]  }
0x2a: {  	p0 =	seq.s32 s5, $0x0;
	s5 =	sld [smem:$0x3F9A]  }
0x2b: {  	s6 =	sld [smem:$0x3F9B]  }
0x2c: {  	s7 =	sld [smem:$0x3F9C]  }
0x2d: {  	s3 =	simm.s32 $0x108;
	s8 =	sld [smem:$0x3F9D]  }
0x2e: {  	s3 =	simm.s32 @!p0 $0x1082;
	s9 =	sld [smem:$0x3F9E]  }
0x2f: {  	lr =	sadd.s32 s0, s3;
	s0 =	sld [smem:$0x3F95]  }
0x30: {  	s3 =	sld [smem:$0x3F98]  }
0x31: {  	[smem:$0x3FA1] =	sst s10  }
0x32: {  	s10 =	sld [smem:$0x3F9F];
	_ =	sdelay $0x3  }
0x33: {  	p0 =	seq.s32 s10, $0x1;
	s10 =	sld [smem:$0x3FA1];
	_ =	sdelay $0x3  }
0x34: {  	[smem:$0x3FA1] =	sst s10  }
0x35: {  	s10 =	sld [smem:$0x3FA0];
	_ =	sdelay $0x3  }
0x36: {  	p1 =	seq.s32 s10, $0x1;
	s10 =	sld [smem:$0x3FA1];
	_ =	sdelay $0x3  }
0x37: {  	[smem:$0x3FA1] =	sst s10  }
0x38: {  	s10 =	sld [smem:$0x3FA2]  }
0x39: {  	_ = 	snop;
	(pc) =	sbr.ind lr, $3  }
0x3a: {  	_ = 	snop  }
0x3b: {  	_ = 	snop  }
0x3c: {  	p2 =	seq.s32 s10, $0x1;
	s10 =	sld [smem:$0x3FA1]  }
0x3d: {  	_ =	shalt  }
0x3e: {  	_ =	shalt  }
0x3f: {  	_ =	shalt  }
0x40: {  	_ =	shalt  }
0x41: {  	_ =	shalt  }
0x42: {  	_ =	shalt  }
0x43: {  	_ =	shalt  }
0x44: {  	_ =	shalt  }
0x45: {  	_ =	shalt  }
0x46: {  	_ =	shalt  }
0x47: {  	_ =	shalt  }
0x48: {  	_ =	shalt  }
0x49: {  	_ =	shalt  }
0x4a: {  	_ =	shalt  }
0x4b: {  	_ =	shalt  }
0x4c: {  	_ =	shalt  }
0x4d: {  	_ =	shalt  }
0x4e: {  	_ =	shalt  }
0x4f: {  	_ =	shalt  }
0x50: {  	_ =	shalt  }
0x51: {  	_ =	shalt  }
0x52: {  	_ =	shalt  }
0x53: {  	_ =	shalt  }
0x54: {  	_ =	shalt  }
0x55: {  	_ =	shalt  }
0x56: {  	_ =	shalt  }
0x57: {  	_ =	shalt  }
0x58: {  	_ =	shalt  }
0x59: {  	_ =	shalt  }
0x5a: {  	_ =	shalt  }
0x5b: {  	_ =	shalt  }
0x5c: {  	_ =	shalt  }
0x5d: {  	_ =	shalt  }
0x5e: {  	_ =	shalt  }
0x5f: {  	_ =	shalt  }
0x60: {  	_ =	shalt  }
0x61: {  	_ =	shalt  }
0x62: {  	_ =	shalt  }
0x63: {  	_ =	shalt  }
0x64: {  	_ =	shalt  }
0x65: {  	_ =	shalt  }
0x66: {  	_ =	shalt  }
0x67: {  	_ =	shalt  }
0x68: {  	_ =	shalt  }
0x69: {  	_ =	shalt  }
0x6a: {  	_ =	shalt  }
0x6b: {  	_ =	shalt  }
0x6c: {  	_ =	shalt  }
0x6d: {  	_ =	shalt  }
0x6e: {  	_ =	shalt  }
0x6f: {  	_ =	shalt  }
0x70: {  	_ =	shalt  }
0x71: {  	_ =	shalt  }
0x72: {  	_ =	shalt  }
0x73: {  	_ =	shalt  }
0x74: {  	_ =	shalt  }
0x75: {  	_ =	shalt  }
0x76: {  	_ =	shalt  }
0x77: {  	_ =	shalt  }
0x78: {  	_ =	shalt  }
0x79: {  	_ =	shalt  }
0x7a: {  	_ =	shalt  }
0x7b: {  	_ =	shalt  }
0x7c: {  	_ =	shalt  }
0x7d: {  	_ =	shalt  }
0x7e: {  	_ =	shalt  }
0x7f: {  	_ =	shalt  }
0x80: {  	_ =	shalt  }
0x81: {  	_ =	shalt  }
0x82: {  	_ =	shalt  }
0x83: {  	_ =	shalt  }
0x84: {  	_ =	shalt  }
0x85: {  	_ =	shalt  }
0x86: {  	_ =	shalt  }
0x87: {  	_ =	shalt  }
.Lfunc_end0:
.L_simem_size_0:
called_computation.2_lowered:
.L_overlay_start_0:
0x88: {  	s2 =	sld [smem:$0x3FD9]  }
0x89: {  	s3 =	sld [smem:$0x3FFE];
	_ =	sdelay $0x1  }
0x8a: {  	s1 =	srdreg.scid  }
0x8b: {  	s0 =	sand.u32 $0x1, s1  }
0x8c: {  	s16 =	sshll.u32 s0, $0xA;
	s2 =	sadd.s32 s3, s2  }
0x8d: {  	s2 =	sadd.s32 s2, s16  }
0x8e: {  	[smem:$0x3FAD] =	sst s2  }
0x8f: {  	_ = 	snop  }
0x90: {  	(tm) =	ssettm $0x1  }
0x91: {  	s17 =	sld [smem:$0x3FFB];
	_ =	sdelay $0x3  }
0x92: {  	_ =	strace s17  }
0x93: {  	s2 =	sld [smem:$0x3FFC];
	_ =	sdelay $0x3  }
0x94: {  	_ =	strace s2  }
0x95: {  	s2 =	sld [smem:$0x3FFD];
	_ =	sdelay $0x3  }
0x96: {  	_ =	strace s2  }
0x97: {  	_ =	strace $0x8FFFFFFF  }
0x98: {  	s18 =	sld [smem:$0x3FDB];
	_ =	sdelay $0x1  }
0x99: {  	s19 =	simm.s32 $_scs_section_size  }
0x9a: {  	s4 =	simm.s32 $_size__tile_overlayer_lowered;
	s5 =	simm.s32 $_tile_overlayer_lowered  }
0x9b: {  	s22 =	simm.s32 $0x1BFF;
	s21 =	sshll.u32 s5, $0x1;
	s2 =	sadd.s32 s19, s18  }
0x9c: {  	s6 =	simm.s32 $0x0;
	s20 =	sshll.u32 s4, $0x1;
	s4 =	sadd.s32 s21, s2  }
0x9d: {  	[timem:s6], [sflag:s22] =	dma.local [hbm:s4], s20  }
0x9e: {  	_ =	swait.ge [sflag:s22], s20  }
0x9f: {  	s3 =	ssub.s32 $0x0, s20;
	[sflag:s22] =	ssyncset.done $0x0  }
0xa0: {  	[sflag:s22] =	ssyncadd.s32 s3;
	_ =	sdelay $0x1  }
0xa1: {  	s23 =	simm.s32 $0x1B8B  }
0xa2: {  	_ =	swait.ge [sflag:s23], $0x1  }
0xa3: {  	[sflag:s23] =	ssyncset.done $0x0  }
0xa4: {  	s25 =	simm.s32 $0x1B8E;
	s24 =	sld [smem:$0x3FFE];
	[sflag:s23] =	ssyncadd.s32 $0xFFFFFFFF  }
0xa5: {  	s26 =	simm.s32 $execute0_lowered;
	[smem:$0x3FD2] =	sst s25  }
0xa6: {  	s4 =	sshll.u32 s26, $0x1;
	_ =	strace $0x8000004C;
	[dreg:$0x1] =	wrdreg $0xFFFFFFFF  }
0xa7: {  	s28 =	simm.s32 $_size_execute0_lowered;
	s2 =	sadd.s32 s2, s4;
	[dreg:$0x0] =	wrdreg $0x0  }
0xa8: {  	s4 =	sshll.u32 s28, $0x1;
	[dreg:$0x2] =	wrdreg s2  }
0xa9: {  	[dreg:$0x3] =	wrdreg s4  }
0xaa: {  	[dreg:$0x4] =	wrdreg $0xC0  }
0xab: {  	_ =	task [dreg:s6], $0x5FFFF  }
0xac: {  	[dreg:$0x1] =	wrdreg $0xFFFFFFFF  }
0xad: {  	[dreg:$0x0] =	wrdreg $0x60  }
0xae: {  	[dreg:$0x2] =	wrdreg s24  }
0xaf: {  	[dreg:$0x3] =	wrdreg $0xB7800  }
0xb0: {  	[dreg:$0x4] =	wrdreg $0x9  }
0xb1: {  	_ =	task.clear_ibuf [dreg:s6], $0x5FFFF;
	_ =	strace $0x9000004C  }
0xb2: {  	s29 =	simm.s32 $0x9;
	_ =	strace $0x8000004E  }
0xb3: {  	_ =	swait.ge [sflag:s29], $0x1  }
0xb4: {  	[sflag:s29] =	ssyncadd.s32 $0xFFFFFFFF  }
0xb5: {  	_ =	strace $0x9000004E  }
0xb6: {  	_ =	sfence  }
0xb7: {  	s30 =	sld [smem:$0x0];
	_ =	sdelay $0x2  }
0xb8: {  	s31 =	sshll.u32 s1, $0xD;
	s1 =	sshrl.u32 s1, $0x2  }
0xb9: {  	s3 =	sand.u32 $0x4000, s31;
	s1 =	sadd.s32 s1, s30  }
0xba: {  	s0 =	sor.u32 s3, s0;
	s1 =	sshll.u32 s1, $0x11  }
0xbb: {  	s0 =	sor.u32 s1, s0  }
0xbc: {  	s0 =	sadd.s32 $0x8F2B, s0  }
0xbd: {  	[sflag:s0] =	ssyncadd.remote.s32 $0x1  }
0xbe: {  	_ =	sfence.sel $0xFFFF  }
0xbf: {  	[dreg:$0x0] =	wrdreg $0xFFFFFFFF;
	(pc) =	sbr.abs _section_cstart, $3  }
0xc0: {  	[dreg:$0x1] =	wrdreg $0xFFFFFFFF  }
0xc1: {  	_ =	task.clear_ibuf [dreg:s6], $0x2FFFF;
	_ =	strace $0x9FFFFFFF  }
0xc2: {  	(tm) =	ssettm $0x7FFFFFFF  }
0xc3: {  	_ =	shalt  }
tec
execute0_lowered:
.L_overlay_start_1:
0x0: {  	(tag) =	ssettag $0x1  }
0x1: {  	s0 =	srdreg.scid;
	s10 =	stileid.u32  }
0x2: {  	s5 =	rddreg [dreg:$0x0];
	s4 =	smul.u32 $0x2800, s10  }
0x3: {  	s2 =	rddreg [dreg:$0x1];
	s9 =	smul.u32 $0x50000, s10  }
0x4: {  	s3 =	simm.s32 $0x0;
	s0 =	sand.u32 $0x1, s0;
	s12 =	smul.u32 $0x14000, s10  }
0x5: {  	s21 =	simm.s32 $0x80;
	s7 =	sshrl.u32 s10, $0x3;
	s1 =	smul.u32 $0x28000, s0  }
0x6: {  	[smem:$0x7FF] =	sst s3;
	s8 =	sshll.u32 s10, $0x7;
	s6 =	smul.u32 $0x27800, s0  }
0x7: {  	s17 =	sadd.s32 $0x73600, s5;
	s7 =	smul.u32 $0x13C00, s7;
	s23 =	sand.u32 $0x380, s8  }
0x8: {  	_ =	strace $0x8000004D;
	s24 =	ssub.s32 $0x2, s0;
	s0 =	smul.u32 $0x140000, s0  }
0x9: {  	s26 =	sshrl.u32 s24, $0x1;
	s28 =	sshrl.u32 s9, $0x2;
	s29 =	sadd.s32 $0x4000, s12  }
0xa: {  	s15 =	sadd.s32 $0x8000, s12;
	s16 =	sadd.s32 $0xC000, s12;
	s19 =	sadd.s32 $0x10000, s12  }
0xb: {  	s1 =	sadd.s32 s4, s1;
	s22 =	sadd.s32 s6, s7;
	s18 =	ssub.s32 s24, s26  }
0xc: {  	s8 =	sadd.s32 s28, s2;
	s9 =	sadd.s32 s29, s2;
	s10 =	sadd.s32 s15, s2  }
0xd: {  	s11 =	sadd.s32 s16, s2;
	s13 =	sadd.s32 s12, s0;
	s12 =	sadd.s32 s19, s2  }
0xe: {  	s30 =	sadd.s32 s0, s15;
	s31 =	sadd.s32 s0, s16;
	s24 =	simm.s32 $0x7780  }
0xf: {  	s26 =	simm.s32 $0x0;
	s1 =	sshrl.u32 s1, $0x3;
	s4 =	sor.u32 s23, s22  }
0x10: {  	s13 =	sshrl.u32 s13, $0x3;
	s16 =	sshrl.u32 s31, $0x3;
	s18 =	smax.u32 s18, $0x1  }
0x11: {  	s22 =	simm.s32 $0x400;
	s23 =	simm.s32 $0x5000;
	s1 =	sadd.s32 s1, s5  }
0x12: {  	s4 =	sshrl.u32 s4, $0x3;
	s13 =	sadd.s32 s17, s13;
	s16 =	sadd.s32 s17, s16  }
0x13: {  	s25 =	sadd.s32 s4, s5;
	s4 =	sadd.s32 $0x19600, s5;
	s5 =	sadd.s32 $0x69600, s1  }
0x14: {  	s6 =	sadd.s32 $0x5800, s1;
	s1 =	sadd.s32 s0, s29;
	s0 =	sadd.s32 s0, s19  }
0x15: {  	s19 =	simm.s32 $0x2;
	s7 =	sadd.s32 $0xF800, s25;
	s1 =	sshrl.u32 s1, $0x3  }
0x16: {  	s0 =	sshrl.u32 s0, $0x3;
	s14 =	sadd.s32 s17, s1;
	s1 =	sshrl.u32 s30, $0x3  }
0x17: {  	v0 =	vimm.f32 $0.0e+00;
	s25 =	simm.s32 $0x1;
	s15 =	sadd.s32 s17, s1;
	s17 =	sadd.s32 s17, s0  }
.LBB2_1:
0x18: {  	[tilespmem:s3], [sflag:$0x2] =	stream.linear.gather [hbm4b:s5+s3], $0x2780, $0x38;
	[tilespmem:$0x1F780] =	vst v63  }
0x19: {  	_ =	swait.ge [sflag:s19], $0x2780  }
0x1a: {  	[sflag:s19] =	ssyncset.done $0x0  }
0x1b: {  	s0 =	simm.s32 $0x2800;
	[sflag:s19] =	ssyncadd.s32 $0xFFFFD880  }
0x1c: {  	[tilespmem:s0], [sflag:$0x2] =	stream.linear.gather [hbm4b:s6+s3], $0x2780, $0x38;
	[tilespmem:$0x1F780] =	vst v63  }
0x1d: {  	_ =	swait.ge [sflag:s19], $0x2780  }
0x1e: {  	[sflag:s19] =	ssyncset.done $0x0  }
0x1f: {  	[sflag:s19] =	ssyncadd.s32 $0xFFFFD880  }
0x20: {  	[tilespmem:s23], [sflag:$0x2] =	stream.strided.gather [hbm4b:s7+s21], $0x2780, s22, s21, $0x38;
	[tilespmem:$0x1F780] =	vst v63  }
0x21: {  	_ =	swait.ge [sflag:s19], $0x2780  }
0x22: {  	[sflag:s19] =	ssyncset.done $0x0  }
0x23: {  	s1 =	simm.s32 $0x200;
	s0 =	simm.s32 $0x0;
	[sflag:s19] =	ssyncadd.s32 $0xFFFFD880  }
.LBB2_2:
0x24: {  	p0 =	sne.s32 s1, $0xFE00;
	[tilespmem:s0+$0x77F0] =	vst v0  }
0x25: {  	[tilespmem:s0+$0x7780] =	vst v0  }
0x26: {  	[tilespmem:s0+$0x7790] =	vst v0  }
.Ltmp0:
0x27: {  	[tilespmem:s0+$0x77A0] =	vst v0;
	(pc) =	sbr.rel @p0 .LBB2_2-.Ltmp0, $4  }
0x28: {  	[tilespmem:s0+$0x77B0] =	vst v0  }
0x29: {  	[tilespmem:s0+$0x77C0] =	vst v0  }
0x2a: {  	[tilespmem:s0+$0x77D0] =	vst v0  }
0x2b: {  	[tilespmem:s0+$0x77E0] =	vst v0;
	s0 =	sshra.s32 s1, $0x2;
	s1 =	sadd.s32 $0x200, s1  }
0x2c: {  	[tilespmem:s0+$0x77F0] =	vst v0  }
0x2d: {  	[tilespmem:s0+$0x7780] =	vst v0  }
0x2e: {  	[tilespmem:s0+$0x7790] =	vst v0  }
0x2f: {  	[tilespmem:s0+$0x77A0] =	vst v0  }
0x30: {  	[tilespmem:s0+$0x77B0] =	vst v0  }
0x31: {  	[tilespmem:s0+$0x77C0] =	vst v0  }
0x32: {  	[tilespmem:s0+$0x77D0] =	vst v0  }
0x33: {  	[tilespmem:s0+$0x77E0] =	vst v0  }
0x34: {  	[spmem:s8] =	stream.linear.scatter [tilespmem:s24], [sflag:$0x2], $0x4000, $0x38;
	[tilespmem:$0x1F780] =	vst v63  }
0x35: {  	_ =	swait.ge [sflag:s19], $0x4000  }
0x36: {  	[sflag:s19] =	ssyncset.done $0x0  }
0x37: {  	[sflag:s19] =	ssyncadd.s32 $0xFFFFC000  }
0x38: {  	[spmem:s9] =	stream.linear.scatter [tilespmem:s24], [sflag:$0x2], $0x4000, $0x38;
	[tilespmem:$0x1F780] =	vst v63  }
0x39: {  	_ =	swait.ge [sflag:s19], $0x4000  }
0x3a: {  	[sflag:s19] =	ssyncset.done $0x0  }
0x3b: {  	[sflag:s19] =	ssyncadd.s32 $0xFFFFC000  }
0x3c: {  	[spmem:s10] =	stream.linear.scatter [tilespmem:s24], [sflag:$0x2], $0x4000, $0x38;
	[tilespmem:$0x1F780] =	vst v63  }
0x3d: {  	_ =	swait.ge [sflag:s19], $0x4000  }
0x3e: {  	[sflag:s19] =	ssyncset.done $0x0  }
0x3f: {  	[sflag:s19] =	ssyncadd.s32 $0xFFFFC000  }
0x40: {  	[spmem:s11] =	stream.linear.scatter [tilespmem:s24], [sflag:$0x2], $0x4000, $0x38;
	[tilespmem:$0x1F780] =	vst v63  }
0x41: {  	_ =	swait.ge [sflag:s19], $0x4000  }
0x42: {  	[sflag:s19] =	ssyncset.done $0x0  }
0x43: {  	[sflag:s19] =	ssyncadd.s32 $0xFFFFC000  }
0x44: {  	[spmem:s12] =	stream.linear.scatter [tilespmem:s24], [sflag:$0x2], $0x4000, $0x38;
	[tilespmem:$0x1F780] =	vst v63  }
0x45: {  	_ =	swait.ge [sflag:s19], $0x4000  }
0x46: {  	[sflag:s19] =	ssyncset.done $0x0  }
0x47: {  	[sflag:s19] =	ssyncadd.s32 $0xFFFFC000  }
0x48: {  	s28 =	simm.s32 $0x0;
	s29 =	simm.s32 $0x0;
	[bflag:$0x0] =	sbarrier.arrive $0xFFFF  }
.LBB2_4:
0x49: {  	s30 =	sshll.u32 s29, $0x7  }
0x4a: {  	[tilespmem:s24], [sflag:$0x1] =	stream.indirect.gather [hbm4b:s4+s21], $0x80, s30, s21, $0xb8;
	[tilespmem:$0x1F780] =	vst v63  }
0x4b: {  	s0 =	sadd.s32 $0x0, s28;
	_ =	swait.ge [sflag:s25], $0x4000  }
0x4c: {  	v1 =	vmov s0;
	[sflag:s25] =	ssyncset.done $0x0  }
0x4d: {  	s31 =	simm.s32 $0x77C0;
	[sflag:s25] =	ssyncadd.s32 $0xFFFFC000  }
0x4e: {  	v5 =	vld [tilespmem:s31+$0x30]  }
0x4f: {  	v8 =	vld [tilespmem:s31+$0x10]  }
0x50: {  	v6 =	vld [tilespmem:s31+$0xFFFFFFC0]  }
0x51: {  	v2 =	vld.idx.msk [tilespmem:v1+s23+$0x0], $0xffff  }
0x52: {  	v10 =	vld [tilespmem:s31+$0xFFFFFFE0]  }
0x53: {  	v3 =	vld [tilespmem:s31+$0x20]  }
0x54: {  	v4 =	vld [tilespmem:s31+$0xFFFFFFD0]  }
0x55: {  	v1 =	vld [tilespmem:s31+$0xFFFFFFF0]  }
0x56: {  	v9 =	vmul.f32 v5, v2;
	v5 =	vld [tilespmem:s31+$0x0]  }
0x57: {  	v7 =	vmul.f32 v6, v2  }
0x58: {  	s1 =	simm.s32 $0x1;
	s0 =	simm.s32 $0x77C0;
	v6 =	vmul.f32 v10, v2;
	v8 =	vmul.f32 v8, v2  }
.LBB2_5:
0x59: {  	p0 =	sne.s32 s1, $0x7F  }
0x5a: {  	v4 =	vmul.f32 v4, v2;
	v3 =	vmul.f32 v3, v2;
	[tilespmem:s31+$0x30] =	vst v9;
	s0 =	sadd.s32 $0x80, s0;
	s20 =	smov.u32 s1;
	s1 =	sadd.s32 $0x1, s1  }
0x5b: {  	[tilespmem:s31+$0xFFFFFFC0] =	vst v7;
	v7 =	vmul.f32 v1, v2;
	v2 =	vmul.f32 v5, v2  }
0x5c: {  	s20 =	sadd.s32 s20, s28;
	[tilespmem:s31+$0x10] =	vst v8  }
0x5d: {  	v5 =	vmov s20;
	[tilespmem:s31+$0xFFFFFFE0] =	vst v6  }
0x5e: {  	v1 =	vld [tilespmem:s0+$0xFFFFFFF0];
	[tilespmem:s31+$0xFFFFFFF0] =	vst v7  }
0x5f: {  	v6 =	vld [tilespmem:s0+$0x30];
	[tilespmem:s31+$0x0] =	vst v2  }
0x60: {  	v8 =	vld [tilespmem:s0+$0x10];
	[tilespmem:s31+$0x20] =	vst v3  }
0x61: {  	v7 =	vld [tilespmem:s0+$0xFFFFFFC0];
	[tilespmem:s31+$0xFFFFFFD0] =	vst v4;
	s31 =	smov.u32 s0  }
0x62: {  	v2 =	vld.idx.msk [tilespmem:v5+s23+$0x0], $0xffff  }
0x63: {  	v10 =	vld [tilespmem:s0+$0xFFFFFFE0]  }
0x64: {  	v3 =	vld [tilespmem:s0+$0x20]  }
.Ltmp1:
0x65: {  	v4 =	vld [tilespmem:s0+$0xFFFFFFD0];
	(pc) =	sbr.rel @p0 .LBB2_5-.Ltmp1, $3  }
0x66: {  	v5 =	vld [tilespmem:s0+$0x0];
	_ =	sdelay $0x1  }
0x67: {  	v7 =	vmul.f32 v7, v2;
	v9 =	vmul.f32 v6, v2  }
0x68: {  	v8 =	vmul.f32 v8, v2;
	v6 =	vmul.f32 v10, v2  }
0x69: {  	[tilespmem:s31+$0x30] =	vst v9  }
0x6a: {  	[tilespmem:s31+$0xFFFFFFC0] =	vst v7  }
0x6b: {  	v1 =	vmul.f32 v1, v2;
	[tilespmem:s31+$0x10] =	vst v8  }
0x6c: {  	v3 =	vmul.f32 v3, v2;
	[tilespmem:s31+$0xFFFFFFE0] =	vst v6  }
0x6d: {  	v5 =	vmul.f32 v5, v2;
	[tilespmem:s31+$0xFFFFFFF0] =	vst v1  }
0x6e: {  	s29 =	sadd.s32 $0x1, s29;
	v1 =	vmul.f32 v4, v2;
	[tilespmem:s31+$0x20] =	vst v3  }
0x6f: {  	p0 =	sne.s32 s29, $0x4F;
	[tilespmem:s31+$0x0] =	vst v5  }
.Ltmp2:
0x70: {  	s0 =	sadd.s32 $0x2800, s30;
	[tilespmem:s31+$0xFFFFFFD0] =	vst v1;
	(pc) =	sbr.rel @p0 .LBB2_4-.Ltmp2, $4  }
0x71: {  	[spmem:s2] =	stream.indirect.scatter.add.f32 [tilespmem:s24], [sflag:$0x2], $0x80, s0, s21, $0xb8;
	[tilespmem:$0x1F780] =	vst v63  }
0x72: {  	_ =	swait.ge [sflag:s19], $0x4000  }
0x73: {  	[sflag:s19] =	ssyncset.done $0x0  }
0x74: {  	s28 =	sadd.s32 $0x80, s28;
	[sflag:s19] =	ssyncadd.s32 $0xFFFFC000  }
0x75: {  	s0 =	stileid.u32  }
0x76: {  	s0 =	sshll.u32 s0, $0x6  }
0x77: {  	[bflag:$0x0] =	sbarrier.arrive $0xFFFF;
	s1 =	sshrl.u32 s8, $0x3;
	s0 =	sor.u32 $0x1C02, s0  }
0x78: {  	[hbm:s13], [sflag:s0] =	dma.local [spmem:s1], $0x800  }
0x79: {  	_ =	swait.ge [sflag:s19], $0x800  }
0x7a: {  	[sflag:s19] =	ssyncset.done $0x0  }
0x7b: {  	s28 =	sshrl.u32 s9, $0x3;
	[sflag:s19] =	ssyncadd.s32 $0xFFFFF800  }
0x7c: {  	[hbm:s14], [sflag:s0] =	dma.local [spmem:s28], $0x800  }
0x7d: {  	_ =	swait.ge [sflag:s19], $0x800  }
0x7e: {  	[sflag:s19] =	ssyncset.done $0x0  }
0x7f: {  	s29 =	sshrl.u32 s10, $0x3;
	[sflag:s19] =	ssyncadd.s32 $0xFFFFF800  }
0x80: {  	[hbm:s15], [sflag:s0] =	dma.local [spmem:s29], $0x800  }
0x81: {  	_ =	swait.ge [sflag:s19], $0x800  }
0x82: {  	[sflag:s19] =	ssyncset.done $0x0  }
0x83: {  	s30 =	sshrl.u32 s11, $0x3;
	[sflag:s19] =	ssyncadd.s32 $0xFFFFF800  }
0x84: {  	[hbm:s16], [sflag:s0] =	dma.local [spmem:s30], $0x800  }
0x85: {  	s26 =	sadd.s32 $0x1, s26;
	_ =	swait.ge [sflag:s19], $0x800  }
0x86: {  	p0 =	sne.s32 s26, s18;
	[sflag:s19] =	ssyncset.done $0x0  }
.Ltmp3:
0x87: {  	s31 =	sshrl.u32 s12, $0x3;
	[sflag:s19] =	ssyncadd.s32 $0xFFFFF800;
	(pc) =	sbr.rel @p0 .LBB2_1-.Ltmp3, $4  }
0x88: {  	[hbm:s17], [sflag:s0] =	dma.local [spmem:s31], $0x800  }
0x89: {  	_ =	swait.ge [sflag:s19], $0x800  }
0x8a: {  	[sflag:s19] =	ssyncset.done $0x0  }
0x8b: {  	[sflag:s19] =	ssyncadd.s32 $0xFFFFF800  }
0x8c: {  	_ =	sfence.sel $0x180000  }
0x8d: {  	[bflag:$0x0] =	sbarrier.arrive $0xFFFF  }
0x8e: {  	_ =	strace $0x9000004D  }
0x8f: {  	s0 =	stileid.u32;
	[bflag:$0x2] =	sbarrier.arrive $0xFFFF  }
0x90: {  	p0 =	sne.s32 s0, $0x0;
	s0 =	rddreg [dreg:$0x2]  }
0x91: {  	s0 =	sadd.s32 @!p0 $0x100000, s0  }
0x92: {  	[sflag:s0] =	ssyncadd.tile.s32 @!p0 $0x1;
	_ =	shalt  }
.Lfunc_end2:
_tile_overlayer_lowered:
.L_overlay_start_2:
0x93: {  	(tag) =	ssettag $0x2  }
0x94: {  	s0 =	rddreg [dreg:$0x0];
	s2 =	stileid.u32  }
0x95: {  	s1 =	rddreg [dreg:$0x1];
	p0 =	sne.s32 s2, $0x0  }
0x96: {  	s3 =	rddreg [dreg:$0x2];
	[bflag:$0x3] =	sbarrier.arrive $0xFFFF;
	s2 =	simm.s32 @!p0 $0x1C02  }
0x97: {  	[timem:s3], [sflag:s2] =	dma.local @!p0 [hbm:s0], s1  }
0x98: {  	s0 =	simm.s32 @!p0 $0x2  }
0x99: {  	_ =	swait.ge @!p0 [sflag:s0], s1  }
0x9a: {  	s1 =	ssub.s32 @!p0 $0x0, s1;
	[sflag:s0] =	ssyncset.done @!p0 $0x0  }
0x9b: {  	[sflag:s0] =	ssyncadd.s32 @!p0 s1  }
0x9c: {  	[bflag:$0x3] =	sbarrier.arrive $0xFFFF  }
0x9d: {  	_ =	shalt  }

// kernel: kernel.20.cloned.1.call-start
scs
__scs_entry_jumppad:
0x0: {  	(pc) =	sbr.rel $0x88, $3  }
0x1: {  	(tag) =	ssettag $0x0;
	lr =	simm.s32 $0x1  }
0x2: {  	[smem:$0x3F86] =	sst lr;
	_ =	strace $0xD0000000  }
0x3: {  	_ = 	snop  }
0x4: {  	_ = 	snop  }
0x5: {  	_ = 	snop  }
0x6: {  	_ = 	snop  }
0x7: {  	_ = 	snop  }
__scs_overlays_trampoline_lowered:
0x8: {  	[smem:$0x3F95] =	sst s0  }
0x9: {  	[smem:$0x3F96] =	sst s1  }
0xa: {  	[smem:$0x3F97] =	sst s2  }
0xb: {  	[smem:$0x3F98] =	sst s3  }
0xc: {  	[smem:$0x3F99] =	sst s4  }
0xd: {  	[smem:$0x3F9A] =	sst s5  }
0xe: {  	[smem:$0x3F9B] =	sst s6  }
0xf: {  	[smem:$0x3F9C] =	sst s7  }
0x10: {  	[smem:$0x3F9D] =	sst s8  }
0x11: {  	[smem:$0x3F9E] =	sst s9;
	s0 =	simm.s32 @!p0 $0x0  }
0x12: {  	s1 =	sld [smem:$0x3F84];
	s0 =	simm.s32 @p0 $0x1  }
0x13: {  	[smem:$0x3F9F] =	sst s0;
	s0 =	simm.s32 @!p1 $0x0  }
0x14: {  	s2 =	sld [smem:$0x3F83];
	s0 =	simm.s32 @p1 $0x1  }
0x15: {  	[smem:$0x3FA0] =	sst s0;
	s0 =	simm.s32 @!p2 $0x0  }
0x16: {  	s3 =	sld [smem:$0x3FDB];
	s0 =	simm.s32 @p2 $0x1  }
0x17: {  	s4 =	simm.s32 $0x1BF5;
	[smem:$0x3FA2] =	sst s0  }
0x18: {  	s0 =	sld [smem:$0x3F85];
	_ =	swait.ge [sflag:s4], $0x0  }
0x19: {  	s7 =	sld [smem:$0x3F86]  }
0x1a: {  	s8 =	sadd.s32 $0xFFFFE003, lr  }
0x1b: {  	s9 =	sadd.s32 $0xFFFFFEF7, lr;
	s5 =	simm.s32 $0xFFFFFFFF;
	p2 =	slt.u32 s8, $0xFFFFF086  }
0x1c: {  	p1 =	slt.u32 s9, $0xF7A;
	s5 =	simm.s32 @!p2 $0x0  }
0x1d: {  	s5 =	simm.s32 @p1 $0x1;
	p0 =	seq.s32 s7, s2  }
0x1e: {  	s7 =	smul.u32 @!p0 $0xF7A, s2;
	p2 =	seq.s32 @!p0 s5, $0x0  }
0x1f: {  	s9 =	smul.u32 $0xF7A, s1;
	s8 =	simm.s32 @!p0 $0x1BF5;
	p2 =	por !p2, p0  }
0x20: {  	[sflag:s8] =	ssyncset.s32 @!p0 $0xFFFFF086;
	s6 =	sadd.s32 @!p0 s3, s7;
	s7 =	simm.s32 @!p0 $0x108  }
0x21: {  	s3 =	sadd.s32 s3, s9;
	s6 =	sadd.s32 @!p0 $0x88, s6;
	s7 =	simm.s32 @p2 $0x1082  }
0x22: {  	[simem:s7], [sflag:s8] =	dma.local @!p0 [hbm:s6], $0xF7A  }
0x23: {  	s9 =	sor.u32 $0xD0000000, s2;
	s6 =	simm.s32 $0x108;
	_ =	swait.ge @!p0 [sflag:s8], $0x0  }
0x24: {  	s3 =	sadd.s32 $0x88, s3;
	s6 =	simm.s32 @!p1 $0x1082;
	[sflag:s4] =	ssyncset.s32 $0xFFFFF086  }
0x25: {  	[simem:s6], [sflag:s4] =	dma.local [hbm:s3], $0xF7A  }
0x26: {  	[smem:$0x3F86] =	sst s1;
	(tag) =	ssettag s2;
	_ =	strace s9  }
0x27: {  	s1 =	sld [smem:$0x3F96]  }
0x28: {  	s2 =	sld [smem:$0x3F97]  }
0x29: {  	s4 =	sld [smem:$0x3F99]  }
0x2a: {  	p0 =	seq.s32 s5, $0x0;
	s5 =	sld [smem:$0x3F9A]  }
0x2b: {  	s6 =	sld [smem:$0x3F9B]  }
0x2c: {  	s7 =	sld [smem:$0x3F9C]  }
0x2d: {  	s3 =	simm.s32 $0x108;
	s8 =	sld [smem:$0x3F9D]  }
0x2e: {  	s3 =	simm.s32 @!p0 $0x1082;
	s9 =	sld [smem:$0x3F9E]  }
0x2f: {  	lr =	sadd.s32 s0, s3;
	s0 =	sld [smem:$0x3F95]  }
0x30: {  	s3 =	sld [smem:$0x3F98]  }
0x31: {  	[smem:$0x3FA1] =	sst s10  }
0x32: {  	s10 =	sld [smem:$0x3F9F];
	_ =	sdelay $0x3  }
0x33: {  	p0 =	seq.s32 s10, $0x1;
	s10 =	sld [smem:$0x3FA1];
	_ =	sdelay $0x3  }
0x34: {  	[smem:$0x3FA1] =	sst s10  }
0x35: {  	s10 =	sld [smem:$0x3FA0];
	_ =	sdelay $0x3  }
0x36: {  	p1 =	seq.s32 s10, $0x1;
	s10 =	sld [smem:$0x3FA1];
	_ =	sdelay $0x3  }
0x37: {  	[smem:$0x3FA1] =	sst s10  }
0x38: {  	s10 =	sld [smem:$0x3FA2]  }
0x39: {  	_ = 	snop;
	(pc) =	sbr.ind lr, $3  }
0x3a: {  	_ = 	snop  }
0x3b: {  	_ = 	snop  }
0x3c: {  	p2 =	seq.s32 s10, $0x1;
	s10 =	sld [smem:$0x3FA1]  }
0x3d: {  	_ =	shalt  }
0x3e: {  	_ =	shalt  }
0x3f: {  	_ =	shalt  }
0x40: {  	_ =	shalt  }
0x41: {  	_ =	shalt  }
0x42: {  	_ =	shalt  }
0x43: {  	_ =	shalt  }
0x44: {  	_ =	shalt  }
0x45: {  	_ =	shalt  }
0x46: {  	_ =	shalt  }
0x47: {  	_ =	shalt  }
0x48: {  	_ =	shalt  }
0x49: {  	_ =	shalt  }
0x4a: {  	_ =	shalt  }
0x4b: {  	_ =	shalt  }
0x4c: {  	_ =	shalt  }
0x4d: {  	_ =	shalt  }
0x4e: {  	_ =	shalt  }
0x4f: {  	_ =	shalt  }
0x50: {  	_ =	shalt  }
0x51: {  	_ =	shalt  }
0x52: {  	_ =	shalt  }
0x53: {  	_ =	shalt  }
0x54: {  	_ =	shalt  }
0x55: {  	_ =	shalt  }
0x56: {  	_ =	shalt  }
0x57: {  	_ =	shalt  }
0x58: {  	_ =	shalt  }
0x59: {  	_ =	shalt  }
0x5a: {  	_ =	shalt  }
0x5b: {  	_ =	shalt  }
0x5c: {  	_ =	shalt  }
0x5d: {  	_ =	shalt  }
0x5e: {  	_ =	shalt  }
0x5f: {  	_ =	shalt  }
0x60: {  	_ =	shalt  }
0x61: {  	_ =	shalt  }
0x62: {  	_ =	shalt  }
0x63: {  	_ =	shalt  }
0x64: {  	_ =	shalt  }
0x65: {  	_ =	shalt  }
0x66: {  	_ =	shalt  }
0x67: {  	_ =	shalt  }
0x68: {  	_ =	shalt  }
0x69: {  	_ =	shalt  }
0x6a: {  	_ =	shalt  }
0x6b: {  	_ =	shalt  }
0x6c: {  	_ =	shalt  }
0x6d: {  	_ =	shalt  }
0x6e: {  	_ =	shalt  }
0x6f: {  	_ =	shalt  }
0x70: {  	_ =	shalt  }
0x71: {  	_ =	shalt  }
0x72: {  	_ =	shalt  }
0x73: {  	_ =	shalt  }
0x74: {  	_ =	shalt  }
0x75: {  	_ =	shalt  }
0x76: {  	_ =	shalt  }
0x77: {  	_ =	shalt  }
0x78: {  	_ =	shalt  }
0x79: {  	_ =	shalt  }
0x7a: {  	_ =	shalt  }
0x7b: {  	_ =	shalt  }
0x7c: {  	_ =	shalt  }
0x7d: {  	_ =	shalt  }
0x7e: {  	_ =	shalt  }
0x7f: {  	_ =	shalt  }
0x80: {  	_ =	shalt  }
0x81: {  	_ =	shalt  }
0x82: {  	_ =	shalt  }
0x83: {  	_ =	shalt  }
0x84: {  	_ =	shalt  }
0x85: {  	_ =	shalt  }
0x86: {  	_ =	shalt  }
0x87: {  	_ =	shalt  }
.Lfunc_end0:
.L_simem_size_0:
called_computation.3_lowered:
.L_overlay_start_0:
0x88: {  	s2 =	sld [smem:$0x3FD9]  }
0x89: {  	s3 =	sld [smem:$0x3FFE];
	_ =	sdelay $0x1  }
0x8a: {  	s1 =	srdreg.scid  }
0x8b: {  	s0 =	sand.u32 $0x1, s1  }
0x8c: {  	s16 =	sshll.u32 s0, $0xA;
	s2 =	sadd.s32 s3, s2  }
0x8d: {  	s2 =	sadd.s32 s2, s16  }
0x8e: {  	[smem:$0x3FAD] =	sst s2  }
0x8f: {  	_ = 	snop  }
0x90: {  	(tm) =	ssettm $0x1  }
0x91: {  	s17 =	sld [smem:$0x3FFB];
	_ =	sdelay $0x3  }
0x92: {  	_ =	strace s17  }
0x93: {  	s2 =	sld [smem:$0x3FFC];
	_ =	sdelay $0x3  }
0x94: {  	_ =	strace s2  }
0x95: {  	s2 =	sld [smem:$0x3FFD];
	_ =	sdelay $0x3  }
0x96: {  	_ =	strace s2  }
0x97: {  	_ =	strace $0x8FFFFFFF  }
0x98: {  	s18 =	sld [smem:$0x3FDB];
	_ =	sdelay $0x1  }
0x99: {  	s19 =	simm.s32 $_scs_section_size  }
0x9a: {  	s4 =	simm.s32 $_size__tile_overlayer_lowered;
	s5 =	simm.s32 $_tile_overlayer_lowered  }
0x9b: {  	s22 =	simm.s32 $0x1BFF;
	s21 =	sshll.u32 s5, $0x1;
	s2 =	sadd.s32 s19, s18  }
0x9c: {  	s6 =	simm.s32 $0x0;
	s20 =	sshll.u32 s4, $0x1;
	s4 =	sadd.s32 s21, s2  }
0x9d: {  	[timem:s6], [sflag:s22] =	dma.local [hbm:s4], s20  }
0x9e: {  	_ =	swait.ge [sflag:s22], s20  }
0x9f: {  	s3 =	ssub.s32 $0x0, s20;
	[sflag:s22] =	ssyncset.done $0x0  }
0xa0: {  	[sflag:s22] =	ssyncadd.s32 s3;
	_ =	sdelay $0x1  }
0xa1: {  	s23 =	simm.s32 $0x1B8B  }
0xa2: {  	_ =	swait.ge [sflag:s23], $0x1  }
0xa3: {  	[sflag:s23] =	ssyncset.done $0x0  }
0xa4: {  	s25 =	simm.s32 $0x1B8E;
	s24 =	sld [smem:$0x3FFE];
	[sflag:s23] =	ssyncadd.s32 $0xFFFFFFFF  }
0xa5: {  	s26 =	simm.s32 $execute0_lowered;
	[smem:$0x3FD2] =	sst s25  }
0xa6: {  	s4 =	sshll.u32 s26, $0x1;
	_ =	strace $0x8000004F;
	[dreg:$0x1] =	wrdreg $0xFFFFFFFF  }
0xa7: {  	s28 =	simm.s32 $_size_execute0_lowered;
	s2 =	sadd.s32 s2, s4;
	[dreg:$0x0] =	wrdreg $0x0  }
0xa8: {  	s4 =	sshll.u32 s28, $0x1;
	[dreg:$0x2] =	wrdreg s2  }
0xa9: {  	[dreg:$0x3] =	wrdreg s4  }
0xaa: {  	[dreg:$0x4] =	wrdreg $0xC0  }
0xab: {  	_ =	task [dreg:s6], $0x5FFFF  }
0xac: {  	[dreg:$0x1] =	wrdreg $0xFFFFFFFF  }
0xad: {  	[dreg:$0x0] =	wrdreg $0x60  }
0xae: {  	[dreg:$0x2] =	wrdreg s24  }
0xaf: {  	[dreg:$0x3] =	wrdreg $0xB7800  }
0xb0: {  	[dreg:$0x4] =	wrdreg $0x9  }
0xb1: {  	_ =	task.clear_ibuf [dreg:s6], $0x5FFFF;
	_ =	strace $0x9000004F  }
0xb2: {  	s29 =	simm.s32 $0x9;
	_ =	strace $0x80000051  }
0xb3: {  	_ =	swait.ge [sflag:s29], $0x1  }
0xb4: {  	[sflag:s29] =	ssyncadd.s32 $0xFFFFFFFF  }
0xb5: {  	_ =	strace $0x90000051  }
0xb6: {  	_ =	sfence  }
0xb7: {  	s30 =	sld [smem:$0x0];
	_ =	sdelay $0x2  }
0xb8: {  	s31 =	sshll.u32 s1, $0xD;
	s1 =	sshrl.u32 s1, $0x2  }
0xb9: {  	s3 =	sand.u32 $0x4000, s31;
	s1 =	sadd.s32 s1, s30  }
0xba: {  	s0 =	sor.u32 s3, s0;
	s1 =	sshll.u32 s1, $0x11  }
0xbb: {  	s0 =	sor.u32 s1, s0  }
0xbc: {  	s0 =	sadd.s32 $0x8F2B, s0  }
0xbd: {  	[sflag:s0] =	ssyncadd.remote.s32 $0x1  }
0xbe: {  	_ =	sfence.sel $0xFFFF  }
0xbf: {  	[dreg:$0x0] =	wrdreg $0xFFFFFFFF;
	(pc) =	sbr.abs _section_cstart, $3  }
0xc0: {  	[dreg:$0x1] =	wrdreg $0xFFFFFFFF  }
0xc1: {  	_ =	task.clear_ibuf [dreg:s6], $0x2FFFF;
	_ =	strace $0x9FFFFFFF  }
0xc2: {  	(tm) =	ssettm $0x7FFFFFFF  }
0xc3: {  	_ =	shalt  }
tec
execute0_lowered:
.L_overlay_start_1:
0x0: {  	(tag) =	ssettag $0x1  }
0x1: {  	s0 =	srdreg.scid;
	s10 =	stileid.u32  }
0x2: {  	s5 =	rddreg [dreg:$0x0];
	s4 =	smul.u32 $0x2800, s10  }
0x3: {  	s2 =	rddreg [dreg:$0x1];
	s9 =	smul.u32 $0x50000, s10  }
0x4: {  	s3 =	simm.s32 $0x0;
	s0 =	sand.u32 $0x1, s0;
	s12 =	smul.u32 $0x14000, s10  }
0x5: {  	s21 =	simm.s32 $0x80;
	s7 =	sshrl.u32 s10, $0x3;
	s1 =	smul.u32 $0x28000, s0  }
0x6: {  	[smem:$0x7FF] =	sst s3;
	s8 =	sshll.u32 s10, $0x7;
	s6 =	smul.u32 $0x27800, s0  }
0x7: {  	s17 =	sadd.s32 $0x73600, s5;
	s7 =	smul.u32 $0x13C00, s7;
	s23 =	sand.u32 $0x380, s8  }
0x8: {  	_ =	strace $0x80000050;
	s24 =	ssub.s32 $0x2, s0;
	s0 =	smul.u32 $0x140000, s0  }
0x9: {  	s26 =	sshrl.u32 s24, $0x1;
	s28 =	sshrl.u32 s9, $0x2;
	s29 =	sadd.s32 $0x4000, s12  }
0xa: {  	s15 =	sadd.s32 $0x8000, s12;
	s16 =	sadd.s32 $0xC000, s12;
	s19 =	sadd.s32 $0x10000, s12  }
0xb: {  	s1 =	sadd.s32 s4, s1;
	s22 =	sadd.s32 s6, s7;
	s18 =	ssub.s32 s24, s26  }
0xc: {  	s8 =	sadd.s32 s28, s2;
	s9 =	sadd.s32 s29, s2;
	s10 =	sadd.s32 s15, s2  }
0xd: {  	s11 =	sadd.s32 s16, s2;
	s13 =	sadd.s32 s12, s0;
	s12 =	sadd.s32 s19, s2  }
0xe: {  	s30 =	sadd.s32 s0, s15;
	s31 =	sadd.s32 s0, s16;
	s24 =	simm.s32 $0x7780  }
0xf: {  	s26 =	simm.s32 $0x0;
	s1 =	sshrl.u32 s1, $0x3;
	s4 =	sor.u32 s23, s22  }
0x10: {  	s13 =	sshrl.u32 s13, $0x3;
	s16 =	sshrl.u32 s31, $0x3;
	s18 =	smax.u32 s18, $0x1  }
0x11: {  	s22 =	simm.s32 $0x400;
	s23 =	simm.s32 $0x5000;
	s1 =	sadd.s32 s1, s5  }
0x12: {  	s4 =	sshrl.u32 s4, $0x3;
	s13 =	sadd.s32 s17, s13;
	s16 =	sadd.s32 s17, s16  }
0x13: {  	s25 =	sadd.s32 s4, s5;
	s4 =	sadd.s32 $0x19600, s5;
	s5 =	sadd.s32 $0x69600, s1  }
0x14: {  	s6 =	sadd.s32 $0x5800, s1;
	s1 =	sadd.s32 s0, s29;
	s0 =	sadd.s32 s0, s19  }
0x15: {  	s19 =	simm.s32 $0x2;
	s7 =	sadd.s32 $0xF800, s25;
	s1 =	sshrl.u32 s1, $0x3  }
0x16: {  	s0 =	sshrl.u32 s0, $0x3;
	s14 =	sadd.s32 s17, s1;
	s1 =	sshrl.u32 s30, $0x3  }
0x17: {  	v0 =	vimm.f32 $0.0e+00;
	s25 =	simm.s32 $0x1;
	s15 =	sadd.s32 s17, s1;
	s17 =	sadd.s32 s17, s0  }
.LBB2_1:
0x18: {  	[tilespmem:s3], [sflag:$0x2] =	stream.linear.gather [hbm4b:s5+s3], $0x2780, $0x38;
	[tilespmem:$0x1F780] =	vst v63  }
0x19: {  	_ =	swait.ge [sflag:s19], $0x2780  }
0x1a: {  	[sflag:s19] =	ssyncset.done $0x0  }
0x1b: {  	s0 =	simm.s32 $0x2800;
	[sflag:s19] =	ssyncadd.s32 $0xFFFFD880  }
0x1c: {  	[tilespmem:s0], [sflag:$0x2] =	stream.linear.gather [hbm4b:s6+s3], $0x2780, $0x38;
	[tilespmem:$0x1F780] =	vst v63  }
0x1d: {  	_ =	swait.ge [sflag:s19], $0x2780  }
0x1e: {  	[sflag:s19] =	ssyncset.done $0x0  }
0x1f: {  	[sflag:s19] =	ssyncadd.s32 $0xFFFFD880  }
0x20: {  	[tilespmem:s23], [sflag:$0x2] =	stream.strided.gather [hbm4b:s7+s21], $0x2780, s22, s21, $0x38;
	[tilespmem:$0x1F780] =	vst v63  }
0x21: {  	_ =	swait.ge [sflag:s19], $0x2780  }
0x22: {  	[sflag:s19] =	ssyncset.done $0x0  }
0x23: {  	s1 =	simm.s32 $0x200;
	s0 =	simm.s32 $0x0;
	[sflag:s19] =	ssyncadd.s32 $0xFFFFD880  }
.LBB2_2:
0x24: {  	p0 =	sne.s32 s1, $0xFE00;
	[tilespmem:s0+$0x77F0] =	vst v0  }
0x25: {  	[tilespmem:s0+$0x7780] =	vst v0  }
0x26: {  	[tilespmem:s0+$0x7790] =	vst v0  }
.Ltmp0:
0x27: {  	[tilespmem:s0+$0x77A0] =	vst v0;
	(pc) =	sbr.rel @p0 .LBB2_2-.Ltmp0, $4  }
0x28: {  	[tilespmem:s0+$0x77B0] =	vst v0  }
0x29: {  	[tilespmem:s0+$0x77C0] =	vst v0  }
0x2a: {  	[tilespmem:s0+$0x77D0] =	vst v0  }
0x2b: {  	[tilespmem:s0+$0x77E0] =	vst v0;
	s0 =	sshra.s32 s1, $0x2;
	s1 =	sadd.s32 $0x200, s1  }
0x2c: {  	[tilespmem:s0+$0x77F0] =	vst v0  }
0x2d: {  	[tilespmem:s0+$0x7780] =	vst v0  }
0x2e: {  	[tilespmem:s0+$0x7790] =	vst v0  }
0x2f: {  	[tilespmem:s0+$0x77A0] =	vst v0  }
0x30: {  	[tilespmem:s0+$0x77B0] =	vst v0  }
0x31: {  	[tilespmem:s0+$0x77C0] =	vst v0  }
0x32: {  	[tilespmem:s0+$0x77D0] =	vst v0  }
0x33: {  	[tilespmem:s0+$0x77E0] =	vst v0  }
0x34: {  	[spmem:s8] =	stream.linear.scatter [tilespmem:s24], [sflag:$0x2], $0x4000, $0x38;
	[tilespmem:$0x1F780] =	vst v63  }
0x35: {  	_ =	swait.ge [sflag:s19], $0x4000  }
0x36: {  	[sflag:s19] =	ssyncset.done $0x0  }
0x37: {  	[sflag:s19] =	ssyncadd.s32 $0xFFFFC000  }
0x38: {  	[spmem:s9] =	stream.linear.scatter [tilespmem:s24], [sflag:$0x2], $0x4000, $0x38;
	[tilespmem:$0x1F780] =	vst v63  }
0x39: {  	_ =	swait.ge [sflag:s19], $0x4000  }
0x3a: {  	[sflag:s19] =	ssyncset.done $0x0  }
0x3b: {  	[sflag:s19] =	ssyncadd.s32 $0xFFFFC000  }
0x3c: {  	[spmem:s10] =	stream.linear.scatter [tilespmem:s24], [sflag:$0x2], $0x4000, $0x38;
	[tilespmem:$0x1F780] =	vst v63  }
0x3d: {  	_ =	swait.ge [sflag:s19], $0x4000  }
0x3e: {  	[sflag:s19] =	ssyncset.done $0x0  }
0x3f: {  	[sflag:s19] =	ssyncadd.s32 $0xFFFFC000  }
0x40: {  	[spmem:s11] =	stream.linear.scatter [tilespmem:s24], [sflag:$0x2], $0x4000, $0x38;
	[tilespmem:$0x1F780] =	vst v63  }
0x41: {  	_ =	swait.ge [sflag:s19], $0x4000  }
0x42: {  	[sflag:s19] =	ssyncset.done $0x0  }
0x43: {  	[sflag:s19] =	ssyncadd.s32 $0xFFFFC000  }
0x44: {  	[spmem:s12] =	stream.linear.scatter [tilespmem:s24], [sflag:$0x2], $0x4000, $0x38;
	[tilespmem:$0x1F780] =	vst v63  }
0x45: {  	_ =	swait.ge [sflag:s19], $0x4000  }
0x46: {  	[sflag:s19] =	ssyncset.done $0x0  }
0x47: {  	[sflag:s19] =	ssyncadd.s32 $0xFFFFC000  }
0x48: {  	s28 =	simm.s32 $0x0;
	s29 =	simm.s32 $0x0;
	[bflag:$0x0] =	sbarrier.arrive $0xFFFF  }
.LBB2_4:
0x49: {  	s30 =	sshll.u32 s29, $0x7  }
0x4a: {  	[tilespmem:s24], [sflag:$0x1] =	stream.indirect.gather [hbm4b:s4+s21], $0x80, s30, s21, $0xb8;
	[tilespmem:$0x1F780] =	vst v63  }
0x4b: {  	s0 =	sadd.s32 $0x0, s28;
	_ =	swait.ge [sflag:s25], $0x4000  }
0x4c: {  	v1 =	vmov s0;
	[sflag:s25] =	ssyncset.done $0x0  }
0x4d: {  	s31 =	simm.s32 $0x77C0;
	[sflag:s25] =	ssyncadd.s32 $0xFFFFC000  }
0x4e: {  	v5 =	vld [tilespmem:s31+$0x30]  }
0x4f: {  	v8 =	vld [tilespmem:s31+$0x10]  }
0x50: {  	v6 =	vld [tilespmem:s31+$0xFFFFFFC0]  }
0x51: {  	v2 =	vld.idx.msk [tilespmem:v1+s23+$0x0], $0xffff  }
0x52: {  	v10 =	vld [tilespmem:s31+$0xFFFFFFE0]  }
0x53: {  	v3 =	vld [tilespmem:s31+$0x20]  }
0x54: {  	v4 =	vld [tilespmem:s31+$0xFFFFFFD0]  }
0x55: {  	v1 =	vld [tilespmem:s31+$0xFFFFFFF0]  }
0x56: {  	v9 =	vmul.f32 v5, v2;
	v5 =	vld [tilespmem:s31+$0x0]  }
0x57: {  	v7 =	vmul.f32 v6, v2  }
0x58: {  	s1 =	simm.s32 $0x1;
	s0 =	simm.s32 $0x77C0;
	v6 =	vmul.f32 v10, v2;
	v8 =	vmul.f32 v8, v2  }
.LBB2_5:
0x59: {  	p0 =	sne.s32 s1, $0x7F  }
0x5a: {  	v4 =	vmul.f32 v4, v2;
	v3 =	vmul.f32 v3, v2;
	[tilespmem:s31+$0x30] =	vst v9;
	s0 =	sadd.s32 $0x80, s0;
	s20 =	smov.u32 s1;
	s1 =	sadd.s32 $0x1, s1  }
0x5b: {  	[tilespmem:s31+$0xFFFFFFC0] =	vst v7;
	v7 =	vmul.f32 v1, v2;
	v2 =	vmul.f32 v5, v2  }
0x5c: {  	s20 =	sadd.s32 s20, s28;
	[tilespmem:s31+$0x10] =	vst v8  }
0x5d: {  	v5 =	vmov s20;
	[tilespmem:s31+$0xFFFFFFE0] =	vst v6  }
0x5e: {  	v1 =	vld [tilespmem:s0+$0xFFFFFFF0];
	[tilespmem:s31+$0xFFFFFFF0] =	vst v7  }
0x5f: {  	v6 =	vld [tilespmem:s0+$0x30];
	[tilespmem:s31+$0x0] =	vst v2  }
0x60: {  	v8 =	vld [tilespmem:s0+$0x10];
	[tilespmem:s31+$0x20] =	vst v3  }
0x61: {  	v7 =	vld [tilespmem:s0+$0xFFFFFFC0];
	[tilespmem:s31+$0xFFFFFFD0] =	vst v4;
	s31 =	smov.u32 s0  }
0x62: {  	v2 =	vld.idx.msk [tilespmem:v5+s23+$0x0], $0xffff  }
0x63: {  	v10 =	vld [tilespmem:s0+$0xFFFFFFE0]  }
0x64: {  	v3 =	vld [tilespmem:s0+$0x20]  }
.Ltmp1:
0x65: {  	v4 =	vld [tilespmem:s0+$0xFFFFFFD0];
	(pc) =	sbr.rel @p0 .LBB2_5-.Ltmp1, $3  }
0x66: {  	v5 =	vld [tilespmem:s0+$0x0];
	_ =	sdelay $0x1  }
0x67: {  	v7 =	vmul.f32 v7, v2;
	v9 =	vmul.f32 v6, v2  }
0x68: {  	v8 =	vmul.f32 v8, v2;
	v6 =	vmul.f32 v10, v2  }
0x69: {  	[tilespmem:s31+$0x30] =	vst v9  }
0x6a: {  	[tilespmem:s31+$0xFFFFFFC0] =	vst v7  }
0x6b: {  	v1 =	vmul.f32 v1, v2;
	[tilespmem:s31+$0x10] =	vst v8  }
0x6c: {  	v3 =	vmul.f32 v3, v2;
	[tilespmem:s31+$0xFFFFFFE0] =	vst v6  }
0x6d: {  	v5 =	vmul.f32 v5, v2;
	[tilespmem:s31+$0xFFFFFFF0] =	vst v1  }
0x6e: {  	s29 =	sadd.s32 $0x1, s29;
	v1 =	vmul.f32 v4, v2;
	[tilespmem:s31+$0x20] =	vst v3  }
0x6f: {  	p0 =	sne.s32 s29, $0x4F;
	[tilespmem:s31+$0x0] =	vst v5  }
.Ltmp2:
0x70: {  	s0 =	sadd.s32 $0x2800, s30;
	[tilespmem:s31+$0xFFFFFFD0] =	vst v1;
	(pc) =	sbr.rel @p0 .LBB2_4-.Ltmp2, $4  }
0x71: {  	[spmem:s2] =	stream.indirect.scatter.add.f32 [tilespmem:s24], [sflag:$0x2], $0x80, s0, s21, $0xb8;
	[tilespmem:$0x1F780] =	vst v63  }
0x72: {  	_ =	swait.ge [sflag:s19], $0x4000  }
0x73: {  	[sflag:s19] =	ssyncset.done $0x0  }
0x74: {  	s28 =	sadd.s32 $0x80, s28;
	[sflag:s19] =	ssyncadd.s32 $0xFFFFC000  }
0x75: {  	s0 =	stileid.u32  }
0x76: {  	s0 =	sshll.u32 s0, $0x6  }
0x77: {  	[bflag:$0x0] =	sbarrier.arrive $0xFFFF;
	s1 =	sshrl.u32 s8, $0x3;
	s0 =	sor.u32 $0x1C02, s0  }
0x78: {  	[hbm:s13], [sflag:s0] =	dma.local [spmem:s1], $0x800  }
0x79: {  	_ =	swait.ge [sflag:s19], $0x800  }
0x7a: {  	[sflag:s19] =	ssyncset.done $0x0  }
0x7b: {  	s28 =	sshrl.u32 s9, $0x3;
	[sflag:s19] =	ssyncadd.s32 $0xFFFFF800  }
0x7c: {  	[hbm:s14], [sflag:s0] =	dma.local [spmem:s28], $0x800  }
0x7d: {  	_ =	swait.ge [sflag:s19], $0x800  }
0x7e: {  	[sflag:s19] =	ssyncset.done $0x0  }
0x7f: {  	s29 =	sshrl.u32 s10, $0x3;
	[sflag:s19] =	ssyncadd.s32 $0xFFFFF800  }
0x80: {  	[hbm:s15], [sflag:s0] =	dma.local [spmem:s29], $0x800  }
0x81: {  	_ =	swait.ge [sflag:s19], $0x800  }
0x82: {  	[sflag:s19] =	ssyncset.done $0x0  }
0x83: {  	s30 =	sshrl.u32 s11, $0x3;
	[sflag:s19] =	ssyncadd.s32 $0xFFFFF800  }
0x84: {  	[hbm:s16], [sflag:s0] =	dma.local [spmem:s30], $0x800  }
0x85: {  	s26 =	sadd.s32 $0x1, s26;
	_ =	swait.ge [sflag:s19], $0x800  }
0x86: {  	p0 =	sne.s32 s26, s18;
	[sflag:s19] =	ssyncset.done $0x0  }
.Ltmp3:
0x87: {  	s31 =	sshrl.u32 s12, $0x3;
	[sflag:s19] =	ssyncadd.s32 $0xFFFFF800;
	(pc) =	sbr.rel @p0 .LBB2_1-.Ltmp3, $4  }
0x88: {  	[hbm:s17], [sflag:s0] =	dma.local [spmem:s31], $0x800  }
0x89: {  	_ =	swait.ge [sflag:s19], $0x800  }
0x8a: {  	[sflag:s19] =	ssyncset.done $0x0  }
0x8b: {  	[sflag:s19] =	ssyncadd.s32 $0xFFFFF800  }
0x8c: {  	_ =	sfence.sel $0x180000  }
0x8d: {  	[bflag:$0x0] =	sbarrier.arrive $0xFFFF  }
0x8e: {  	_ =	strace $0x90000050  }
0x8f: {  	s0 =	stileid.u32;
	[bflag:$0x2] =	sbarrier.arrive $0xFFFF  }
0x90: {  	p0 =	sne.s32 s0, $0x0;
	s0 =	rddreg [dreg:$0x2]  }
0x91: {  	s0 =	sadd.s32 @!p0 $0x100000, s0  }
0x92: {  	[sflag:s0] =	ssyncadd.tile.s32 @!p0 $0x1;
	_ =	shalt  }
.Lfunc_end2:
_tile_overlayer_lowered:
.L_overlay_start_2:
0x93: {  	(tag) =	ssettag $0x2  }
0x94: {  	s0 =	rddreg [dreg:$0x0];
	s2 =	stileid.u32  }
0x95: {  	s1 =	rddreg [dreg:$0x1];
	p0 =	sne.s32 s2, $0x0  }
0x96: {  	s3 =	rddreg [dreg:$0x2];
	[bflag:$0x3] =	sbarrier.arrive $0xFFFF;
	s2 =	simm.s32 @!p0 $0x1C02  }
0x97: {  	[timem:s3], [sflag:s2] =	dma.local @!p0 [hbm:s0], s1  }
0x98: {  	s0 =	simm.s32 @!p0 $0x2  }
0x99: {  	_ =	swait.ge @!p0 [sflag:s0], s1  }
0x9a: {  	s1 =	ssub.s32 @!p0 $0x0, s1;
	[sflag:s0] =	ssyncset.done @!p0 $0x0  }
0x9b: {  	[sflag:s0] =	ssyncadd.s32 @!p0 s1  }
0x9c: {  	[bflag:$0x3] =	sbarrier.arrive $0xFFFF  }
0x9d: {  	_ =	shalt  }

</sc_bundles>
